<compile_context>
chip_gen: v7x
topology: tpu7x:2x2x1
jax: 0.10.2.dev20260603
libtpu: 0.0.44.dev20260713+nightly
codegen_flags: <defaults>
</compile_context>

<pallas_src>
import functools

import jax
import jax.numpy as jnp
from jax import lax
from jax.experimental import pallas as pl
from jax.experimental.pallas import tpu as pltpu
from jax.experimental.pallas import tpu_sc as plsc

DIM = 32
SEQ = 50
BATCH = 4096
KDIM = SEQ * DIM
H1 = 10
H2 = 5

_info = plsc.get_sparse_core_info()
NC, NS = _info.num_cores, _info.num_subcores
NW = NC * NS
BW_B = BATCH // NW
MEGA_B = 64
NMEGA = BW_B // MEGA_B
MEGA_R = MEGA_B * SEQ
NIR = MEGA_R // 128
BB = 4
JB = 5
WQ = 160


def _splat(x):
    return jnp.broadcast_to(x, (16,))


def _fused(idx2d, emb, w1, b1p, w2f, b2p):
    mesh = plsc.VectorSubcoreMesh(core_axis_name="c", subcore_axis_name="s")

    @functools.partial(
        pl.kernel,
        mesh=mesh,
        out_type=jax.ShapeDtypeStruct((BATCH, H2), jnp.float32),
        compiler_params=pltpu.CompilerParams(
            use_tc_tiling_on_sc=False, needs_layout_passes=False
        ),
        scratch_types=[
            pltpu.VMEM((NIR, 128), jnp.int32),
            pltpu.VMEM((MEGA_R, DIM), jnp.float32),
            pltpu.VMEM((WQ, H1), jnp.float32),
            pltpu.VMEM((H1, KDIM), jnp.float32),
            pltpu.VMEM((16,), jnp.float32),
            pltpu.VMEM((64,), jnp.float32),
            pltpu.VMEM((16,), jnp.float32),
            pltpu.VMEM((BW_B, H1), jnp.float32),
            pltpu.VMEM((BW_B, H2), jnp.float32),
            pltpu.SemaphoreType.DMA,
        ],
    )
    def k(idx_hbm, table_hbm, w1_hbm, b1_hbm, w2_hbm, b2_hbm, out_hbm,
          idx_v, rows_v, w1_q, w1t_v, b1_v, w2_v, b2_v, h_v, out_v, sem):
        wid = lax.axis_index("s") * NC + lax.axis_index("c")
        pltpu.sync_copy(b1_hbm, b1_v)
        pltpu.sync_copy(w2_hbm, w2_v)
        pltpu.sync_copy(b2_hbm, b2_v)

        lane = lax.iota(jnp.int32, 16)
        last = lane == _splat(jnp.int32(15))

        for c in range(KDIM // WQ):
            pltpu.sync_copy(w1_hbm.at[pl.ds(c * WQ, WQ), :], w1_q)

            def wt_body(t, carry):
                base = _splat(t * 16) + lane
                for j in range(H1):
                    v = plsc.load_gather(w1_q, [base, _splat(jnp.int32(j))])
                    w1t_v[j, pl.ds(c * WQ + t * 16, 16)] = v
                return carry

            lax.fori_loop(0, WQ // 16, wt_body, 0)

        for m in range(NMEGA):
            pltpu.sync_copy(
                idx_hbm.at[pl.ds(wid * (BW_B * SEQ // 128) + m * NIR, NIR), :],
                idx_v,
            )

            def fire(r, carry):
                pltpu.async_copy(
                    table_hbm.at[idx_v.at[r]],
                    rows_v.at[pl.ds(r * 128, 128)],
                    sem,
                )
                return carry

            lax.fori_loop(0, NIR, fire, 0)
            pltpu.make_async_copy(
                table_hbm.at[pl.ds(0, MEGA_R)], rows_v, sem
            ).wait()

            def bb_body(bb, carry):
                for jb in range(H1 // JB):
                    def body(s, accs):
                        out = list(accs)
                        xs = []
                        for bi in range(BB):
                            r = (bb * BB + bi) * SEQ + s
                            xs.append((rows_v[r, pl.ds(0, 16)],
                                       rows_v[r, pl.ds(16, 16)]))
                        for jj in range(JB):
                            j = jb * JB + jj
                            w0 = w1t_v[j, pl.ds(s * DIM, 16)]
                            w1r = w1t_v[j, pl.ds(s * DIM + 16, 16)]
                            for bi in range(BB):
                                i = jj * BB + bi
                                out[i] = (out[i] + xs[bi][0] * w0
                                          + xs[bi][1] * w1r)
                        return tuple(out)

                    accs = lax.fori_loop(
                        0, SEQ, body,
                        tuple(jnp.zeros((16,), jnp.float32)
                              for _ in range(JB * BB)),
                    )
                    for jj in range(JB):
                        for bi in range(BB):
                            cum = jnp.cumsum(accs[jj * BB + bi])
                            bg = m * MEGA_B + bb * BB + bi
                            plsc.store_scatter(
                                h_v, [_splat(bg), _splat(jnp.int32(jb * JB + jj))],
                                cum, mask=last,
                            )
                return carry

            lax.fori_loop(0, MEGA_B // BB, bb_body, 0)

        b1s = [plsc.load_gather(b1_v, [_splat(jnp.int32(j))])
               for j in range(H1)]
        b2s = [plsc.load_gather(b2_v, [_splat(jnp.int32(o))])
               for o in range(H2)]
        w2s = [[plsc.load_gather(w2_v, [_splat(jnp.int32(j * H2 + o))])
                for o in range(H2)] for j in range(H1)]

        def l2_body(g8, carry):
            brow = lane + _splat(g8 * 16)
            hs = [
                jnp.maximum(
                    plsc.load_gather(h_v, [brow, _splat(jnp.int32(j))])
                    + b1s[j], 0.0
                )
                for j in range(H1)
            ]
            for o in range(H2):
                acc = b2s[o]
                for j in range(H1):
                    acc = acc + hs[j] * w2s[j][o]
                sig = 1.0 / (1.0 + jnp.exp(-acc))
                plsc.store_scatter(out_v, [brow, _splat(jnp.int32(o))], sig)
            return carry

        lax.fori_loop(0, BW_B // 16, l2_body, 0)
        pltpu.sync_copy(out_v, out_hbm.at[pl.ds(wid * BW_B, BW_B)])

    return k(idx2d, emb, w1, b1p, w2f, b2p)


def kernel(indices, emb, W1, b1, W2, b2):
    idxp = indices.astype(jnp.int32).reshape(BATCH * SEQ // 128, 128)
    b1p = jnp.pad(b1, (0, 16 - H1))
    w2f = jnp.pad(W2.reshape(H1 * H2), (0, 64 - H1 * H2))
    b2p = jnp.pad(b2, (0, 16 - H2))
    return _fused(idxp, emb, W1, b1p, w2f, b2p)

# --- scband reference (transcript-rebuilt; emitter-appended) ---
"""Pipeline reference for scband-rede-neural-class-14035953123968 (READ-ONLY COPY).

The authoritative reference and input builder live on the scoring server;
editing this copy changes nothing except your own understanding.
"""

import jax, jax.numpy as jnp
import numpy as np

VOCAB = 1000000 + 10 + 1  # 1000011
DIM = 32
SEQ = 50
BATCH = 4096

def setup_inputs(seed: int = 0) -> dict:
    key = jax.random.key(seed)
    k_idx, k_emb, k_w1, k_b1, k_w2, k_b2 = jax.random.split(key, 6)
    indices = jax.random.randint(k_idx, (BATCH, SEQ), 0, VOCAB, dtype=jnp.int64 if jax.config.jax_enable_x64 else jnp.int32)
    emb = jax.random.normal(k_emb, (VOCAB, DIM), dtype=jnp.float32) * 0.05
    flat_dim = SEQ * DIM  # 1600
    W1 = jax.random.normal(k_w1, (flat_dim, 10), dtype=jnp.float32) * (1.0 / np.sqrt(flat_dim))
    b1 = jnp.zeros((10,), dtype=jnp.float32)
    W2 = jax.random.normal(k_w2, (10, 5), dtype=jnp.float32) * (1.0 / np.sqrt(10.0))
    b2 = jnp.zeros((5,), dtype=jnp.float32)
    return {"indices": indices, "emb": emb, "W1": W1, "b1": b1, "W2": W2, "b2": b2}

def reference(indices, emb, W1, b1, W2, b2):
    x = jnp.take(emb, indices, axis=0)          # [B, SEQ, DIM] embedding gather
    x = x.reshape(x.shape[0], -1)               # Flatten -> [B, SEQ*DIM]
    x = jax.nn.relu(x @ W1 + b1)                # Dense(10, relu)
    x = jax.nn.sigmoid(x @ W2 + b2)             # Dense(5, sigmoid)
    return x

if __name__ == "__main__":
    import jax
    _d = setup_inputs()
    print(jax.jit(kernel)(*tuple(_d.values())))

</pallas_src>

<mosaic_0001>
#map = affine_map<(d0, d1) -> (0, 0)>
#map1 = affine_map<(d0, d1) -> (0)>
module attributes {stable_mosaic.version = 14 : i64} {
  func.func @k(%arg0: i32, %arg1: i32, %arg2: memref<1600x128xi32, #tpu.memory_space<hbm>>, %arg3: memref<1000011x32xf32, #tpu.memory_space<hbm>>, %arg4: memref<1600x10xf32, #tpu.memory_space<hbm>>, %arg5: memref<16xf32, #tpu.memory_space<hbm>>, %arg6: memref<64xf32, #tpu.memory_space<hbm>>, %arg7: memref<16xf32, #tpu.memory_space<hbm>>, %arg8: memref<4096x5xf32, #tpu.memory_space<hbm>>, %arg9: memref<25x128xi32, #tpu.memory_space<vmem>>, %arg10: memref<3200x32xf32, #tpu.memory_space<vmem>>, %arg11: memref<160x10xf32, #tpu.memory_space<vmem>>, %arg12: memref<10x1600xf32, #tpu.memory_space<vmem>>, %arg13: memref<16xf32, #tpu.memory_space<vmem>>, %arg14: memref<64xf32, #tpu.memory_space<vmem>>, %arg15: memref<16xf32, #tpu.memory_space<vmem>>, %arg16: memref<128x10xf32, #tpu.memory_space<vmem>>, %arg17: memref<128x5xf32, #tpu.memory_space<vmem>>, %arg18: memref<!tpu.dma_semaphore, #tpu.memory_space<semaphore_mem>>) attributes {dimension_semantics = [#tpu.dimension_semantics<core_parallel>, #tpu.dimension_semantics<subcore_parallel>], iteration_bounds = array<i64: 2, 16>, scalar_prefetch = 0 : i64, scratch_operands = 10 : i64, tpu.core_type = #tpu.core_type<sc_vector_subcore>, window_params = [{transform_indices = #map}, {transform_indices = #map}, {transform_indices = #map}, {transform_indices = #map1}, {transform_indices = #map1}, {transform_indices = #map1}, {transform_indices = #map}]} {
    %mul3A = arith.constant 2 : i32
    %mul3A_0 = arith.muli %arg1, %mul3A : i32
    %add3A = arith.addi %mul3A_0, %arg0 : i32
    "tpu.region"() ({
      %run_scoped3A = tpu.sem_alloc : memref<!tpu.dma_semaphore, #tpu.memory_space<semaphore_mem>>
      tpu.enqueue_dma source(%arg5 : memref<16xf32, #tpu.memory_space<hbm>>) target(%arg13 : memref<16xf32, #tpu.memory_space<vmem>>) target_semaphore(%run_scoped3A : memref<!tpu.dma_semaphore, #tpu.memory_space<semaphore_mem>>)
      tpu.wait_dma2 semaphore(%run_scoped3A : memref<!tpu.dma_semaphore, #tpu.memory_space<semaphore_mem>>) src(%arg5 : memref<16xf32, #tpu.memory_space<hbm>>) dst(%arg13 : memref<16xf32, #tpu.memory_space<vmem>>)
      tpu.yield
    }) : () -> ()
    "tpu.region"() ({
      %run_scoped3A = tpu.sem_alloc : memref<!tpu.dma_semaphore, #tpu.memory_space<semaphore_mem>>
      tpu.enqueue_dma source(%arg6 : memref<64xf32, #tpu.memory_space<hbm>>) target(%arg14 : memref<64xf32, #tpu.memory_space<vmem>>) target_semaphore(%run_scoped3A : memref<!tpu.dma_semaphore, #tpu.memory_space<semaphore_mem>>)
      tpu.wait_dma2 semaphore(%run_scoped3A : memref<!tpu.dma_semaphore, #tpu.memory_space<semaphore_mem>>) src(%arg6 : memref<64xf32, #tpu.memory_space<hbm>>) dst(%arg14 : memref<64xf32, #tpu.memory_space<vmem>>)
      tpu.yield
    }) : () -> ()
    "tpu.region"() ({
      %run_scoped3A = tpu.sem_alloc : memref<!tpu.dma_semaphore, #tpu.memory_space<semaphore_mem>>
      tpu.enqueue_dma source(%arg7 : memref<16xf32, #tpu.memory_space<hbm>>) target(%arg15 : memref<16xf32, #tpu.memory_space<vmem>>) target_semaphore(%run_scoped3A : memref<!tpu.dma_semaphore, #tpu.memory_space<semaphore_mem>>)
      tpu.wait_dma2 semaphore(%run_scoped3A : memref<!tpu.dma_semaphore, #tpu.memory_space<semaphore_mem>>) src(%arg7 : memref<16xf32, #tpu.memory_space<hbm>>) dst(%arg15 : memref<16xf32, #tpu.memory_space<vmem>>)
      tpu.yield
    }) : () -> ()
    %iota3A = tpu.iota {dimensions = array<i32: 0>} : vector<16xi32>
    %broadcast_in_dim3A = arith.constant 15 : i32
    %broadcast_in_dim3A_1 = vector.broadcast %broadcast_in_dim3A : i32 to vector<16xi32>
    %eq3A = arith.cmpi eq, %iota3A, %broadcast_in_dim3A_1 : vector<16xi32>
    "tpu.region"() ({
      %run_scoped3A = tpu.sem_alloc : memref<!tpu.dma_semaphore, #tpu.memory_space<semaphore_mem>>
      %dma_start3A = arith.constant 0 : i32
      %dma_start3A_306 = arith.constant 0 : i32
      %dma_start3A_307 = tpu.memref_slice %arg4[%dma_start3A, %dma_start3A_306] : memref<1600x10xf32, #tpu.memory_space<hbm>> -> memref<160x10xf32, #tpu.memory_space<hbm>>
      %dma_start3A_308 = arith.constant 0 : i32
      %dma_start3A_309 = arith.constant 0 : i32
      %dma_start3A_310 = tpu.memref_slice %arg4[%dma_start3A_308, %dma_start3A_309] : memref<1600x10xf32, #tpu.memory_space<hbm>> -> memref<160x10xf32, #tpu.memory_space<hbm>>
      tpu.enqueue_dma source(%dma_start3A_310 : memref<160x10xf32, #tpu.memory_space<hbm>>) target(%arg11 : memref<160x10xf32, #tpu.memory_space<vmem>>) target_semaphore(%run_scoped3A : memref<!tpu.dma_semaphore, #tpu.memory_space<semaphore_mem>>)
      %dma_wait3A_311 = arith.constant 0 : i32
      %dma_wait3A_312 = arith.constant 0 : i32
      %dma_wait3A_313 = tpu.memref_slice %arg4[%dma_wait3A_311, %dma_wait3A_312] : memref<1600x10xf32, #tpu.memory_space<hbm>> -> memref<160x10xf32, #tpu.memory_space<hbm>>
      %dma_wait3A_314 = arith.constant 0 : i32
      %dma_wait3A_315 = arith.constant 0 : i32
      %dma_wait3A_316 = tpu.memref_slice %arg4[%dma_wait3A_314, %dma_wait3A_315] : memref<1600x10xf32, #tpu.memory_space<hbm>> -> memref<160x10xf32, #tpu.memory_space<hbm>>
      tpu.wait_dma2 semaphore(%run_scoped3A : memref<!tpu.dma_semaphore, #tpu.memory_space<semaphore_mem>>) src(%dma_wait3A_316 : memref<160x10xf32, #tpu.memory_space<hbm>>) dst(%arg11 : memref<160x10xf32, #tpu.memory_space<vmem>>)
      tpu.yield
    }) : () -> ()
    %scan3A = arith.constant 0 : i32
    %scan3A_2 = arith.constant 0 : i32
    %scan3A_3 = arith.constant 10 : i32
    %scan3A_4 = arith.addi %scan3A_2, %scan3A_3 : i32
    %scan3A_5 = arith.constant 1 : i32
    scf.for %scan3A_306 = %scan3A_2 to %scan3A_4 step %scan3A_5  : i32 {
      %mul3A_307 = arith.constant 16 : i32
      %mul3A_308 = arith.muli %scan3A_306, %mul3A_307 : i32
      %broadcast_in_dim3A_309 = vector.broadcast %mul3A_308 : i32 to vector<16xi32>
      %add3A_310 = arith.addi %broadcast_in_dim3A_309, %iota3A : vector<16xi32>
      %broadcast_in_dim3A_311 = arith.constant 0 : i32
      %broadcast_in_dim3A_312 = vector.broadcast %broadcast_in_dim3A_311 : i32 to vector<16xi32>
      %gather3A_313 = tpu.vector_load_idx %arg11[%add3A_310, %broadcast_in_dim3A_312] : memref<160x10xf32, #tpu.memory_space<vmem>>[vector<16xi32>, vector<16xi32>], vector<16xf32>,
      %mul3A_314 = arith.constant 16 : i32
      %mul3A_315 = arith.muli %scan3A_306, %mul3A_314 : i32
      %add3A_316 = arith.constant 0 : i32
      %add3A_317 = arith.addi %add3A_316, %mul3A_315 : i32
      %swap3A = arith.constant 0 : i32
      %swap3A_318 = arith.index_cast %swap3A : i32 to index
      %swap3A_319 = arith.index_cast %add3A_317 : i32 to index
      %swap3A_320 = tpu.vector_load %arg12[%swap3A_318, %swap3A_319] {strides = array<i32>} : memref<10x1600xf32, #tpu.memory_space<vmem>>, vector<16xf32>,
      tpu.vector_store %arg12[%swap3A_318, %swap3A_319], %gather3A_313 {strides = array<i32>} : memref<10x1600xf32, #tpu.memory_space<vmem>>, vector<16xf32>,
      %broadcast_in_dim3A_321 = arith.constant 1 : i32
      %broadcast_in_dim3A_322 = vector.broadcast %broadcast_in_dim3A_321 : i32 to vector<16xi32>
      %gather3A_323 = tpu.vector_load_idx %arg11[%add3A_310, %broadcast_in_dim3A_322] : memref<160x10xf32, #tpu.memory_space<vmem>>[vector<16xi32>, vector<16xi32>], vector<16xf32>,
      %mul3A_324 = arith.constant 16 : i32
      %mul3A_325 = arith.muli %scan3A_306, %mul3A_324 : i32
      %add3A_326 = arith.constant 0 : i32
      %add3A_327 = arith.addi %add3A_326, %mul3A_325 : i32
      %swap3A_328 = arith.constant 1 : i32
      %swap3A_329 = arith.index_cast %swap3A_328 : i32 to index
      %swap3A_330 = arith.index_cast %add3A_327 : i32 to index
      %swap3A_331 = tpu.vector_load %arg12[%swap3A_329, %swap3A_330] {strides = array<i32>} : memref<10x1600xf32, #tpu.memory_space<vmem>>, vector<16xf32>,
      tpu.vector_store %arg12[%swap3A_329, %swap3A_330], %gather3A_323 {strides = array<i32>} : memref<10x1600xf32, #tpu.memory_space<vmem>>, vector<16xf32>,
      %broadcast_in_dim3A_332 = arith.constant 2 : i32
      %broadcast_in_dim3A_333 = vector.broadcast %broadcast_in_dim3A_332 : i32 to vector<16xi32>
      %gather3A_334 = tpu.vector_load_idx %arg11[%add3A_310, %broadcast_in_dim3A_333] : memref<160x10xf32, #tpu.memory_space<vmem>>[vector<16xi32>, vector<16xi32>], vector<16xf32>,
      %mul3A_335 = arith.constant 16 : i32
      %mul3A_336 = arith.muli %scan3A_306, %mul3A_335 : i32
      %add3A_337 = arith.constant 0 : i32
      %add3A_338 = arith.addi %add3A_337, %mul3A_336 : i32
      %swap3A_339 = arith.constant 2 : i32
      %swap3A_340 = arith.index_cast %swap3A_339 : i32 to index
      %swap3A_341 = arith.index_cast %add3A_338 : i32 to index
      %swap3A_342 = tpu.vector_load %arg12[%swap3A_340, %swap3A_341] {strides = array<i32>} : memref<10x1600xf32, #tpu.memory_space<vmem>>, vector<16xf32>,
      tpu.vector_store %arg12[%swap3A_340, %swap3A_341], %gather3A_334 {strides = array<i32>} : memref<10x1600xf32, #tpu.memory_space<vmem>>, vector<16xf32>,
      %broadcast_in_dim3A_343 = arith.constant 3 : i32
      %broadcast_in_dim3A_344 = vector.broadcast %broadcast_in_dim3A_343 : i32 to vector<16xi32>
      %gather3A_345 = tpu.vector_load_idx %arg11[%add3A_310, %broadcast_in_dim3A_344] : memref<160x10xf32, #tpu.memory_space<vmem>>[vector<16xi32>, vector<16xi32>], vector<16xf32>,
      %mul3A_346 = arith.constant 16 : i32
      %mul3A_347 = arith.muli %scan3A_306, %mul3A_346 : i32
      %add3A_348 = arith.constant 0 : i32
      %add3A_349 = arith.addi %add3A_348, %mul3A_347 : i32
      %swap3A_350 = arith.constant 3 : i32
      %swap3A_351 = arith.index_cast %swap3A_350 : i32 to index
      %swap3A_352 = arith.index_cast %add3A_349 : i32 to index
      %swap3A_353 = tpu.vector_load %arg12[%swap3A_351, %swap3A_352] {strides = array<i32>} : memref<10x1600xf32, #tpu.memory_space<vmem>>, vector<16xf32>,
      tpu.vector_store %arg12[%swap3A_351, %swap3A_352], %gather3A_345 {strides = array<i32>} : memref<10x1600xf32, #tpu.memory_space<vmem>>, vector<16xf32>,
      %broadcast_in_dim3A_354 = arith.constant 4 : i32
      %broadcast_in_dim3A_355 = vector.broadcast %broadcast_in_dim3A_354 : i32 to vector<16xi32>
      %gather3A_356 = tpu.vector_load_idx %arg11[%add3A_310, %broadcast_in_dim3A_355] : memref<160x10xf32, #tpu.memory_space<vmem>>[vector<16xi32>, vector<16xi32>], vector<16xf32>,
      %mul3A_357 = arith.constant 16 : i32
      %mul3A_358 = arith.muli %scan3A_306, %mul3A_357 : i32
      %add3A_359 = arith.constant 0 : i32
      %add3A_360 = arith.addi %add3A_359, %mul3A_358 : i32
      %swap3A_361 = arith.constant 4 : i32
      %swap3A_362 = arith.index_cast %swap3A_361 : i32 to index
      %swap3A_363 = arith.index_cast %add3A_360 : i32 to index
      %swap3A_364 = tpu.vector_load %arg12[%swap3A_362, %swap3A_363] {strides = array<i32>} : memref<10x1600xf32, #tpu.memory_space<vmem>>, vector<16xf32>,
      tpu.vector_store %arg12[%swap3A_362, %swap3A_363], %gather3A_356 {strides = array<i32>} : memref<10x1600xf32, #tpu.memory_space<vmem>>, vector<16xf32>,
      %broadcast_in_dim3A_365 = arith.constant 5 : i32
      %broadcast_in_dim3A_366 = vector.broadcast %broadcast_in_dim3A_365 : i32 to vector<16xi32>
      %gather3A_367 = tpu.vector_load_idx %arg11[%add3A_310, %broadcast_in_dim3A_366] : memref<160x10xf32, #tpu.memory_space<vmem>>[vector<16xi32>, vector<16xi32>], vector<16xf32>,
      %mul3A_368 = arith.constant 16 : i32
      %mul3A_369 = arith.muli %scan3A_306, %mul3A_368 : i32
      %add3A_370 = arith.constant 0 : i32
      %add3A_371 = arith.addi %add3A_370, %mul3A_369 : i32
      %swap3A_372 = arith.constant 5 : i32
      %swap3A_373 = arith.index_cast %swap3A_372 : i32 to index
      %swap3A_374 = arith.index_cast %add3A_371 : i32 to index
      %swap3A_375 = tpu.vector_load %arg12[%swap3A_373, %swap3A_374] {strides = array<i32>} : memref<10x1600xf32, #tpu.memory_space<vmem>>, vector<16xf32>,
      tpu.vector_store %arg12[%swap3A_373, %swap3A_374], %gather3A_367 {strides = array<i32>} : memref<10x1600xf32, #tpu.memory_space<vmem>>, vector<16xf32>,
      %broadcast_in_dim3A_376 = arith.constant 6 : i32
      %broadcast_in_dim3A_377 = vector.broadcast %broadcast_in_dim3A_376 : i32 to vector<16xi32>
      %gather3A_378 = tpu.vector_load_idx %arg11[%add3A_310, %broadcast_in_dim3A_377] : memref<160x10xf32, #tpu.memory_space<vmem>>[vector<16xi32>, vector<16xi32>], vector<16xf32>,
      %mul3A_379 = arith.constant 16 : i32
      %mul3A_380 = arith.muli %scan3A_306, %mul3A_379 : i32
      %add3A_381 = arith.constant 0 : i32
      %add3A_382 = arith.addi %add3A_381, %mul3A_380 : i32
      %swap3A_383 = arith.constant 6 : i32
      %swap3A_384 = arith.index_cast %swap3A_383 : i32 to index
      %swap3A_385 = arith.index_cast %add3A_382 : i32 to index
      %swap3A_386 = tpu.vector_load %arg12[%swap3A_384, %swap3A_385] {strides = array<i32>} : memref<10x1600xf32, #tpu.memory_space<vmem>>, vector<16xf32>,
      tpu.vector_store %arg12[%swap3A_384, %swap3A_385], %gather3A_378 {strides = array<i32>} : memref<10x1600xf32, #tpu.memory_space<vmem>>, vector<16xf32>,
      %broadcast_in_dim3A_387 = arith.constant 7 : i32
      %broadcast_in_dim3A_388 = vector.broadcast %broadcast_in_dim3A_387 : i32 to vector<16xi32>
      %gather3A_389 = tpu.vector_load_idx %arg11[%add3A_310, %broadcast_in_dim3A_388] : memref<160x10xf32, #tpu.memory_space<vmem>>[vector<16xi32>, vector<16xi32>], vector<16xf32>,
      %mul3A_390 = arith.constant 16 : i32
      %mul3A_391 = arith.muli %scan3A_306, %mul3A_390 : i32
      %add3A_392 = arith.constant 0 : i32
      %add3A_393 = arith.addi %add3A_392, %mul3A_391 : i32
      %swap3A_394 = arith.constant 7 : i32
      %swap3A_395 = arith.index_cast %swap3A_394 : i32 to index
      %swap3A_396 = arith.index_cast %add3A_393 : i32 to index
      %swap3A_397 = tpu.vector_load %arg12[%swap3A_395, %swap3A_396] {strides = array<i32>} : memref<10x1600xf32, #tpu.memory_space<vmem>>, vector<16xf32>,
      tpu.vector_store %arg12[%swap3A_395, %swap3A_396], %gather3A_389 {strides = array<i32>} : memref<10x1600xf32, #tpu.memory_space<vmem>>, vector<16xf32>,
      %broadcast_in_dim3A_398 = arith.constant 8 : i32
      %broadcast_in_dim3A_399 = vector.broadcast %broadcast_in_dim3A_398 : i32 to vector<16xi32>
      %gather3A_400 = tpu.vector_load_idx %arg11[%add3A_310, %broadcast_in_dim3A_399] : memref<160x10xf32, #tpu.memory_space<vmem>>[vector<16xi32>, vector<16xi32>], vector<16xf32>,
      %mul3A_401 = arith.constant 16 : i32
      %mul3A_402 = arith.muli %scan3A_306, %mul3A_401 : i32
      %add3A_403 = arith.constant 0 : i32
      %add3A_404 = arith.addi %add3A_403, %mul3A_402 : i32
      %swap3A_405 = arith.constant 8 : i32
      %swap3A_406 = arith.index_cast %swap3A_405 : i32 to index
      %swap3A_407 = arith.index_cast %add3A_404 : i32 to index
      %swap3A_408 = tpu.vector_load %arg12[%swap3A_406, %swap3A_407] {strides = array<i32>} : memref<10x1600xf32, #tpu.memory_space<vmem>>, vector<16xf32>,
      tpu.vector_store %arg12[%swap3A_406, %swap3A_407], %gather3A_400 {strides = array<i32>} : memref<10x1600xf32, #tpu.memory_space<vmem>>, vector<16xf32>,
      %broadcast_in_dim3A_409 = arith.constant 9 : i32
      %broadcast_in_dim3A_410 = vector.broadcast %broadcast_in_dim3A_409 : i32 to vector<16xi32>
      %gather3A_411 = tpu.vector_load_idx %arg11[%add3A_310, %broadcast_in_dim3A_410] : memref<160x10xf32, #tpu.memory_space<vmem>>[vector<16xi32>, vector<16xi32>], vector<16xf32>,
      %mul3A_412 = arith.constant 16 : i32
      %mul3A_413 = arith.muli %scan3A_306, %mul3A_412 : i32
      %add3A_414 = arith.constant 0 : i32
      %add3A_415 = arith.addi %add3A_414, %mul3A_413 : i32
      %swap3A_416 = arith.constant 9 : i32
      %swap3A_417 = arith.index_cast %swap3A_416 : i32 to index
      %swap3A_418 = arith.index_cast %add3A_415 : i32 to index
      %swap3A_419 = tpu.vector_load %arg12[%swap3A_417, %swap3A_418] {strides = array<i32>} : memref<10x1600xf32, #tpu.memory_space<vmem>>, vector<16xf32>,
      tpu.vector_store %arg12[%swap3A_417, %swap3A_418], %gather3A_411 {strides = array<i32>} : memref<10x1600xf32, #tpu.memory_space<vmem>>, vector<16xf32>,
    }
    %scan3A_6 = arith.constant 10 : i32
    "tpu.region"() ({
      %run_scoped3A = tpu.sem_alloc : memref<!tpu.dma_semaphore, #tpu.memory_space<semaphore_mem>>
      %dma_start3A = arith.constant 160 : i32
      %dma_start3A_306 = arith.constant 0 : i32
      %dma_start3A_307 = tpu.memref_slice %arg4[%dma_start3A, %dma_start3A_306] : memref<1600x10xf32, #tpu.memory_space<hbm>> -> memref<160x10xf32, #tpu.memory_space<hbm>>
      %dma_start3A_308 = arith.constant 160 : i32
      %dma_start3A_309 = arith.constant 0 : i32
      %dma_start3A_310 = tpu.memref_slice %arg4[%dma_start3A_308, %dma_start3A_309] : memref<1600x10xf32, #tpu.memory_space<hbm>> -> memref<160x10xf32, #tpu.memory_space<hbm>>
      tpu.enqueue_dma source(%dma_start3A_310 : memref<160x10xf32, #tpu.memory_space<hbm>>) target(%arg11 : memref<160x10xf32, #tpu.memory_space<vmem>>) target_semaphore(%run_scoped3A : memref<!tpu.dma_semaphore, #tpu.memory_space<semaphore_mem>>)
      %dma_wait3A_311 = arith.constant 160 : i32
      %dma_wait3A_312 = arith.constant 0 : i32
      %dma_wait3A_313 = tpu.memref_slice %arg4[%dma_wait3A_311, %dma_wait3A_312] : memref<1600x10xf32, #tpu.memory_space<hbm>> -> memref<160x10xf32, #tpu.memory_space<hbm>>
      %dma_wait3A_314 = arith.constant 160 : i32
      %dma_wait3A_315 = arith.constant 0 : i32
      %dma_wait3A_316 = tpu.memref_slice %arg4[%dma_wait3A_314, %dma_wait3A_315] : memref<1600x10xf32, #tpu.memory_space<hbm>> -> memref<160x10xf32, #tpu.memory_space<hbm>>
      tpu.wait_dma2 semaphore(%run_scoped3A : memref<!tpu.dma_semaphore, #tpu.memory_space<semaphore_mem>>) src(%dma_wait3A_316 : memref<160x10xf32, #tpu.memory_space<hbm>>) dst(%arg11 : memref<160x10xf32, #tpu.memory_space<vmem>>)
      tpu.yield
    }) : () -> ()
    %scan3A_7 = arith.constant 0 : i32
    %scan3A_8 = arith.constant 0 : i32
    %scan3A_9 = arith.constant 10 : i32
    %scan3A_10 = arith.addi %scan3A_8, %scan3A_9 : i32
    %scan3A_11 = arith.constant 1 : i32
    scf.for %scan3A_306 = %scan3A_8 to %scan3A_10 step %scan3A_11  : i32 {
      %mul3A_307 = arith.constant 16 : i32
      %mul3A_308 = arith.muli %scan3A_306, %mul3A_307 : i32
      %broadcast_in_dim3A_309 = vector.broadcast %mul3A_308 : i32 to vector<16xi32>
      %add3A_310 = arith.addi %broadcast_in_dim3A_309, %iota3A : vector<16xi32>
      %broadcast_in_dim3A_311 = arith.constant 0 : i32
      %broadcast_in_dim3A_312 = vector.broadcast %broadcast_in_dim3A_311 : i32 to vector<16xi32>
      %gather3A_313 = tpu.vector_load_idx %arg11[%add3A_310, %broadcast_in_dim3A_312] : memref<160x10xf32, #tpu.memory_space<vmem>>[vector<16xi32>, vector<16xi32>], vector<16xf32>,
      %mul3A_314 = arith.constant 16 : i32
      %mul3A_315 = arith.muli %scan3A_306, %mul3A_314 : i32
      %add3A_316 = arith.constant 160 : i32
      %add3A_317 = arith.addi %add3A_316, %mul3A_315 : i32
      %swap3A = arith.constant 0 : i32
      %swap3A_318 = arith.index_cast %swap3A : i32 to index
      %swap3A_319 = arith.index_cast %add3A_317 : i32 to index
      %swap3A_320 = tpu.vector_load %arg12[%swap3A_318, %swap3A_319] {strides = array<i32>} : memref<10x1600xf32, #tpu.memory_space<vmem>>, vector<16xf32>,
      tpu.vector_store %arg12[%swap3A_318, %swap3A_319], %gather3A_313 {strides = array<i32>} : memref<10x1600xf32, #tpu.memory_space<vmem>>, vector<16xf32>,
      %broadcast_in_dim3A_321 = arith.constant 1 : i32
      %broadcast_in_dim3A_322 = vector.broadcast %broadcast_in_dim3A_321 : i32 to vector<16xi32>
      %gather3A_323 = tpu.vector_load_idx %arg11[%add3A_310, %broadcast_in_dim3A_322] : memref<160x10xf32, #tpu.memory_space<vmem>>[vector<16xi32>, vector<16xi32>], vector<16xf32>,
      %mul3A_324 = arith.constant 16 : i32
      %mul3A_325 = arith.muli %scan3A_306, %mul3A_324 : i32
      %add3A_326 = arith.constant 160 : i32
      %add3A_327 = arith.addi %add3A_326, %mul3A_325 : i32
      %swap3A_328 = arith.constant 1 : i32
      %swap3A_329 = arith.index_cast %swap3A_328 : i32 to index
      %swap3A_330 = arith.index_cast %add3A_327 : i32 to index
      %swap3A_331 = tpu.vector_load %arg12[%swap3A_329, %swap3A_330] {strides = array<i32>} : memref<10x1600xf32, #tpu.memory_space<vmem>>, vector<16xf32>,
      tpu.vector_store %arg12[%swap3A_329, %swap3A_330], %gather3A_323 {strides = array<i32>} : memref<10x1600xf32, #tpu.memory_space<vmem>>, vector<16xf32>,
      %broadcast_in_dim3A_332 = arith.constant 2 : i32
      %broadcast_in_dim3A_333 = vector.broadcast %broadcast_in_dim3A_332 : i32 to vector<16xi32>
      %gather3A_334 = tpu.vector_load_idx %arg11[%add3A_310, %broadcast_in_dim3A_333] : memref<160x10xf32, #tpu.memory_space<vmem>>[vector<16xi32>, vector<16xi32>], vector<16xf32>,
      %mul3A_335 = arith.constant 16 : i32
      %mul3A_336 = arith.muli %scan3A_306, %mul3A_335 : i32
      %add3A_337 = arith.constant 160 : i32
      %add3A_338 = arith.addi %add3A_337, %mul3A_336 : i32
      %swap3A_339 = arith.constant 2 : i32
      %swap3A_340 = arith.index_cast %swap3A_339 : i32 to index
      %swap3A_341 = arith.index_cast %add3A_338 : i32 to index
      %swap3A_342 = tpu.vector_load %arg12[%swap3A_340, %swap3A_341] {strides = array<i32>} : memref<10x1600xf32, #tpu.memory_space<vmem>>, vector<16xf32>,
      tpu.vector_store %arg12[%swap3A_340, %swap3A_341], %gather3A_334 {strides = array<i32>} : memref<10x1600xf32, #tpu.memory_space<vmem>>, vector<16xf32>,
      %broadcast_in_dim3A_343 = arith.constant 3 : i32
      %broadcast_in_dim3A_344 = vector.broadcast %broadcast_in_dim3A_343 : i32 to vector<16xi32>
      %gather3A_345 = tpu.vector_load_idx %arg11[%add3A_310, %broadcast_in_dim3A_344] : memref<160x10xf32, #tpu.memory_space<vmem>>[vector<16xi32>, vector<16xi32>], vector<16xf32>,
      %mul3A_346 = arith.constant 16 : i32
      %mul3A_347 = arith.muli %scan3A_306, %mul3A_346 : i32
      %add3A_348 = arith.constant 160 : i32
      %add3A_349 = arith.addi %add3A_348, %mul3A_347 : i32
      %swap3A_350 = arith.constant 3 : i32
      %swap3A_351 = arith.index_cast %swap3A_350 : i32 to index
      %swap3A_352 = arith.index_cast %add3A_349 : i32 to index
      %swap3A_353 = tpu.vector_load %arg12[%swap3A_351, %swap3A_352] {strides = array<i32>} : memref<10x1600xf32, #tpu.memory_space<vmem>>, vector<16xf32>,
      tpu.vector_store %arg12[%swap3A_351, %swap3A_352], %gather3A_345 {strides = array<i32>} : memref<10x1600xf32, #tpu.memory_space<vmem>>, vector<16xf32>,
      %broadcast_in_dim3A_354 = arith.constant 4 : i32
      %broadcast_in_dim3A_355 = vector.broadcast %broadcast_in_dim3A_354 : i32 to vector<16xi32>
      %gather3A_356 = tpu.vector_load_idx %arg11[%add3A_310, %broadcast_in_dim3A_355] : memref<160x10xf32, #tpu.memory_space<vmem>>[vector<16xi32>, vector<16xi32>], vector<16xf32>,
      %mul3A_357 = arith.constant 16 : i32
      %mul3A_358 = arith.muli %scan3A_306, %mul3A_357 : i32
      %add3A_359 = arith.constant 160 : i32
      %add3A_360 = arith.addi %add3A_359, %mul3A_358 : i32
      %swap3A_361 = arith.constant 4 : i32
      %swap3A_362 = arith.index_cast %swap3A_361 : i32 to index
      %swap3A_363 = arith.index_cast %add3A_360 : i32 to index
      %swap3A_364 = tpu.vector_load %arg12[%swap3A_362, %swap3A_363] {strides = array<i32>} : memref<10x1600xf32, #tpu.memory_space<vmem>>, vector<16xf32>,
      tpu.vector_store %arg12[%swap3A_362, %swap3A_363], %gather3A_356 {strides = array<i32>} : memref<10x1600xf32, #tpu.memory_space<vmem>>, vector<16xf32>,
      %broadcast_in_dim3A_365 = arith.constant 5 : i32
      %broadcast_in_dim3A_366 = vector.broadcast %broadcast_in_dim3A_365 : i32 to vector<16xi32>
      %gather3A_367 = tpu.vector_load_idx %arg11[%add3A_310, %broadcast_in_dim3A_366] : memref<160x10xf32, #tpu.memory_space<vmem>>[vector<16xi32>, vector<16xi32>], vector<16xf32>,
      %mul3A_368 = arith.constant 16 : i32
      %mul3A_369 = arith.muli %scan3A_306, %mul3A_368 : i32
      %add3A_370 = arith.constant 160 : i32
      %add3A_371 = arith.addi %add3A_370, %mul3A_369 : i32
      %swap3A_372 = arith.constant 5 : i32
      %swap3A_373 = arith.index_cast %swap3A_372 : i32 to index
      %swap3A_374 = arith.index_cast %add3A_371 : i32 to index
      %swap3A_375 = tpu.vector_load %arg12[%swap3A_373, %swap3A_374] {strides = array<i32>} : memref<10x1600xf32, #tpu.memory_space<vmem>>, vector<16xf32>,
      tpu.vector_store %arg12[%swap3A_373, %swap3A_374], %gather3A_367 {strides = array<i32>} : memref<10x1600xf32, #tpu.memory_space<vmem>>, vector<16xf32>,
      %broadcast_in_dim3A_376 = arith.constant 6 : i32
      %broadcast_in_dim3A_377 = vector.broadcast %broadcast_in_dim3A_376 : i32 to vector<16xi32>
      %gather3A_378 = tpu.vector_load_idx %arg11[%add3A_310, %broadcast_in_dim3A_377] : memref<160x10xf32, #tpu.memory_space<vmem>>[vector<16xi32>, vector<16xi32>], vector<16xf32>,
      %mul3A_379 = arith.constant 16 : i32
      %mul3A_380 = arith.muli %scan3A_306, %mul3A_379 : i32
      %add3A_381 = arith.constant 160 : i32
      %add3A_382 = arith.addi %add3A_381, %mul3A_380 : i32
      %swap3A_383 = arith.constant 6 : i32
      %swap3A_384 = arith.index_cast %swap3A_383 : i32 to index
      %swap3A_385 = arith.index_cast %add3A_382 : i32 to index
      %swap3A_386 = tpu.vector_load %arg12[%swap3A_384, %swap3A_385] {strides = array<i32>} : memref<10x1600xf32, #tpu.memory_space<vmem>>, vector<16xf32>,
      tpu.vector_store %arg12[%swap3A_384, %swap3A_385], %gather3A_378 {strides = array<i32>} : memref<10x1600xf32, #tpu.memory_space<vmem>>, vector<16xf32>,
      %broadcast_in_dim3A_387 = arith.constant 7 : i32
      %broadcast_in_dim3A_388 = vector.broadcast %broadcast_in_dim3A_387 : i32 to vector<16xi32>
      %gather3A_389 = tpu.vector_load_idx %arg11[%add3A_310, %broadcast_in_dim3A_388] : memref<160x10xf32, #tpu.memory_space<vmem>>[vector<16xi32>, vector<16xi32>], vector<16xf32>,
      %mul3A_390 = arith.constant 16 : i32
      %mul3A_391 = arith.muli %scan3A_306, %mul3A_390 : i32
      %add3A_392 = arith.constant 160 : i32
      %add3A_393 = arith.addi %add3A_392, %mul3A_391 : i32
      %swap3A_394 = arith.constant 7 : i32
      %swap3A_395 = arith.index_cast %swap3A_394 : i32 to index
      %swap3A_396 = arith.index_cast %add3A_393 : i32 to index
      %swap3A_397 = tpu.vector_load %arg12[%swap3A_395, %swap3A_396] {strides = array<i32>} : memref<10x1600xf32, #tpu.memory_space<vmem>>, vector<16xf32>,
      tpu.vector_store %arg12[%swap3A_395, %swap3A_396], %gather3A_389 {strides = array<i32>} : memref<10x1600xf32, #tpu.memory_space<vmem>>, vector<16xf32>,
      %broadcast_in_dim3A_398 = arith.constant 8 : i32
      %broadcast_in_dim3A_399 = vector.broadcast %broadcast_in_dim3A_398 : i32 to vector<16xi32>
      %gather3A_400 = tpu.vector_load_idx %arg11[%add3A_310, %broadcast_in_dim3A_399] : memref<160x10xf32, #tpu.memory_space<vmem>>[vector<16xi32>, vector<16xi32>], vector<16xf32>,
      %mul3A_401 = arith.constant 16 : i32
      %mul3A_402 = arith.muli %scan3A_306, %mul3A_401 : i32
      %add3A_403 = arith.constant 160 : i32
      %add3A_404 = arith.addi %add3A_403, %mul3A_402 : i32
      %swap3A_405 = arith.constant 8 : i32
      %swap3A_406 = arith.index_cast %swap3A_405 : i32 to index
      %swap3A_407 = arith.index_cast %add3A_404 : i32 to index
      %swap3A_408 = tpu.vector_load %arg12[%swap3A_406, %swap3A_407] {strides = array<i32>} : memref<10x1600xf32, #tpu.memory_space<vmem>>, vector<16xf32>,
      tpu.vector_store %arg12[%swap3A_406, %swap3A_407], %gather3A_400 {strides = array<i32>} : memref<10x1600xf32, #tpu.memory_space<vmem>>, vector<16xf32>,
      %broadcast_in_dim3A_409 = arith.constant 9 : i32
      %broadcast_in_dim3A_410 = vector.broadcast %broadcast_in_dim3A_409 : i32 to vector<16xi32>
      %gather3A_411 = tpu.vector_load_idx %arg11[%add3A_310, %broadcast_in_dim3A_410] : memref<160x10xf32, #tpu.memory_space<vmem>>[vector<16xi32>, vector<16xi32>], vector<16xf32>,
      %mul3A_412 = arith.constant 16 : i32
      %mul3A_413 = arith.muli %scan3A_306, %mul3A_412 : i32
      %add3A_414 = arith.constant 160 : i32
      %add3A_415 = arith.addi %add3A_414, %mul3A_413 : i32
      %swap3A_416 = arith.constant 9 : i32
      %swap3A_417 = arith.index_cast %swap3A_416 : i32 to index
      %swap3A_418 = arith.index_cast %add3A_415 : i32 to index
      %swap3A_419 = tpu.vector_load %arg12[%swap3A_417, %swap3A_418] {strides = array<i32>} : memref<10x1600xf32, #tpu.memory_space<vmem>>, vector<16xf32>,
      tpu.vector_store %arg12[%swap3A_417, %swap3A_418], %gather3A_411 {strides = array<i32>} : memref<10x1600xf32, #tpu.memory_space<vmem>>, vector<16xf32>,
    }
    %scan3A_12 = arith.constant 10 : i32
    "tpu.region"() ({
      %run_scoped3A = tpu.sem_alloc : memref<!tpu.dma_semaphore, #tpu.memory_space<semaphore_mem>>
      %dma_start3A = arith.constant 320 : i32
      %dma_start3A_306 = arith.constant 0 : i32
      %dma_start3A_307 = tpu.memref_slice %arg4[%dma_start3A, %dma_start3A_306] : memref<1600x10xf32, #tpu.memory_space<hbm>> -> memref<160x10xf32, #tpu.memory_space<hbm>>
      %dma_start3A_308 = arith.constant 320 : i32
      %dma_start3A_309 = arith.constant 0 : i32
      %dma_start3A_310 = tpu.memref_slice %arg4[%dma_start3A_308, %dma_start3A_309] : memref<1600x10xf32, #tpu.memory_space<hbm>> -> memref<160x10xf32, #tpu.memory_space<hbm>>
      tpu.enqueue_dma source(%dma_start3A_310 : memref<160x10xf32, #tpu.memory_space<hbm>>) target(%arg11 : memref<160x10xf32, #tpu.memory_space<vmem>>) target_semaphore(%run_scoped3A : memref<!tpu.dma_semaphore, #tpu.memory_space<semaphore_mem>>)
      %dma_wait3A_311 = arith.constant 320 : i32
      %dma_wait3A_312 = arith.constant 0 : i32
      %dma_wait3A_313 = tpu.memref_slice %arg4[%dma_wait3A_311, %dma_wait3A_312] : memref<1600x10xf32, #tpu.memory_space<hbm>> -> memref<160x10xf32, #tpu.memory_space<hbm>>
      %dma_wait3A_314 = arith.constant 320 : i32
      %dma_wait3A_315 = arith.constant 0 : i32
      %dma_wait3A_316 = tpu.memref_slice %arg4[%dma_wait3A_314, %dma_wait3A_315] : memref<1600x10xf32, #tpu.memory_space<hbm>> -> memref<160x10xf32, #tpu.memory_space<hbm>>
      tpu.wait_dma2 semaphore(%run_scoped3A : memref<!tpu.dma_semaphore, #tpu.memory_space<semaphore_mem>>) src(%dma_wait3A_316 : memref<160x10xf32, #tpu.memory_space<hbm>>) dst(%arg11 : memref<160x10xf32, #tpu.memory_space<vmem>>)
      tpu.yield
    }) : () -> ()
    %scan3A_13 = arith.constant 0 : i32
    %scan3A_14 = arith.constant 0 : i32
    %scan3A_15 = arith.constant 10 : i32
    %scan3A_16 = arith.addi %scan3A_14, %scan3A_15 : i32
    %scan3A_17 = arith.constant 1 : i32
    scf.for %scan3A_306 = %scan3A_14 to %scan3A_16 step %scan3A_17  : i32 {
      %mul3A_307 = arith.constant 16 : i32
      %mul3A_308 = arith.muli %scan3A_306, %mul3A_307 : i32
      %broadcast_in_dim3A_309 = vector.broadcast %mul3A_308 : i32 to vector<16xi32>
      %add3A_310 = arith.addi %broadcast_in_dim3A_309, %iota3A : vector<16xi32>
      %broadcast_in_dim3A_311 = arith.constant 0 : i32
      %broadcast_in_dim3A_312 = vector.broadcast %broadcast_in_dim3A_311 : i32 to vector<16xi32>
      %gather3A_313 = tpu.vector_load_idx %arg11[%add3A_310, %broadcast_in_dim3A_312] : memref<160x10xf32, #tpu.memory_space<vmem>>[vector<16xi32>, vector<16xi32>], vector<16xf32>,
      %mul3A_314 = arith.constant 16 : i32
      %mul3A_315 = arith.muli %scan3A_306, %mul3A_314 : i32
      %add3A_316 = arith.constant 320 : i32
      %add3A_317 = arith.addi %add3A_316, %mul3A_315 : i32
      %swap3A = arith.constant 0 : i32
      %swap3A_318 = arith.index_cast %swap3A : i32 to index
      %swap3A_319 = arith.index_cast %add3A_317 : i32 to index
      %swap3A_320 = tpu.vector_load %arg12[%swap3A_318, %swap3A_319] {strides = array<i32>} : memref<10x1600xf32, #tpu.memory_space<vmem>>, vector<16xf32>,
      tpu.vector_store %arg12[%swap3A_318, %swap3A_319], %gather3A_313 {strides = array<i32>} : memref<10x1600xf32, #tpu.memory_space<vmem>>, vector<16xf32>,
      %broadcast_in_dim3A_321 = arith.constant 1 : i32
      %broadcast_in_dim3A_322 = vector.broadcast %broadcast_in_dim3A_321 : i32 to vector<16xi32>
      %gather3A_323 = tpu.vector_load_idx %arg11[%add3A_310, %broadcast_in_dim3A_322] : memref<160x10xf32, #tpu.memory_space<vmem>>[vector<16xi32>, vector<16xi32>], vector<16xf32>,
      %mul3A_324 = arith.constant 16 : i32
      %mul3A_325 = arith.muli %scan3A_306, %mul3A_324 : i32
      %add3A_326 = arith.constant 320 : i32
      %add3A_327 = arith.addi %add3A_326, %mul3A_325 : i32
      %swap3A_328 = arith.constant 1 : i32
      %swap3A_329 = arith.index_cast %swap3A_328 : i32 to index
      %swap3A_330 = arith.index_cast %add3A_327 : i32 to index
      %swap3A_331 = tpu.vector_load %arg12[%swap3A_329, %swap3A_330] {strides = array<i32>} : memref<10x1600xf32, #tpu.memory_space<vmem>>, vector<16xf32>,
      tpu.vector_store %arg12[%swap3A_329, %swap3A_330], %gather3A_323 {strides = array<i32>} : memref<10x1600xf32, #tpu.memory_space<vmem>>, vector<16xf32>,
      %broadcast_in_dim3A_332 = arith.constant 2 : i32
      %broadcast_in_dim3A_333 = vector.broadcast %broadcast_in_dim3A_332 : i32 to vector<16xi32>
      %gather3A_334 = tpu.vector_load_idx %arg11[%add3A_310, %broadcast_in_dim3A_333] : memref<160x10xf32, #tpu.memory_space<vmem>>[vector<16xi32>, vector<16xi32>], vector<16xf32>,
      %mul3A_335 = arith.constant 16 : i32
      %mul3A_336 = arith.muli %scan3A_306, %mul3A_335 : i32
      %add3A_337 = arith.constant 320 : i32
      %add3A_338 = arith.addi %add3A_337, %mul3A_336 : i32
      %swap3A_339 = arith.constant 2 : i32
      %swap3A_340 = arith.index_cast %swap3A_339 : i32 to index
      %swap3A_341 = arith.index_cast %add3A_338 : i32 to index
      %swap3A_342 = tpu.vector_load %arg12[%swap3A_340, %swap3A_341] {strides = array<i32>} : memref<10x1600xf32, #tpu.memory_space<vmem>>, vector<16xf32>,
      tpu.vector_store %arg12[%swap3A_340, %swap3A_341], %gather3A_334 {strides = array<i32>} : memref<10x1600xf32, #tpu.memory_space<vmem>>, vector<16xf32>,
      %broadcast_in_dim3A_343 = arith.constant 3 : i32
      %broadcast_in_dim3A_344 = vector.broadcast %broadcast_in_dim3A_343 : i32 to vector<16xi32>
      %gather3A_345 = tpu.vector_load_idx %arg11[%add3A_310, %broadcast_in_dim3A_344] : memref<160x10xf32, #tpu.memory_space<vmem>>[vector<16xi32>, vector<16xi32>], vector<16xf32>,
      %mul3A_346 = arith.constant 16 : i32
      %mul3A_347 = arith.muli %scan3A_306, %mul3A_346 : i32
      %add3A_348 = arith.constant 320 : i32
      %add3A_349 = arith.addi %add3A_348, %mul3A_347 : i32
      %swap3A_350 = arith.constant 3 : i32
      %swap3A_351 = arith.index_cast %swap3A_350 : i32 to index
      %swap3A_352 = arith.index_cast %add3A_349 : i32 to index
      %swap3A_353 = tpu.vector_load %arg12[%swap3A_351, %swap3A_352] {strides = array<i32>} : memref<10x1600xf32, #tpu.memory_space<vmem>>, vector<16xf32>,
      tpu.vector_store %arg12[%swap3A_351, %swap3A_352], %gather3A_345 {strides = array<i32>} : memref<10x1600xf32, #tpu.memory_space<vmem>>, vector<16xf32>,
      %broadcast_in_dim3A_354 = arith.constant 4 : i32
      %broadcast_in_dim3A_355 = vector.broadcast %broadcast_in_dim3A_354 : i32 to vector<16xi32>
      %gather3A_356 = tpu.vector_load_idx %arg11[%add3A_310, %broadcast_in_dim3A_355] : memref<160x10xf32, #tpu.memory_space<vmem>>[vector<16xi32>, vector<16xi32>], vector<16xf32>,
      %mul3A_357 = arith.constant 16 : i32
      %mul3A_358 = arith.muli %scan3A_306, %mul3A_357 : i32
      %add3A_359 = arith.constant 320 : i32
      %add3A_360 = arith.addi %add3A_359, %mul3A_358 : i32
      %swap3A_361 = arith.constant 4 : i32
      %swap3A_362 = arith.index_cast %swap3A_361 : i32 to index
      %swap3A_363 = arith.index_cast %add3A_360 : i32 to index
      %swap3A_364 = tpu.vector_load %arg12[%swap3A_362, %swap3A_363] {strides = array<i32>} : memref<10x1600xf32, #tpu.memory_space<vmem>>, vector<16xf32>,
      tpu.vector_store %arg12[%swap3A_362, %swap3A_363], %gather3A_356 {strides = array<i32>} : memref<10x1600xf32, #tpu.memory_space<vmem>>, vector<16xf32>,
      %broadcast_in_dim3A_365 = arith.constant 5 : i32
      %broadcast_in_dim3A_366 = vector.broadcast %broadcast_in_dim3A_365 : i32 to vector<16xi32>
      %gather3A_367 = tpu.vector_load_idx %arg11[%add3A_310, %broadcast_in_dim3A_366] : memref<160x10xf32, #tpu.memory_space<vmem>>[vector<16xi32>, vector<16xi32>], vector<16xf32>,
      %mul3A_368 = arith.constant 16 : i32
      %mul3A_369 = arith.muli %scan3A_306, %mul3A_368 : i32
      %add3A_370 = arith.constant 320 : i32
      %add3A_371 = arith.addi %add3A_370, %mul3A_369 : i32
      %swap3A_372 = arith.constant 5 : i32
      %swap3A_373 = arith.index_cast %swap3A_372 : i32 to index
      %swap3A_374 = arith.index_cast %add3A_371 : i32 to index
      %swap3A_375 = tpu.vector_load %arg12[%swap3A_373, %swap3A_374] {strides = array<i32>} : memref<10x1600xf32, #tpu.memory_space<vmem>>, vector<16xf32>,
      tpu.vector_store %arg12[%swap3A_373, %swap3A_374], %gather3A_367 {strides = array<i32>} : memref<10x1600xf32, #tpu.memory_space<vmem>>, vector<16xf32>,
      %broadcast_in_dim3A_376 = arith.constant 6 : i32
      %broadcast_in_dim3A_377 = vector.broadcast %broadcast_in_dim3A_376 : i32 to vector<16xi32>
      %gather3A_378 = tpu.vector_load_idx %arg11[%add3A_310, %broadcast_in_dim3A_377] : memref<160x10xf32, #tpu.memory_space<vmem>>[vector<16xi32>, vector<16xi32>], vector<16xf32>,
      %mul3A_379 = arith.constant 16 : i32
      %mul3A_380 = arith.muli %scan3A_306, %mul3A_379 : i32
      %add3A_381 = arith.constant 320 : i32
      %add3A_382 = arith.addi %add3A_381, %mul3A_380 : i32
      %swap3A_383 = arith.constant 6 : i32
      %swap3A_384 = arith.index_cast %swap3A_383 : i32 to index
      %swap3A_385 = arith.index_cast %add3A_382 : i32 to index
      %swap3A_386 = tpu.vector_load %arg12[%swap3A_384, %swap3A_385] {strides = array<i32>} : memref<10x1600xf32, #tpu.memory_space<vmem>>, vector<16xf32>,
      tpu.vector_store %arg12[%swap3A_384, %swap3A_385], %gather3A_378 {strides = array<i32>} : memref<10x1600xf32, #tpu.memory_space<vmem>>, vector<16xf32>,
      %broadcast_in_dim3A_387 = arith.constant 7 : i32
      %broadcast_in_dim3A_388 = vector.broadcast %broadcast_in_dim3A_387 : i32 to vector<16xi32>
      %gather3A_389 = tpu.vector_load_idx %arg11[%add3A_310, %broadcast_in_dim3A_388] : memref<160x10xf32, #tpu.memory_space<vmem>>[vector<16xi32>, vector<16xi32>], vector<16xf32>,
      %mul3A_390 = arith.constant 16 : i32
      %mul3A_391 = arith.muli %scan3A_306, %mul3A_390 : i32
      %add3A_392 = arith.constant 320 : i32
      %add3A_393 = arith.addi %add3A_392, %mul3A_391 : i32
      %swap3A_394 = arith.constant 7 : i32
      %swap3A_395 = arith.index_cast %swap3A_394 : i32 to index
      %swap3A_396 = arith.index_cast %add3A_393 : i32 to index
      %swap3A_397 = tpu.vector_load %arg12[%swap3A_395, %swap3A_396] {strides = array<i32>} : memref<10x1600xf32, #tpu.memory_space<vmem>>, vector<16xf32>,
      tpu.vector_store %arg12[%swap3A_395, %swap3A_396], %gather3A_389 {strides = array<i32>} : memref<10x1600xf32, #tpu.memory_space<vmem>>, vector<16xf32>,
      %broadcast_in_dim3A_398 = arith.constant 8 : i32
      %broadcast_in_dim3A_399 = vector.broadcast %broadcast_in_dim3A_398 : i32 to vector<16xi32>
      %gather3A_400 = tpu.vector_load_idx %arg11[%add3A_310, %broadcast_in_dim3A_399] : memref<160x10xf32, #tpu.memory_space<vmem>>[vector<16xi32>, vector<16xi32>], vector<16xf32>,
      %mul3A_401 = arith.constant 16 : i32
      %mul3A_402 = arith.muli %scan3A_306, %mul3A_401 : i32
      %add3A_403 = arith.constant 320 : i32
      %add3A_404 = arith.addi %add3A_403, %mul3A_402 : i32
      %swap3A_405 = arith.constant 8 : i32
      %swap3A_406 = arith.index_cast %swap3A_405 : i32 to index
      %swap3A_407 = arith.index_cast %add3A_404 : i32 to index
      %swap3A_408 = tpu.vector_load %arg12[%swap3A_406, %swap3A_407] {strides = array<i32>} : memref<10x1600xf32, #tpu.memory_space<vmem>>, vector<16xf32>,
      tpu.vector_store %arg12[%swap3A_406, %swap3A_407], %gather3A_400 {strides = array<i32>} : memref<10x1600xf32, #tpu.memory_space<vmem>>, vector<16xf32>,
      %broadcast_in_dim3A_409 = arith.constant 9 : i32
      %broadcast_in_dim3A_410 = vector.broadcast %broadcast_in_dim3A_409 : i32 to vector<16xi32>
      %gather3A_411 = tpu.vector_load_idx %arg11[%add3A_310, %broadcast_in_dim3A_410] : memref<160x10xf32, #tpu.memory_space<vmem>>[vector<16xi32>, vector<16xi32>], vector<16xf32>,
      %mul3A_412 = arith.constant 16 : i32
      %mul3A_413 = arith.muli %scan3A_306, %mul3A_412 : i32
      %add3A_414 = arith.constant 320 : i32
      %add3A_415 = arith.addi %add3A_414, %mul3A_413 : i32
      %swap3A_416 = arith.constant 9 : i32
      %swap3A_417 = arith.index_cast %swap3A_416 : i32 to index
      %swap3A_418 = arith.index_cast %add3A_415 : i32 to index
      %swap3A_419 = tpu.vector_load %arg12[%swap3A_417, %swap3A_418] {strides = array<i32>} : memref<10x1600xf32, #tpu.memory_space<vmem>>, vector<16xf32>,
      tpu.vector_store %arg12[%swap3A_417, %swap3A_418], %gather3A_411 {strides = array<i32>} : memref<10x1600xf32, #tpu.memory_space<vmem>>, vector<16xf32>,
    }
    %scan3A_18 = arith.constant 10 : i32
    "tpu.region"() ({
      %run_scoped3A = tpu.sem_alloc : memref<!tpu.dma_semaphore, #tpu.memory_space<semaphore_mem>>
      %dma_start3A = arith.constant 480 : i32
      %dma_start3A_306 = arith.constant 0 : i32
      %dma_start3A_307 = tpu.memref_slice %arg4[%dma_start3A, %dma_start3A_306] : memref<1600x10xf32, #tpu.memory_space<hbm>> -> memref<160x10xf32, #tpu.memory_space<hbm>>
      %dma_start3A_308 = arith.constant 480 : i32
      %dma_start3A_309 = arith.constant 0 : i32
      %dma_start3A_310 = tpu.memref_slice %arg4[%dma_start3A_308, %dma_start3A_309] : memref<1600x10xf32, #tpu.memory_space<hbm>> -> memref<160x10xf32, #tpu.memory_space<hbm>>
      tpu.enqueue_dma source(%dma_start3A_310 : memref<160x10xf32, #tpu.memory_space<hbm>>) target(%arg11 : memref<160x10xf32, #tpu.memory_space<vmem>>) target_semaphore(%run_scoped3A : memref<!tpu.dma_semaphore, #tpu.memory_space<semaphore_mem>>)
      %dma_wait3A_311 = arith.constant 480 : i32
      %dma_wait3A_312 = arith.constant 0 : i32
      %dma_wait3A_313 = tpu.memref_slice %arg4[%dma_wait3A_311, %dma_wait3A_312] : memref<1600x10xf32, #tpu.memory_space<hbm>> -> memref<160x10xf32, #tpu.memory_space<hbm>>
      %dma_wait3A_314 = arith.constant 480 : i32
      %dma_wait3A_315 = arith.constant 0 : i32
      %dma_wait3A_316 = tpu.memref_slice %arg4[%dma_wait3A_314, %dma_wait3A_315] : memref<1600x10xf32, #tpu.memory_space<hbm>> -> memref<160x10xf32, #tpu.memory_space<hbm>>
      tpu.wait_dma2 semaphore(%run_scoped3A : memref<!tpu.dma_semaphore, #tpu.memory_space<semaphore_mem>>) src(%dma_wait3A_316 : memref<160x10xf32, #tpu.memory_space<hbm>>) dst(%arg11 : memref<160x10xf32, #tpu.memory_space<vmem>>)
      tpu.yield
    }) : () -> ()
    %scan3A_19 = arith.constant 0 : i32
    %scan3A_20 = arith.constant 0 : i32
    %scan3A_21 = arith.constant 10 : i32
    %scan3A_22 = arith.addi %scan3A_20, %scan3A_21 : i32
    %scan3A_23 = arith.constant 1 : i32
    scf.for %scan3A_306 = %scan3A_20 to %scan3A_22 step %scan3A_23  : i32 {
      %mul3A_307 = arith.constant 16 : i32
      %mul3A_308 = arith.muli %scan3A_306, %mul3A_307 : i32
      %broadcast_in_dim3A_309 = vector.broadcast %mul3A_308 : i32 to vector<16xi32>
      %add3A_310 = arith.addi %broadcast_in_dim3A_309, %iota3A : vector<16xi32>
      %broadcast_in_dim3A_311 = arith.constant 0 : i32
      %broadcast_in_dim3A_312 = vector.broadcast %broadcast_in_dim3A_311 : i32 to vector<16xi32>
      %gather3A_313 = tpu.vector_load_idx %arg11[%add3A_310, %broadcast_in_dim3A_312] : memref<160x10xf32, #tpu.memory_space<vmem>>[vector<16xi32>, vector<16xi32>], vector<16xf32>,
      %mul3A_314 = arith.constant 16 : i32
      %mul3A_315 = arith.muli %scan3A_306, %mul3A_314 : i32
      %add3A_316 = arith.constant 480 : i32
      %add3A_317 = arith.addi %add3A_316, %mul3A_315 : i32
      %swap3A = arith.constant 0 : i32
      %swap3A_318 = arith.index_cast %swap3A : i32 to index
      %swap3A_319 = arith.index_cast %add3A_317 : i32 to index
      %swap3A_320 = tpu.vector_load %arg12[%swap3A_318, %swap3A_319] {strides = array<i32>} : memref<10x1600xf32, #tpu.memory_space<vmem>>, vector<16xf32>,
      tpu.vector_store %arg12[%swap3A_318, %swap3A_319], %gather3A_313 {strides = array<i32>} : memref<10x1600xf32, #tpu.memory_space<vmem>>, vector<16xf32>,
      %broadcast_in_dim3A_321 = arith.constant 1 : i32
      %broadcast_in_dim3A_322 = vector.broadcast %broadcast_in_dim3A_321 : i32 to vector<16xi32>
      %gather3A_323 = tpu.vector_load_idx %arg11[%add3A_310, %broadcast_in_dim3A_322] : memref<160x10xf32, #tpu.memory_space<vmem>>[vector<16xi32>, vector<16xi32>], vector<16xf32>,
      %mul3A_324 = arith.constant 16 : i32
      %mul3A_325 = arith.muli %scan3A_306, %mul3A_324 : i32
      %add3A_326 = arith.constant 480 : i32
      %add3A_327 = arith.addi %add3A_326, %mul3A_325 : i32
      %swap3A_328 = arith.constant 1 : i32
      %swap3A_329 = arith.index_cast %swap3A_328 : i32 to index
      %swap3A_330 = arith.index_cast %add3A_327 : i32 to index
      %swap3A_331 = tpu.vector_load %arg12[%swap3A_329, %swap3A_330] {strides = array<i32>} : memref<10x1600xf32, #tpu.memory_space<vmem>>, vector<16xf32>,
      tpu.vector_store %arg12[%swap3A_329, %swap3A_330], %gather3A_323 {strides = array<i32>} : memref<10x1600xf32, #tpu.memory_space<vmem>>, vector<16xf32>,
      %broadcast_in_dim3A_332 = arith.constant 2 : i32
      %broadcast_in_dim3A_333 = vector.broadcast %broadcast_in_dim3A_332 : i32 to vector<16xi32>
      %gather3A_334 = tpu.vector_load_idx %arg11[%add3A_310, %broadcast_in_dim3A_333] : memref<160x10xf32, #tpu.memory_space<vmem>>[vector<16xi32>, vector<16xi32>], vector<16xf32>,
      %mul3A_335 = arith.constant 16 : i32
      %mul3A_336 = arith.muli %scan3A_306, %mul3A_335 : i32
      %add3A_337 = arith.constant 480 : i32
      %add3A_338 = arith.addi %add3A_337, %mul3A_336 : i32
      %swap3A_339 = arith.constant 2 : i32
      %swap3A_340 = arith.index_cast %swap3A_339 : i32 to index
      %swap3A_341 = arith.index_cast %add3A_338 : i32 to index
      %swap3A_342 = tpu.vector_load %arg12[%swap3A_340, %swap3A_341] {strides = array<i32>} : memref<10x1600xf32, #tpu.memory_space<vmem>>, vector<16xf32>,
      tpu.vector_store %arg12[%swap3A_340, %swap3A_341], %gather3A_334 {strides = array<i32>} : memref<10x1600xf32, #tpu.memory_space<vmem>>, vector<16xf32>,
      %broadcast_in_dim3A_343 = arith.constant 3 : i32
      %broadcast_in_dim3A_344 = vector.broadcast %broadcast_in_dim3A_343 : i32 to vector<16xi32>
      %gather3A_345 = tpu.vector_load_idx %arg11[%add3A_310, %broadcast_in_dim3A_344] : memref<160x10xf32, #tpu.memory_space<vmem>>[vector<16xi32>, vector<16xi32>], vector<16xf32>,
      %mul3A_346 = arith.constant 16 : i32
      %mul3A_347 = arith.muli %scan3A_306, %mul3A_346 : i32
      %add3A_348 = arith.constant 480 : i32
      %add3A_349 = arith.addi %add3A_348, %mul3A_347 : i32
      %swap3A_350 = arith.constant 3 : i32
      %swap3A_351 = arith.index_cast %swap3A_350 : i32 to index
      %swap3A_352 = arith.index_cast %add3A_349 : i32 to index
      %swap3A_353 = tpu.vector_load %arg12[%swap3A_351, %swap3A_352] {strides = array<i32>} : memref<10x1600xf32, #tpu.memory_space<vmem>>, vector<16xf32>,
      tpu.vector_store %arg12[%swap3A_351, %swap3A_352], %gather3A_345 {strides = array<i32>} : memref<10x1600xf32, #tpu.memory_space<vmem>>, vector<16xf32>,
      %broadcast_in_dim3A_354 = arith.constant 4 : i32
      %broadcast_in_dim3A_355 = vector.broadcast %broadcast_in_dim3A_354 : i32 to vector<16xi32>
      %gather3A_356 = tpu.vector_load_idx %arg11[%add3A_310, %broadcast_in_dim3A_355] : memref<160x10xf32, #tpu.memory_space<vmem>>[vector<16xi32>, vector<16xi32>], vector<16xf32>,
      %mul3A_357 = arith.constant 16 : i32
      %mul3A_358 = arith.muli %scan3A_306, %mul3A_357 : i32
      %add3A_359 = arith.constant 480 : i32
      %add3A_360 = arith.addi %add3A_359, %mul3A_358 : i32
      %swap3A_361 = arith.constant 4 : i32
      %swap3A_362 = arith.index_cast %swap3A_361 : i32 to index
      %swap3A_363 = arith.index_cast %add3A_360 : i32 to index
      %swap3A_364 = tpu.vector_load %arg12[%swap3A_362, %swap3A_363] {strides = array<i32>} : memref<10x1600xf32, #tpu.memory_space<vmem>>, vector<16xf32>,
      tpu.vector_store %arg12[%swap3A_362, %swap3A_363], %gather3A_356 {strides = array<i32>} : memref<10x1600xf32, #tpu.memory_space<vmem>>, vector<16xf32>,
      %broadcast_in_dim3A_365 = arith.constant 5 : i32
      %broadcast_in_dim3A_366 = vector.broadcast %broadcast_in_dim3A_365 : i32 to vector<16xi32>
      %gather3A_367 = tpu.vector_load_idx %arg11[%add3A_310, %broadcast_in_dim3A_366] : memref<160x10xf32, #tpu.memory_space<vmem>>[vector<16xi32>, vector<16xi32>], vector<16xf32>,
      %mul3A_368 = arith.constant 16 : i32
      %mul3A_369 = arith.muli %scan3A_306, %mul3A_368 : i32
      %add3A_370 = arith.constant 480 : i32
      %add3A_371 = arith.addi %add3A_370, %mul3A_369 : i32
      %swap3A_372 = arith.constant 5 : i32
      %swap3A_373 = arith.index_cast %swap3A_372 : i32 to index
      %swap3A_374 = arith.index_cast %add3A_371 : i32 to index
      %swap3A_375 = tpu.vector_load %arg12[%swap3A_373, %swap3A_374] {strides = array<i32>} : memref<10x1600xf32, #tpu.memory_space<vmem>>, vector<16xf32>,
      tpu.vector_store %arg12[%swap3A_373, %swap3A_374], %gather3A_367 {strides = array<i32>} : memref<10x1600xf32, #tpu.memory_space<vmem>>, vector<16xf32>,
      %broadcast_in_dim3A_376 = arith.constant 6 : i32
      %broadcast_in_dim3A_377 = vector.broadcast %broadcast_in_dim3A_376 : i32 to vector<16xi32>
      %gather3A_378 = tpu.vector_load_idx %arg11[%add3A_310, %broadcast_in_dim3A_377] : memref<160x10xf32, #tpu.memory_space<vmem>>[vector<16xi32>, vector<16xi32>], vector<16xf32>,
      %mul3A_379 = arith.constant 16 : i32
      %mul3A_380 = arith.muli %scan3A_306, %mul3A_379 : i32
      %add3A_381 = arith.constant 480 : i32
      %add3A_382 = arith.addi %add3A_381, %mul3A_380 : i32
      %swap3A_383 = arith.constant 6 : i32
      %swap3A_384 = arith.index_cast %swap3A_383 : i32 to index
      %swap3A_385 = arith.index_cast %add3A_382 : i32 to index
      %swap3A_386 = tpu.vector_load %arg12[%swap3A_384, %swap3A_385] {strides = array<i32>} : memref<10x1600xf32, #tpu.memory_space<vmem>>, vector<16xf32>,
      tpu.vector_store %arg12[%swap3A_384, %swap3A_385], %gather3A_378 {strides = array<i32>} : memref<10x1600xf32, #tpu.memory_space<vmem>>, vector<16xf32>,
      %broadcast_in_dim3A_387 = arith.constant 7 : i32
      %broadcast_in_dim3A_388 = vector.broadcast %broadcast_in_dim3A_387 : i32 to vector<16xi32>
      %gather3A_389 = tpu.vector_load_idx %arg11[%add3A_310, %broadcast_in_dim3A_388] : memref<160x10xf32, #tpu.memory_space<vmem>>[vector<16xi32>, vector<16xi32>], vector<16xf32>,
      %mul3A_390 = arith.constant 16 : i32
      %mul3A_391 = arith.muli %scan3A_306, %mul3A_390 : i32
      %add3A_392 = arith.constant 480 : i32
      %add3A_393 = arith.addi %add3A_392, %mul3A_391 : i32
      %swap3A_394 = arith.constant 7 : i32
      %swap3A_395 = arith.index_cast %swap3A_394 : i32 to index
      %swap3A_396 = arith.index_cast %add3A_393 : i32 to index
      %swap3A_397 = tpu.vector_load %arg12[%swap3A_395, %swap3A_396] {strides = array<i32>} : memref<10x1600xf32, #tpu.memory_space<vmem>>, vector<16xf32>,
      tpu.vector_store %arg12[%swap3A_395, %swap3A_396], %gather3A_389 {strides = array<i32>} : memref<10x1600xf32, #tpu.memory_space<vmem>>, vector<16xf32>,
      %broadcast_in_dim3A_398 = arith.constant 8 : i32
      %broadcast_in_dim3A_399 = vector.broadcast %broadcast_in_dim3A_398 : i32 to vector<16xi32>
      %gather3A_400 = tpu.vector_load_idx %arg11[%add3A_310, %broadcast_in_dim3A_399] : memref<160x10xf32, #tpu.memory_space<vmem>>[vector<16xi32>, vector<16xi32>], vector<16xf32>,
      %mul3A_401 = arith.constant 16 : i32
      %mul3A_402 = arith.muli %scan3A_306, %mul3A_401 : i32
      %add3A_403 = arith.constant 480 : i32
      %add3A_404 = arith.addi %add3A_403, %mul3A_402 : i32
      %swap3A_405 = arith.constant 8 : i32
      %swap3A_406 = arith.index_cast %swap3A_405 : i32 to index
      %swap3A_407 = arith.index_cast %add3A_404 : i32 to index
      %swap3A_408 = tpu.vector_load %arg12[%swap3A_406, %swap3A_407] {strides = array<i32>} : memref<10x1600xf32, #tpu.memory_space<vmem>>, vector<16xf32>,
      tpu.vector_store %arg12[%swap3A_406, %swap3A_407], %gather3A_400 {strides = array<i32>} : memref<10x1600xf32, #tpu.memory_space<vmem>>, vector<16xf32>,
      %broadcast_in_dim3A_409 = arith.constant 9 : i32
      %broadcast_in_dim3A_410 = vector.broadcast %broadcast_in_dim3A_409 : i32 to vector<16xi32>
      %gather3A_411 = tpu.vector_load_idx %arg11[%add3A_310, %broadcast_in_dim3A_410] : memref<160x10xf32, #tpu.memory_space<vmem>>[vector<16xi32>, vector<16xi32>], vector<16xf32>,
      %mul3A_412 = arith.constant 16 : i32
      %mul3A_413 = arith.muli %scan3A_306, %mul3A_412 : i32
      %add3A_414 = arith.constant 480 : i32
      %add3A_415 = arith.addi %add3A_414, %mul3A_413 : i32
      %swap3A_416 = arith.constant 9 : i32
      %swap3A_417 = arith.index_cast %swap3A_416 : i32 to index
      %swap3A_418 = arith.index_cast %add3A_415 : i32 to index
      %swap3A_419 = tpu.vector_load %arg12[%swap3A_417, %swap3A_418] {strides = array<i32>} : memref<10x1600xf32, #tpu.memory_space<vmem>>, vector<16xf32>,
      tpu.vector_store %arg12[%swap3A_417, %swap3A_418], %gather3A_411 {strides = array<i32>} : memref<10x1600xf32, #tpu.memory_space<vmem>>, vector<16xf32>,
    }
    %scan3A_24 = arith.constant 10 : i32
    "tpu.region"() ({
      %run_scoped3A = tpu.sem_alloc : memref<!tpu.dma_semaphore, #tpu.memory_space<semaphore_mem>>
      %dma_start3A = arith.constant 640 : i32
      %dma_start3A_306 = arith.constant 0 : i32
      %dma_start3A_307 = tpu.memref_slice %arg4[%dma_start3A, %dma_start3A_306] : memref<1600x10xf32, #tpu.memory_space<hbm>> -> memref<160x10xf32, #tpu.memory_space<hbm>>
      %dma_start3A_308 = arith.constant 640 : i32
      %dma_start3A_309 = arith.constant 0 : i32
      %dma_start3A_310 = tpu.memref_slice %arg4[%dma_start3A_308, %dma_start3A_309] : memref<1600x10xf32, #tpu.memory_space<hbm>> -> memref<160x10xf32, #tpu.memory_space<hbm>>
      tpu.enqueue_dma source(%dma_start3A_310 : memref<160x10xf32, #tpu.memory_space<hbm>>) target(%arg11 : memref<160x10xf32, #tpu.memory_space<vmem>>) target_semaphore(%run_scoped3A : memref<!tpu.dma_semaphore, #tpu.memory_space<semaphore_mem>>)
      %dma_wait3A_311 = arith.constant 640 : i32
      %dma_wait3A_312 = arith.constant 0 : i32
      %dma_wait3A_313 = tpu.memref_slice %arg4[%dma_wait3A_311, %dma_wait3A_312] : memref<1600x10xf32, #tpu.memory_space<hbm>> -> memref<160x10xf32, #tpu.memory_space<hbm>>
      %dma_wait3A_314 = arith.constant 640 : i32
      %dma_wait3A_315 = arith.constant 0 : i32
      %dma_wait3A_316 = tpu.memref_slice %arg4[%dma_wait3A_314, %dma_wait3A_315] : memref<1600x10xf32, #tpu.memory_space<hbm>> -> memref<160x10xf32, #tpu.memory_space<hbm>>
      tpu.wait_dma2 semaphore(%run_scoped3A : memref<!tpu.dma_semaphore, #tpu.memory_space<semaphore_mem>>) src(%dma_wait3A_316 : memref<160x10xf32, #tpu.memory_space<hbm>>) dst(%arg11 : memref<160x10xf32, #tpu.memory_space<vmem>>)
      tpu.yield
    }) : () -> ()
    %scan3A_25 = arith.constant 0 : i32
    %scan3A_26 = arith.constant 0 : i32
    %scan3A_27 = arith.constant 10 : i32
    %scan3A_28 = arith.addi %scan3A_26, %scan3A_27 : i32
    %scan3A_29 = arith.constant 1 : i32
    scf.for %scan3A_306 = %scan3A_26 to %scan3A_28 step %scan3A_29  : i32 {
      %mul3A_307 = arith.constant 16 : i32
      %mul3A_308 = arith.muli %scan3A_306, %mul3A_307 : i32
      %broadcast_in_dim3A_309 = vector.broadcast %mul3A_308 : i32 to vector<16xi32>
      %add3A_310 = arith.addi %broadcast_in_dim3A_309, %iota3A : vector<16xi32>
      %broadcast_in_dim3A_311 = arith.constant 0 : i32
      %broadcast_in_dim3A_312 = vector.broadcast %broadcast_in_dim3A_311 : i32 to vector<16xi32>
      %gather3A_313 = tpu.vector_load_idx %arg11[%add3A_310, %broadcast_in_dim3A_312] : memref<160x10xf32, #tpu.memory_space<vmem>>[vector<16xi32>, vector<16xi32>], vector<16xf32>,
      %mul3A_314 = arith.constant 16 : i32
      %mul3A_315 = arith.muli %scan3A_306, %mul3A_314 : i32
      %add3A_316 = arith.constant 640 : i32
      %add3A_317 = arith.addi %add3A_316, %mul3A_315 : i32
      %swap3A = arith.constant 0 : i32
      %swap3A_318 = arith.index_cast %swap3A : i32 to index
      %swap3A_319 = arith.index_cast %add3A_317 : i32 to index
      %swap3A_320 = tpu.vector_load %arg12[%swap3A_318, %swap3A_319] {strides = array<i32>} : memref<10x1600xf32, #tpu.memory_space<vmem>>, vector<16xf32>,
      tpu.vector_store %arg12[%swap3A_318, %swap3A_319], %gather3A_313 {strides = array<i32>} : memref<10x1600xf32, #tpu.memory_space<vmem>>, vector<16xf32>,
      %broadcast_in_dim3A_321 = arith.constant 1 : i32
      %broadcast_in_dim3A_322 = vector.broadcast %broadcast_in_dim3A_321 : i32 to vector<16xi32>
      %gather3A_323 = tpu.vector_load_idx %arg11[%add3A_310, %broadcast_in_dim3A_322] : memref<160x10xf32, #tpu.memory_space<vmem>>[vector<16xi32>, vector<16xi32>], vector<16xf32>,
      %mul3A_324 = arith.constant 16 : i32
      %mul3A_325 = arith.muli %scan3A_306, %mul3A_324 : i32
      %add3A_326 = arith.constant 640 : i32
      %add3A_327 = arith.addi %add3A_326, %mul3A_325 : i32
      %swap3A_328 = arith.constant 1 : i32
      %swap3A_329 = arith.index_cast %swap3A_328 : i32 to index
      %swap3A_330 = arith.index_cast %add3A_327 : i32 to index
      %swap3A_331 = tpu.vector_load %arg12[%swap3A_329, %swap3A_330] {strides = array<i32>} : memref<10x1600xf32, #tpu.memory_space<vmem>>, vector<16xf32>,
      tpu.vector_store %arg12[%swap3A_329, %swap3A_330], %gather3A_323 {strides = array<i32>} : memref<10x1600xf32, #tpu.memory_space<vmem>>, vector<16xf32>,
      %broadcast_in_dim3A_332 = arith.constant 2 : i32
      %broadcast_in_dim3A_333 = vector.broadcast %broadcast_in_dim3A_332 : i32 to vector<16xi32>
      %gather3A_334 = tpu.vector_load_idx %arg11[%add3A_310, %broadcast_in_dim3A_333] : memref<160x10xf32, #tpu.memory_space<vmem>>[vector<16xi32>, vector<16xi32>], vector<16xf32>,
      %mul3A_335 = arith.constant 16 : i32
      %mul3A_336 = arith.muli %scan3A_306, %mul3A_335 : i32
      %add3A_337 = arith.constant 640 : i32
      %add3A_338 = arith.addi %add3A_337, %mul3A_336 : i32
      %swap3A_339 = arith.constant 2 : i32
      %swap3A_340 = arith.index_cast %swap3A_339 : i32 to index
      %swap3A_341 = arith.index_cast %add3A_338 : i32 to index
      %swap3A_342 = tpu.vector_load %arg12[%swap3A_340, %swap3A_341] {strides = array<i32>} : memref<10x1600xf32, #tpu.memory_space<vmem>>, vector<16xf32>,
      tpu.vector_store %arg12[%swap3A_340, %swap3A_341], %gather3A_334 {strides = array<i32>} : memref<10x1600xf32, #tpu.memory_space<vmem>>, vector<16xf32>,
      %broadcast_in_dim3A_343 = arith.constant 3 : i32
      %broadcast_in_dim3A_344 = vector.broadcast %broadcast_in_dim3A_343 : i32 to vector<16xi32>
      %gather3A_345 = tpu.vector_load_idx %arg11[%add3A_310, %broadcast_in_dim3A_344] : memref<160x10xf32, #tpu.memory_space<vmem>>[vector<16xi32>, vector<16xi32>], vector<16xf32>,
      %mul3A_346 = arith.constant 16 : i32
      %mul3A_347 = arith.muli %scan3A_306, %mul3A_346 : i32
      %add3A_348 = arith.constant 640 : i32
      %add3A_349 = arith.addi %add3A_348, %mul3A_347 : i32
      %swap3A_350 = arith.constant 3 : i32
      %swap3A_351 = arith.index_cast %swap3A_350 : i32 to index
      %swap3A_352 = arith.index_cast %add3A_349 : i32 to index
      %swap3A_353 = tpu.vector_load %arg12[%swap3A_351, %swap3A_352] {strides = array<i32>} : memref<10x1600xf32, #tpu.memory_space<vmem>>, vector<16xf32>,
      tpu.vector_store %arg12[%swap3A_351, %swap3A_352], %gather3A_345 {strides = array<i32>} : memref<10x1600xf32, #tpu.memory_space<vmem>>, vector<16xf32>,
      %broadcast_in_dim3A_354 = arith.constant 4 : i32
      %broadcast_in_dim3A_355 = vector.broadcast %broadcast_in_dim3A_354 : i32 to vector<16xi32>
      %gather3A_356 = tpu.vector_load_idx %arg11[%add3A_310, %broadcast_in_dim3A_355] : memref<160x10xf32, #tpu.memory_space<vmem>>[vector<16xi32>, vector<16xi32>], vector<16xf32>,
      %mul3A_357 = arith.constant 16 : i32
      %mul3A_358 = arith.muli %scan3A_306, %mul3A_357 : i32
      %add3A_359 = arith.constant 640 : i32
      %add3A_360 = arith.addi %add3A_359, %mul3A_358 : i32
      %swap3A_361 = arith.constant 4 : i32
      %swap3A_362 = arith.index_cast %swap3A_361 : i32 to index
      %swap3A_363 = arith.index_cast %add3A_360 : i32 to index
      %swap3A_364 = tpu.vector_load %arg12[%swap3A_362, %swap3A_363] {strides = array<i32>} : memref<10x1600xf32, #tpu.memory_space<vmem>>, vector<16xf32>,
      tpu.vector_store %arg12[%swap3A_362, %swap3A_363], %gather3A_356 {strides = array<i32>} : memref<10x1600xf32, #tpu.memory_space<vmem>>, vector<16xf32>,
      %broadcast_in_dim3A_365 = arith.constant 5 : i32
      %broadcast_in_dim3A_366 = vector.broadcast %broadcast_in_dim3A_365 : i32 to vector<16xi32>
      %gather3A_367 = tpu.vector_load_idx %arg11[%add3A_310, %broadcast_in_dim3A_366] : memref<160x10xf32, #tpu.memory_space<vmem>>[vector<16xi32>, vector<16xi32>], vector<16xf32>,
      %mul3A_368 = arith.constant 16 : i32
      %mul3A_369 = arith.muli %scan3A_306, %mul3A_368 : i32
      %add3A_370 = arith.constant 640 : i32
      %add3A_371 = arith.addi %add3A_370, %mul3A_369 : i32
      %swap3A_372 = arith.constant 5 : i32
      %swap3A_373 = arith.index_cast %swap3A_372 : i32 to index
      %swap3A_374 = arith.index_cast %add3A_371 : i32 to index
      %swap3A_375 = tpu.vector_load %arg12[%swap3A_373, %swap3A_374] {strides = array<i32>} : memref<10x1600xf32, #tpu.memory_space<vmem>>, vector<16xf32>,
      tpu.vector_store %arg12[%swap3A_373, %swap3A_374], %gather3A_367 {strides = array<i32>} : memref<10x1600xf32, #tpu.memory_space<vmem>>, vector<16xf32>,
      %broadcast_in_dim3A_376 = arith.constant 6 : i32
      %broadcast_in_dim3A_377 = vector.broadcast %broadcast_in_dim3A_376 : i32 to vector<16xi32>
      %gather3A_378 = tpu.vector_load_idx %arg11[%add3A_310, %broadcast_in_dim3A_377] : memref<160x10xf32, #tpu.memory_space<vmem>>[vector<16xi32>, vector<16xi32>], vector<16xf32>,
      %mul3A_379 = arith.constant 16 : i32
      %mul3A_380 = arith.muli %scan3A_306, %mul3A_379 : i32
      %add3A_381 = arith.constant 640 : i32
      %add3A_382 = arith.addi %add3A_381, %mul3A_380 : i32
      %swap3A_383 = arith.constant 6 : i32
      %swap3A_384 = arith.index_cast %swap3A_383 : i32 to index
      %swap3A_385 = arith.index_cast %add3A_382 : i32 to index
      %swap3A_386 = tpu.vector_load %arg12[%swap3A_384, %swap3A_385] {strides = array<i32>} : memref<10x1600xf32, #tpu.memory_space<vmem>>, vector<16xf32>,
      tpu.vector_store %arg12[%swap3A_384, %swap3A_385], %gather3A_378 {strides = array<i32>} : memref<10x1600xf32, #tpu.memory_space<vmem>>, vector<16xf32>,
      %broadcast_in_dim3A_387 = arith.constant 7 : i32
      %broadcast_in_dim3A_388 = vector.broadcast %broadcast_in_dim3A_387 : i32 to vector<16xi32>
      %gather3A_389 = tpu.vector_load_idx %arg11[%add3A_310, %broadcast_in_dim3A_388] : memref<160x10xf32, #tpu.memory_space<vmem>>[vector<16xi32>, vector<16xi32>], vector<16xf32>,
      %mul3A_390 = arith.constant 16 : i32
      %mul3A_391 = arith.muli %scan3A_306, %mul3A_390 : i32
      %add3A_392 = arith.constant 640 : i32
      %add3A_393 = arith.addi %add3A_392, %mul3A_391 : i32
      %swap3A_394 = arith.constant 7 : i32
      %swap3A_395 = arith.index_cast %swap3A_394 : i32 to index
      %swap3A_396 = arith.index_cast %add3A_393 : i32 to index
      %swap3A_397 = tpu.vector_load %arg12[%swap3A_395, %swap3A_396] {strides = array<i32>} : memref<10x1600xf32, #tpu.memory_space<vmem>>, vector<16xf32>,
      tpu.vector_store %arg12[%swap3A_395, %swap3A_396], %gather3A_389 {strides = array<i32>} : memref<10x1600xf32, #tpu.memory_space<vmem>>, vector<16xf32>,
      %broadcast_in_dim3A_398 = arith.constant 8 : i32
      %broadcast_in_dim3A_399 = vector.broadcast %broadcast_in_dim3A_398 : i32 to vector<16xi32>
      %gather3A_400 = tpu.vector_load_idx %arg11[%add3A_310, %broadcast_in_dim3A_399] : memref<160x10xf32, #tpu.memory_space<vmem>>[vector<16xi32>, vector<16xi32>], vector<16xf32>,
      %mul3A_401 = arith.constant 16 : i32
      %mul3A_402 = arith.muli %scan3A_306, %mul3A_401 : i32
      %add3A_403 = arith.constant 640 : i32
      %add3A_404 = arith.addi %add3A_403, %mul3A_402 : i32
      %swap3A_405 = arith.constant 8 : i32
      %swap3A_406 = arith.index_cast %swap3A_405 : i32 to index
      %swap3A_407 = arith.index_cast %add3A_404 : i32 to index
      %swap3A_408 = tpu.vector_load %arg12[%swap3A_406, %swap3A_407] {strides = array<i32>} : memref<10x1600xf32, #tpu.memory_space<vmem>>, vector<16xf32>,
      tpu.vector_store %arg12[%swap3A_406, %swap3A_407], %gather3A_400 {strides = array<i32>} : memref<10x1600xf32, #tpu.memory_space<vmem>>, vector<16xf32>,
      %broadcast_in_dim3A_409 = arith.constant 9 : i32
      %broadcast_in_dim3A_410 = vector.broadcast %broadcast_in_dim3A_409 : i32 to vector<16xi32>
      %gather3A_411 = tpu.vector_load_idx %arg11[%add3A_310, %broadcast_in_dim3A_410] : memref<160x10xf32, #tpu.memory_space<vmem>>[vector<16xi32>, vector<16xi32>], vector<16xf32>,
      %mul3A_412 = arith.constant 16 : i32
      %mul3A_413 = arith.muli %scan3A_306, %mul3A_412 : i32
      %add3A_414 = arith.constant 640 : i32
      %add3A_415 = arith.addi %add3A_414, %mul3A_413 : i32
      %swap3A_416 = arith.constant 9 : i32
      %swap3A_417 = arith.index_cast %swap3A_416 : i32 to index
      %swap3A_418 = arith.index_cast %add3A_415 : i32 to index
      %swap3A_419 = tpu.vector_load %arg12[%swap3A_417, %swap3A_418] {strides = array<i32>} : memref<10x1600xf32, #tpu.memory_space<vmem>>, vector<16xf32>,
      tpu.vector_store %arg12[%swap3A_417, %swap3A_418], %gather3A_411 {strides = array<i32>} : memref<10x1600xf32, #tpu.memory_space<vmem>>, vector<16xf32>,
    }
    %scan3A_30 = arith.constant 10 : i32
    "tpu.region"() ({
      %run_scoped3A = tpu.sem_alloc : memref<!tpu.dma_semaphore, #tpu.memory_space<semaphore_mem>>
      %dma_start3A = arith.constant 800 : i32
      %dma_start3A_306 = arith.constant 0 : i32
      %dma_start3A_307 = tpu.memref_slice %arg4[%dma_start3A, %dma_start3A_306] : memref<1600x10xf32, #tpu.memory_space<hbm>> -> memref<160x10xf32, #tpu.memory_space<hbm>>
      %dma_start3A_308 = arith.constant 800 : i32
      %dma_start3A_309 = arith.constant 0 : i32
      %dma_start3A_310 = tpu.memref_slice %arg4[%dma_start3A_308, %dma_start3A_309] : memref<1600x10xf32, #tpu.memory_space<hbm>> -> memref<160x10xf32, #tpu.memory_space<hbm>>
      tpu.enqueue_dma source(%dma_start3A_310 : memref<160x10xf32, #tpu.memory_space<hbm>>) target(%arg11 : memref<160x10xf32, #tpu.memory_space<vmem>>) target_semaphore(%run_scoped3A : memref<!tpu.dma_semaphore, #tpu.memory_space<semaphore_mem>>)
      %dma_wait3A_311 = arith.constant 800 : i32
      %dma_wait3A_312 = arith.constant 0 : i32
      %dma_wait3A_313 = tpu.memref_slice %arg4[%dma_wait3A_311, %dma_wait3A_312] : memref<1600x10xf32, #tpu.memory_space<hbm>> -> memref<160x10xf32, #tpu.memory_space<hbm>>
      %dma_wait3A_314 = arith.constant 800 : i32
      %dma_wait3A_315 = arith.constant 0 : i32
      %dma_wait3A_316 = tpu.memref_slice %arg4[%dma_wait3A_314, %dma_wait3A_315] : memref<1600x10xf32, #tpu.memory_space<hbm>> -> memref<160x10xf32, #tpu.memory_space<hbm>>
      tpu.wait_dma2 semaphore(%run_scoped3A : memref<!tpu.dma_semaphore, #tpu.memory_space<semaphore_mem>>) src(%dma_wait3A_316 : memref<160x10xf32, #tpu.memory_space<hbm>>) dst(%arg11 : memref<160x10xf32, #tpu.memory_space<vmem>>)
      tpu.yield
    }) : () -> ()
    %scan3A_31 = arith.constant 0 : i32
    %scan3A_32 = arith.constant 0 : i32
    %scan3A_33 = arith.constant 10 : i32
    %scan3A_34 = arith.addi %scan3A_32, %scan3A_33 : i32
    %scan3A_35 = arith.constant 1 : i32
    scf.for %scan3A_306 = %scan3A_32 to %scan3A_34 step %scan3A_35  : i32 {
      %mul3A_307 = arith.constant 16 : i32
      %mul3A_308 = arith.muli %scan3A_306, %mul3A_307 : i32
      %broadcast_in_dim3A_309 = vector.broadcast %mul3A_308 : i32 to vector<16xi32>
      %add3A_310 = arith.addi %broadcast_in_dim3A_309, %iota3A : vector<16xi32>
      %broadcast_in_dim3A_311 = arith.constant 0 : i32
      %broadcast_in_dim3A_312 = vector.broadcast %broadcast_in_dim3A_311 : i32 to vector<16xi32>
      %gather3A_313 = tpu.vector_load_idx %arg11[%add3A_310, %broadcast_in_dim3A_312] : memref<160x10xf32, #tpu.memory_space<vmem>>[vector<16xi32>, vector<16xi32>], vector<16xf32>,
      %mul3A_314 = arith.constant 16 : i32
      %mul3A_315 = arith.muli %scan3A_306, %mul3A_314 : i32
      %add3A_316 = arith.constant 800 : i32
      %add3A_317 = arith.addi %add3A_316, %mul3A_315 : i32
      %swap3A = arith.constant 0 : i32
      %swap3A_318 = arith.index_cast %swap3A : i32 to index
      %swap3A_319 = arith.index_cast %add3A_317 : i32 to index
      %swap3A_320 = tpu.vector_load %arg12[%swap3A_318, %swap3A_319] {strides = array<i32>} : memref<10x1600xf32, #tpu.memory_space<vmem>>, vector<16xf32>,
      tpu.vector_store %arg12[%swap3A_318, %swap3A_319], %gather3A_313 {strides = array<i32>} : memref<10x1600xf32, #tpu.memory_space<vmem>>, vector<16xf32>,
      %broadcast_in_dim3A_321 = arith.constant 1 : i32
      %broadcast_in_dim3A_322 = vector.broadcast %broadcast_in_dim3A_321 : i32 to vector<16xi32>
      %gather3A_323 = tpu.vector_load_idx %arg11[%add3A_310, %broadcast_in_dim3A_322] : memref<160x10xf32, #tpu.memory_space<vmem>>[vector<16xi32>, vector<16xi32>], vector<16xf32>,
      %mul3A_324 = arith.constant 16 : i32
      %mul3A_325 = arith.muli %scan3A_306, %mul3A_324 : i32
      %add3A_326 = arith.constant 800 : i32
      %add3A_327 = arith.addi %add3A_326, %mul3A_325 : i32
      %swap3A_328 = arith.constant 1 : i32
      %swap3A_329 = arith.index_cast %swap3A_328 : i32 to index
      %swap3A_330 = arith.index_cast %add3A_327 : i32 to index
      %swap3A_331 = tpu.vector_load %arg12[%swap3A_329, %swap3A_330] {strides = array<i32>} : memref<10x1600xf32, #tpu.memory_space<vmem>>, vector<16xf32>,
      tpu.vector_store %arg12[%swap3A_329, %swap3A_330], %gather3A_323 {strides = array<i32>} : memref<10x1600xf32, #tpu.memory_space<vmem>>, vector<16xf32>,
      %broadcast_in_dim3A_332 = arith.constant 2 : i32
      %broadcast_in_dim3A_333 = vector.broadcast %broadcast_in_dim3A_332 : i32 to vector<16xi32>
      %gather3A_334 = tpu.vector_load_idx %arg11[%add3A_310, %broadcast_in_dim3A_333] : memref<160x10xf32, #tpu.memory_space<vmem>>[vector<16xi32>, vector<16xi32>], vector<16xf32>,
      %mul3A_335 = arith.constant 16 : i32
      %mul3A_336 = arith.muli %scan3A_306, %mul3A_335 : i32
      %add3A_337 = arith.constant 800 : i32
      %add3A_338 = arith.addi %add3A_337, %mul3A_336 : i32
      %swap3A_339 = arith.constant 2 : i32
      %swap3A_340 = arith.index_cast %swap3A_339 : i32 to index
      %swap3A_341 = arith.index_cast %add3A_338 : i32 to index
      %swap3A_342 = tpu.vector_load %arg12[%swap3A_340, %swap3A_341] {strides = array<i32>} : memref<10x1600xf32, #tpu.memory_space<vmem>>, vector<16xf32>,
      tpu.vector_store %arg12[%swap3A_340, %swap3A_341], %gather3A_334 {strides = array<i32>} : memref<10x1600xf32, #tpu.memory_space<vmem>>, vector<16xf32>,
      %broadcast_in_dim3A_343 = arith.constant 3 : i32
      %broadcast_in_dim3A_344 = vector.broadcast %broadcast_in_dim3A_343 : i32 to vector<16xi32>
      %gather3A_345 = tpu.vector_load_idx %arg11[%add3A_310, %broadcast_in_dim3A_344] : memref<160x10xf32, #tpu.memory_space<vmem>>[vector<16xi32>, vector<16xi32>], vector<16xf32>,
      %mul3A_346 = arith.constant 16 : i32
      %mul3A_347 = arith.muli %scan3A_306, %mul3A_346 : i32
      %add3A_348 = arith.constant 800 : i32
      %add3A_349 = arith.addi %add3A_348, %mul3A_347 : i32
      %swap3A_350 = arith.constant 3 : i32
      %swap3A_351 = arith.index_cast %swap3A_350 : i32 to index
      %swap3A_352 = arith.index_cast %add3A_349 : i32 to index
      %swap3A_353 = tpu.vector_load %arg12[%swap3A_351, %swap3A_352] {strides = array<i32>} : memref<10x1600xf32, #tpu.memory_space<vmem>>, vector<16xf32>,
      tpu.vector_store %arg12[%swap3A_351, %swap3A_352], %gather3A_345 {strides = array<i32>} : memref<10x1600xf32, #tpu.memory_space<vmem>>, vector<16xf32>,
      %broadcast_in_dim3A_354 = arith.constant 4 : i32
      %broadcast_in_dim3A_355 = vector.broadcast %broadcast_in_dim3A_354 : i32 to vector<16xi32>
      %gather3A_356 = tpu.vector_load_idx %arg11[%add3A_310, %broadcast_in_dim3A_355] : memref<160x10xf32, #tpu.memory_space<vmem>>[vector<16xi32>, vector<16xi32>], vector<16xf32>,
      %mul3A_357 = arith.constant 16 : i32
      %mul3A_358 = arith.muli %scan3A_306, %mul3A_357 : i32
      %add3A_359 = arith.constant 800 : i32
      %add3A_360 = arith.addi %add3A_359, %mul3A_358 : i32
      %swap3A_361 = arith.constant 4 : i32
      %swap3A_362 = arith.index_cast %swap3A_361 : i32 to index
      %swap3A_363 = arith.index_cast %add3A_360 : i32 to index
      %swap3A_364 = tpu.vector_load %arg12[%swap3A_362, %swap3A_363] {strides = array<i32>} : memref<10x1600xf32, #tpu.memory_space<vmem>>, vector<16xf32>,
      tpu.vector_store %arg12[%swap3A_362, %swap3A_363], %gather3A_356 {strides = array<i32>} : memref<10x1600xf32, #tpu.memory_space<vmem>>, vector<16xf32>,
      %broadcast_in_dim3A_365 = arith.constant 5 : i32
      %broadcast_in_dim3A_366 = vector.broadcast %broadcast_in_dim3A_365 : i32 to vector<16xi32>
      %gather3A_367 = tpu.vector_load_idx %arg11[%add3A_310, %broadcast_in_dim3A_366] : memref<160x10xf32, #tpu.memory_space<vmem>>[vector<16xi32>, vector<16xi32>], vector<16xf32>,
      %mul3A_368 = arith.constant 16 : i32
      %mul3A_369 = arith.muli %scan3A_306, %mul3A_368 : i32
      %add3A_370 = arith.constant 800 : i32
      %add3A_371 = arith.addi %add3A_370, %mul3A_369 : i32
      %swap3A_372 = arith.constant 5 : i32
      %swap3A_373 = arith.index_cast %swap3A_372 : i32 to index
      %swap3A_374 = arith.index_cast %add3A_371 : i32 to index
      %swap3A_375 = tpu.vector_load %arg12[%swap3A_373, %swap3A_374] {strides = array<i32>} : memref<10x1600xf32, #tpu.memory_space<vmem>>, vector<16xf32>,
      tpu.vector_store %arg12[%swap3A_373, %swap3A_374], %gather3A_367 {strides = array<i32>} : memref<10x1600xf32, #tpu.memory_space<vmem>>, vector<16xf32>,
      %broadcast_in_dim3A_376 = arith.constant 6 : i32
      %broadcast_in_dim3A_377 = vector.broadcast %broadcast_in_dim3A_376 : i32 to vector<16xi32>
      %gather3A_378 = tpu.vector_load_idx %arg11[%add3A_310, %broadcast_in_dim3A_377] : memref<160x10xf32, #tpu.memory_space<vmem>>[vector<16xi32>, vector<16xi32>], vector<16xf32>,
      %mul3A_379 = arith.constant 16 : i32
      %mul3A_380 = arith.muli %scan3A_306, %mul3A_379 : i32
      %add3A_381 = arith.constant 800 : i32
      %add3A_382 = arith.addi %add3A_381, %mul3A_380 : i32
      %swap3A_383 = arith.constant 6 : i32
      %swap3A_384 = arith.index_cast %swap3A_383 : i32 to index
      %swap3A_385 = arith.index_cast %add3A_382 : i32 to index
      %swap3A_386 = tpu.vector_load %arg12[%swap3A_384, %swap3A_385] {strides = array<i32>} : memref<10x1600xf32, #tpu.memory_space<vmem>>, vector<16xf32>,
      tpu.vector_store %arg12[%swap3A_384, %swap3A_385], %gather3A_378 {strides = array<i32>} : memref<10x1600xf32, #tpu.memory_space<vmem>>, vector<16xf32>,
      %broadcast_in_dim3A_387 = arith.constant 7 : i32
      %broadcast_in_dim3A_388 = vector.broadcast %broadcast_in_dim3A_387 : i32 to vector<16xi32>
      %gather3A_389 = tpu.vector_load_idx %arg11[%add3A_310, %broadcast_in_dim3A_388] : memref<160x10xf32, #tpu.memory_space<vmem>>[vector<16xi32>, vector<16xi32>], vector<16xf32>,
      %mul3A_390 = arith.constant 16 : i32
      %mul3A_391 = arith.muli %scan3A_306, %mul3A_390 : i32
      %add3A_392 = arith.constant 800 : i32
      %add3A_393 = arith.addi %add3A_392, %mul3A_391 : i32
      %swap3A_394 = arith.constant 7 : i32
      %swap3A_395 = arith.index_cast %swap3A_394 : i32 to index
      %swap3A_396 = arith.index_cast %add3A_393 : i32 to index
      %swap3A_397 = tpu.vector_load %arg12[%swap3A_395, %swap3A_396] {strides = array<i32>} : memref<10x1600xf32, #tpu.memory_space<vmem>>, vector<16xf32>,
      tpu.vector_store %arg12[%swap3A_395, %swap3A_396], %gather3A_389 {strides = array<i32>} : memref<10x1600xf32, #tpu.memory_space<vmem>>, vector<16xf32>,
      %broadcast_in_dim3A_398 = arith.constant 8 : i32
      %broadcast_in_dim3A_399 = vector.broadcast %broadcast_in_dim3A_398 : i32 to vector<16xi32>
      %gather3A_400 = tpu.vector_load_idx %arg11[%add3A_310, %broadcast_in_dim3A_399] : memref<160x10xf32, #tpu.memory_space<vmem>>[vector<16xi32>, vector<16xi32>], vector<16xf32>,
      %mul3A_401 = arith.constant 16 : i32
      %mul3A_402 = arith.muli %scan3A_306, %mul3A_401 : i32
      %add3A_403 = arith.constant 800 : i32
      %add3A_404 = arith.addi %add3A_403, %mul3A_402 : i32
      %swap3A_405 = arith.constant 8 : i32
      %swap3A_406 = arith.index_cast %swap3A_405 : i32 to index
      %swap3A_407 = arith.index_cast %add3A_404 : i32 to index
      %swap3A_408 = tpu.vector_load %arg12[%swap3A_406, %swap3A_407] {strides = array<i32>} : memref<10x1600xf32, #tpu.memory_space<vmem>>, vector<16xf32>,
      tpu.vector_store %arg12[%swap3A_406, %swap3A_407], %gather3A_400 {strides = array<i32>} : memref<10x1600xf32, #tpu.memory_space<vmem>>, vector<16xf32>,
      %broadcast_in_dim3A_409 = arith.constant 9 : i32
      %broadcast_in_dim3A_410 = vector.broadcast %broadcast_in_dim3A_409 : i32 to vector<16xi32>
      %gather3A_411 = tpu.vector_load_idx %arg11[%add3A_310, %broadcast_in_dim3A_410] : memref<160x10xf32, #tpu.memory_space<vmem>>[vector<16xi32>, vector<16xi32>], vector<16xf32>,
      %mul3A_412 = arith.constant 16 : i32
      %mul3A_413 = arith.muli %scan3A_306, %mul3A_412 : i32
      %add3A_414 = arith.constant 800 : i32
      %add3A_415 = arith.addi %add3A_414, %mul3A_413 : i32
      %swap3A_416 = arith.constant 9 : i32
      %swap3A_417 = arith.index_cast %swap3A_416 : i32 to index
      %swap3A_418 = arith.index_cast %add3A_415 : i32 to index
      %swap3A_419 = tpu.vector_load %arg12[%swap3A_417, %swap3A_418] {strides = array<i32>} : memref<10x1600xf32, #tpu.memory_space<vmem>>, vector<16xf32>,
      tpu.vector_store %arg12[%swap3A_417, %swap3A_418], %gather3A_411 {strides = array<i32>} : memref<10x1600xf32, #tpu.memory_space<vmem>>, vector<16xf32>,
    }
    %scan3A_36 = arith.constant 10 : i32
    "tpu.region"() ({
      %run_scoped3A = tpu.sem_alloc : memref<!tpu.dma_semaphore, #tpu.memory_space<semaphore_mem>>
      %dma_start3A = arith.constant 960 : i32
      %dma_start3A_306 = arith.constant 0 : i32
      %dma_start3A_307 = tpu.memref_slice %arg4[%dma_start3A, %dma_start3A_306] : memref<1600x10xf32, #tpu.memory_space<hbm>> -> memref<160x10xf32, #tpu.memory_space<hbm>>
      %dma_start3A_308 = arith.constant 960 : i32
      %dma_start3A_309 = arith.constant 0 : i32
      %dma_start3A_310 = tpu.memref_slice %arg4[%dma_start3A_308, %dma_start3A_309] : memref<1600x10xf32, #tpu.memory_space<hbm>> -> memref<160x10xf32, #tpu.memory_space<hbm>>
      tpu.enqueue_dma source(%dma_start3A_310 : memref<160x10xf32, #tpu.memory_space<hbm>>) target(%arg11 : memref<160x10xf32, #tpu.memory_space<vmem>>) target_semaphore(%run_scoped3A : memref<!tpu.dma_semaphore, #tpu.memory_space<semaphore_mem>>)
      %dma_wait3A_311 = arith.constant 960 : i32
      %dma_wait3A_312 = arith.constant 0 : i32
      %dma_wait3A_313 = tpu.memref_slice %arg4[%dma_wait3A_311, %dma_wait3A_312] : memref<1600x10xf32, #tpu.memory_space<hbm>> -> memref<160x10xf32, #tpu.memory_space<hbm>>
      %dma_wait3A_314 = arith.constant 960 : i32
      %dma_wait3A_315 = arith.constant 0 : i32
      %dma_wait3A_316 = tpu.memref_slice %arg4[%dma_wait3A_314, %dma_wait3A_315] : memref<1600x10xf32, #tpu.memory_space<hbm>> -> memref<160x10xf32, #tpu.memory_space<hbm>>
      tpu.wait_dma2 semaphore(%run_scoped3A : memref<!tpu.dma_semaphore, #tpu.memory_space<semaphore_mem>>) src(%dma_wait3A_316 : memref<160x10xf32, #tpu.memory_space<hbm>>) dst(%arg11 : memref<160x10xf32, #tpu.memory_space<vmem>>)
      tpu.yield
    }) : () -> ()
    %scan3A_37 = arith.constant 0 : i32
    %scan3A_38 = arith.constant 0 : i32
    %scan3A_39 = arith.constant 10 : i32
    %scan3A_40 = arith.addi %scan3A_38, %scan3A_39 : i32
    %scan3A_41 = arith.constant 1 : i32
    scf.for %scan3A_306 = %scan3A_38 to %scan3A_40 step %scan3A_41  : i32 {
      %mul3A_307 = arith.constant 16 : i32
      %mul3A_308 = arith.muli %scan3A_306, %mul3A_307 : i32
      %broadcast_in_dim3A_309 = vector.broadcast %mul3A_308 : i32 to vector<16xi32>
      %add3A_310 = arith.addi %broadcast_in_dim3A_309, %iota3A : vector<16xi32>
      %broadcast_in_dim3A_311 = arith.constant 0 : i32
      %broadcast_in_dim3A_312 = vector.broadcast %broadcast_in_dim3A_311 : i32 to vector<16xi32>
      %gather3A_313 = tpu.vector_load_idx %arg11[%add3A_310, %broadcast_in_dim3A_312] : memref<160x10xf32, #tpu.memory_space<vmem>>[vector<16xi32>, vector<16xi32>], vector<16xf32>,
      %mul3A_314 = arith.constant 16 : i32
      %mul3A_315 = arith.muli %scan3A_306, %mul3A_314 : i32
      %add3A_316 = arith.constant 960 : i32
      %add3A_317 = arith.addi %add3A_316, %mul3A_315 : i32
      %swap3A = arith.constant 0 : i32
      %swap3A_318 = arith.index_cast %swap3A : i32 to index
      %swap3A_319 = arith.index_cast %add3A_317 : i32 to index
      %swap3A_320 = tpu.vector_load %arg12[%swap3A_318, %swap3A_319] {strides = array<i32>} : memref<10x1600xf32, #tpu.memory_space<vmem>>, vector<16xf32>,
      tpu.vector_store %arg12[%swap3A_318, %swap3A_319], %gather3A_313 {strides = array<i32>} : memref<10x1600xf32, #tpu.memory_space<vmem>>, vector<16xf32>,
      %broadcast_in_dim3A_321 = arith.constant 1 : i32
      %broadcast_in_dim3A_322 = vector.broadcast %broadcast_in_dim3A_321 : i32 to vector<16xi32>
      %gather3A_323 = tpu.vector_load_idx %arg11[%add3A_310, %broadcast_in_dim3A_322] : memref<160x10xf32, #tpu.memory_space<vmem>>[vector<16xi32>, vector<16xi32>], vector<16xf32>,
      %mul3A_324 = arith.constant 16 : i32
      %mul3A_325 = arith.muli %scan3A_306, %mul3A_324 : i32
      %add3A_326 = arith.constant 960 : i32
      %add3A_327 = arith.addi %add3A_326, %mul3A_325 : i32
      %swap3A_328 = arith.constant 1 : i32
      %swap3A_329 = arith.index_cast %swap3A_328 : i32 to index
      %swap3A_330 = arith.index_cast %add3A_327 : i32 to index
      %swap3A_331 = tpu.vector_load %arg12[%swap3A_329, %swap3A_330] {strides = array<i32>} : memref<10x1600xf32, #tpu.memory_space<vmem>>, vector<16xf32>,
      tpu.vector_store %arg12[%swap3A_329, %swap3A_330], %gather3A_323 {strides = array<i32>} : memref<10x1600xf32, #tpu.memory_space<vmem>>, vector<16xf32>,
      %broadcast_in_dim3A_332 = arith.constant 2 : i32
      %broadcast_in_dim3A_333 = vector.broadcast %broadcast_in_dim3A_332 : i32 to vector<16xi32>
      %gather3A_334 = tpu.vector_load_idx %arg11[%add3A_310, %broadcast_in_dim3A_333] : memref<160x10xf32, #tpu.memory_space<vmem>>[vector<16xi32>, vector<16xi32>], vector<16xf32>,
      %mul3A_335 = arith.constant 16 : i32
      %mul3A_336 = arith.muli %scan3A_306, %mul3A_335 : i32
      %add3A_337 = arith.constant 960 : i32
      %add3A_338 = arith.addi %add3A_337, %mul3A_336 : i32
      %swap3A_339 = arith.constant 2 : i32
      %swap3A_340 = arith.index_cast %swap3A_339 : i32 to index
      %swap3A_341 = arith.index_cast %add3A_338 : i32 to index
      %swap3A_342 = tpu.vector_load %arg12[%swap3A_340, %swap3A_341] {strides = array<i32>} : memref<10x1600xf32, #tpu.memory_space<vmem>>, vector<16xf32>,
      tpu.vector_store %arg12[%swap3A_340, %swap3A_341], %gather3A_334 {strides = array<i32>} : memref<10x1600xf32, #tpu.memory_space<vmem>>, vector<16xf32>,
      %broadcast_in_dim3A_343 = arith.constant 3 : i32
      %broadcast_in_dim3A_344 = vector.broadcast %broadcast_in_dim3A_343 : i32 to vector<16xi32>
      %gather3A_345 = tpu.vector_load_idx %arg11[%add3A_310, %broadcast_in_dim3A_344] : memref<160x10xf32, #tpu.memory_space<vmem>>[vector<16xi32>, vector<16xi32>], vector<16xf32>,
      %mul3A_346 = arith.constant 16 : i32
      %mul3A_347 = arith.muli %scan3A_306, %mul3A_346 : i32
      %add3A_348 = arith.constant 960 : i32
      %add3A_349 = arith.addi %add3A_348, %mul3A_347 : i32
      %swap3A_350 = arith.constant 3 : i32
      %swap3A_351 = arith.index_cast %swap3A_350 : i32 to index
      %swap3A_352 = arith.index_cast %add3A_349 : i32 to index
      %swap3A_353 = tpu.vector_load %arg12[%swap3A_351, %swap3A_352] {strides = array<i32>} : memref<10x1600xf32, #tpu.memory_space<vmem>>, vector<16xf32>,
      tpu.vector_store %arg12[%swap3A_351, %swap3A_352], %gather3A_345 {strides = array<i32>} : memref<10x1600xf32, #tpu.memory_space<vmem>>, vector<16xf32>,
      %broadcast_in_dim3A_354 = arith.constant 4 : i32
      %broadcast_in_dim3A_355 = vector.broadcast %broadcast_in_dim3A_354 : i32 to vector<16xi32>
      %gather3A_356 = tpu.vector_load_idx %arg11[%add3A_310, %broadcast_in_dim3A_355] : memref<160x10xf32, #tpu.memory_space<vmem>>[vector<16xi32>, vector<16xi32>], vector<16xf32>,
      %mul3A_357 = arith.constant 16 : i32
      %mul3A_358 = arith.muli %scan3A_306, %mul3A_357 : i32
      %add3A_359 = arith.constant 960 : i32
      %add3A_360 = arith.addi %add3A_359, %mul3A_358 : i32
      %swap3A_361 = arith.constant 4 : i32
      %swap3A_362 = arith.index_cast %swap3A_361 : i32 to index
      %swap3A_363 = arith.index_cast %add3A_360 : i32 to index
      %swap3A_364 = tpu.vector_load %arg12[%swap3A_362, %swap3A_363] {strides = array<i32>} : memref<10x1600xf32, #tpu.memory_space<vmem>>, vector<16xf32>,
      tpu.vector_store %arg12[%swap3A_362, %swap3A_363], %gather3A_356 {strides = array<i32>} : memref<10x1600xf32, #tpu.memory_space<vmem>>, vector<16xf32>,
      %broadcast_in_dim3A_365 = arith.constant 5 : i32
      %broadcast_in_dim3A_366 = vector.broadcast %broadcast_in_dim3A_365 : i32 to vector<16xi32>
      %gather3A_367 = tpu.vector_load_idx %arg11[%add3A_310, %broadcast_in_dim3A_366] : memref<160x10xf32, #tpu.memory_space<vmem>>[vector<16xi32>, vector<16xi32>], vector<16xf32>,
      %mul3A_368 = arith.constant 16 : i32
      %mul3A_369 = arith.muli %scan3A_306, %mul3A_368 : i32
      %add3A_370 = arith.constant 960 : i32
      %add3A_371 = arith.addi %add3A_370, %mul3A_369 : i32
      %swap3A_372 = arith.constant 5 : i32
      %swap3A_373 = arith.index_cast %swap3A_372 : i32 to index
      %swap3A_374 = arith.index_cast %add3A_371 : i32 to index
      %swap3A_375 = tpu.vector_load %arg12[%swap3A_373, %swap3A_374] {strides = array<i32>} : memref<10x1600xf32, #tpu.memory_space<vmem>>, vector<16xf32>,
      tpu.vector_store %arg12[%swap3A_373, %swap3A_374], %gather3A_367 {strides = array<i32>} : memref<10x1600xf32, #tpu.memory_space<vmem>>, vector<16xf32>,
      %broadcast_in_dim3A_376 = arith.constant 6 : i32
      %broadcast_in_dim3A_377 = vector.broadcast %broadcast_in_dim3A_376 : i32 to vector<16xi32>
      %gather3A_378 = tpu.vector_load_idx %arg11[%add3A_310, %broadcast_in_dim3A_377] : memref<160x10xf32, #tpu.memory_space<vmem>>[vector<16xi32>, vector<16xi32>], vector<16xf32>,
      %mul3A_379 = arith.constant 16 : i32
      %mul3A_380 = arith.muli %scan3A_306, %mul3A_379 : i32
      %add3A_381 = arith.constant 960 : i32
      %add3A_382 = arith.addi %add3A_381, %mul3A_380 : i32
      %swap3A_383 = arith.constant 6 : i32
      %swap3A_384 = arith.index_cast %swap3A_383 : i32 to index
      %swap3A_385 = arith.index_cast %add3A_382 : i32 to index
      %swap3A_386 = tpu.vector_load %arg12[%swap3A_384, %swap3A_385] {strides = array<i32>} : memref<10x1600xf32, #tpu.memory_space<vmem>>, vector<16xf32>,
      tpu.vector_store %arg12[%swap3A_384, %swap3A_385], %gather3A_378 {strides = array<i32>} : memref<10x1600xf32, #tpu.memory_space<vmem>>, vector<16xf32>,
      %broadcast_in_dim3A_387 = arith.constant 7 : i32
      %broadcast_in_dim3A_388 = vector.broadcast %broadcast_in_dim3A_387 : i32 to vector<16xi32>
      %gather3A_389 = tpu.vector_load_idx %arg11[%add3A_310, %broadcast_in_dim3A_388] : memref<160x10xf32, #tpu.memory_space<vmem>>[vector<16xi32>, vector<16xi32>], vector<16xf32>,
      %mul3A_390 = arith.constant 16 : i32
      %mul3A_391 = arith.muli %scan3A_306, %mul3A_390 : i32
      %add3A_392 = arith.constant 960 : i32
      %add3A_393 = arith.addi %add3A_392, %mul3A_391 : i32
      %swap3A_394 = arith.constant 7 : i32
      %swap3A_395 = arith.index_cast %swap3A_394 : i32 to index
      %swap3A_396 = arith.index_cast %add3A_393 : i32 to index
      %swap3A_397 = tpu.vector_load %arg12[%swap3A_395, %swap3A_396] {strides = array<i32>} : memref<10x1600xf32, #tpu.memory_space<vmem>>, vector<16xf32>,
      tpu.vector_store %arg12[%swap3A_395, %swap3A_396], %gather3A_389 {strides = array<i32>} : memref<10x1600xf32, #tpu.memory_space<vmem>>, vector<16xf32>,
      %broadcast_in_dim3A_398 = arith.constant 8 : i32
      %broadcast_in_dim3A_399 = vector.broadcast %broadcast_in_dim3A_398 : i32 to vector<16xi32>
      %gather3A_400 = tpu.vector_load_idx %arg11[%add3A_310, %broadcast_in_dim3A_399] : memref<160x10xf32, #tpu.memory_space<vmem>>[vector<16xi32>, vector<16xi32>], vector<16xf32>,
      %mul3A_401 = arith.constant 16 : i32
      %mul3A_402 = arith.muli %scan3A_306, %mul3A_401 : i32
      %add3A_403 = arith.constant 960 : i32
      %add3A_404 = arith.addi %add3A_403, %mul3A_402 : i32
      %swap3A_405 = arith.constant 8 : i32
      %swap3A_406 = arith.index_cast %swap3A_405 : i32 to index
      %swap3A_407 = arith.index_cast %add3A_404 : i32 to index
      %swap3A_408 = tpu.vector_load %arg12[%swap3A_406, %swap3A_407] {strides = array<i32>} : memref<10x1600xf32, #tpu.memory_space<vmem>>, vector<16xf32>,
      tpu.vector_store %arg12[%swap3A_406, %swap3A_407], %gather3A_400 {strides = array<i32>} : memref<10x1600xf32, #tpu.memory_space<vmem>>, vector<16xf32>,
      %broadcast_in_dim3A_409 = arith.constant 9 : i32
      %broadcast_in_dim3A_410 = vector.broadcast %broadcast_in_dim3A_409 : i32 to vector<16xi32>
      %gather3A_411 = tpu.vector_load_idx %arg11[%add3A_310, %broadcast_in_dim3A_410] : memref<160x10xf32, #tpu.memory_space<vmem>>[vector<16xi32>, vector<16xi32>], vector<16xf32>,
      %mul3A_412 = arith.constant 16 : i32
      %mul3A_413 = arith.muli %scan3A_306, %mul3A_412 : i32
      %add3A_414 = arith.constant 960 : i32
      %add3A_415 = arith.addi %add3A_414, %mul3A_413 : i32
      %swap3A_416 = arith.constant 9 : i32
      %swap3A_417 = arith.index_cast %swap3A_416 : i32 to index
      %swap3A_418 = arith.index_cast %add3A_415 : i32 to index
      %swap3A_419 = tpu.vector_load %arg12[%swap3A_417, %swap3A_418] {strides = array<i32>} : memref<10x1600xf32, #tpu.memory_space<vmem>>, vector<16xf32>,
      tpu.vector_store %arg12[%swap3A_417, %swap3A_418], %gather3A_411 {strides = array<i32>} : memref<10x1600xf32, #tpu.memory_space<vmem>>, vector<16xf32>,
    }
    %scan3A_42 = arith.constant 10 : i32
    "tpu.region"() ({
      %run_scoped3A = tpu.sem_alloc : memref<!tpu.dma_semaphore, #tpu.memory_space<semaphore_mem>>
      %dma_start3A = arith.constant 1120 : i32
      %dma_start3A_306 = arith.constant 0 : i32
      %dma_start3A_307 = tpu.memref_slice %arg4[%dma_start3A, %dma_start3A_306] : memref<1600x10xf32, #tpu.memory_space<hbm>> -> memref<160x10xf32, #tpu.memory_space<hbm>>
      %dma_start3A_308 = arith.constant 1120 : i32
      %dma_start3A_309 = arith.constant 0 : i32
      %dma_start3A_310 = tpu.memref_slice %arg4[%dma_start3A_308, %dma_start3A_309] : memref<1600x10xf32, #tpu.memory_space<hbm>> -> memref<160x10xf32, #tpu.memory_space<hbm>>
      tpu.enqueue_dma source(%dma_start3A_310 : memref<160x10xf32, #tpu.memory_space<hbm>>) target(%arg11 : memref<160x10xf32, #tpu.memory_space<vmem>>) target_semaphore(%run_scoped3A : memref<!tpu.dma_semaphore, #tpu.memory_space<semaphore_mem>>)
      %dma_wait3A_311 = arith.constant 1120 : i32
      %dma_wait3A_312 = arith.constant 0 : i32
      %dma_wait3A_313 = tpu.memref_slice %arg4[%dma_wait3A_311, %dma_wait3A_312] : memref<1600x10xf32, #tpu.memory_space<hbm>> -> memref<160x10xf32, #tpu.memory_space<hbm>>
      %dma_wait3A_314 = arith.constant 1120 : i32
      %dma_wait3A_315 = arith.constant 0 : i32
      %dma_wait3A_316 = tpu.memref_slice %arg4[%dma_wait3A_314, %dma_wait3A_315] : memref<1600x10xf32, #tpu.memory_space<hbm>> -> memref<160x10xf32, #tpu.memory_space<hbm>>
      tpu.wait_dma2 semaphore(%run_scoped3A : memref<!tpu.dma_semaphore, #tpu.memory_space<semaphore_mem>>) src(%dma_wait3A_316 : memref<160x10xf32, #tpu.memory_space<hbm>>) dst(%arg11 : memref<160x10xf32, #tpu.memory_space<vmem>>)
      tpu.yield
    }) : () -> ()
    %scan3A_43 = arith.constant 0 : i32
    %scan3A_44 = arith.constant 0 : i32
    %scan3A_45 = arith.constant 10 : i32
    %scan3A_46 = arith.addi %scan3A_44, %scan3A_45 : i32
    %scan3A_47 = arith.constant 1 : i32
    scf.for %scan3A_306 = %scan3A_44 to %scan3A_46 step %scan3A_47  : i32 {
      %mul3A_307 = arith.constant 16 : i32
      %mul3A_308 = arith.muli %scan3A_306, %mul3A_307 : i32
      %broadcast_in_dim3A_309 = vector.broadcast %mul3A_308 : i32 to vector<16xi32>
      %add3A_310 = arith.addi %broadcast_in_dim3A_309, %iota3A : vector<16xi32>
      %broadcast_in_dim3A_311 = arith.constant 0 : i32
      %broadcast_in_dim3A_312 = vector.broadcast %broadcast_in_dim3A_311 : i32 to vector<16xi32>
      %gather3A_313 = tpu.vector_load_idx %arg11[%add3A_310, %broadcast_in_dim3A_312] : memref<160x10xf32, #tpu.memory_space<vmem>>[vector<16xi32>, vector<16xi32>], vector<16xf32>,
      %mul3A_314 = arith.constant 16 : i32
      %mul3A_315 = arith.muli %scan3A_306, %mul3A_314 : i32
      %add3A_316 = arith.constant 1120 : i32
      %add3A_317 = arith.addi %add3A_316, %mul3A_315 : i32
      %swap3A = arith.constant 0 : i32
      %swap3A_318 = arith.index_cast %swap3A : i32 to index
      %swap3A_319 = arith.index_cast %add3A_317 : i32 to index
      %swap3A_320 = tpu.vector_load %arg12[%swap3A_318, %swap3A_319] {strides = array<i32>} : memref<10x1600xf32, #tpu.memory_space<vmem>>, vector<16xf32>,
      tpu.vector_store %arg12[%swap3A_318, %swap3A_319], %gather3A_313 {strides = array<i32>} : memref<10x1600xf32, #tpu.memory_space<vmem>>, vector<16xf32>,
      %broadcast_in_dim3A_321 = arith.constant 1 : i32
      %broadcast_in_dim3A_322 = vector.broadcast %broadcast_in_dim3A_321 : i32 to vector<16xi32>
      %gather3A_323 = tpu.vector_load_idx %arg11[%add3A_310, %broadcast_in_dim3A_322] : memref<160x10xf32, #tpu.memory_space<vmem>>[vector<16xi32>, vector<16xi32>], vector<16xf32>,
      %mul3A_324 = arith.constant 16 : i32
      %mul3A_325 = arith.muli %scan3A_306, %mul3A_324 : i32
      %add3A_326 = arith.constant 1120 : i32
      %add3A_327 = arith.addi %add3A_326, %mul3A_325 : i32
      %swap3A_328 = arith.constant 1 : i32
      %swap3A_329 = arith.index_cast %swap3A_328 : i32 to index
      %swap3A_330 = arith.index_cast %add3A_327 : i32 to index
      %swap3A_331 = tpu.vector_load %arg12[%swap3A_329, %swap3A_330] {strides = array<i32>} : memref<10x1600xf32, #tpu.memory_space<vmem>>, vector<16xf32>,
      tpu.vector_store %arg12[%swap3A_329, %swap3A_330], %gather3A_323 {strides = array<i32>} : memref<10x1600xf32, #tpu.memory_space<vmem>>, vector<16xf32>,
      %broadcast_in_dim3A_332 = arith.constant 2 : i32
      %broadcast_in_dim3A_333 = vector.broadcast %broadcast_in_dim3A_332 : i32 to vector<16xi32>
      %gather3A_334 = tpu.vector_load_idx %arg11[%add3A_310, %broadcast_in_dim3A_333] : memref<160x10xf32, #tpu.memory_space<vmem>>[vector<16xi32>, vector<16xi32>], vector<16xf32>,
      %mul3A_335 = arith.constant 16 : i32
      %mul3A_336 = arith.muli %scan3A_306, %mul3A_335 : i32
      %add3A_337 = arith.constant 1120 : i32
      %add3A_338 = arith.addi %add3A_337, %mul3A_336 : i32
      %swap3A_339 = arith.constant 2 : i32
      %swap3A_340 = arith.index_cast %swap3A_339 : i32 to index
      %swap3A_341 = arith.index_cast %add3A_338 : i32 to index
      %swap3A_342 = tpu.vector_load %arg12[%swap3A_340, %swap3A_341] {strides = array<i32>} : memref<10x1600xf32, #tpu.memory_space<vmem>>, vector<16xf32>,
      tpu.vector_store %arg12[%swap3A_340, %swap3A_341], %gather3A_334 {strides = array<i32>} : memref<10x1600xf32, #tpu.memory_space<vmem>>, vector<16xf32>,
      %broadcast_in_dim3A_343 = arith.constant 3 : i32
      %broadcast_in_dim3A_344 = vector.broadcast %broadcast_in_dim3A_343 : i32 to vector<16xi32>
      %gather3A_345 = tpu.vector_load_idx %arg11[%add3A_310, %broadcast_in_dim3A_344] : memref<160x10xf32, #tpu.memory_space<vmem>>[vector<16xi32>, vector<16xi32>], vector<16xf32>,
      %mul3A_346 = arith.constant 16 : i32
      %mul3A_347 = arith.muli %scan3A_306, %mul3A_346 : i32
      %add3A_348 = arith.constant 1120 : i32
      %add3A_349 = arith.addi %add3A_348, %mul3A_347 : i32
      %swap3A_350 = arith.constant 3 : i32
      %swap3A_351 = arith.index_cast %swap3A_350 : i32 to index
      %swap3A_352 = arith.index_cast %add3A_349 : i32 to index
      %swap3A_353 = tpu.vector_load %arg12[%swap3A_351, %swap3A_352] {strides = array<i32>} : memref<10x1600xf32, #tpu.memory_space<vmem>>, vector<16xf32>,
      tpu.vector_store %arg12[%swap3A_351, %swap3A_352], %gather3A_345 {strides = array<i32>} : memref<10x1600xf32, #tpu.memory_space<vmem>>, vector<16xf32>,
      %broadcast_in_dim3A_354 = arith.constant 4 : i32
      %broadcast_in_dim3A_355 = vector.broadcast %broadcast_in_dim3A_354 : i32 to vector<16xi32>
      %gather3A_356 = tpu.vector_load_idx %arg11[%add3A_310, %broadcast_in_dim3A_355] : memref<160x10xf32, #tpu.memory_space<vmem>>[vector<16xi32>, vector<16xi32>], vector<16xf32>,
      %mul3A_357 = arith.constant 16 : i32
      %mul3A_358 = arith.muli %scan3A_306, %mul3A_357 : i32
      %add3A_359 = arith.constant 1120 : i32
      %add3A_360 = arith.addi %add3A_359, %mul3A_358 : i32
      %swap3A_361 = arith.constant 4 : i32
      %swap3A_362 = arith.index_cast %swap3A_361 : i32 to index
      %swap3A_363 = arith.index_cast %add3A_360 : i32 to index
      %swap3A_364 = tpu.vector_load %arg12[%swap3A_362, %swap3A_363] {strides = array<i32>} : memref<10x1600xf32, #tpu.memory_space<vmem>>, vector<16xf32>,
      tpu.vector_store %arg12[%swap3A_362, %swap3A_363], %gather3A_356 {strides = array<i32>} : memref<10x1600xf32, #tpu.memory_space<vmem>>, vector<16xf32>,
      %broadcast_in_dim3A_365 = arith.constant 5 : i32
      %broadcast_in_dim3A_366 = vector.broadcast %broadcast_in_dim3A_365 : i32 to vector<16xi32>
      %gather3A_367 = tpu.vector_load_idx %arg11[%add3A_310, %broadcast_in_dim3A_366] : memref<160x10xf32, #tpu.memory_space<vmem>>[vector<16xi32>, vector<16xi32>], vector<16xf32>,
      %mul3A_368 = arith.constant 16 : i32
      %mul3A_369 = arith.muli %scan3A_306, %mul3A_368 : i32
      %add3A_370 = arith.constant 1120 : i32
      %add3A_371 = arith.addi %add3A_370, %mul3A_369 : i32
      %swap3A_372 = arith.constant 5 : i32
      %swap3A_373 = arith.index_cast %swap3A_372 : i32 to index
      %swap3A_374 = arith.index_cast %add3A_371 : i32 to index
      %swap3A_375 = tpu.vector_load %arg12[%swap3A_373, %swap3A_374] {strides = array<i32>} : memref<10x1600xf32, #tpu.memory_space<vmem>>, vector<16xf32>,
      tpu.vector_store %arg12[%swap3A_373, %swap3A_374], %gather3A_367 {strides = array<i32>} : memref<10x1600xf32, #tpu.memory_space<vmem>>, vector<16xf32>,
      %broadcast_in_dim3A_376 = arith.constant 6 : i32
      %broadcast_in_dim3A_377 = vector.broadcast %broadcast_in_dim3A_376 : i32 to vector<16xi32>
      %gather3A_378 = tpu.vector_load_idx %arg11[%add3A_310, %broadcast_in_dim3A_377] : memref<160x10xf32, #tpu.memory_space<vmem>>[vector<16xi32>, vector<16xi32>], vector<16xf32>,
      %mul3A_379 = arith.constant 16 : i32
      %mul3A_380 = arith.muli %scan3A_306, %mul3A_379 : i32
      %add3A_381 = arith.constant 1120 : i32
      %add3A_382 = arith.addi %add3A_381, %mul3A_380 : i32
      %swap3A_383 = arith.constant 6 : i32
      %swap3A_384 = arith.index_cast %swap3A_383 : i32 to index
      %swap3A_385 = arith.index_cast %add3A_382 : i32 to index
      %swap3A_386 = tpu.vector_load %arg12[%swap3A_384, %swap3A_385] {strides = array<i32>} : memref<10x1600xf32, #tpu.memory_space<vmem>>, vector<16xf32>,
      tpu.vector_store %arg12[%swap3A_384, %swap3A_385], %gather3A_378 {strides = array<i32>} : memref<10x1600xf32, #tpu.memory_space<vmem>>, vector<16xf32>,
      %broadcast_in_dim3A_387 = arith.constant 7 : i32
      %broadcast_in_dim3A_388 = vector.broadcast %broadcast_in_dim3A_387 : i32 to vector<16xi32>
      %gather3A_389 = tpu.vector_load_idx %arg11[%add3A_310, %broadcast_in_dim3A_388] : memref<160x10xf32, #tpu.memory_space<vmem>>[vector<16xi32>, vector<16xi32>], vector<16xf32>,
      %mul3A_390 = arith.constant 16 : i32
      %mul3A_391 = arith.muli %scan3A_306, %mul3A_390 : i32
      %add3A_392 = arith.constant 1120 : i32
      %add3A_393 = arith.addi %add3A_392, %mul3A_391 : i32
      %swap3A_394 = arith.constant 7 : i32
      %swap3A_395 = arith.index_cast %swap3A_394 : i32 to index
      %swap3A_396 = arith.index_cast %add3A_393 : i32 to index
      %swap3A_397 = tpu.vector_load %arg12[%swap3A_395, %swap3A_396] {strides = array<i32>} : memref<10x1600xf32, #tpu.memory_space<vmem>>, vector<16xf32>,
      tpu.vector_store %arg12[%swap3A_395, %swap3A_396], %gather3A_389 {strides = array<i32>} : memref<10x1600xf32, #tpu.memory_space<vmem>>, vector<16xf32>,
      %broadcast_in_dim3A_398 = arith.constant 8 : i32
      %broadcast_in_dim3A_399 = vector.broadcast %broadcast_in_dim3A_398 : i32 to vector<16xi32>
      %gather3A_400 = tpu.vector_load_idx %arg11[%add3A_310, %broadcast_in_dim3A_399] : memref<160x10xf32, #tpu.memory_space<vmem>>[vector<16xi32>, vector<16xi32>], vector<16xf32>,
      %mul3A_401 = arith.constant 16 : i32
      %mul3A_402 = arith.muli %scan3A_306, %mul3A_401 : i32
      %add3A_403 = arith.constant 1120 : i32
      %add3A_404 = arith.addi %add3A_403, %mul3A_402 : i32
      %swap3A_405 = arith.constant 8 : i32
      %swap3A_406 = arith.index_cast %swap3A_405 : i32 to index
      %swap3A_407 = arith.index_cast %add3A_404 : i32 to index
      %swap3A_408 = tpu.vector_load %arg12[%swap3A_406, %swap3A_407] {strides = array<i32>} : memref<10x1600xf32, #tpu.memory_space<vmem>>, vector<16xf32>,
      tpu.vector_store %arg12[%swap3A_406, %swap3A_407], %gather3A_400 {strides = array<i32>} : memref<10x1600xf32, #tpu.memory_space<vmem>>, vector<16xf32>,
      %broadcast_in_dim3A_409 = arith.constant 9 : i32
      %broadcast_in_dim3A_410 = vector.broadcast %broadcast_in_dim3A_409 : i32 to vector<16xi32>
      %gather3A_411 = tpu.vector_load_idx %arg11[%add3A_310, %broadcast_in_dim3A_410] : memref<160x10xf32, #tpu.memory_space<vmem>>[vector<16xi32>, vector<16xi32>], vector<16xf32>,
      %mul3A_412 = arith.constant 16 : i32
      %mul3A_413 = arith.muli %scan3A_306, %mul3A_412 : i32
      %add3A_414 = arith.constant 1120 : i32
      %add3A_415 = arith.addi %add3A_414, %mul3A_413 : i32
      %swap3A_416 = arith.constant 9 : i32
      %swap3A_417 = arith.index_cast %swap3A_416 : i32 to index
      %swap3A_418 = arith.index_cast %add3A_415 : i32 to index
      %swap3A_419 = tpu.vector_load %arg12[%swap3A_417, %swap3A_418] {strides = array<i32>} : memref<10x1600xf32, #tpu.memory_space<vmem>>, vector<16xf32>,
      tpu.vector_store %arg12[%swap3A_417, %swap3A_418], %gather3A_411 {strides = array<i32>} : memref<10x1600xf32, #tpu.memory_space<vmem>>, vector<16xf32>,
    }
    %scan3A_48 = arith.constant 10 : i32
    "tpu.region"() ({
      %run_scoped3A = tpu.sem_alloc : memref<!tpu.dma_semaphore, #tpu.memory_space<semaphore_mem>>
      %dma_start3A = arith.constant 1280 : i32
      %dma_start3A_306 = arith.constant 0 : i32
      %dma_start3A_307 = tpu.memref_slice %arg4[%dma_start3A, %dma_start3A_306] : memref<1600x10xf32, #tpu.memory_space<hbm>> -> memref<160x10xf32, #tpu.memory_space<hbm>>
      %dma_start3A_308 = arith.constant 1280 : i32
      %dma_start3A_309 = arith.constant 0 : i32
      %dma_start3A_310 = tpu.memref_slice %arg4[%dma_start3A_308, %dma_start3A_309] : memref<1600x10xf32, #tpu.memory_space<hbm>> -> memref<160x10xf32, #tpu.memory_space<hbm>>
      tpu.enqueue_dma source(%dma_start3A_310 : memref<160x10xf32, #tpu.memory_space<hbm>>) target(%arg11 : memref<160x10xf32, #tpu.memory_space<vmem>>) target_semaphore(%run_scoped3A : memref<!tpu.dma_semaphore, #tpu.memory_space<semaphore_mem>>)
      %dma_wait3A_311 = arith.constant 1280 : i32
      %dma_wait3A_312 = arith.constant 0 : i32
      %dma_wait3A_313 = tpu.memref_slice %arg4[%dma_wait3A_311, %dma_wait3A_312] : memref<1600x10xf32, #tpu.memory_space<hbm>> -> memref<160x10xf32, #tpu.memory_space<hbm>>
      %dma_wait3A_314 = arith.constant 1280 : i32
      %dma_wait3A_315 = arith.constant 0 : i32
      %dma_wait3A_316 = tpu.memref_slice %arg4[%dma_wait3A_314, %dma_wait3A_315] : memref<1600x10xf32, #tpu.memory_space<hbm>> -> memref<160x10xf32, #tpu.memory_space<hbm>>
      tpu.wait_dma2 semaphore(%run_scoped3A : memref<!tpu.dma_semaphore, #tpu.memory_space<semaphore_mem>>) src(%dma_wait3A_316 : memref<160x10xf32, #tpu.memory_space<hbm>>) dst(%arg11 : memref<160x10xf32, #tpu.memory_space<vmem>>)
      tpu.yield
    }) : () -> ()
    %scan3A_49 = arith.constant 0 : i32
    %scan3A_50 = arith.constant 0 : i32
    %scan3A_51 = arith.constant 10 : i32
    %scan3A_52 = arith.addi %scan3A_50, %scan3A_51 : i32
    %scan3A_53 = arith.constant 1 : i32
    scf.for %scan3A_306 = %scan3A_50 to %scan3A_52 step %scan3A_53  : i32 {
      %mul3A_307 = arith.constant 16 : i32
      %mul3A_308 = arith.muli %scan3A_306, %mul3A_307 : i32
      %broadcast_in_dim3A_309 = vector.broadcast %mul3A_308 : i32 to vector<16xi32>
      %add3A_310 = arith.addi %broadcast_in_dim3A_309, %iota3A : vector<16xi32>
      %broadcast_in_dim3A_311 = arith.constant 0 : i32
      %broadcast_in_dim3A_312 = vector.broadcast %broadcast_in_dim3A_311 : i32 to vector<16xi32>
      %gather3A_313 = tpu.vector_load_idx %arg11[%add3A_310, %broadcast_in_dim3A_312] : memref<160x10xf32, #tpu.memory_space<vmem>>[vector<16xi32>, vector<16xi32>], vector<16xf32>,
      %mul3A_314 = arith.constant 16 : i32
      %mul3A_315 = arith.muli %scan3A_306, %mul3A_314 : i32
      %add3A_316 = arith.constant 1280 : i32
      %add3A_317 = arith.addi %add3A_316, %mul3A_315 : i32
      %swap3A = arith.constant 0 : i32
      %swap3A_318 = arith.index_cast %swap3A : i32 to index
      %swap3A_319 = arith.index_cast %add3A_317 : i32 to index
      %swap3A_320 = tpu.vector_load %arg12[%swap3A_318, %swap3A_319] {strides = array<i32>} : memref<10x1600xf32, #tpu.memory_space<vmem>>, vector<16xf32>,
      tpu.vector_store %arg12[%swap3A_318, %swap3A_319], %gather3A_313 {strides = array<i32>} : memref<10x1600xf32, #tpu.memory_space<vmem>>, vector<16xf32>,
      %broadcast_in_dim3A_321 = arith.constant 1 : i32
      %broadcast_in_dim3A_322 = vector.broadcast %broadcast_in_dim3A_321 : i32 to vector<16xi32>
      %gather3A_323 = tpu.vector_load_idx %arg11[%add3A_310, %broadcast_in_dim3A_322] : memref<160x10xf32, #tpu.memory_space<vmem>>[vector<16xi32>, vector<16xi32>], vector<16xf32>,
      %mul3A_324 = arith.constant 16 : i32
      %mul3A_325 = arith.muli %scan3A_306, %mul3A_324 : i32
      %add3A_326 = arith.constant 1280 : i32
      %add3A_327 = arith.addi %add3A_326, %mul3A_325 : i32
      %swap3A_328 = arith.constant 1 : i32
      %swap3A_329 = arith.index_cast %swap3A_328 : i32 to index
      %swap3A_330 = arith.index_cast %add3A_327 : i32 to index
      %swap3A_331 = tpu.vector_load %arg12[%swap3A_329, %swap3A_330] {strides = array<i32>} : memref<10x1600xf32, #tpu.memory_space<vmem>>, vector<16xf32>,
      tpu.vector_store %arg12[%swap3A_329, %swap3A_330], %gather3A_323 {strides = array<i32>} : memref<10x1600xf32, #tpu.memory_space<vmem>>, vector<16xf32>,
      %broadcast_in_dim3A_332 = arith.constant 2 : i32
      %broadcast_in_dim3A_333 = vector.broadcast %broadcast_in_dim3A_332 : i32 to vector<16xi32>
      %gather3A_334 = tpu.vector_load_idx %arg11[%add3A_310, %broadcast_in_dim3A_333] : memref<160x10xf32, #tpu.memory_space<vmem>>[vector<16xi32>, vector<16xi32>], vector<16xf32>,
      %mul3A_335 = arith.constant 16 : i32
      %mul3A_336 = arith.muli %scan3A_306, %mul3A_335 : i32
      %add3A_337 = arith.constant 1280 : i32
      %add3A_338 = arith.addi %add3A_337, %mul3A_336 : i32
      %swap3A_339 = arith.constant 2 : i32
      %swap3A_340 = arith.index_cast %swap3A_339 : i32 to index
      %swap3A_341 = arith.index_cast %add3A_338 : i32 to index
      %swap3A_342 = tpu.vector_load %arg12[%swap3A_340, %swap3A_341] {strides = array<i32>} : memref<10x1600xf32, #tpu.memory_space<vmem>>, vector<16xf32>,
      tpu.vector_store %arg12[%swap3A_340, %swap3A_341], %gather3A_334 {strides = array<i32>} : memref<10x1600xf32, #tpu.memory_space<vmem>>, vector<16xf32>,
      %broadcast_in_dim3A_343 = arith.constant 3 : i32
      %broadcast_in_dim3A_344 = vector.broadcast %broadcast_in_dim3A_343 : i32 to vector<16xi32>
      %gather3A_345 = tpu.vector_load_idx %arg11[%add3A_310, %broadcast_in_dim3A_344] : memref<160x10xf32, #tpu.memory_space<vmem>>[vector<16xi32>, vector<16xi32>], vector<16xf32>,
      %mul3A_346 = arith.constant 16 : i32
      %mul3A_347 = arith.muli %scan3A_306, %mul3A_346 : i32
      %add3A_348 = arith.constant 1280 : i32
      %add3A_349 = arith.addi %add3A_348, %mul3A_347 : i32
      %swap3A_350 = arith.constant 3 : i32
      %swap3A_351 = arith.index_cast %swap3A_350 : i32 to index
      %swap3A_352 = arith.index_cast %add3A_349 : i32 to index
      %swap3A_353 = tpu.vector_load %arg12[%swap3A_351, %swap3A_352] {strides = array<i32>} : memref<10x1600xf32, #tpu.memory_space<vmem>>, vector<16xf32>,
      tpu.vector_store %arg12[%swap3A_351, %swap3A_352], %gather3A_345 {strides = array<i32>} : memref<10x1600xf32, #tpu.memory_space<vmem>>, vector<16xf32>,
      %broadcast_in_dim3A_354 = arith.constant 4 : i32
      %broadcast_in_dim3A_355 = vector.broadcast %broadcast_in_dim3A_354 : i32 to vector<16xi32>
      %gather3A_356 = tpu.vector_load_idx %arg11[%add3A_310, %broadcast_in_dim3A_355] : memref<160x10xf32, #tpu.memory_space<vmem>>[vector<16xi32>, vector<16xi32>], vector<16xf32>,
      %mul3A_357 = arith.constant 16 : i32
      %mul3A_358 = arith.muli %scan3A_306, %mul3A_357 : i32
      %add3A_359 = arith.constant 1280 : i32
      %add3A_360 = arith.addi %add3A_359, %mul3A_358 : i32
      %swap3A_361 = arith.constant 4 : i32
      %swap3A_362 = arith.index_cast %swap3A_361 : i32 to index
      %swap3A_363 = arith.index_cast %add3A_360 : i32 to index
      %swap3A_364 = tpu.vector_load %arg12[%swap3A_362, %swap3A_363] {strides = array<i32>} : memref<10x1600xf32, #tpu.memory_space<vmem>>, vector<16xf32>,
      tpu.vector_store %arg12[%swap3A_362, %swap3A_363], %gather3A_356 {strides = array<i32>} : memref<10x1600xf32, #tpu.memory_space<vmem>>, vector<16xf32>,
      %broadcast_in_dim3A_365 = arith.constant 5 : i32
      %broadcast_in_dim3A_366 = vector.broadcast %broadcast_in_dim3A_365 : i32 to vector<16xi32>
      %gather3A_367 = tpu.vector_load_idx %arg11[%add3A_310, %broadcast_in_dim3A_366] : memref<160x10xf32, #tpu.memory_space<vmem>>[vector<16xi32>, vector<16xi32>], vector<16xf32>,
      %mul3A_368 = arith.constant 16 : i32
      %mul3A_369 = arith.muli %scan3A_306, %mul3A_368 : i32
      %add3A_370 = arith.constant 1280 : i32
      %add3A_371 = arith.addi %add3A_370, %mul3A_369 : i32
      %swap3A_372 = arith.constant 5 : i32
      %swap3A_373 = arith.index_cast %swap3A_372 : i32 to index
      %swap3A_374 = arith.index_cast %add3A_371 : i32 to index
      %swap3A_375 = tpu.vector_load %arg12[%swap3A_373, %swap3A_374] {strides = array<i32>} : memref<10x1600xf32, #tpu.memory_space<vmem>>, vector<16xf32>,
      tpu.vector_store %arg12[%swap3A_373, %swap3A_374], %gather3A_367 {strides = array<i32>} : memref<10x1600xf32, #tpu.memory_space<vmem>>, vector<16xf32>,
      %broadcast_in_dim3A_376 = arith.constant 6 : i32
      %broadcast_in_dim3A_377 = vector.broadcast %broadcast_in_dim3A_376 : i32 to vector<16xi32>
      %gather3A_378 = tpu.vector_load_idx %arg11[%add3A_310, %broadcast_in_dim3A_377] : memref<160x10xf32, #tpu.memory_space<vmem>>[vector<16xi32>, vector<16xi32>], vector<16xf32>,
      %mul3A_379 = arith.constant 16 : i32
      %mul3A_380 = arith.muli %scan3A_306, %mul3A_379 : i32
      %add3A_381 = arith.constant 1280 : i32
      %add3A_382 = arith.addi %add3A_381, %mul3A_380 : i32
      %swap3A_383 = arith.constant 6 : i32
      %swap3A_384 = arith.index_cast %swap3A_383 : i32 to index
      %swap3A_385 = arith.index_cast %add3A_382 : i32 to index
      %swap3A_386 = tpu.vector_load %arg12[%swap3A_384, %swap3A_385] {strides = array<i32>} : memref<10x1600xf32, #tpu.memory_space<vmem>>, vector<16xf32>,
      tpu.vector_store %arg12[%swap3A_384, %swap3A_385], %gather3A_378 {strides = array<i32>} : memref<10x1600xf32, #tpu.memory_space<vmem>>, vector<16xf32>,
      %broadcast_in_dim3A_387 = arith.constant 7 : i32
      %broadcast_in_dim3A_388 = vector.broadcast %broadcast_in_dim3A_387 : i32 to vector<16xi32>
      %gather3A_389 = tpu.vector_load_idx %arg11[%add3A_310, %broadcast_in_dim3A_388] : memref<160x10xf32, #tpu.memory_space<vmem>>[vector<16xi32>, vector<16xi32>], vector<16xf32>,
      %mul3A_390 = arith.constant 16 : i32
      %mul3A_391 = arith.muli %scan3A_306, %mul3A_390 : i32
      %add3A_392 = arith.constant 1280 : i32
      %add3A_393 = arith.addi %add3A_392, %mul3A_391 : i32
      %swap3A_394 = arith.constant 7 : i32
      %swap3A_395 = arith.index_cast %swap3A_394 : i32 to index
      %swap3A_396 = arith.index_cast %add3A_393 : i32 to index
      %swap3A_397 = tpu.vector_load %arg12[%swap3A_395, %swap3A_396] {strides = array<i32>} : memref<10x1600xf32, #tpu.memory_space<vmem>>, vector<16xf32>,
      tpu.vector_store %arg12[%swap3A_395, %swap3A_396], %gather3A_389 {strides = array<i32>} : memref<10x1600xf32, #tpu.memory_space<vmem>>, vector<16xf32>,
      %broadcast_in_dim3A_398 = arith.constant 8 : i32
      %broadcast_in_dim3A_399 = vector.broadcast %broadcast_in_dim3A_398 : i32 to vector<16xi32>
      %gather3A_400 = tpu.vector_load_idx %arg11[%add3A_310, %broadcast_in_dim3A_399] : memref<160x10xf32, #tpu.memory_space<vmem>>[vector<16xi32>, vector<16xi32>], vector<16xf32>,
      %mul3A_401 = arith.constant 16 : i32
      %mul3A_402 = arith.muli %scan3A_306, %mul3A_401 : i32
      %add3A_403 = arith.constant 1280 : i32
      %add3A_404 = arith.addi %add3A_403, %mul3A_402 : i32
      %swap3A_405 = arith.constant 8 : i32
      %swap3A_406 = arith.index_cast %swap3A_405 : i32 to index
      %swap3A_407 = arith.index_cast %add3A_404 : i32 to index
      %swap3A_408 = tpu.vector_load %arg12[%swap3A_406, %swap3A_407] {strides = array<i32>} : memref<10x1600xf32, #tpu.memory_space<vmem>>, vector<16xf32>,
      tpu.vector_store %arg12[%swap3A_406, %swap3A_407], %gather3A_400 {strides = array<i32>} : memref<10x1600xf32, #tpu.memory_space<vmem>>, vector<16xf32>,
      %broadcast_in_dim3A_409 = arith.constant 9 : i32
      %broadcast_in_dim3A_410 = vector.broadcast %broadcast_in_dim3A_409 : i32 to vector<16xi32>
      %gather3A_411 = tpu.vector_load_idx %arg11[%add3A_310, %broadcast_in_dim3A_410] : memref<160x10xf32, #tpu.memory_space<vmem>>[vector<16xi32>, vector<16xi32>], vector<16xf32>,
      %mul3A_412 = arith.constant 16 : i32
      %mul3A_413 = arith.muli %scan3A_306, %mul3A_412 : i32
      %add3A_414 = arith.constant 1280 : i32
      %add3A_415 = arith.addi %add3A_414, %mul3A_413 : i32
      %swap3A_416 = arith.constant 9 : i32
      %swap3A_417 = arith.index_cast %swap3A_416 : i32 to index
      %swap3A_418 = arith.index_cast %add3A_415 : i32 to index
      %swap3A_419 = tpu.vector_load %arg12[%swap3A_417, %swap3A_418] {strides = array<i32>} : memref<10x1600xf32, #tpu.memory_space<vmem>>, vector<16xf32>,
      tpu.vector_store %arg12[%swap3A_417, %swap3A_418], %gather3A_411 {strides = array<i32>} : memref<10x1600xf32, #tpu.memory_space<vmem>>, vector<16xf32>,
    }
    %scan3A_54 = arith.constant 10 : i32
    "tpu.region"() ({
      %run_scoped3A = tpu.sem_alloc : memref<!tpu.dma_semaphore, #tpu.memory_space<semaphore_mem>>
      %dma_start3A = arith.constant 1440 : i32
      %dma_start3A_306 = arith.constant 0 : i32
      %dma_start3A_307 = tpu.memref_slice %arg4[%dma_start3A, %dma_start3A_306] : memref<1600x10xf32, #tpu.memory_space<hbm>> -> memref<160x10xf32, #tpu.memory_space<hbm>>
      %dma_start3A_308 = arith.constant 1440 : i32
      %dma_start3A_309 = arith.constant 0 : i32
      %dma_start3A_310 = tpu.memref_slice %arg4[%dma_start3A_308, %dma_start3A_309] : memref<1600x10xf32, #tpu.memory_space<hbm>> -> memref<160x10xf32, #tpu.memory_space<hbm>>
      tpu.enqueue_dma source(%dma_start3A_310 : memref<160x10xf32, #tpu.memory_space<hbm>>) target(%arg11 : memref<160x10xf32, #tpu.memory_space<vmem>>) target_semaphore(%run_scoped3A : memref<!tpu.dma_semaphore, #tpu.memory_space<semaphore_mem>>)
      %dma_wait3A_311 = arith.constant 1440 : i32
      %dma_wait3A_312 = arith.constant 0 : i32
      %dma_wait3A_313 = tpu.memref_slice %arg4[%dma_wait3A_311, %dma_wait3A_312] : memref<1600x10xf32, #tpu.memory_space<hbm>> -> memref<160x10xf32, #tpu.memory_space<hbm>>
      %dma_wait3A_314 = arith.constant 1440 : i32
      %dma_wait3A_315 = arith.constant 0 : i32
      %dma_wait3A_316 = tpu.memref_slice %arg4[%dma_wait3A_314, %dma_wait3A_315] : memref<1600x10xf32, #tpu.memory_space<hbm>> -> memref<160x10xf32, #tpu.memory_space<hbm>>
      tpu.wait_dma2 semaphore(%run_scoped3A : memref<!tpu.dma_semaphore, #tpu.memory_space<semaphore_mem>>) src(%dma_wait3A_316 : memref<160x10xf32, #tpu.memory_space<hbm>>) dst(%arg11 : memref<160x10xf32, #tpu.memory_space<vmem>>)
      tpu.yield
    }) : () -> ()
    %scan3A_55 = arith.constant 0 : i32
    %scan3A_56 = arith.constant 0 : i32
    %scan3A_57 = arith.constant 10 : i32
    %scan3A_58 = arith.addi %scan3A_56, %scan3A_57 : i32
    %scan3A_59 = arith.constant 1 : i32
    scf.for %scan3A_306 = %scan3A_56 to %scan3A_58 step %scan3A_59  : i32 {
      %mul3A_307 = arith.constant 16 : i32
      %mul3A_308 = arith.muli %scan3A_306, %mul3A_307 : i32
      %broadcast_in_dim3A_309 = vector.broadcast %mul3A_308 : i32 to vector<16xi32>
      %add3A_310 = arith.addi %broadcast_in_dim3A_309, %iota3A : vector<16xi32>
      %broadcast_in_dim3A_311 = arith.constant 0 : i32
      %broadcast_in_dim3A_312 = vector.broadcast %broadcast_in_dim3A_311 : i32 to vector<16xi32>
      %gather3A_313 = tpu.vector_load_idx %arg11[%add3A_310, %broadcast_in_dim3A_312] : memref<160x10xf32, #tpu.memory_space<vmem>>[vector<16xi32>, vector<16xi32>], vector<16xf32>,
      %mul3A_314 = arith.constant 16 : i32
      %mul3A_315 = arith.muli %scan3A_306, %mul3A_314 : i32
      %add3A_316 = arith.constant 1440 : i32
      %add3A_317 = arith.addi %add3A_316, %mul3A_315 : i32
      %swap3A = arith.constant 0 : i32
      %swap3A_318 = arith.index_cast %swap3A : i32 to index
      %swap3A_319 = arith.index_cast %add3A_317 : i32 to index
      %swap3A_320 = tpu.vector_load %arg12[%swap3A_318, %swap3A_319] {strides = array<i32>} : memref<10x1600xf32, #tpu.memory_space<vmem>>, vector<16xf32>,
      tpu.vector_store %arg12[%swap3A_318, %swap3A_319], %gather3A_313 {strides = array<i32>} : memref<10x1600xf32, #tpu.memory_space<vmem>>, vector<16xf32>,
      %broadcast_in_dim3A_321 = arith.constant 1 : i32
      %broadcast_in_dim3A_322 = vector.broadcast %broadcast_in_dim3A_321 : i32 to vector<16xi32>
      %gather3A_323 = tpu.vector_load_idx %arg11[%add3A_310, %broadcast_in_dim3A_322] : memref<160x10xf32, #tpu.memory_space<vmem>>[vector<16xi32>, vector<16xi32>], vector<16xf32>,
      %mul3A_324 = arith.constant 16 : i32
      %mul3A_325 = arith.muli %scan3A_306, %mul3A_324 : i32
      %add3A_326 = arith.constant 1440 : i32
      %add3A_327 = arith.addi %add3A_326, %mul3A_325 : i32
      %swap3A_328 = arith.constant 1 : i32
      %swap3A_329 = arith.index_cast %swap3A_328 : i32 to index
      %swap3A_330 = arith.index_cast %add3A_327 : i32 to index
      %swap3A_331 = tpu.vector_load %arg12[%swap3A_329, %swap3A_330] {strides = array<i32>} : memref<10x1600xf32, #tpu.memory_space<vmem>>, vector<16xf32>,
      tpu.vector_store %arg12[%swap3A_329, %swap3A_330], %gather3A_323 {strides = array<i32>} : memref<10x1600xf32, #tpu.memory_space<vmem>>, vector<16xf32>,
      %broadcast_in_dim3A_332 = arith.constant 2 : i32
      %broadcast_in_dim3A_333 = vector.broadcast %broadcast_in_dim3A_332 : i32 to vector<16xi32>
      %gather3A_334 = tpu.vector_load_idx %arg11[%add3A_310, %broadcast_in_dim3A_333] : memref<160x10xf32, #tpu.memory_space<vmem>>[vector<16xi32>, vector<16xi32>], vector<16xf32>,
      %mul3A_335 = arith.constant 16 : i32
      %mul3A_336 = arith.muli %scan3A_306, %mul3A_335 : i32
      %add3A_337 = arith.constant 1440 : i32
      %add3A_338 = arith.addi %add3A_337, %mul3A_336 : i32
      %swap3A_339 = arith.constant 2 : i32
      %swap3A_340 = arith.index_cast %swap3A_339 : i32 to index
      %swap3A_341 = arith.index_cast %add3A_338 : i32 to index
      %swap3A_342 = tpu.vector_load %arg12[%swap3A_340, %swap3A_341] {strides = array<i32>} : memref<10x1600xf32, #tpu.memory_space<vmem>>, vector<16xf32>,
      tpu.vector_store %arg12[%swap3A_340, %swap3A_341], %gather3A_334 {strides = array<i32>} : memref<10x1600xf32, #tpu.memory_space<vmem>>, vector<16xf32>,
      %broadcast_in_dim3A_343 = arith.constant 3 : i32
      %broadcast_in_dim3A_344 = vector.broadcast %broadcast_in_dim3A_343 : i32 to vector<16xi32>
      %gather3A_345 = tpu.vector_load_idx %arg11[%add3A_310, %broadcast_in_dim3A_344] : memref<160x10xf32, #tpu.memory_space<vmem>>[vector<16xi32>, vector<16xi32>], vector<16xf32>,
      %mul3A_346 = arith.constant 16 : i32
      %mul3A_347 = arith.muli %scan3A_306, %mul3A_346 : i32
      %add3A_348 = arith.constant 1440 : i32
      %add3A_349 = arith.addi %add3A_348, %mul3A_347 : i32
      %swap3A_350 = arith.constant 3 : i32
      %swap3A_351 = arith.index_cast %swap3A_350 : i32 to index
      %swap3A_352 = arith.index_cast %add3A_349 : i32 to index
      %swap3A_353 = tpu.vector_load %arg12[%swap3A_351, %swap3A_352] {strides = array<i32>} : memref<10x1600xf32, #tpu.memory_space<vmem>>, vector<16xf32>,
      tpu.vector_store %arg12[%swap3A_351, %swap3A_352], %gather3A_345 {strides = array<i32>} : memref<10x1600xf32, #tpu.memory_space<vmem>>, vector<16xf32>,
      %broadcast_in_dim3A_354 = arith.constant 4 : i32
      %broadcast_in_dim3A_355 = vector.broadcast %broadcast_in_dim3A_354 : i32 to vector<16xi32>
      %gather3A_356 = tpu.vector_load_idx %arg11[%add3A_310, %broadcast_in_dim3A_355] : memref<160x10xf32, #tpu.memory_space<vmem>>[vector<16xi32>, vector<16xi32>], vector<16xf32>,
      %mul3A_357 = arith.constant 16 : i32
      %mul3A_358 = arith.muli %scan3A_306, %mul3A_357 : i32
      %add3A_359 = arith.constant 1440 : i32
      %add3A_360 = arith.addi %add3A_359, %mul3A_358 : i32
      %swap3A_361 = arith.constant 4 : i32
      %swap3A_362 = arith.index_cast %swap3A_361 : i32 to index
      %swap3A_363 = arith.index_cast %add3A_360 : i32 to index
      %swap3A_364 = tpu.vector_load %arg12[%swap3A_362, %swap3A_363] {strides = array<i32>} : memref<10x1600xf32, #tpu.memory_space<vmem>>, vector<16xf32>,
      tpu.vector_store %arg12[%swap3A_362, %swap3A_363], %gather3A_356 {strides = array<i32>} : memref<10x1600xf32, #tpu.memory_space<vmem>>, vector<16xf32>,
      %broadcast_in_dim3A_365 = arith.constant 5 : i32
      %broadcast_in_dim3A_366 = vector.broadcast %broadcast_in_dim3A_365 : i32 to vector<16xi32>
      %gather3A_367 = tpu.vector_load_idx %arg11[%add3A_310, %broadcast_in_dim3A_366] : memref<160x10xf32, #tpu.memory_space<vmem>>[vector<16xi32>, vector<16xi32>], vector<16xf32>,
      %mul3A_368 = arith.constant 16 : i32
      %mul3A_369 = arith.muli %scan3A_306, %mul3A_368 : i32
      %add3A_370 = arith.constant 1440 : i32
      %add3A_371 = arith.addi %add3A_370, %mul3A_369 : i32
      %swap3A_372 = arith.constant 5 : i32
      %swap3A_373 = arith.index_cast %swap3A_372 : i32 to index
      %swap3A_374 = arith.index_cast %add3A_371 : i32 to index
      %swap3A_375 = tpu.vector_load %arg12[%swap3A_373, %swap3A_374] {strides = array<i32>} : memref<10x1600xf32, #tpu.memory_space<vmem>>, vector<16xf32>,
      tpu.vector_store %arg12[%swap3A_373, %swap3A_374], %gather3A_367 {strides = array<i32>} : memref<10x1600xf32, #tpu.memory_space<vmem>>, vector<16xf32>,
      %broadcast_in_dim3A_376 = arith.constant 6 : i32
      %broadcast_in_dim3A_377 = vector.broadcast %broadcast_in_dim3A_376 : i32 to vector<16xi32>
      %gather3A_378 = tpu.vector_load_idx %arg11[%add3A_310, %broadcast_in_dim3A_377] : memref<160x10xf32, #tpu.memory_space<vmem>>[vector<16xi32>, vector<16xi32>], vector<16xf32>,
      %mul3A_379 = arith.constant 16 : i32
      %mul3A_380 = arith.muli %scan3A_306, %mul3A_379 : i32
      %add3A_381 = arith.constant 1440 : i32
      %add3A_382 = arith.addi %add3A_381, %mul3A_380 : i32
      %swap3A_383 = arith.constant 6 : i32
      %swap3A_384 = arith.index_cast %swap3A_383 : i32 to index
      %swap3A_385 = arith.index_cast %add3A_382 : i32 to index
      %swap3A_386 = tpu.vector_load %arg12[%swap3A_384, %swap3A_385] {strides = array<i32>} : memref<10x1600xf32, #tpu.memory_space<vmem>>, vector<16xf32>,
      tpu.vector_store %arg12[%swap3A_384, %swap3A_385], %gather3A_378 {strides = array<i32>} : memref<10x1600xf32, #tpu.memory_space<vmem>>, vector<16xf32>,
      %broadcast_in_dim3A_387 = arith.constant 7 : i32
      %broadcast_in_dim3A_388 = vector.broadcast %broadcast_in_dim3A_387 : i32 to vector<16xi32>
      %gather3A_389 = tpu.vector_load_idx %arg11[%add3A_310, %broadcast_in_dim3A_388] : memref<160x10xf32, #tpu.memory_space<vmem>>[vector<16xi32>, vector<16xi32>], vector<16xf32>,
      %mul3A_390 = arith.constant 16 : i32
      %mul3A_391 = arith.muli %scan3A_306, %mul3A_390 : i32
      %add3A_392 = arith.constant 1440 : i32
      %add3A_393 = arith.addi %add3A_392, %mul3A_391 : i32
      %swap3A_394 = arith.constant 7 : i32
      %swap3A_395 = arith.index_cast %swap3A_394 : i32 to index
      %swap3A_396 = arith.index_cast %add3A_393 : i32 to index
      %swap3A_397 = tpu.vector_load %arg12[%swap3A_395, %swap3A_396] {strides = array<i32>} : memref<10x1600xf32, #tpu.memory_space<vmem>>, vector<16xf32>,
      tpu.vector_store %arg12[%swap3A_395, %swap3A_396], %gather3A_389 {strides = array<i32>} : memref<10x1600xf32, #tpu.memory_space<vmem>>, vector<16xf32>,
      %broadcast_in_dim3A_398 = arith.constant 8 : i32
      %broadcast_in_dim3A_399 = vector.broadcast %broadcast_in_dim3A_398 : i32 to vector<16xi32>
      %gather3A_400 = tpu.vector_load_idx %arg11[%add3A_310, %broadcast_in_dim3A_399] : memref<160x10xf32, #tpu.memory_space<vmem>>[vector<16xi32>, vector<16xi32>], vector<16xf32>,
      %mul3A_401 = arith.constant 16 : i32
      %mul3A_402 = arith.muli %scan3A_306, %mul3A_401 : i32
      %add3A_403 = arith.constant 1440 : i32
      %add3A_404 = arith.addi %add3A_403, %mul3A_402 : i32
      %swap3A_405 = arith.constant 8 : i32
      %swap3A_406 = arith.index_cast %swap3A_405 : i32 to index
      %swap3A_407 = arith.index_cast %add3A_404 : i32 to index
      %swap3A_408 = tpu.vector_load %arg12[%swap3A_406, %swap3A_407] {strides = array<i32>} : memref<10x1600xf32, #tpu.memory_space<vmem>>, vector<16xf32>,
      tpu.vector_store %arg12[%swap3A_406, %swap3A_407], %gather3A_400 {strides = array<i32>} : memref<10x1600xf32, #tpu.memory_space<vmem>>, vector<16xf32>,
      %broadcast_in_dim3A_409 = arith.constant 9 : i32
      %broadcast_in_dim3A_410 = vector.broadcast %broadcast_in_dim3A_409 : i32 to vector<16xi32>
      %gather3A_411 = tpu.vector_load_idx %arg11[%add3A_310, %broadcast_in_dim3A_410] : memref<160x10xf32, #tpu.memory_space<vmem>>[vector<16xi32>, vector<16xi32>], vector<16xf32>,
      %mul3A_412 = arith.constant 16 : i32
      %mul3A_413 = arith.muli %scan3A_306, %mul3A_412 : i32
      %add3A_414 = arith.constant 1440 : i32
      %add3A_415 = arith.addi %add3A_414, %mul3A_413 : i32
      %swap3A_416 = arith.constant 9 : i32
      %swap3A_417 = arith.index_cast %swap3A_416 : i32 to index
      %swap3A_418 = arith.index_cast %add3A_415 : i32 to index
      %swap3A_419 = tpu.vector_load %arg12[%swap3A_417, %swap3A_418] {strides = array<i32>} : memref<10x1600xf32, #tpu.memory_space<vmem>>, vector<16xf32>,
      tpu.vector_store %arg12[%swap3A_417, %swap3A_418], %gather3A_411 {strides = array<i32>} : memref<10x1600xf32, #tpu.memory_space<vmem>>, vector<16xf32>,
    }
    %scan3A_60 = arith.constant 10 : i32
    %mul3A_61 = arith.constant 50 : i32
    %mul3A_62 = arith.muli %add3A, %mul3A_61 : i32
    %add3A_63 = arith.constant 0 : i32
    %add3A_64 = arith.addi %mul3A_62, %add3A_63 : i32
    "tpu.region"() ({
      %run_scoped3A = tpu.sem_alloc : memref<!tpu.dma_semaphore, #tpu.memory_space<semaphore_mem>>
      %dma_start3A = arith.constant 0 : i32
      %dma_start3A_306 = tpu.memref_slice %arg2[%add3A_64, %dma_start3A] : memref<1600x128xi32, #tpu.memory_space<hbm>> -> memref<25x128xi32, #tpu.memory_space<hbm>>
      %dma_start3A_307 = arith.constant 0 : i32
      %dma_start3A_308 = tpu.memref_slice %arg2[%add3A_64, %dma_start3A_307] : memref<1600x128xi32, #tpu.memory_space<hbm>> -> memref<25x128xi32, #tpu.memory_space<hbm>>
      tpu.enqueue_dma source(%dma_start3A_308 : memref<25x128xi32, #tpu.memory_space<hbm>>) target(%arg9 : memref<25x128xi32, #tpu.memory_space<vmem>>) target_semaphore(%run_scoped3A : memref<!tpu.dma_semaphore, #tpu.memory_space<semaphore_mem>>)
      %dma_wait3A_309 = arith.constant 0 : i32
      %dma_wait3A_310 = tpu.memref_slice %arg2[%add3A_64, %dma_wait3A_309] : memref<1600x128xi32, #tpu.memory_space<hbm>> -> memref<25x128xi32, #tpu.memory_space<hbm>>
      %dma_wait3A_311 = arith.constant 0 : i32
      %dma_wait3A_312 = tpu.memref_slice %arg2[%add3A_64, %dma_wait3A_311] : memref<1600x128xi32, #tpu.memory_space<hbm>> -> memref<25x128xi32, #tpu.memory_space<hbm>>
      tpu.wait_dma2 semaphore(%run_scoped3A : memref<!tpu.dma_semaphore, #tpu.memory_space<semaphore_mem>>) src(%dma_wait3A_312 : memref<25x128xi32, #tpu.memory_space<hbm>>) dst(%arg9 : memref<25x128xi32, #tpu.memory_space<vmem>>)
      tpu.yield
    }) : () -> ()
    %scan3A_65 = arith.constant 0 : i32
    %scan3A_66 = arith.constant 0 : i32
    %scan3A_67 = arith.constant 25 : i32
    %scan3A_68 = arith.addi %scan3A_66, %scan3A_67 : i32
    %scan3A_69 = arith.constant 1 : i32
    scf.for %scan3A_306 = %scan3A_66 to %scan3A_68 step %scan3A_69  : i32 {
      %mul3A_307 = arith.constant 128 : i32
      %mul3A_308 = arith.muli %scan3A_306, %mul3A_307 : i32
      %dma_start3A = arith.constant 0 : i32
      %dma_start3A_309 = tpu.memref_slice %arg10[%mul3A_308, %dma_start3A] : memref<3200x32xf32, #tpu.memory_space<vmem>> -> memref<128x32xf32, #tpu.memory_space<vmem>>
      %dma_start3A_310 = arith.constant 0 : i32
      %dma_start3A_311 = tpu.memref_slice %arg9[%scan3A_306, %dma_start3A_310] : memref<25x128xi32, #tpu.memory_space<vmem>> -> memref<1x128xi32, #tpu.memory_space<vmem>>
      %dma_start3A_312 = tpu.memref_squeeze %dma_start3A_311 : memref<1x128xi32, #tpu.memory_space<vmem>> -> memref<128xi32, #tpu.memory_space<vmem>>
      %dma_start3A_313 = arith.constant 0 : i32
      %dma_start3A_314 = arith.constant 0 : i32
      %dma_start3A_315 = tpu.memref_slice %arg3[%dma_start3A_313, %dma_start3A_314] : memref<1000011x32xf32, #tpu.memory_space<hbm>> -> memref<1000011x32xf32, #tpu.memory_space<hbm>>
      tpu.enqueue_indirect_dma source(%dma_start3A_315 : memref<1000011x32xf32, #tpu.memory_space<hbm>>) target(%dma_start3A_309 : memref<128x32xf32, #tpu.memory_space<vmem>>) offsets(%dma_start3A_312 : memref<128xi32, #tpu.memory_space<vmem>>) semaphore(%arg18 : memref<!tpu.dma_semaphore, #tpu.memory_space<semaphore_mem>>)
    }
    %scan3A_70 = arith.constant 25 : i32
    %dma_wait3A = arith.constant 0 : i32
    %dma_wait3A_71 = arith.constant 0 : i32
    %dma_wait3A_72 = tpu.memref_slice %arg3[%dma_wait3A, %dma_wait3A_71] : memref<1000011x32xf32, #tpu.memory_space<hbm>> -> memref<3200x32xf32, #tpu.memory_space<hbm>>
    %dma_wait3A_73 = arith.constant 0 : i32
    %dma_wait3A_74 = arith.constant 0 : i32
    %dma_wait3A_75 = tpu.memref_slice %arg3[%dma_wait3A_73, %dma_wait3A_74] : memref<1000011x32xf32, #tpu.memory_space<hbm>> -> memref<3200x32xf32, #tpu.memory_space<hbm>>
    tpu.wait_dma2 semaphore(%arg18 : memref<!tpu.dma_semaphore, #tpu.memory_space<semaphore_mem>>) src(%dma_wait3A_75 : memref<3200x32xf32, #tpu.memory_space<hbm>>) dst(%arg10 : memref<3200x32xf32, #tpu.memory_space<vmem>>)
    %scan3A_76 = arith.constant 0 : i32
    %scan3A_77 = arith.constant 0 : i32
    %scan3A_78 = arith.constant 16 : i32
    %scan3A_79 = arith.addi %scan3A_77, %scan3A_78 : i32
    %scan3A_80 = arith.constant 1 : i32
    scf.for %scan3A_306 = %scan3A_77 to %scan3A_79 step %scan3A_80  : i32 {
      %broadcast_in_dim3A_307 = arith.constant 0.000000e+00 : f32
      %broadcast_in_dim3A_308 = vector.broadcast %broadcast_in_dim3A_307 : f32 to vector<16xf32>
      %broadcast_in_dim3A_309 = arith.constant 0.000000e+00 : f32
      %broadcast_in_dim3A_310 = vector.broadcast %broadcast_in_dim3A_309 : f32 to vector<16xf32>
      %broadcast_in_dim3A_311 = arith.constant 0.000000e+00 : f32
      %broadcast_in_dim3A_312 = vector.broadcast %broadcast_in_dim3A_311 : f32 to vector<16xf32>
      %broadcast_in_dim3A_313 = arith.constant 0.000000e+00 : f32
      %broadcast_in_dim3A_314 = vector.broadcast %broadcast_in_dim3A_313 : f32 to vector<16xf32>
      %broadcast_in_dim3A_315 = arith.constant 0.000000e+00 : f32
      %broadcast_in_dim3A_316 = vector.broadcast %broadcast_in_dim3A_315 : f32 to vector<16xf32>
      %broadcast_in_dim3A_317 = arith.constant 0.000000e+00 : f32
      %broadcast_in_dim3A_318 = vector.broadcast %broadcast_in_dim3A_317 : f32 to vector<16xf32>
      %broadcast_in_dim3A_319 = arith.constant 0.000000e+00 : f32
      %broadcast_in_dim3A_320 = vector.broadcast %broadcast_in_dim3A_319 : f32 to vector<16xf32>
      %broadcast_in_dim3A_321 = arith.constant 0.000000e+00 : f32
      %broadcast_in_dim3A_322 = vector.broadcast %broadcast_in_dim3A_321 : f32 to vector<16xf32>
      %broadcast_in_dim3A_323 = arith.constant 0.000000e+00 : f32
      %broadcast_in_dim3A_324 = vector.broadcast %broadcast_in_dim3A_323 : f32 to vector<16xf32>
      %broadcast_in_dim3A_325 = arith.constant 0.000000e+00 : f32
      %broadcast_in_dim3A_326 = vector.broadcast %broadcast_in_dim3A_325 : f32 to vector<16xf32>
      %broadcast_in_dim3A_327 = arith.constant 0.000000e+00 : f32
      %broadcast_in_dim3A_328 = vector.broadcast %broadcast_in_dim3A_327 : f32 to vector<16xf32>
      %broadcast_in_dim3A_329 = arith.constant 0.000000e+00 : f32
      %broadcast_in_dim3A_330 = vector.broadcast %broadcast_in_dim3A_329 : f32 to vector<16xf32>
      %broadcast_in_dim3A_331 = arith.constant 0.000000e+00 : f32
      %broadcast_in_dim3A_332 = vector.broadcast %broadcast_in_dim3A_331 : f32 to vector<16xf32>
      %broadcast_in_dim3A_333 = arith.constant 0.000000e+00 : f32
      %broadcast_in_dim3A_334 = vector.broadcast %broadcast_in_dim3A_333 : f32 to vector<16xf32>
      %broadcast_in_dim3A_335 = arith.constant 0.000000e+00 : f32
      %broadcast_in_dim3A_336 = vector.broadcast %broadcast_in_dim3A_335 : f32 to vector<16xf32>
      %broadcast_in_dim3A_337 = arith.constant 0.000000e+00 : f32
      %broadcast_in_dim3A_338 = vector.broadcast %broadcast_in_dim3A_337 : f32 to vector<16xf32>
      %broadcast_in_dim3A_339 = arith.constant 0.000000e+00 : f32
      %broadcast_in_dim3A_340 = vector.broadcast %broadcast_in_dim3A_339 : f32 to vector<16xf32>
      %broadcast_in_dim3A_341 = arith.constant 0.000000e+00 : f32
      %broadcast_in_dim3A_342 = vector.broadcast %broadcast_in_dim3A_341 : f32 to vector<16xf32>
      %broadcast_in_dim3A_343 = arith.constant 0.000000e+00 : f32
      %broadcast_in_dim3A_344 = vector.broadcast %broadcast_in_dim3A_343 : f32 to vector<16xf32>
      %broadcast_in_dim3A_345 = arith.constant 0.000000e+00 : f32
      %broadcast_in_dim3A_346 = vector.broadcast %broadcast_in_dim3A_345 : f32 to vector<16xf32>
      %scan3A_347 = arith.constant 0 : i32
      %scan3A_348 = arith.constant 50 : i32
      %scan3A_349 = arith.addi %scan3A_347, %scan3A_348 : i32
      %scan3A_350 = arith.constant 1 : i32
      %scan3A_351:20 = scf.for %scan3A_878 = %scan3A_347 to %scan3A_349 step %scan3A_350 iter_args(%scan3A_879 = %broadcast_in_dim3A_308, %scan3A_880 = %broadcast_in_dim3A_310, %scan3A_881 = %broadcast_in_dim3A_312, %scan3A_882 = %broadcast_in_dim3A_314, %scan3A_883 = %broadcast_in_dim3A_316, %scan3A_884 = %broadcast_in_dim3A_318, %scan3A_885 = %broadcast_in_dim3A_320, %scan3A_886 = %broadcast_in_dim3A_322, %scan3A_887 = %broadcast_in_dim3A_324, %scan3A_888 = %broadcast_in_dim3A_326, %scan3A_889 = %broadcast_in_dim3A_328, %scan3A_890 = %broadcast_in_dim3A_330, %scan3A_891 = %broadcast_in_dim3A_332, %scan3A_892 = %broadcast_in_dim3A_334, %scan3A_893 = %broadcast_in_dim3A_336, %scan3A_894 = %broadcast_in_dim3A_338, %scan3A_895 = %broadcast_in_dim3A_340, %scan3A_896 = %broadcast_in_dim3A_342, %scan3A_897 = %broadcast_in_dim3A_344, %scan3A_898 = %broadcast_in_dim3A_346) -> (vector<16xf32>, vector<16xf32>, vector<16xf32>, vector<16xf32>, vector<16xf32>, vector<16xf32>, vector<16xf32>, vector<16xf32>, vector<16xf32>, vector<16xf32>, vector<16xf32>, vector<16xf32>, vector<16xf32>, vector<16xf32>, vector<16xf32>, vector<16xf32>, vector<16xf32>, vector<16xf32>, vector<16xf32>, vector<16xf32>)  : i32 {
        %mul3A_899 = arith.constant 4 : i32
        %mul3A_900 = arith.muli %scan3A_306, %mul3A_899 : i32
        %add3A_901 = arith.constant 0 : i32
        %add3A_902 = arith.addi %mul3A_900, %add3A_901 : i32
        %mul3A_903 = arith.constant 50 : i32
        %mul3A_904 = arith.muli %add3A_902, %mul3A_903 : i32
        %add3A_905 = arith.addi %mul3A_904, %scan3A_878 : i32
        %get3A = arith.index_cast %add3A_905 : i32 to index
        %get3A_906 = arith.constant 0 : index
        %get3A_907 = tpu.vector_load %arg10[%get3A, %get3A_906] {strides = array<i32>} : memref<3200x32xf32, #tpu.memory_space<vmem>>, vector<16xf32>,
        %get3A_908 = arith.index_cast %add3A_905 : i32 to index
        %get3A_909 = arith.constant 16 : index
        %get3A_910 = tpu.vector_load %arg10[%get3A_908, %get3A_909] {strides = array<i32>} : memref<3200x32xf32, #tpu.memory_space<vmem>>, vector<16xf32>,
        %mul3A_911 = arith.constant 4 : i32
        %mul3A_912 = arith.muli %scan3A_306, %mul3A_911 : i32
        %add3A_913 = arith.constant 1 : i32
        %add3A_914 = arith.addi %mul3A_912, %add3A_913 : i32
        %mul3A_915 = arith.constant 50 : i32
        %mul3A_916 = arith.muli %add3A_914, %mul3A_915 : i32
        %add3A_917 = arith.addi %mul3A_916, %scan3A_878 : i32
        %get3A_918 = arith.index_cast %add3A_917 : i32 to index
        %get3A_919 = arith.constant 0 : index
        %get3A_920 = tpu.vector_load %arg10[%get3A_918, %get3A_919] {strides = array<i32>} : memref<3200x32xf32, #tpu.memory_space<vmem>>, vector<16xf32>,
        %get3A_921 = arith.index_cast %add3A_917 : i32 to index
        %get3A_922 = arith.constant 16 : index
        %get3A_923 = tpu.vector_load %arg10[%get3A_921, %get3A_922] {strides = array<i32>} : memref<3200x32xf32, #tpu.memory_space<vmem>>, vector<16xf32>,
        %mul3A_924 = arith.constant 4 : i32
        %mul3A_925 = arith.muli %scan3A_306, %mul3A_924 : i32
        %add3A_926 = arith.constant 2 : i32
        %add3A_927 = arith.addi %mul3A_925, %add3A_926 : i32
        %mul3A_928 = arith.constant 50 : i32
        %mul3A_929 = arith.muli %add3A_927, %mul3A_928 : i32
        %add3A_930 = arith.addi %mul3A_929, %scan3A_878 : i32
        %get3A_931 = arith.index_cast %add3A_930 : i32 to index
        %get3A_932 = arith.constant 0 : index
        %get3A_933 = tpu.vector_load %arg10[%get3A_931, %get3A_932] {strides = array<i32>} : memref<3200x32xf32, #tpu.memory_space<vmem>>, vector<16xf32>,
        %get3A_934 = arith.index_cast %add3A_930 : i32 to index
        %get3A_935 = arith.constant 16 : index
        %get3A_936 = tpu.vector_load %arg10[%get3A_934, %get3A_935] {strides = array<i32>} : memref<3200x32xf32, #tpu.memory_space<vmem>>, vector<16xf32>,
        %mul3A_937 = arith.constant 4 : i32
        %mul3A_938 = arith.muli %scan3A_306, %mul3A_937 : i32
        %add3A_939 = arith.constant 3 : i32
        %add3A_940 = arith.addi %mul3A_938, %add3A_939 : i32
        %mul3A_941 = arith.constant 50 : i32
        %mul3A_942 = arith.muli %add3A_940, %mul3A_941 : i32
        %add3A_943 = arith.addi %mul3A_942, %scan3A_878 : i32
        %get3A_944 = arith.index_cast %add3A_943 : i32 to index
        %get3A_945 = arith.constant 0 : index
        %get3A_946 = tpu.vector_load %arg10[%get3A_944, %get3A_945] {strides = array<i32>} : memref<3200x32xf32, #tpu.memory_space<vmem>>, vector<16xf32>,
        %get3A_947 = arith.index_cast %add3A_943 : i32 to index
        %get3A_948 = arith.constant 16 : index
        %get3A_949 = tpu.vector_load %arg10[%get3A_947, %get3A_948] {strides = array<i32>} : memref<3200x32xf32, #tpu.memory_space<vmem>>, vector<16xf32>,
        %mul3A_950 = arith.constant 32 : i32
        %mul3A_951 = arith.muli %scan3A_878, %mul3A_950 : i32
        %get3A_952 = arith.constant 0 : i32
        %get3A_953 = arith.index_cast %get3A_952 : i32 to index
        %get3A_954 = arith.index_cast %mul3A_951 : i32 to index
        %get3A_955 = tpu.vector_load %arg12[%get3A_953, %get3A_954] {strides = array<i32>} : memref<10x1600xf32, #tpu.memory_space<vmem>>, vector<16xf32>,
        %mul3A_956 = arith.constant 32 : i32
        %mul3A_957 = arith.muli %scan3A_878, %mul3A_956 : i32
        %add3A_958 = arith.constant 16 : i32
        %add3A_959 = arith.addi %mul3A_957, %add3A_958 : i32
        %get3A_960 = arith.constant 0 : i32
        %get3A_961 = arith.index_cast %get3A_960 : i32 to index
        %get3A_962 = arith.index_cast %add3A_959 : i32 to index
        %get3A_963 = tpu.vector_load %arg12[%get3A_961, %get3A_962] {strides = array<i32>} : memref<10x1600xf32, #tpu.memory_space<vmem>>, vector<16xf32>,
        %mul3A_964 = arith.mulf %get3A_907, %get3A_955 : vector<16xf32>
        %add3A_965 = arith.addf %scan3A_879, %mul3A_964 : vector<16xf32>
        %mul3A_966 = arith.mulf %get3A_910, %get3A_963 : vector<16xf32>
        %add3A_967 = arith.addf %add3A_965, %mul3A_966 : vector<16xf32>
        %mul3A_968 = arith.mulf %get3A_920, %get3A_955 : vector<16xf32>
        %add3A_969 = arith.addf %scan3A_880, %mul3A_968 : vector<16xf32>
        %mul3A_970 = arith.mulf %get3A_923, %get3A_963 : vector<16xf32>
        %add3A_971 = arith.addf %add3A_969, %mul3A_970 : vector<16xf32>
        %mul3A_972 = arith.mulf %get3A_933, %get3A_955 : vector<16xf32>
        %add3A_973 = arith.addf %scan3A_881, %mul3A_972 : vector<16xf32>
        %mul3A_974 = arith.mulf %get3A_936, %get3A_963 : vector<16xf32>
        %add3A_975 = arith.addf %add3A_973, %mul3A_974 : vector<16xf32>
        %mul3A_976 = arith.mulf %get3A_946, %get3A_955 : vector<16xf32>
        %add3A_977 = arith.addf %scan3A_882, %mul3A_976 : vector<16xf32>
        %mul3A_978 = arith.mulf %get3A_949, %get3A_963 : vector<16xf32>
        %add3A_979 = arith.addf %add3A_977, %mul3A_978 : vector<16xf32>
        %mul3A_980 = arith.constant 32 : i32
        %mul3A_981 = arith.muli %scan3A_878, %mul3A_980 : i32
        %get3A_982 = arith.constant 1 : i32
        %get3A_983 = arith.index_cast %get3A_982 : i32 to index
        %get3A_984 = arith.index_cast %mul3A_981 : i32 to index
        %get3A_985 = tpu.vector_load %arg12[%get3A_983, %get3A_984] {strides = array<i32>} : memref<10x1600xf32, #tpu.memory_space<vmem>>, vector<16xf32>,
        %mul3A_986 = arith.constant 32 : i32
        %mul3A_987 = arith.muli %scan3A_878, %mul3A_986 : i32
        %add3A_988 = arith.constant 16 : i32
        %add3A_989 = arith.addi %mul3A_987, %add3A_988 : i32
        %get3A_990 = arith.constant 1 : i32
        %get3A_991 = arith.index_cast %get3A_990 : i32 to index
        %get3A_992 = arith.index_cast %add3A_989 : i32 to index
        %get3A_993 = tpu.vector_load %arg12[%get3A_991, %get3A_992] {strides = array<i32>} : memref<10x1600xf32, #tpu.memory_space<vmem>>, vector<16xf32>,
        %mul3A_994 = arith.mulf %get3A_907, %get3A_985 : vector<16xf32>
        %add3A_995 = arith.addf %scan3A_883, %mul3A_994 : vector<16xf32>
        %mul3A_996 = arith.mulf %get3A_910, %get3A_993 : vector<16xf32>
        %add3A_997 = arith.addf %add3A_995, %mul3A_996 : vector<16xf32>
        %mul3A_998 = arith.mulf %get3A_920, %get3A_985 : vector<16xf32>
        %add3A_999 = arith.addf %scan3A_884, %mul3A_998 : vector<16xf32>
        %mul3A_1000 = arith.mulf %get3A_923, %get3A_993 : vector<16xf32>
        %add3A_1001 = arith.addf %add3A_999, %mul3A_1000 : vector<16xf32>
        %mul3A_1002 = arith.mulf %get3A_933, %get3A_985 : vector<16xf32>
        %add3A_1003 = arith.addf %scan3A_885, %mul3A_1002 : vector<16xf32>
        %mul3A_1004 = arith.mulf %get3A_936, %get3A_993 : vector<16xf32>
        %add3A_1005 = arith.addf %add3A_1003, %mul3A_1004 : vector<16xf32>
        %mul3A_1006 = arith.mulf %get3A_946, %get3A_985 : vector<16xf32>
        %add3A_1007 = arith.addf %scan3A_886, %mul3A_1006 : vector<16xf32>
        %mul3A_1008 = arith.mulf %get3A_949, %get3A_993 : vector<16xf32>
        %add3A_1009 = arith.addf %add3A_1007, %mul3A_1008 : vector<16xf32>
        %mul3A_1010 = arith.constant 32 : i32
        %mul3A_1011 = arith.muli %scan3A_878, %mul3A_1010 : i32
        %get3A_1012 = arith.constant 2 : i32
        %get3A_1013 = arith.index_cast %get3A_1012 : i32 to index
        %get3A_1014 = arith.index_cast %mul3A_1011 : i32 to index
        %get3A_1015 = tpu.vector_load %arg12[%get3A_1013, %get3A_1014] {strides = array<i32>} : memref<10x1600xf32, #tpu.memory_space<vmem>>, vector<16xf32>,
        %mul3A_1016 = arith.constant 32 : i32
        %mul3A_1017 = arith.muli %scan3A_878, %mul3A_1016 : i32
        %add3A_1018 = arith.constant 16 : i32
        %add3A_1019 = arith.addi %mul3A_1017, %add3A_1018 : i32
        %get3A_1020 = arith.constant 2 : i32
        %get3A_1021 = arith.index_cast %get3A_1020 : i32 to index
        %get3A_1022 = arith.index_cast %add3A_1019 : i32 to index
        %get3A_1023 = tpu.vector_load %arg12[%get3A_1021, %get3A_1022] {strides = array<i32>} : memref<10x1600xf32, #tpu.memory_space<vmem>>, vector<16xf32>,
        %mul3A_1024 = arith.mulf %get3A_907, %get3A_1015 : vector<16xf32>
        %add3A_1025 = arith.addf %scan3A_887, %mul3A_1024 : vector<16xf32>
        %mul3A_1026 = arith.mulf %get3A_910, %get3A_1023 : vector<16xf32>
        %add3A_1027 = arith.addf %add3A_1025, %mul3A_1026 : vector<16xf32>
        %mul3A_1028 = arith.mulf %get3A_920, %get3A_1015 : vector<16xf32>
        %add3A_1029 = arith.addf %scan3A_888, %mul3A_1028 : vector<16xf32>
        %mul3A_1030 = arith.mulf %get3A_923, %get3A_1023 : vector<16xf32>
        %add3A_1031 = arith.addf %add3A_1029, %mul3A_1030 : vector<16xf32>
        %mul3A_1032 = arith.mulf %get3A_933, %get3A_1015 : vector<16xf32>
        %add3A_1033 = arith.addf %scan3A_889, %mul3A_1032 : vector<16xf32>
        %mul3A_1034 = arith.mulf %get3A_936, %get3A_1023 : vector<16xf32>
        %add3A_1035 = arith.addf %add3A_1033, %mul3A_1034 : vector<16xf32>
        %mul3A_1036 = arith.mulf %get3A_946, %get3A_1015 : vector<16xf32>
        %add3A_1037 = arith.addf %scan3A_890, %mul3A_1036 : vector<16xf32>
        %mul3A_1038 = arith.mulf %get3A_949, %get3A_1023 : vector<16xf32>
        %add3A_1039 = arith.addf %add3A_1037, %mul3A_1038 : vector<16xf32>
        %mul3A_1040 = arith.constant 32 : i32
        %mul3A_1041 = arith.muli %scan3A_878, %mul3A_1040 : i32
        %get3A_1042 = arith.constant 3 : i32
        %get3A_1043 = arith.index_cast %get3A_1042 : i32 to index
        %get3A_1044 = arith.index_cast %mul3A_1041 : i32 to index
        %get3A_1045 = tpu.vector_load %arg12[%get3A_1043, %get3A_1044] {strides = array<i32>} : memref<10x1600xf32, #tpu.memory_space<vmem>>, vector<16xf32>,
        %mul3A_1046 = arith.constant 32 : i32
        %mul3A_1047 = arith.muli %scan3A_878, %mul3A_1046 : i32
        %add3A_1048 = arith.constant 16 : i32
        %add3A_1049 = arith.addi %mul3A_1047, %add3A_1048 : i32
        %get3A_1050 = arith.constant 3 : i32
        %get3A_1051 = arith.index_cast %get3A_1050 : i32 to index
        %get3A_1052 = arith.index_cast %add3A_1049 : i32 to index
        %get3A_1053 = tpu.vector_load %arg12[%get3A_1051, %get3A_1052] {strides = array<i32>} : memref<10x1600xf32, #tpu.memory_space<vmem>>, vector<16xf32>,
        %mul3A_1054 = arith.mulf %get3A_907, %get3A_1045 : vector<16xf32>
        %add3A_1055 = arith.addf %scan3A_891, %mul3A_1054 : vector<16xf32>
        %mul3A_1056 = arith.mulf %get3A_910, %get3A_1053 : vector<16xf32>
        %add3A_1057 = arith.addf %add3A_1055, %mul3A_1056 : vector<16xf32>
        %mul3A_1058 = arith.mulf %get3A_920, %get3A_1045 : vector<16xf32>
        %add3A_1059 = arith.addf %scan3A_892, %mul3A_1058 : vector<16xf32>
        %mul3A_1060 = arith.mulf %get3A_923, %get3A_1053 : vector<16xf32>
        %add3A_1061 = arith.addf %add3A_1059, %mul3A_1060 : vector<16xf32>
        %mul3A_1062 = arith.mulf %get3A_933, %get3A_1045 : vector<16xf32>
        %add3A_1063 = arith.addf %scan3A_893, %mul3A_1062 : vector<16xf32>
        %mul3A_1064 = arith.mulf %get3A_936, %get3A_1053 : vector<16xf32>
        %add3A_1065 = arith.addf %add3A_1063, %mul3A_1064 : vector<16xf32>
        %mul3A_1066 = arith.mulf %get3A_946, %get3A_1045 : vector<16xf32>
        %add3A_1067 = arith.addf %scan3A_894, %mul3A_1066 : vector<16xf32>
        %mul3A_1068 = arith.mulf %get3A_949, %get3A_1053 : vector<16xf32>
        %add3A_1069 = arith.addf %add3A_1067, %mul3A_1068 : vector<16xf32>
        %mul3A_1070 = arith.constant 32 : i32
        %mul3A_1071 = arith.muli %scan3A_878, %mul3A_1070 : i32
        %get3A_1072 = arith.constant 4 : i32
        %get3A_1073 = arith.index_cast %get3A_1072 : i32 to index
        %get3A_1074 = arith.index_cast %mul3A_1071 : i32 to index
        %get3A_1075 = tpu.vector_load %arg12[%get3A_1073, %get3A_1074] {strides = array<i32>} : memref<10x1600xf32, #tpu.memory_space<vmem>>, vector<16xf32>,
        %mul3A_1076 = arith.constant 32 : i32
        %mul3A_1077 = arith.muli %scan3A_878, %mul3A_1076 : i32
        %add3A_1078 = arith.constant 16 : i32
        %add3A_1079 = arith.addi %mul3A_1077, %add3A_1078 : i32
        %get3A_1080 = arith.constant 4 : i32
        %get3A_1081 = arith.index_cast %get3A_1080 : i32 to index
        %get3A_1082 = arith.index_cast %add3A_1079 : i32 to index
        %get3A_1083 = tpu.vector_load %arg12[%get3A_1081, %get3A_1082] {strides = array<i32>} : memref<10x1600xf32, #tpu.memory_space<vmem>>, vector<16xf32>,
        %mul3A_1084 = arith.mulf %get3A_907, %get3A_1075 : vector<16xf32>
        %add3A_1085 = arith.addf %scan3A_895, %mul3A_1084 : vector<16xf32>
        %mul3A_1086 = arith.mulf %get3A_910, %get3A_1083 : vector<16xf32>
        %add3A_1087 = arith.addf %add3A_1085, %mul3A_1086 : vector<16xf32>
        %mul3A_1088 = arith.mulf %get3A_920, %get3A_1075 : vector<16xf32>
        %add3A_1089 = arith.addf %scan3A_896, %mul3A_1088 : vector<16xf32>
        %mul3A_1090 = arith.mulf %get3A_923, %get3A_1083 : vector<16xf32>
        %add3A_1091 = arith.addf %add3A_1089, %mul3A_1090 : vector<16xf32>
        %mul3A_1092 = arith.mulf %get3A_933, %get3A_1075 : vector<16xf32>
        %add3A_1093 = arith.addf %scan3A_897, %mul3A_1092 : vector<16xf32>
        %mul3A_1094 = arith.mulf %get3A_936, %get3A_1083 : vector<16xf32>
        %add3A_1095 = arith.addf %add3A_1093, %mul3A_1094 : vector<16xf32>
        %mul3A_1096 = arith.mulf %get3A_946, %get3A_1075 : vector<16xf32>
        %add3A_1097 = arith.addf %scan3A_898, %mul3A_1096 : vector<16xf32>
        %mul3A_1098 = arith.mulf %get3A_949, %get3A_1083 : vector<16xf32>
        %add3A_1099 = arith.addf %add3A_1097, %mul3A_1098 : vector<16xf32>
        scf.yield %add3A_967, %add3A_971, %add3A_975, %add3A_979, %add3A_997, %add3A_1001, %add3A_1005, %add3A_1009, %add3A_1027, %add3A_1031, %add3A_1035, %add3A_1039, %add3A_1057, %add3A_1061, %add3A_1065, %add3A_1069, %add3A_1087, %add3A_1091, %add3A_1095, %add3A_1099 : vector<16xf32>, vector<16xf32>, vector<16xf32>, vector<16xf32>, vector<16xf32>, vector<16xf32>, vector<16xf32>, vector<16xf32>, vector<16xf32>, vector<16xf32>, vector<16xf32>, vector<16xf32>, vector<16xf32>, vector<16xf32>, vector<16xf32>, vector<16xf32>, vector<16xf32>, vector<16xf32>, vector<16xf32>, vector<16xf32>
      }
      %scan3A_352 = arith.constant 50 : i32
      %cumsum3A = arith.constant true
      %cumsum3A_353 = vector.broadcast %cumsum3A : i1 to vector<16xi1>
      %cumsum3A_354 = tpu.scan <sum>, %scan3A_351#0 masked %cumsum3A_353 : vector<16xf32>, vector<16xi1> -> vector<16xf32>
      %mul3A_355 = arith.constant 4 : i32
      %mul3A_356 = arith.muli %scan3A_306, %mul3A_355 : i32
      %add3A_357 = arith.constant 0 : i32
      %add3A_358 = arith.addi %add3A_357, %mul3A_356 : i32
      %add3A_359 = arith.constant 0 : i32
      %add3A_360 = arith.addi %add3A_358, %add3A_359 : i32
      %broadcast_in_dim3A_361 = vector.broadcast %add3A_360 : i32 to vector<16xi32>
      %broadcast_in_dim3A_362 = arith.constant 0 : i32
      %broadcast_in_dim3A_363 = vector.broadcast %broadcast_in_dim3A_362 : i32 to vector<16xi32>
      tpu.vector_store_idx %arg16[%broadcast_in_dim3A_361, %broadcast_in_dim3A_363], %cumsum3A_354 masked %eq3A : memref<128x10xf32, #tpu.memory_space<vmem>>[vector<16xi32>, vector<16xi32>], vector<16xf32>, vector<16xi1>
      %cumsum3A_364 = arith.constant true
      %cumsum3A_365 = vector.broadcast %cumsum3A_364 : i1 to vector<16xi1>
      %cumsum3A_366 = tpu.scan <sum>, %scan3A_351#1 masked %cumsum3A_365 : vector<16xf32>, vector<16xi1> -> vector<16xf32>
      %mul3A_367 = arith.constant 4 : i32
      %mul3A_368 = arith.muli %scan3A_306, %mul3A_367 : i32
      %add3A_369 = arith.constant 0 : i32
      %add3A_370 = arith.addi %add3A_369, %mul3A_368 : i32
      %add3A_371 = arith.constant 1 : i32
      %add3A_372 = arith.addi %add3A_370, %add3A_371 : i32
      %broadcast_in_dim3A_373 = vector.broadcast %add3A_372 : i32 to vector<16xi32>
      %broadcast_in_dim3A_374 = arith.constant 0 : i32
      %broadcast_in_dim3A_375 = vector.broadcast %broadcast_in_dim3A_374 : i32 to vector<16xi32>
      tpu.vector_store_idx %arg16[%broadcast_in_dim3A_373, %broadcast_in_dim3A_375], %cumsum3A_366 masked %eq3A : memref<128x10xf32, #tpu.memory_space<vmem>>[vector<16xi32>, vector<16xi32>], vector<16xf32>, vector<16xi1>
      %cumsum3A_376 = arith.constant true
      %cumsum3A_377 = vector.broadcast %cumsum3A_376 : i1 to vector<16xi1>
      %cumsum3A_378 = tpu.scan <sum>, %scan3A_351#2 masked %cumsum3A_377 : vector<16xf32>, vector<16xi1> -> vector<16xf32>
      %mul3A_379 = arith.constant 4 : i32
      %mul3A_380 = arith.muli %scan3A_306, %mul3A_379 : i32
      %add3A_381 = arith.constant 0 : i32
      %add3A_382 = arith.addi %add3A_381, %mul3A_380 : i32
      %add3A_383 = arith.constant 2 : i32
      %add3A_384 = arith.addi %add3A_382, %add3A_383 : i32
      %broadcast_in_dim3A_385 = vector.broadcast %add3A_384 : i32 to vector<16xi32>
      %broadcast_in_dim3A_386 = arith.constant 0 : i32
      %broadcast_in_dim3A_387 = vector.broadcast %broadcast_in_dim3A_386 : i32 to vector<16xi32>
      tpu.vector_store_idx %arg16[%broadcast_in_dim3A_385, %broadcast_in_dim3A_387], %cumsum3A_378 masked %eq3A : memref<128x10xf32, #tpu.memory_space<vmem>>[vector<16xi32>, vector<16xi32>], vector<16xf32>, vector<16xi1>
      %cumsum3A_388 = arith.constant true
      %cumsum3A_389 = vector.broadcast %cumsum3A_388 : i1 to vector<16xi1>
      %cumsum3A_390 = tpu.scan <sum>, %scan3A_351#3 masked %cumsum3A_389 : vector<16xf32>, vector<16xi1> -> vector<16xf32>
      %mul3A_391 = arith.constant 4 : i32
      %mul3A_392 = arith.muli %scan3A_306, %mul3A_391 : i32
      %add3A_393 = arith.constant 0 : i32
      %add3A_394 = arith.addi %add3A_393, %mul3A_392 : i32
      %add3A_395 = arith.constant 3 : i32
      %add3A_396 = arith.addi %add3A_394, %add3A_395 : i32
      %broadcast_in_dim3A_397 = vector.broadcast %add3A_396 : i32 to vector<16xi32>
      %broadcast_in_dim3A_398 = arith.constant 0 : i32
      %broadcast_in_dim3A_399 = vector.broadcast %broadcast_in_dim3A_398 : i32 to vector<16xi32>
      tpu.vector_store_idx %arg16[%broadcast_in_dim3A_397, %broadcast_in_dim3A_399], %cumsum3A_390 masked %eq3A : memref<128x10xf32, #tpu.memory_space<vmem>>[vector<16xi32>, vector<16xi32>], vector<16xf32>, vector<16xi1>
      %cumsum3A_400 = arith.constant true
      %cumsum3A_401 = vector.broadcast %cumsum3A_400 : i1 to vector<16xi1>
      %cumsum3A_402 = tpu.scan <sum>, %scan3A_351#4 masked %cumsum3A_401 : vector<16xf32>, vector<16xi1> -> vector<16xf32>
      %mul3A_403 = arith.constant 4 : i32
      %mul3A_404 = arith.muli %scan3A_306, %mul3A_403 : i32
      %add3A_405 = arith.constant 0 : i32
      %add3A_406 = arith.addi %add3A_405, %mul3A_404 : i32
      %add3A_407 = arith.constant 0 : i32
      %add3A_408 = arith.addi %add3A_406, %add3A_407 : i32
      %broadcast_in_dim3A_409 = vector.broadcast %add3A_408 : i32 to vector<16xi32>
      %broadcast_in_dim3A_410 = arith.constant 1 : i32
      %broadcast_in_dim3A_411 = vector.broadcast %broadcast_in_dim3A_410 : i32 to vector<16xi32>
      tpu.vector_store_idx %arg16[%broadcast_in_dim3A_409, %broadcast_in_dim3A_411], %cumsum3A_402 masked %eq3A : memref<128x10xf32, #tpu.memory_space<vmem>>[vector<16xi32>, vector<16xi32>], vector<16xf32>, vector<16xi1>
      %cumsum3A_412 = arith.constant true
      %cumsum3A_413 = vector.broadcast %cumsum3A_412 : i1 to vector<16xi1>
      %cumsum3A_414 = tpu.scan <sum>, %scan3A_351#5 masked %cumsum3A_413 : vector<16xf32>, vector<16xi1> -> vector<16xf32>
      %mul3A_415 = arith.constant 4 : i32
      %mul3A_416 = arith.muli %scan3A_306, %mul3A_415 : i32
      %add3A_417 = arith.constant 0 : i32
      %add3A_418 = arith.addi %add3A_417, %mul3A_416 : i32
      %add3A_419 = arith.constant 1 : i32
      %add3A_420 = arith.addi %add3A_418, %add3A_419 : i32
      %broadcast_in_dim3A_421 = vector.broadcast %add3A_420 : i32 to vector<16xi32>
      %broadcast_in_dim3A_422 = arith.constant 1 : i32
      %broadcast_in_dim3A_423 = vector.broadcast %broadcast_in_dim3A_422 : i32 to vector<16xi32>
      tpu.vector_store_idx %arg16[%broadcast_in_dim3A_421, %broadcast_in_dim3A_423], %cumsum3A_414 masked %eq3A : memref<128x10xf32, #tpu.memory_space<vmem>>[vector<16xi32>, vector<16xi32>], vector<16xf32>, vector<16xi1>
      %cumsum3A_424 = arith.constant true
      %cumsum3A_425 = vector.broadcast %cumsum3A_424 : i1 to vector<16xi1>
      %cumsum3A_426 = tpu.scan <sum>, %scan3A_351#6 masked %cumsum3A_425 : vector<16xf32>, vector<16xi1> -> vector<16xf32>
      %mul3A_427 = arith.constant 4 : i32
      %mul3A_428 = arith.muli %scan3A_306, %mul3A_427 : i32
      %add3A_429 = arith.constant 0 : i32
      %add3A_430 = arith.addi %add3A_429, %mul3A_428 : i32
      %add3A_431 = arith.constant 2 : i32
      %add3A_432 = arith.addi %add3A_430, %add3A_431 : i32
      %broadcast_in_dim3A_433 = vector.broadcast %add3A_432 : i32 to vector<16xi32>
      %broadcast_in_dim3A_434 = arith.constant 1 : i32
      %broadcast_in_dim3A_435 = vector.broadcast %broadcast_in_dim3A_434 : i32 to vector<16xi32>
      tpu.vector_store_idx %arg16[%broadcast_in_dim3A_433, %broadcast_in_dim3A_435], %cumsum3A_426 masked %eq3A : memref<128x10xf32, #tpu.memory_space<vmem>>[vector<16xi32>, vector<16xi32>], vector<16xf32>, vector<16xi1>
      %cumsum3A_436 = arith.constant true
      %cumsum3A_437 = vector.broadcast %cumsum3A_436 : i1 to vector<16xi1>
      %cumsum3A_438 = tpu.scan <sum>, %scan3A_351#7 masked %cumsum3A_437 : vector<16xf32>, vector<16xi1> -> vector<16xf32>
      %mul3A_439 = arith.constant 4 : i32
      %mul3A_440 = arith.muli %scan3A_306, %mul3A_439 : i32
      %add3A_441 = arith.constant 0 : i32
      %add3A_442 = arith.addi %add3A_441, %mul3A_440 : i32
      %add3A_443 = arith.constant 3 : i32
      %add3A_444 = arith.addi %add3A_442, %add3A_443 : i32
      %broadcast_in_dim3A_445 = vector.broadcast %add3A_444 : i32 to vector<16xi32>
      %broadcast_in_dim3A_446 = arith.constant 1 : i32
      %broadcast_in_dim3A_447 = vector.broadcast %broadcast_in_dim3A_446 : i32 to vector<16xi32>
      tpu.vector_store_idx %arg16[%broadcast_in_dim3A_445, %broadcast_in_dim3A_447], %cumsum3A_438 masked %eq3A : memref<128x10xf32, #tpu.memory_space<vmem>>[vector<16xi32>, vector<16xi32>], vector<16xf32>, vector<16xi1>
      %cumsum3A_448 = arith.constant true
      %cumsum3A_449 = vector.broadcast %cumsum3A_448 : i1 to vector<16xi1>
      %cumsum3A_450 = tpu.scan <sum>, %scan3A_351#8 masked %cumsum3A_449 : vector<16xf32>, vector<16xi1> -> vector<16xf32>
      %mul3A_451 = arith.constant 4 : i32
      %mul3A_452 = arith.muli %scan3A_306, %mul3A_451 : i32
      %add3A_453 = arith.constant 0 : i32
      %add3A_454 = arith.addi %add3A_453, %mul3A_452 : i32
      %add3A_455 = arith.constant 0 : i32
      %add3A_456 = arith.addi %add3A_454, %add3A_455 : i32
      %broadcast_in_dim3A_457 = vector.broadcast %add3A_456 : i32 to vector<16xi32>
      %broadcast_in_dim3A_458 = arith.constant 2 : i32
      %broadcast_in_dim3A_459 = vector.broadcast %broadcast_in_dim3A_458 : i32 to vector<16xi32>
      tpu.vector_store_idx %arg16[%broadcast_in_dim3A_457, %broadcast_in_dim3A_459], %cumsum3A_450 masked %eq3A : memref<128x10xf32, #tpu.memory_space<vmem>>[vector<16xi32>, vector<16xi32>], vector<16xf32>, vector<16xi1>
      %cumsum3A_460 = arith.constant true
      %cumsum3A_461 = vector.broadcast %cumsum3A_460 : i1 to vector<16xi1>
      %cumsum3A_462 = tpu.scan <sum>, %scan3A_351#9 masked %cumsum3A_461 : vector<16xf32>, vector<16xi1> -> vector<16xf32>
      %mul3A_463 = arith.constant 4 : i32
      %mul3A_464 = arith.muli %scan3A_306, %mul3A_463 : i32
      %add3A_465 = arith.constant 0 : i32
      %add3A_466 = arith.addi %add3A_465, %mul3A_464 : i32
      %add3A_467 = arith.constant 1 : i32
      %add3A_468 = arith.addi %add3A_466, %add3A_467 : i32
      %broadcast_in_dim3A_469 = vector.broadcast %add3A_468 : i32 to vector<16xi32>
      %broadcast_in_dim3A_470 = arith.constant 2 : i32
      %broadcast_in_dim3A_471 = vector.broadcast %broadcast_in_dim3A_470 : i32 to vector<16xi32>
      tpu.vector_store_idx %arg16[%broadcast_in_dim3A_469, %broadcast_in_dim3A_471], %cumsum3A_462 masked %eq3A : memref<128x10xf32, #tpu.memory_space<vmem>>[vector<16xi32>, vector<16xi32>], vector<16xf32>, vector<16xi1>
      %cumsum3A_472 = arith.constant true
      %cumsum3A_473 = vector.broadcast %cumsum3A_472 : i1 to vector<16xi1>
      %cumsum3A_474 = tpu.scan <sum>, %scan3A_351#10 masked %cumsum3A_473 : vector<16xf32>, vector<16xi1> -> vector<16xf32>
      %mul3A_475 = arith.constant 4 : i32
      %mul3A_476 = arith.muli %scan3A_306, %mul3A_475 : i32
      %add3A_477 = arith.constant 0 : i32
      %add3A_478 = arith.addi %add3A_477, %mul3A_476 : i32
      %add3A_479 = arith.constant 2 : i32
      %add3A_480 = arith.addi %add3A_478, %add3A_479 : i32
      %broadcast_in_dim3A_481 = vector.broadcast %add3A_480 : i32 to vector<16xi32>
      %broadcast_in_dim3A_482 = arith.constant 2 : i32
      %broadcast_in_dim3A_483 = vector.broadcast %broadcast_in_dim3A_482 : i32 to vector<16xi32>
      tpu.vector_store_idx %arg16[%broadcast_in_dim3A_481, %broadcast_in_dim3A_483], %cumsum3A_474 masked %eq3A : memref<128x10xf32, #tpu.memory_space<vmem>>[vector<16xi32>, vector<16xi32>], vector<16xf32>, vector<16xi1>
      %cumsum3A_484 = arith.constant true
      %cumsum3A_485 = vector.broadcast %cumsum3A_484 : i1 to vector<16xi1>
      %cumsum3A_486 = tpu.scan <sum>, %scan3A_351#11 masked %cumsum3A_485 : vector<16xf32>, vector<16xi1> -> vector<16xf32>
      %mul3A_487 = arith.constant 4 : i32
      %mul3A_488 = arith.muli %scan3A_306, %mul3A_487 : i32
      %add3A_489 = arith.constant 0 : i32
      %add3A_490 = arith.addi %add3A_489, %mul3A_488 : i32
      %add3A_491 = arith.constant 3 : i32
      %add3A_492 = arith.addi %add3A_490, %add3A_491 : i32
      %broadcast_in_dim3A_493 = vector.broadcast %add3A_492 : i32 to vector<16xi32>
      %broadcast_in_dim3A_494 = arith.constant 2 : i32
      %broadcast_in_dim3A_495 = vector.broadcast %broadcast_in_dim3A_494 : i32 to vector<16xi32>
      tpu.vector_store_idx %arg16[%broadcast_in_dim3A_493, %broadcast_in_dim3A_495], %cumsum3A_486 masked %eq3A : memref<128x10xf32, #tpu.memory_space<vmem>>[vector<16xi32>, vector<16xi32>], vector<16xf32>, vector<16xi1>
      %cumsum3A_496 = arith.constant true
      %cumsum3A_497 = vector.broadcast %cumsum3A_496 : i1 to vector<16xi1>
      %cumsum3A_498 = tpu.scan <sum>, %scan3A_351#12 masked %cumsum3A_497 : vector<16xf32>, vector<16xi1> -> vector<16xf32>
      %mul3A_499 = arith.constant 4 : i32
      %mul3A_500 = arith.muli %scan3A_306, %mul3A_499 : i32
      %add3A_501 = arith.constant 0 : i32
      %add3A_502 = arith.addi %add3A_501, %mul3A_500 : i32
      %add3A_503 = arith.constant 0 : i32
      %add3A_504 = arith.addi %add3A_502, %add3A_503 : i32
      %broadcast_in_dim3A_505 = vector.broadcast %add3A_504 : i32 to vector<16xi32>
      %broadcast_in_dim3A_506 = arith.constant 3 : i32
      %broadcast_in_dim3A_507 = vector.broadcast %broadcast_in_dim3A_506 : i32 to vector<16xi32>
      tpu.vector_store_idx %arg16[%broadcast_in_dim3A_505, %broadcast_in_dim3A_507], %cumsum3A_498 masked %eq3A : memref<128x10xf32, #tpu.memory_space<vmem>>[vector<16xi32>, vector<16xi32>], vector<16xf32>, vector<16xi1>
      %cumsum3A_508 = arith.constant true
      %cumsum3A_509 = vector.broadcast %cumsum3A_508 : i1 to vector<16xi1>
      %cumsum3A_510 = tpu.scan <sum>, %scan3A_351#13 masked %cumsum3A_509 : vector<16xf32>, vector<16xi1> -> vector<16xf32>
      %mul3A_511 = arith.constant 4 : i32
      %mul3A_512 = arith.muli %scan3A_306, %mul3A_511 : i32
      %add3A_513 = arith.constant 0 : i32
      %add3A_514 = arith.addi %add3A_513, %mul3A_512 : i32
      %add3A_515 = arith.constant 1 : i32
      %add3A_516 = arith.addi %add3A_514, %add3A_515 : i32
      %broadcast_in_dim3A_517 = vector.broadcast %add3A_516 : i32 to vector<16xi32>
      %broadcast_in_dim3A_518 = arith.constant 3 : i32
      %broadcast_in_dim3A_519 = vector.broadcast %broadcast_in_dim3A_518 : i32 to vector<16xi32>
      tpu.vector_store_idx %arg16[%broadcast_in_dim3A_517, %broadcast_in_dim3A_519], %cumsum3A_510 masked %eq3A : memref<128x10xf32, #tpu.memory_space<vmem>>[vector<16xi32>, vector<16xi32>], vector<16xf32>, vector<16xi1>
      %cumsum3A_520 = arith.constant true
      %cumsum3A_521 = vector.broadcast %cumsum3A_520 : i1 to vector<16xi1>
      %cumsum3A_522 = tpu.scan <sum>, %scan3A_351#14 masked %cumsum3A_521 : vector<16xf32>, vector<16xi1> -> vector<16xf32>
      %mul3A_523 = arith.constant 4 : i32
      %mul3A_524 = arith.muli %scan3A_306, %mul3A_523 : i32
      %add3A_525 = arith.constant 0 : i32
      %add3A_526 = arith.addi %add3A_525, %mul3A_524 : i32
      %add3A_527 = arith.constant 2 : i32
      %add3A_528 = arith.addi %add3A_526, %add3A_527 : i32
      %broadcast_in_dim3A_529 = vector.broadcast %add3A_528 : i32 to vector<16xi32>
      %broadcast_in_dim3A_530 = arith.constant 3 : i32
      %broadcast_in_dim3A_531 = vector.broadcast %broadcast_in_dim3A_530 : i32 to vector<16xi32>
      tpu.vector_store_idx %arg16[%broadcast_in_dim3A_529, %broadcast_in_dim3A_531], %cumsum3A_522 masked %eq3A : memref<128x10xf32, #tpu.memory_space<vmem>>[vector<16xi32>, vector<16xi32>], vector<16xf32>, vector<16xi1>
      %cumsum3A_532 = arith.constant true
      %cumsum3A_533 = vector.broadcast %cumsum3A_532 : i1 to vector<16xi1>
      %cumsum3A_534 = tpu.scan <sum>, %scan3A_351#15 masked %cumsum3A_533 : vector<16xf32>, vector<16xi1> -> vector<16xf32>
      %mul3A_535 = arith.constant 4 : i32
      %mul3A_536 = arith.muli %scan3A_306, %mul3A_535 : i32
      %add3A_537 = arith.constant 0 : i32
      %add3A_538 = arith.addi %add3A_537, %mul3A_536 : i32
      %add3A_539 = arith.constant 3 : i32
      %add3A_540 = arith.addi %add3A_538, %add3A_539 : i32
      %broadcast_in_dim3A_541 = vector.broadcast %add3A_540 : i32 to vector<16xi32>
      %broadcast_in_dim3A_542 = arith.constant 3 : i32
      %broadcast_in_dim3A_543 = vector.broadcast %broadcast_in_dim3A_542 : i32 to vector<16xi32>
      tpu.vector_store_idx %arg16[%broadcast_in_dim3A_541, %broadcast_in_dim3A_543], %cumsum3A_534 masked %eq3A : memref<128x10xf32, #tpu.memory_space<vmem>>[vector<16xi32>, vector<16xi32>], vector<16xf32>, vector<16xi1>
      %cumsum3A_544 = arith.constant true
      %cumsum3A_545 = vector.broadcast %cumsum3A_544 : i1 to vector<16xi1>
      %cumsum3A_546 = tpu.scan <sum>, %scan3A_351#16 masked %cumsum3A_545 : vector<16xf32>, vector<16xi1> -> vector<16xf32>
      %mul3A_547 = arith.constant 4 : i32
      %mul3A_548 = arith.muli %scan3A_306, %mul3A_547 : i32
      %add3A_549 = arith.constant 0 : i32
      %add3A_550 = arith.addi %add3A_549, %mul3A_548 : i32
      %add3A_551 = arith.constant 0 : i32
      %add3A_552 = arith.addi %add3A_550, %add3A_551 : i32
      %broadcast_in_dim3A_553 = vector.broadcast %add3A_552 : i32 to vector<16xi32>
      %broadcast_in_dim3A_554 = arith.constant 4 : i32
      %broadcast_in_dim3A_555 = vector.broadcast %broadcast_in_dim3A_554 : i32 to vector<16xi32>
      tpu.vector_store_idx %arg16[%broadcast_in_dim3A_553, %broadcast_in_dim3A_555], %cumsum3A_546 masked %eq3A : memref<128x10xf32, #tpu.memory_space<vmem>>[vector<16xi32>, vector<16xi32>], vector<16xf32>, vector<16xi1>
      %cumsum3A_556 = arith.constant true
      %cumsum3A_557 = vector.broadcast %cumsum3A_556 : i1 to vector<16xi1>
      %cumsum3A_558 = tpu.scan <sum>, %scan3A_351#17 masked %cumsum3A_557 : vector<16xf32>, vector<16xi1> -> vector<16xf32>
      %mul3A_559 = arith.constant 4 : i32
      %mul3A_560 = arith.muli %scan3A_306, %mul3A_559 : i32
      %add3A_561 = arith.constant 0 : i32
      %add3A_562 = arith.addi %add3A_561, %mul3A_560 : i32
      %add3A_563 = arith.constant 1 : i32
      %add3A_564 = arith.addi %add3A_562, %add3A_563 : i32
      %broadcast_in_dim3A_565 = vector.broadcast %add3A_564 : i32 to vector<16xi32>
      %broadcast_in_dim3A_566 = arith.constant 4 : i32
      %broadcast_in_dim3A_567 = vector.broadcast %broadcast_in_dim3A_566 : i32 to vector<16xi32>
      tpu.vector_store_idx %arg16[%broadcast_in_dim3A_565, %broadcast_in_dim3A_567], %cumsum3A_558 masked %eq3A : memref<128x10xf32, #tpu.memory_space<vmem>>[vector<16xi32>, vector<16xi32>], vector<16xf32>, vector<16xi1>
      %cumsum3A_568 = arith.constant true
      %cumsum3A_569 = vector.broadcast %cumsum3A_568 : i1 to vector<16xi1>
      %cumsum3A_570 = tpu.scan <sum>, %scan3A_351#18 masked %cumsum3A_569 : vector<16xf32>, vector<16xi1> -> vector<16xf32>
      %mul3A_571 = arith.constant 4 : i32
      %mul3A_572 = arith.muli %scan3A_306, %mul3A_571 : i32
      %add3A_573 = arith.constant 0 : i32
      %add3A_574 = arith.addi %add3A_573, %mul3A_572 : i32
      %add3A_575 = arith.constant 2 : i32
      %add3A_576 = arith.addi %add3A_574, %add3A_575 : i32
      %broadcast_in_dim3A_577 = vector.broadcast %add3A_576 : i32 to vector<16xi32>
      %broadcast_in_dim3A_578 = arith.constant 4 : i32
      %broadcast_in_dim3A_579 = vector.broadcast %broadcast_in_dim3A_578 : i32 to vector<16xi32>
      tpu.vector_store_idx %arg16[%broadcast_in_dim3A_577, %broadcast_in_dim3A_579], %cumsum3A_570 masked %eq3A : memref<128x10xf32, #tpu.memory_space<vmem>>[vector<16xi32>, vector<16xi32>], vector<16xf32>, vector<16xi1>
      %cumsum3A_580 = arith.constant true
      %cumsum3A_581 = vector.broadcast %cumsum3A_580 : i1 to vector<16xi1>
      %cumsum3A_582 = tpu.scan <sum>, %scan3A_351#19 masked %cumsum3A_581 : vector<16xf32>, vector<16xi1> -> vector<16xf32>
      %mul3A_583 = arith.constant 4 : i32
      %mul3A_584 = arith.muli %scan3A_306, %mul3A_583 : i32
      %add3A_585 = arith.constant 0 : i32
      %add3A_586 = arith.addi %add3A_585, %mul3A_584 : i32
      %add3A_587 = arith.constant 3 : i32
      %add3A_588 = arith.addi %add3A_586, %add3A_587 : i32
      %broadcast_in_dim3A_589 = vector.broadcast %add3A_588 : i32 to vector<16xi32>
      %broadcast_in_dim3A_590 = arith.constant 4 : i32
      %broadcast_in_dim3A_591 = vector.broadcast %broadcast_in_dim3A_590 : i32 to vector<16xi32>
      tpu.vector_store_idx %arg16[%broadcast_in_dim3A_589, %broadcast_in_dim3A_591], %cumsum3A_582 masked %eq3A : memref<128x10xf32, #tpu.memory_space<vmem>>[vector<16xi32>, vector<16xi32>], vector<16xf32>, vector<16xi1>
      %broadcast_in_dim3A_592 = arith.constant 0.000000e+00 : f32
      %broadcast_in_dim3A_593 = vector.broadcast %broadcast_in_dim3A_592 : f32 to vector<16xf32>
      %broadcast_in_dim3A_594 = arith.constant 0.000000e+00 : f32
      %broadcast_in_dim3A_595 = vector.broadcast %broadcast_in_dim3A_594 : f32 to vector<16xf32>
      %broadcast_in_dim3A_596 = arith.constant 0.000000e+00 : f32
      %broadcast_in_dim3A_597 = vector.broadcast %broadcast_in_dim3A_596 : f32 to vector<16xf32>
      %broadcast_in_dim3A_598 = arith.constant 0.000000e+00 : f32
      %broadcast_in_dim3A_599 = vector.broadcast %broadcast_in_dim3A_598 : f32 to vector<16xf32>
      %broadcast_in_dim3A_600 = arith.constant 0.000000e+00 : f32
      %broadcast_in_dim3A_601 = vector.broadcast %broadcast_in_dim3A_600 : f32 to vector<16xf32>
      %broadcast_in_dim3A_602 = arith.constant 0.000000e+00 : f32
      %broadcast_in_dim3A_603 = vector.broadcast %broadcast_in_dim3A_602 : f32 to vector<16xf32>
      %broadcast_in_dim3A_604 = arith.constant 0.000000e+00 : f32
      %broadcast_in_dim3A_605 = vector.broadcast %broadcast_in_dim3A_604 : f32 to vector<16xf32>
      %broadcast_in_dim3A_606 = arith.constant 0.000000e+00 : f32
      %broadcast_in_dim3A_607 = vector.broadcast %broadcast_in_dim3A_606 : f32 to vector<16xf32>
      %broadcast_in_dim3A_608 = arith.constant 0.000000e+00 : f32
      %broadcast_in_dim3A_609 = vector.broadcast %broadcast_in_dim3A_608 : f32 to vector<16xf32>
      %broadcast_in_dim3A_610 = arith.constant 0.000000e+00 : f32
      %broadcast_in_dim3A_611 = vector.broadcast %broadcast_in_dim3A_610 : f32 to vector<16xf32>
      %broadcast_in_dim3A_612 = arith.constant 0.000000e+00 : f32
      %broadcast_in_dim3A_613 = vector.broadcast %broadcast_in_dim3A_612 : f32 to vector<16xf32>
      %broadcast_in_dim3A_614 = arith.constant 0.000000e+00 : f32
      %broadcast_in_dim3A_615 = vector.broadcast %broadcast_in_dim3A_614 : f32 to vector<16xf32>
      %broadcast_in_dim3A_616 = arith.constant 0.000000e+00 : f32
      %broadcast_in_dim3A_617 = vector.broadcast %broadcast_in_dim3A_616 : f32 to vector<16xf32>
      %broadcast_in_dim3A_618 = arith.constant 0.000000e+00 : f32
      %broadcast_in_dim3A_619 = vector.broadcast %broadcast_in_dim3A_618 : f32 to vector<16xf32>
      %broadcast_in_dim3A_620 = arith.constant 0.000000e+00 : f32
      %broadcast_in_dim3A_621 = vector.broadcast %broadcast_in_dim3A_620 : f32 to vector<16xf32>
      %broadcast_in_dim3A_622 = arith.constant 0.000000e+00 : f32
      %broadcast_in_dim3A_623 = vector.broadcast %broadcast_in_dim3A_622 : f32 to vector<16xf32>
      %broadcast_in_dim3A_624 = arith.constant 0.000000e+00 : f32
      %broadcast_in_dim3A_625 = vector.broadcast %broadcast_in_dim3A_624 : f32 to vector<16xf32>
      %broadcast_in_dim3A_626 = arith.constant 0.000000e+00 : f32
      %broadcast_in_dim3A_627 = vector.broadcast %broadcast_in_dim3A_626 : f32 to vector<16xf32>
      %broadcast_in_dim3A_628 = arith.constant 0.000000e+00 : f32
      %broadcast_in_dim3A_629 = vector.broadcast %broadcast_in_dim3A_628 : f32 to vector<16xf32>
      %broadcast_in_dim3A_630 = arith.constant 0.000000e+00 : f32
      %broadcast_in_dim3A_631 = vector.broadcast %broadcast_in_dim3A_630 : f32 to vector<16xf32>
      %scan3A_632 = arith.constant 0 : i32
      %scan3A_633 = arith.constant 50 : i32
      %scan3A_634 = arith.addi %scan3A_632, %scan3A_633 : i32
      %scan3A_635 = arith.constant 1 : i32
      %scan3A_636:20 = scf.for %scan3A_878 = %scan3A_632 to %scan3A_634 step %scan3A_635 iter_args(%scan3A_879 = %broadcast_in_dim3A_593, %scan3A_880 = %broadcast_in_dim3A_595, %scan3A_881 = %broadcast_in_dim3A_597, %scan3A_882 = %broadcast_in_dim3A_599, %scan3A_883 = %broadcast_in_dim3A_601, %scan3A_884 = %broadcast_in_dim3A_603, %scan3A_885 = %broadcast_in_dim3A_605, %scan3A_886 = %broadcast_in_dim3A_607, %scan3A_887 = %broadcast_in_dim3A_609, %scan3A_888 = %broadcast_in_dim3A_611, %scan3A_889 = %broadcast_in_dim3A_613, %scan3A_890 = %broadcast_in_dim3A_615, %scan3A_891 = %broadcast_in_dim3A_617, %scan3A_892 = %broadcast_in_dim3A_619, %scan3A_893 = %broadcast_in_dim3A_621, %scan3A_894 = %broadcast_in_dim3A_623, %scan3A_895 = %broadcast_in_dim3A_625, %scan3A_896 = %broadcast_in_dim3A_627, %scan3A_897 = %broadcast_in_dim3A_629, %scan3A_898 = %broadcast_in_dim3A_631) -> (vector<16xf32>, vector<16xf32>, vector<16xf32>, vector<16xf32>, vector<16xf32>, vector<16xf32>, vector<16xf32>, vector<16xf32>, vector<16xf32>, vector<16xf32>, vector<16xf32>, vector<16xf32>, vector<16xf32>, vector<16xf32>, vector<16xf32>, vector<16xf32>, vector<16xf32>, vector<16xf32>, vector<16xf32>, vector<16xf32>)  : i32 {
        %mul3A_899 = arith.constant 4 : i32
        %mul3A_900 = arith.muli %scan3A_306, %mul3A_899 : i32
        %add3A_901 = arith.constant 0 : i32
        %add3A_902 = arith.addi %mul3A_900, %add3A_901 : i32
        %mul3A_903 = arith.constant 50 : i32
        %mul3A_904 = arith.muli %add3A_902, %mul3A_903 : i32
        %add3A_905 = arith.addi %mul3A_904, %scan3A_878 : i32
        %get3A = arith.index_cast %add3A_905 : i32 to index
        %get3A_906 = arith.constant 0 : index
        %get3A_907 = tpu.vector_load %arg10[%get3A, %get3A_906] {strides = array<i32>} : memref<3200x32xf32, #tpu.memory_space<vmem>>, vector<16xf32>,
        %get3A_908 = arith.index_cast %add3A_905 : i32 to index
        %get3A_909 = arith.constant 16 : index
        %get3A_910 = tpu.vector_load %arg10[%get3A_908, %get3A_909] {strides = array<i32>} : memref<3200x32xf32, #tpu.memory_space<vmem>>, vector<16xf32>,
        %mul3A_911 = arith.constant 4 : i32
        %mul3A_912 = arith.muli %scan3A_306, %mul3A_911 : i32
        %add3A_913 = arith.constant 1 : i32
        %add3A_914 = arith.addi %mul3A_912, %add3A_913 : i32
        %mul3A_915 = arith.constant 50 : i32
        %mul3A_916 = arith.muli %add3A_914, %mul3A_915 : i32
        %add3A_917 = arith.addi %mul3A_916, %scan3A_878 : i32
        %get3A_918 = arith.index_cast %add3A_917 : i32 to index
        %get3A_919 = arith.constant 0 : index
        %get3A_920 = tpu.vector_load %arg10[%get3A_918, %get3A_919] {strides = array<i32>} : memref<3200x32xf32, #tpu.memory_space<vmem>>, vector<16xf32>,
        %get3A_921 = arith.index_cast %add3A_917 : i32 to index
        %get3A_922 = arith.constant 16 : index
        %get3A_923 = tpu.vector_load %arg10[%get3A_921, %get3A_922] {strides = array<i32>} : memref<3200x32xf32, #tpu.memory_space<vmem>>, vector<16xf32>,
        %mul3A_924 = arith.constant 4 : i32
        %mul3A_925 = arith.muli %scan3A_306, %mul3A_924 : i32
        %add3A_926 = arith.constant 2 : i32
        %add3A_927 = arith.addi %mul3A_925, %add3A_926 : i32
        %mul3A_928 = arith.constant 50 : i32
        %mul3A_929 = arith.muli %add3A_927, %mul3A_928 : i32
        %add3A_930 = arith.addi %mul3A_929, %scan3A_878 : i32
        %get3A_931 = arith.index_cast %add3A_930 : i32 to index
        %get3A_932 = arith.constant 0 : index
        %get3A_933 = tpu.vector_load %arg10[%get3A_931, %get3A_932] {strides = array<i32>} : memref<3200x32xf32, #tpu.memory_space<vmem>>, vector<16xf32>,
        %get3A_934 = arith.index_cast %add3A_930 : i32 to index
        %get3A_935 = arith.constant 16 : index
        %get3A_936 = tpu.vector_load %arg10[%get3A_934, %get3A_935] {strides = array<i32>} : memref<3200x32xf32, #tpu.memory_space<vmem>>, vector<16xf32>,
        %mul3A_937 = arith.constant 4 : i32
        %mul3A_938 = arith.muli %scan3A_306, %mul3A_937 : i32
        %add3A_939 = arith.constant 3 : i32
        %add3A_940 = arith.addi %mul3A_938, %add3A_939 : i32
        %mul3A_941 = arith.constant 50 : i32
        %mul3A_942 = arith.muli %add3A_940, %mul3A_941 : i32
        %add3A_943 = arith.addi %mul3A_942, %scan3A_878 : i32
        %get3A_944 = arith.index_cast %add3A_943 : i32 to index
        %get3A_945 = arith.constant 0 : index
        %get3A_946 = tpu.vector_load %arg10[%get3A_944, %get3A_945] {strides = array<i32>} : memref<3200x32xf32, #tpu.memory_space<vmem>>, vector<16xf32>,
        %get3A_947 = arith.index_cast %add3A_943 : i32 to index
        %get3A_948 = arith.constant 16 : index
        %get3A_949 = tpu.vector_load %arg10[%get3A_947, %get3A_948] {strides = array<i32>} : memref<3200x32xf32, #tpu.memory_space<vmem>>, vector<16xf32>,
        %mul3A_950 = arith.constant 32 : i32
        %mul3A_951 = arith.muli %scan3A_878, %mul3A_950 : i32
        %get3A_952 = arith.constant 5 : i32
        %get3A_953 = arith.index_cast %get3A_952 : i32 to index
        %get3A_954 = arith.index_cast %mul3A_951 : i32 to index
        %get3A_955 = tpu.vector_load %arg12[%get3A_953, %get3A_954] {strides = array<i32>} : memref<10x1600xf32, #tpu.memory_space<vmem>>, vector<16xf32>,
        %mul3A_956 = arith.constant 32 : i32
        %mul3A_957 = arith.muli %scan3A_878, %mul3A_956 : i32
        %add3A_958 = arith.constant 16 : i32
        %add3A_959 = arith.addi %mul3A_957, %add3A_958 : i32
        %get3A_960 = arith.constant 5 : i32
        %get3A_961 = arith.index_cast %get3A_960 : i32 to index
        %get3A_962 = arith.index_cast %add3A_959 : i32 to index
        %get3A_963 = tpu.vector_load %arg12[%get3A_961, %get3A_962] {strides = array<i32>} : memref<10x1600xf32, #tpu.memory_space<vmem>>, vector<16xf32>,
        %mul3A_964 = arith.mulf %get3A_907, %get3A_955 : vector<16xf32>
        %add3A_965 = arith.addf %scan3A_879, %mul3A_964 : vector<16xf32>
        %mul3A_966 = arith.mulf %get3A_910, %get3A_963 : vector<16xf32>
        %add3A_967 = arith.addf %add3A_965, %mul3A_966 : vector<16xf32>
        %mul3A_968 = arith.mulf %get3A_920, %get3A_955 : vector<16xf32>
        %add3A_969 = arith.addf %scan3A_880, %mul3A_968 : vector<16xf32>
        %mul3A_970 = arith.mulf %get3A_923, %get3A_963 : vector<16xf32>
        %add3A_971 = arith.addf %add3A_969, %mul3A_970 : vector<16xf32>
        %mul3A_972 = arith.mulf %get3A_933, %get3A_955 : vector<16xf32>
        %add3A_973 = arith.addf %scan3A_881, %mul3A_972 : vector<16xf32>
        %mul3A_974 = arith.mulf %get3A_936, %get3A_963 : vector<16xf32>
        %add3A_975 = arith.addf %add3A_973, %mul3A_974 : vector<16xf32>
        %mul3A_976 = arith.mulf %get3A_946, %get3A_955 : vector<16xf32>
        %add3A_977 = arith.addf %scan3A_882, %mul3A_976 : vector<16xf32>
        %mul3A_978 = arith.mulf %get3A_949, %get3A_963 : vector<16xf32>
        %add3A_979 = arith.addf %add3A_977, %mul3A_978 : vector<16xf32>
        %mul3A_980 = arith.constant 32 : i32
        %mul3A_981 = arith.muli %scan3A_878, %mul3A_980 : i32
        %get3A_982 = arith.constant 6 : i32
        %get3A_983 = arith.index_cast %get3A_982 : i32 to index
        %get3A_984 = arith.index_cast %mul3A_981 : i32 to index
        %get3A_985 = tpu.vector_load %arg12[%get3A_983, %get3A_984] {strides = array<i32>} : memref<10x1600xf32, #tpu.memory_space<vmem>>, vector<16xf32>,
        %mul3A_986 = arith.constant 32 : i32
        %mul3A_987 = arith.muli %scan3A_878, %mul3A_986 : i32
        %add3A_988 = arith.constant 16 : i32
        %add3A_989 = arith.addi %mul3A_987, %add3A_988 : i32
        %get3A_990 = arith.constant 6 : i32
        %get3A_991 = arith.index_cast %get3A_990 : i32 to index
        %get3A_992 = arith.index_cast %add3A_989 : i32 to index
        %get3A_993 = tpu.vector_load %arg12[%get3A_991, %get3A_992] {strides = array<i32>} : memref<10x1600xf32, #tpu.memory_space<vmem>>, vector<16xf32>,
        %mul3A_994 = arith.mulf %get3A_907, %get3A_985 : vector<16xf32>
        %add3A_995 = arith.addf %scan3A_883, %mul3A_994 : vector<16xf32>
        %mul3A_996 = arith.mulf %get3A_910, %get3A_993 : vector<16xf32>
        %add3A_997 = arith.addf %add3A_995, %mul3A_996 : vector<16xf32>
        %mul3A_998 = arith.mulf %get3A_920, %get3A_985 : vector<16xf32>
        %add3A_999 = arith.addf %scan3A_884, %mul3A_998 : vector<16xf32>
        %mul3A_1000 = arith.mulf %get3A_923, %get3A_993 : vector<16xf32>
        %add3A_1001 = arith.addf %add3A_999, %mul3A_1000 : vector<16xf32>
        %mul3A_1002 = arith.mulf %get3A_933, %get3A_985 : vector<16xf32>
        %add3A_1003 = arith.addf %scan3A_885, %mul3A_1002 : vector<16xf32>
        %mul3A_1004 = arith.mulf %get3A_936, %get3A_993 : vector<16xf32>
        %add3A_1005 = arith.addf %add3A_1003, %mul3A_1004 : vector<16xf32>
        %mul3A_1006 = arith.mulf %get3A_946, %get3A_985 : vector<16xf32>
        %add3A_1007 = arith.addf %scan3A_886, %mul3A_1006 : vector<16xf32>
        %mul3A_1008 = arith.mulf %get3A_949, %get3A_993 : vector<16xf32>
        %add3A_1009 = arith.addf %add3A_1007, %mul3A_1008 : vector<16xf32>
        %mul3A_1010 = arith.constant 32 : i32
        %mul3A_1011 = arith.muli %scan3A_878, %mul3A_1010 : i32
        %get3A_1012 = arith.constant 7 : i32
        %get3A_1013 = arith.index_cast %get3A_1012 : i32 to index
        %get3A_1014 = arith.index_cast %mul3A_1011 : i32 to index
        %get3A_1015 = tpu.vector_load %arg12[%get3A_1013, %get3A_1014] {strides = array<i32>} : memref<10x1600xf32, #tpu.memory_space<vmem>>, vector<16xf32>,
        %mul3A_1016 = arith.constant 32 : i32
        %mul3A_1017 = arith.muli %scan3A_878, %mul3A_1016 : i32
        %add3A_1018 = arith.constant 16 : i32
        %add3A_1019 = arith.addi %mul3A_1017, %add3A_1018 : i32
        %get3A_1020 = arith.constant 7 : i32
        %get3A_1021 = arith.index_cast %get3A_1020 : i32 to index
        %get3A_1022 = arith.index_cast %add3A_1019 : i32 to index
        %get3A_1023 = tpu.vector_load %arg12[%get3A_1021, %get3A_1022] {strides = array<i32>} : memref<10x1600xf32, #tpu.memory_space<vmem>>, vector<16xf32>,
        %mul3A_1024 = arith.mulf %get3A_907, %get3A_1015 : vector<16xf32>
        %add3A_1025 = arith.addf %scan3A_887, %mul3A_1024 : vector<16xf32>
        %mul3A_1026 = arith.mulf %get3A_910, %get3A_1023 : vector<16xf32>
        %add3A_1027 = arith.addf %add3A_1025, %mul3A_1026 : vector<16xf32>
        %mul3A_1028 = arith.mulf %get3A_920, %get3A_1015 : vector<16xf32>
        %add3A_1029 = arith.addf %scan3A_888, %mul3A_1028 : vector<16xf32>
        %mul3A_1030 = arith.mulf %get3A_923, %get3A_1023 : vector<16xf32>
        %add3A_1031 = arith.addf %add3A_1029, %mul3A_1030 : vector<16xf32>
        %mul3A_1032 = arith.mulf %get3A_933, %get3A_1015 : vector<16xf32>
        %add3A_1033 = arith.addf %scan3A_889, %mul3A_1032 : vector<16xf32>
        %mul3A_1034 = arith.mulf %get3A_936, %get3A_1023 : vector<16xf32>
        %add3A_1035 = arith.addf %add3A_1033, %mul3A_1034 : vector<16xf32>
        %mul3A_1036 = arith.mulf %get3A_946, %get3A_1015 : vector<16xf32>
        %add3A_1037 = arith.addf %scan3A_890, %mul3A_1036 : vector<16xf32>
        %mul3A_1038 = arith.mulf %get3A_949, %get3A_1023 : vector<16xf32>
        %add3A_1039 = arith.addf %add3A_1037, %mul3A_1038 : vector<16xf32>
        %mul3A_1040 = arith.constant 32 : i32
        %mul3A_1041 = arith.muli %scan3A_878, %mul3A_1040 : i32
        %get3A_1042 = arith.constant 8 : i32
        %get3A_1043 = arith.index_cast %get3A_1042 : i32 to index
        %get3A_1044 = arith.index_cast %mul3A_1041 : i32 to index
        %get3A_1045 = tpu.vector_load %arg12[%get3A_1043, %get3A_1044] {strides = array<i32>} : memref<10x1600xf32, #tpu.memory_space<vmem>>, vector<16xf32>,
        %mul3A_1046 = arith.constant 32 : i32
        %mul3A_1047 = arith.muli %scan3A_878, %mul3A_1046 : i32
        %add3A_1048 = arith.constant 16 : i32
        %add3A_1049 = arith.addi %mul3A_1047, %add3A_1048 : i32
        %get3A_1050 = arith.constant 8 : i32
        %get3A_1051 = arith.index_cast %get3A_1050 : i32 to index
        %get3A_1052 = arith.index_cast %add3A_1049 : i32 to index
        %get3A_1053 = tpu.vector_load %arg12[%get3A_1051, %get3A_1052] {strides = array<i32>} : memref<10x1600xf32, #tpu.memory_space<vmem>>, vector<16xf32>,
        %mul3A_1054 = arith.mulf %get3A_907, %get3A_1045 : vector<16xf32>
        %add3A_1055 = arith.addf %scan3A_891, %mul3A_1054 : vector<16xf32>
        %mul3A_1056 = arith.mulf %get3A_910, %get3A_1053 : vector<16xf32>
        %add3A_1057 = arith.addf %add3A_1055, %mul3A_1056 : vector<16xf32>
        %mul3A_1058 = arith.mulf %get3A_920, %get3A_1045 : vector<16xf32>
        %add3A_1059 = arith.addf %scan3A_892, %mul3A_1058 : vector<16xf32>
        %mul3A_1060 = arith.mulf %get3A_923, %get3A_1053 : vector<16xf32>
        %add3A_1061 = arith.addf %add3A_1059, %mul3A_1060 : vector<16xf32>
        %mul3A_1062 = arith.mulf %get3A_933, %get3A_1045 : vector<16xf32>
        %add3A_1063 = arith.addf %scan3A_893, %mul3A_1062 : vector<16xf32>
        %mul3A_1064 = arith.mulf %get3A_936, %get3A_1053 : vector<16xf32>
        %add3A_1065 = arith.addf %add3A_1063, %mul3A_1064 : vector<16xf32>
        %mul3A_1066 = arith.mulf %get3A_946, %get3A_1045 : vector<16xf32>
        %add3A_1067 = arith.addf %scan3A_894, %mul3A_1066 : vector<16xf32>
        %mul3A_1068 = arith.mulf %get3A_949, %get3A_1053 : vector<16xf32>
        %add3A_1069 = arith.addf %add3A_1067, %mul3A_1068 : vector<16xf32>
        %mul3A_1070 = arith.constant 32 : i32
        %mul3A_1071 = arith.muli %scan3A_878, %mul3A_1070 : i32
        %get3A_1072 = arith.constant 9 : i32
        %get3A_1073 = arith.index_cast %get3A_1072 : i32 to index
        %get3A_1074 = arith.index_cast %mul3A_1071 : i32 to index
        %get3A_1075 = tpu.vector_load %arg12[%get3A_1073, %get3A_1074] {strides = array<i32>} : memref<10x1600xf32, #tpu.memory_space<vmem>>, vector<16xf32>,
        %mul3A_1076 = arith.constant 32 : i32
        %mul3A_1077 = arith.muli %scan3A_878, %mul3A_1076 : i32
        %add3A_1078 = arith.constant 16 : i32
        %add3A_1079 = arith.addi %mul3A_1077, %add3A_1078 : i32
        %get3A_1080 = arith.constant 9 : i32
        %get3A_1081 = arith.index_cast %get3A_1080 : i32 to index
        %get3A_1082 = arith.index_cast %add3A_1079 : i32 to index
        %get3A_1083 = tpu.vector_load %arg12[%get3A_1081, %get3A_1082] {strides = array<i32>} : memref<10x1600xf32, #tpu.memory_space<vmem>>, vector<16xf32>,
        %mul3A_1084 = arith.mulf %get3A_907, %get3A_1075 : vector<16xf32>
        %add3A_1085 = arith.addf %scan3A_895, %mul3A_1084 : vector<16xf32>
        %mul3A_1086 = arith.mulf %get3A_910, %get3A_1083 : vector<16xf32>
        %add3A_1087 = arith.addf %add3A_1085, %mul3A_1086 : vector<16xf32>
        %mul3A_1088 = arith.mulf %get3A_920, %get3A_1075 : vector<16xf32>
        %add3A_1089 = arith.addf %scan3A_896, %mul3A_1088 : vector<16xf32>
        %mul3A_1090 = arith.mulf %get3A_923, %get3A_1083 : vector<16xf32>
        %add3A_1091 = arith.addf %add3A_1089, %mul3A_1090 : vector<16xf32>
        %mul3A_1092 = arith.mulf %get3A_933, %get3A_1075 : vector<16xf32>
        %add3A_1093 = arith.addf %scan3A_897, %mul3A_1092 : vector<16xf32>
        %mul3A_1094 = arith.mulf %get3A_936, %get3A_1083 : vector<16xf32>
        %add3A_1095 = arith.addf %add3A_1093, %mul3A_1094 : vector<16xf32>
        %mul3A_1096 = arith.mulf %get3A_946, %get3A_1075 : vector<16xf32>
        %add3A_1097 = arith.addf %scan3A_898, %mul3A_1096 : vector<16xf32>
        %mul3A_1098 = arith.mulf %get3A_949, %get3A_1083 : vector<16xf32>
        %add3A_1099 = arith.addf %add3A_1097, %mul3A_1098 : vector<16xf32>
        scf.yield %add3A_967, %add3A_971, %add3A_975, %add3A_979, %add3A_997, %add3A_1001, %add3A_1005, %add3A_1009, %add3A_1027, %add3A_1031, %add3A_1035, %add3A_1039, %add3A_1057, %add3A_1061, %add3A_1065, %add3A_1069, %add3A_1087, %add3A_1091, %add3A_1095, %add3A_1099 : vector<16xf32>, vector<16xf32>, vector<16xf32>, vector<16xf32>, vector<16xf32>, vector<16xf32>, vector<16xf32>, vector<16xf32>, vector<16xf32>, vector<16xf32>, vector<16xf32>, vector<16xf32>, vector<16xf32>, vector<16xf32>, vector<16xf32>, vector<16xf32>, vector<16xf32>, vector<16xf32>, vector<16xf32>, vector<16xf32>
      }
      %scan3A_637 = arith.constant 50 : i32
      %cumsum3A_638 = arith.constant true
      %cumsum3A_639 = vector.broadcast %cumsum3A_638 : i1 to vector<16xi1>
      %cumsum3A_640 = tpu.scan <sum>, %scan3A_636#0 masked %cumsum3A_639 : vector<16xf32>, vector<16xi1> -> vector<16xf32>
      %mul3A_641 = arith.constant 4 : i32
      %mul3A_642 = arith.muli %scan3A_306, %mul3A_641 : i32
      %add3A_643 = arith.constant 0 : i32
      %add3A_644 = arith.addi %add3A_643, %mul3A_642 : i32
      %add3A_645 = arith.constant 0 : i32
      %add3A_646 = arith.addi %add3A_644, %add3A_645 : i32
      %broadcast_in_dim3A_647 = vector.broadcast %add3A_646 : i32 to vector<16xi32>
      %broadcast_in_dim3A_648 = arith.constant 5 : i32
      %broadcast_in_dim3A_649 = vector.broadcast %broadcast_in_dim3A_648 : i32 to vector<16xi32>
      tpu.vector_store_idx %arg16[%broadcast_in_dim3A_647, %broadcast_in_dim3A_649], %cumsum3A_640 masked %eq3A : memref<128x10xf32, #tpu.memory_space<vmem>>[vector<16xi32>, vector<16xi32>], vector<16xf32>, vector<16xi1>
      %cumsum3A_650 = arith.constant true
      %cumsum3A_651 = vector.broadcast %cumsum3A_650 : i1 to vector<16xi1>
      %cumsum3A_652 = tpu.scan <sum>, %scan3A_636#1 masked %cumsum3A_651 : vector<16xf32>, vector<16xi1> -> vector<16xf32>
      %mul3A_653 = arith.constant 4 : i32
      %mul3A_654 = arith.muli %scan3A_306, %mul3A_653 : i32
      %add3A_655 = arith.constant 0 : i32
      %add3A_656 = arith.addi %add3A_655, %mul3A_654 : i32
      %add3A_657 = arith.constant 1 : i32
      %add3A_658 = arith.addi %add3A_656, %add3A_657 : i32
      %broadcast_in_dim3A_659 = vector.broadcast %add3A_658 : i32 to vector<16xi32>
      %broadcast_in_dim3A_660 = arith.constant 5 : i32
      %broadcast_in_dim3A_661 = vector.broadcast %broadcast_in_dim3A_660 : i32 to vector<16xi32>
      tpu.vector_store_idx %arg16[%broadcast_in_dim3A_659, %broadcast_in_dim3A_661], %cumsum3A_652 masked %eq3A : memref<128x10xf32, #tpu.memory_space<vmem>>[vector<16xi32>, vector<16xi32>], vector<16xf32>, vector<16xi1>
      %cumsum3A_662 = arith.constant true
      %cumsum3A_663 = vector.broadcast %cumsum3A_662 : i1 to vector<16xi1>
      %cumsum3A_664 = tpu.scan <sum>, %scan3A_636#2 masked %cumsum3A_663 : vector<16xf32>, vector<16xi1> -> vector<16xf32>
      %mul3A_665 = arith.constant 4 : i32
      %mul3A_666 = arith.muli %scan3A_306, %mul3A_665 : i32
      %add3A_667 = arith.constant 0 : i32
      %add3A_668 = arith.addi %add3A_667, %mul3A_666 : i32
      %add3A_669 = arith.constant 2 : i32
      %add3A_670 = arith.addi %add3A_668, %add3A_669 : i32
      %broadcast_in_dim3A_671 = vector.broadcast %add3A_670 : i32 to vector<16xi32>
      %broadcast_in_dim3A_672 = arith.constant 5 : i32
      %broadcast_in_dim3A_673 = vector.broadcast %broadcast_in_dim3A_672 : i32 to vector<16xi32>
      tpu.vector_store_idx %arg16[%broadcast_in_dim3A_671, %broadcast_in_dim3A_673], %cumsum3A_664 masked %eq3A : memref<128x10xf32, #tpu.memory_space<vmem>>[vector<16xi32>, vector<16xi32>], vector<16xf32>, vector<16xi1>
      %cumsum3A_674 = arith.constant true
      %cumsum3A_675 = vector.broadcast %cumsum3A_674 : i1 to vector<16xi1>
      %cumsum3A_676 = tpu.scan <sum>, %scan3A_636#3 masked %cumsum3A_675 : vector<16xf32>, vector<16xi1> -> vector<16xf32>
      %mul3A_677 = arith.constant 4 : i32
      %mul3A_678 = arith.muli %scan3A_306, %mul3A_677 : i32
      %add3A_679 = arith.constant 0 : i32
      %add3A_680 = arith.addi %add3A_679, %mul3A_678 : i32
      %add3A_681 = arith.constant 3 : i32
      %add3A_682 = arith.addi %add3A_680, %add3A_681 : i32
      %broadcast_in_dim3A_683 = vector.broadcast %add3A_682 : i32 to vector<16xi32>
      %broadcast_in_dim3A_684 = arith.constant 5 : i32
      %broadcast_in_dim3A_685 = vector.broadcast %broadcast_in_dim3A_684 : i32 to vector<16xi32>
      tpu.vector_store_idx %arg16[%broadcast_in_dim3A_683, %broadcast_in_dim3A_685], %cumsum3A_676 masked %eq3A : memref<128x10xf32, #tpu.memory_space<vmem>>[vector<16xi32>, vector<16xi32>], vector<16xf32>, vector<16xi1>
      %cumsum3A_686 = arith.constant true
      %cumsum3A_687 = vector.broadcast %cumsum3A_686 : i1 to vector<16xi1>
      %cumsum3A_688 = tpu.scan <sum>, %scan3A_636#4 masked %cumsum3A_687 : vector<16xf32>, vector<16xi1> -> vector<16xf32>
      %mul3A_689 = arith.constant 4 : i32
      %mul3A_690 = arith.muli %scan3A_306, %mul3A_689 : i32
      %add3A_691 = arith.constant 0 : i32
      %add3A_692 = arith.addi %add3A_691, %mul3A_690 : i32
      %add3A_693 = arith.constant 0 : i32
      %add3A_694 = arith.addi %add3A_692, %add3A_693 : i32
      %broadcast_in_dim3A_695 = vector.broadcast %add3A_694 : i32 to vector<16xi32>
      %broadcast_in_dim3A_696 = arith.constant 6 : i32
      %broadcast_in_dim3A_697 = vector.broadcast %broadcast_in_dim3A_696 : i32 to vector<16xi32>
      tpu.vector_store_idx %arg16[%broadcast_in_dim3A_695, %broadcast_in_dim3A_697], %cumsum3A_688 masked %eq3A : memref<128x10xf32, #tpu.memory_space<vmem>>[vector<16xi32>, vector<16xi32>], vector<16xf32>, vector<16xi1>
      %cumsum3A_698 = arith.constant true
      %cumsum3A_699 = vector.broadcast %cumsum3A_698 : i1 to vector<16xi1>
      %cumsum3A_700 = tpu.scan <sum>, %scan3A_636#5 masked %cumsum3A_699 : vector<16xf32>, vector<16xi1> -> vector<16xf32>
      %mul3A_701 = arith.constant 4 : i32
      %mul3A_702 = arith.muli %scan3A_306, %mul3A_701 : i32
      %add3A_703 = arith.constant 0 : i32
      %add3A_704 = arith.addi %add3A_703, %mul3A_702 : i32
      %add3A_705 = arith.constant 1 : i32
      %add3A_706 = arith.addi %add3A_704, %add3A_705 : i32
      %broadcast_in_dim3A_707 = vector.broadcast %add3A_706 : i32 to vector<16xi32>
      %broadcast_in_dim3A_708 = arith.constant 6 : i32
      %broadcast_in_dim3A_709 = vector.broadcast %broadcast_in_dim3A_708 : i32 to vector<16xi32>
      tpu.vector_store_idx %arg16[%broadcast_in_dim3A_707, %broadcast_in_dim3A_709], %cumsum3A_700 masked %eq3A : memref<128x10xf32, #tpu.memory_space<vmem>>[vector<16xi32>, vector<16xi32>], vector<16xf32>, vector<16xi1>
      %cumsum3A_710 = arith.constant true
      %cumsum3A_711 = vector.broadcast %cumsum3A_710 : i1 to vector<16xi1>
      %cumsum3A_712 = tpu.scan <sum>, %scan3A_636#6 masked %cumsum3A_711 : vector<16xf32>, vector<16xi1> -> vector<16xf32>
      %mul3A_713 = arith.constant 4 : i32
      %mul3A_714 = arith.muli %scan3A_306, %mul3A_713 : i32
      %add3A_715 = arith.constant 0 : i32
      %add3A_716 = arith.addi %add3A_715, %mul3A_714 : i32
      %add3A_717 = arith.constant 2 : i32
      %add3A_718 = arith.addi %add3A_716, %add3A_717 : i32
      %broadcast_in_dim3A_719 = vector.broadcast %add3A_718 : i32 to vector<16xi32>
      %broadcast_in_dim3A_720 = arith.constant 6 : i32
      %broadcast_in_dim3A_721 = vector.broadcast %broadcast_in_dim3A_720 : i32 to vector<16xi32>
      tpu.vector_store_idx %arg16[%broadcast_in_dim3A_719, %broadcast_in_dim3A_721], %cumsum3A_712 masked %eq3A : memref<128x10xf32, #tpu.memory_space<vmem>>[vector<16xi32>, vector<16xi32>], vector<16xf32>, vector<16xi1>
      %cumsum3A_722 = arith.constant true
      %cumsum3A_723 = vector.broadcast %cumsum3A_722 : i1 to vector<16xi1>
      %cumsum3A_724 = tpu.scan <sum>, %scan3A_636#7 masked %cumsum3A_723 : vector<16xf32>, vector<16xi1> -> vector<16xf32>
      %mul3A_725 = arith.constant 4 : i32
      %mul3A_726 = arith.muli %scan3A_306, %mul3A_725 : i32
      %add3A_727 = arith.constant 0 : i32
      %add3A_728 = arith.addi %add3A_727, %mul3A_726 : i32
      %add3A_729 = arith.constant 3 : i32
      %add3A_730 = arith.addi %add3A_728, %add3A_729 : i32
      %broadcast_in_dim3A_731 = vector.broadcast %add3A_730 : i32 to vector<16xi32>
      %broadcast_in_dim3A_732 = arith.constant 6 : i32
      %broadcast_in_dim3A_733 = vector.broadcast %broadcast_in_dim3A_732 : i32 to vector<16xi32>
      tpu.vector_store_idx %arg16[%broadcast_in_dim3A_731, %broadcast_in_dim3A_733], %cumsum3A_724 masked %eq3A : memref<128x10xf32, #tpu.memory_space<vmem>>[vector<16xi32>, vector<16xi32>], vector<16xf32>, vector<16xi1>
      %cumsum3A_734 = arith.constant true
      %cumsum3A_735 = vector.broadcast %cumsum3A_734 : i1 to vector<16xi1>
      %cumsum3A_736 = tpu.scan <sum>, %scan3A_636#8 masked %cumsum3A_735 : vector<16xf32>, vector<16xi1> -> vector<16xf32>
      %mul3A_737 = arith.constant 4 : i32
      %mul3A_738 = arith.muli %scan3A_306, %mul3A_737 : i32
      %add3A_739 = arith.constant 0 : i32
      %add3A_740 = arith.addi %add3A_739, %mul3A_738 : i32
      %add3A_741 = arith.constant 0 : i32
      %add3A_742 = arith.addi %add3A_740, %add3A_741 : i32
      %broadcast_in_dim3A_743 = vector.broadcast %add3A_742 : i32 to vector<16xi32>
      %broadcast_in_dim3A_744 = arith.constant 7 : i32
      %broadcast_in_dim3A_745 = vector.broadcast %broadcast_in_dim3A_744 : i32 to vector<16xi32>
      tpu.vector_store_idx %arg16[%broadcast_in_dim3A_743, %broadcast_in_dim3A_745], %cumsum3A_736 masked %eq3A : memref<128x10xf32, #tpu.memory_space<vmem>>[vector<16xi32>, vector<16xi32>], vector<16xf32>, vector<16xi1>
      %cumsum3A_746 = arith.constant true
      %cumsum3A_747 = vector.broadcast %cumsum3A_746 : i1 to vector<16xi1>
      %cumsum3A_748 = tpu.scan <sum>, %scan3A_636#9 masked %cumsum3A_747 : vector<16xf32>, vector<16xi1> -> vector<16xf32>
      %mul3A_749 = arith.constant 4 : i32
      %mul3A_750 = arith.muli %scan3A_306, %mul3A_749 : i32
      %add3A_751 = arith.constant 0 : i32
      %add3A_752 = arith.addi %add3A_751, %mul3A_750 : i32
      %add3A_753 = arith.constant 1 : i32
      %add3A_754 = arith.addi %add3A_752, %add3A_753 : i32
      %broadcast_in_dim3A_755 = vector.broadcast %add3A_754 : i32 to vector<16xi32>
      %broadcast_in_dim3A_756 = arith.constant 7 : i32
      %broadcast_in_dim3A_757 = vector.broadcast %broadcast_in_dim3A_756 : i32 to vector<16xi32>
      tpu.vector_store_idx %arg16[%broadcast_in_dim3A_755, %broadcast_in_dim3A_757], %cumsum3A_748 masked %eq3A : memref<128x10xf32, #tpu.memory_space<vmem>>[vector<16xi32>, vector<16xi32>], vector<16xf32>, vector<16xi1>
      %cumsum3A_758 = arith.constant true
      %cumsum3A_759 = vector.broadcast %cumsum3A_758 : i1 to vector<16xi1>
      %cumsum3A_760 = tpu.scan <sum>, %scan3A_636#10 masked %cumsum3A_759 : vector<16xf32>, vector<16xi1> -> vector<16xf32>
      %mul3A_761 = arith.constant 4 : i32
      %mul3A_762 = arith.muli %scan3A_306, %mul3A_761 : i32
      %add3A_763 = arith.constant 0 : i32
      %add3A_764 = arith.addi %add3A_763, %mul3A_762 : i32
      %add3A_765 = arith.constant 2 : i32
      %add3A_766 = arith.addi %add3A_764, %add3A_765 : i32
      %broadcast_in_dim3A_767 = vector.broadcast %add3A_766 : i32 to vector<16xi32>
      %broadcast_in_dim3A_768 = arith.constant 7 : i32
      %broadcast_in_dim3A_769 = vector.broadcast %broadcast_in_dim3A_768 : i32 to vector<16xi32>
      tpu.vector_store_idx %arg16[%broadcast_in_dim3A_767, %broadcast_in_dim3A_769], %cumsum3A_760 masked %eq3A : memref<128x10xf32, #tpu.memory_space<vmem>>[vector<16xi32>, vector<16xi32>], vector<16xf32>, vector<16xi1>
      %cumsum3A_770 = arith.constant true
      %cumsum3A_771 = vector.broadcast %cumsum3A_770 : i1 to vector<16xi1>
      %cumsum3A_772 = tpu.scan <sum>, %scan3A_636#11 masked %cumsum3A_771 : vector<16xf32>, vector<16xi1> -> vector<16xf32>
      %mul3A_773 = arith.constant 4 : i32
      %mul3A_774 = arith.muli %scan3A_306, %mul3A_773 : i32
      %add3A_775 = arith.constant 0 : i32
      %add3A_776 = arith.addi %add3A_775, %mul3A_774 : i32
      %add3A_777 = arith.constant 3 : i32
      %add3A_778 = arith.addi %add3A_776, %add3A_777 : i32
      %broadcast_in_dim3A_779 = vector.broadcast %add3A_778 : i32 to vector<16xi32>
      %broadcast_in_dim3A_780 = arith.constant 7 : i32
      %broadcast_in_dim3A_781 = vector.broadcast %broadcast_in_dim3A_780 : i32 to vector<16xi32>
      tpu.vector_store_idx %arg16[%broadcast_in_dim3A_779, %broadcast_in_dim3A_781], %cumsum3A_772 masked %eq3A : memref<128x10xf32, #tpu.memory_space<vmem>>[vector<16xi32>, vector<16xi32>], vector<16xf32>, vector<16xi1>
      %cumsum3A_782 = arith.constant true
      %cumsum3A_783 = vector.broadcast %cumsum3A_782 : i1 to vector<16xi1>
      %cumsum3A_784 = tpu.scan <sum>, %scan3A_636#12 masked %cumsum3A_783 : vector<16xf32>, vector<16xi1> -> vector<16xf32>
      %mul3A_785 = arith.constant 4 : i32
      %mul3A_786 = arith.muli %scan3A_306, %mul3A_785 : i32
      %add3A_787 = arith.constant 0 : i32
      %add3A_788 = arith.addi %add3A_787, %mul3A_786 : i32
      %add3A_789 = arith.constant 0 : i32
      %add3A_790 = arith.addi %add3A_788, %add3A_789 : i32
      %broadcast_in_dim3A_791 = vector.broadcast %add3A_790 : i32 to vector<16xi32>
      %broadcast_in_dim3A_792 = arith.constant 8 : i32
      %broadcast_in_dim3A_793 = vector.broadcast %broadcast_in_dim3A_792 : i32 to vector<16xi32>
      tpu.vector_store_idx %arg16[%broadcast_in_dim3A_791, %broadcast_in_dim3A_793], %cumsum3A_784 masked %eq3A : memref<128x10xf32, #tpu.memory_space<vmem>>[vector<16xi32>, vector<16xi32>], vector<16xf32>, vector<16xi1>
      %cumsum3A_794 = arith.constant true
      %cumsum3A_795 = vector.broadcast %cumsum3A_794 : i1 to vector<16xi1>
      %cumsum3A_796 = tpu.scan <sum>, %scan3A_636#13 masked %cumsum3A_795 : vector<16xf32>, vector<16xi1> -> vector<16xf32>
      %mul3A_797 = arith.constant 4 : i32
      %mul3A_798 = arith.muli %scan3A_306, %mul3A_797 : i32
      %add3A_799 = arith.constant 0 : i32
      %add3A_800 = arith.addi %add3A_799, %mul3A_798 : i32
      %add3A_801 = arith.constant 1 : i32
      %add3A_802 = arith.addi %add3A_800, %add3A_801 : i32
      %broadcast_in_dim3A_803 = vector.broadcast %add3A_802 : i32 to vector<16xi32>
      %broadcast_in_dim3A_804 = arith.constant 8 : i32
      %broadcast_in_dim3A_805 = vector.broadcast %broadcast_in_dim3A_804 : i32 to vector<16xi32>
      tpu.vector_store_idx %arg16[%broadcast_in_dim3A_803, %broadcast_in_dim3A_805], %cumsum3A_796 masked %eq3A : memref<128x10xf32, #tpu.memory_space<vmem>>[vector<16xi32>, vector<16xi32>], vector<16xf32>, vector<16xi1>
      %cumsum3A_806 = arith.constant true
      %cumsum3A_807 = vector.broadcast %cumsum3A_806 : i1 to vector<16xi1>
      %cumsum3A_808 = tpu.scan <sum>, %scan3A_636#14 masked %cumsum3A_807 : vector<16xf32>, vector<16xi1> -> vector<16xf32>
      %mul3A_809 = arith.constant 4 : i32
      %mul3A_810 = arith.muli %scan3A_306, %mul3A_809 : i32
      %add3A_811 = arith.constant 0 : i32
      %add3A_812 = arith.addi %add3A_811, %mul3A_810 : i32
      %add3A_813 = arith.constant 2 : i32
      %add3A_814 = arith.addi %add3A_812, %add3A_813 : i32
      %broadcast_in_dim3A_815 = vector.broadcast %add3A_814 : i32 to vector<16xi32>
      %broadcast_in_dim3A_816 = arith.constant 8 : i32
      %broadcast_in_dim3A_817 = vector.broadcast %broadcast_in_dim3A_816 : i32 to vector<16xi32>
      tpu.vector_store_idx %arg16[%broadcast_in_dim3A_815, %broadcast_in_dim3A_817], %cumsum3A_808 masked %eq3A : memref<128x10xf32, #tpu.memory_space<vmem>>[vector<16xi32>, vector<16xi32>], vector<16xf32>, vector<16xi1>
      %cumsum3A_818 = arith.constant true
      %cumsum3A_819 = vector.broadcast %cumsum3A_818 : i1 to vector<16xi1>
      %cumsum3A_820 = tpu.scan <sum>, %scan3A_636#15 masked %cumsum3A_819 : vector<16xf32>, vector<16xi1> -> vector<16xf32>
      %mul3A_821 = arith.constant 4 : i32
      %mul3A_822 = arith.muli %scan3A_306, %mul3A_821 : i32
      %add3A_823 = arith.constant 0 : i32
      %add3A_824 = arith.addi %add3A_823, %mul3A_822 : i32
      %add3A_825 = arith.constant 3 : i32
      %add3A_826 = arith.addi %add3A_824, %add3A_825 : i32
      %broadcast_in_dim3A_827 = vector.broadcast %add3A_826 : i32 to vector<16xi32>
      %broadcast_in_dim3A_828 = arith.constant 8 : i32
      %broadcast_in_dim3A_829 = vector.broadcast %broadcast_in_dim3A_828 : i32 to vector<16xi32>
      tpu.vector_store_idx %arg16[%broadcast_in_dim3A_827, %broadcast_in_dim3A_829], %cumsum3A_820 masked %eq3A : memref<128x10xf32, #tpu.memory_space<vmem>>[vector<16xi32>, vector<16xi32>], vector<16xf32>, vector<16xi1>
      %cumsum3A_830 = arith.constant true
      %cumsum3A_831 = vector.broadcast %cumsum3A_830 : i1 to vector<16xi1>
      %cumsum3A_832 = tpu.scan <sum>, %scan3A_636#16 masked %cumsum3A_831 : vector<16xf32>, vector<16xi1> -> vector<16xf32>
      %mul3A_833 = arith.constant 4 : i32
      %mul3A_834 = arith.muli %scan3A_306, %mul3A_833 : i32
      %add3A_835 = arith.constant 0 : i32
      %add3A_836 = arith.addi %add3A_835, %mul3A_834 : i32
      %add3A_837 = arith.constant 0 : i32
      %add3A_838 = arith.addi %add3A_836, %add3A_837 : i32
      %broadcast_in_dim3A_839 = vector.broadcast %add3A_838 : i32 to vector<16xi32>
      %broadcast_in_dim3A_840 = arith.constant 9 : i32
      %broadcast_in_dim3A_841 = vector.broadcast %broadcast_in_dim3A_840 : i32 to vector<16xi32>
      tpu.vector_store_idx %arg16[%broadcast_in_dim3A_839, %broadcast_in_dim3A_841], %cumsum3A_832 masked %eq3A : memref<128x10xf32, #tpu.memory_space<vmem>>[vector<16xi32>, vector<16xi32>], vector<16xf32>, vector<16xi1>
      %cumsum3A_842 = arith.constant true
      %cumsum3A_843 = vector.broadcast %cumsum3A_842 : i1 to vector<16xi1>
      %cumsum3A_844 = tpu.scan <sum>, %scan3A_636#17 masked %cumsum3A_843 : vector<16xf32>, vector<16xi1> -> vector<16xf32>
      %mul3A_845 = arith.constant 4 : i32
      %mul3A_846 = arith.muli %scan3A_306, %mul3A_845 : i32
      %add3A_847 = arith.constant 0 : i32
      %add3A_848 = arith.addi %add3A_847, %mul3A_846 : i32
      %add3A_849 = arith.constant 1 : i32
      %add3A_850 = arith.addi %add3A_848, %add3A_849 : i32
      %broadcast_in_dim3A_851 = vector.broadcast %add3A_850 : i32 to vector<16xi32>
      %broadcast_in_dim3A_852 = arith.constant 9 : i32
      %broadcast_in_dim3A_853 = vector.broadcast %broadcast_in_dim3A_852 : i32 to vector<16xi32>
      tpu.vector_store_idx %arg16[%broadcast_in_dim3A_851, %broadcast_in_dim3A_853], %cumsum3A_844 masked %eq3A : memref<128x10xf32, #tpu.memory_space<vmem>>[vector<16xi32>, vector<16xi32>], vector<16xf32>, vector<16xi1>
      %cumsum3A_854 = arith.constant true
      %cumsum3A_855 = vector.broadcast %cumsum3A_854 : i1 to vector<16xi1>
      %cumsum3A_856 = tpu.scan <sum>, %scan3A_636#18 masked %cumsum3A_855 : vector<16xf32>, vector<16xi1> -> vector<16xf32>
      %mul3A_857 = arith.constant 4 : i32
      %mul3A_858 = arith.muli %scan3A_306, %mul3A_857 : i32
      %add3A_859 = arith.constant 0 : i32
      %add3A_860 = arith.addi %add3A_859, %mul3A_858 : i32
      %add3A_861 = arith.constant 2 : i32
      %add3A_862 = arith.addi %add3A_860, %add3A_861 : i32
      %broadcast_in_dim3A_863 = vector.broadcast %add3A_862 : i32 to vector<16xi32>
      %broadcast_in_dim3A_864 = arith.constant 9 : i32
      %broadcast_in_dim3A_865 = vector.broadcast %broadcast_in_dim3A_864 : i32 to vector<16xi32>
      tpu.vector_store_idx %arg16[%broadcast_in_dim3A_863, %broadcast_in_dim3A_865], %cumsum3A_856 masked %eq3A : memref<128x10xf32, #tpu.memory_space<vmem>>[vector<16xi32>, vector<16xi32>], vector<16xf32>, vector<16xi1>
      %cumsum3A_866 = arith.constant true
      %cumsum3A_867 = vector.broadcast %cumsum3A_866 : i1 to vector<16xi1>
      %cumsum3A_868 = tpu.scan <sum>, %scan3A_636#19 masked %cumsum3A_867 : vector<16xf32>, vector<16xi1> -> vector<16xf32>
      %mul3A_869 = arith.constant 4 : i32
      %mul3A_870 = arith.muli %scan3A_306, %mul3A_869 : i32
      %add3A_871 = arith.constant 0 : i32
      %add3A_872 = arith.addi %add3A_871, %mul3A_870 : i32
      %add3A_873 = arith.constant 3 : i32
      %add3A_874 = arith.addi %add3A_872, %add3A_873 : i32
      %broadcast_in_dim3A_875 = vector.broadcast %add3A_874 : i32 to vector<16xi32>
      %broadcast_in_dim3A_876 = arith.constant 9 : i32
      %broadcast_in_dim3A_877 = vector.broadcast %broadcast_in_dim3A_876 : i32 to vector<16xi32>
      tpu.vector_store_idx %arg16[%broadcast_in_dim3A_875, %broadcast_in_dim3A_877], %cumsum3A_868 masked %eq3A : memref<128x10xf32, #tpu.memory_space<vmem>>[vector<16xi32>, vector<16xi32>], vector<16xf32>, vector<16xi1>
    }
    %scan3A_81 = arith.constant 16 : i32
    %mul3A_82 = arith.constant 50 : i32
    %mul3A_83 = arith.muli %add3A, %mul3A_82 : i32
    %add3A_84 = arith.constant 25 : i32
    %add3A_85 = arith.addi %mul3A_83, %add3A_84 : i32
    "tpu.region"() ({
      %run_scoped3A = tpu.sem_alloc : memref<!tpu.dma_semaphore, #tpu.memory_space<semaphore_mem>>
      %dma_start3A = arith.constant 0 : i32
      %dma_start3A_306 = tpu.memref_slice %arg2[%add3A_85, %dma_start3A] : memref<1600x128xi32, #tpu.memory_space<hbm>> -> memref<25x128xi32, #tpu.memory_space<hbm>>
      %dma_start3A_307 = arith.constant 0 : i32
      %dma_start3A_308 = tpu.memref_slice %arg2[%add3A_85, %dma_start3A_307] : memref<1600x128xi32, #tpu.memory_space<hbm>> -> memref<25x128xi32, #tpu.memory_space<hbm>>
      tpu.enqueue_dma source(%dma_start3A_308 : memref<25x128xi32, #tpu.memory_space<hbm>>) target(%arg9 : memref<25x128xi32, #tpu.memory_space<vmem>>) target_semaphore(%run_scoped3A : memref<!tpu.dma_semaphore, #tpu.memory_space<semaphore_mem>>)
      %dma_wait3A_309 = arith.constant 0 : i32
      %dma_wait3A_310 = tpu.memref_slice %arg2[%add3A_85, %dma_wait3A_309] : memref<1600x128xi32, #tpu.memory_space<hbm>> -> memref<25x128xi32, #tpu.memory_space<hbm>>
      %dma_wait3A_311 = arith.constant 0 : i32
      %dma_wait3A_312 = tpu.memref_slice %arg2[%add3A_85, %dma_wait3A_311] : memref<1600x128xi32, #tpu.memory_space<hbm>> -> memref<25x128xi32, #tpu.memory_space<hbm>>
      tpu.wait_dma2 semaphore(%run_scoped3A : memref<!tpu.dma_semaphore, #tpu.memory_space<semaphore_mem>>) src(%dma_wait3A_312 : memref<25x128xi32, #tpu.memory_space<hbm>>) dst(%arg9 : memref<25x128xi32, #tpu.memory_space<vmem>>)
      tpu.yield
    }) : () -> ()
    %scan3A_86 = arith.constant 0 : i32
    %scan3A_87 = arith.constant 0 : i32
    %scan3A_88 = arith.constant 25 : i32
    %scan3A_89 = arith.addi %scan3A_87, %scan3A_88 : i32
    %scan3A_90 = arith.constant 1 : i32
    scf.for %scan3A_306 = %scan3A_87 to %scan3A_89 step %scan3A_90  : i32 {
      %mul3A_307 = arith.constant 128 : i32
      %mul3A_308 = arith.muli %scan3A_306, %mul3A_307 : i32
      %dma_start3A = arith.constant 0 : i32
      %dma_start3A_309 = tpu.memref_slice %arg10[%mul3A_308, %dma_start3A] : memref<3200x32xf32, #tpu.memory_space<vmem>> -> memref<128x32xf32, #tpu.memory_space<vmem>>
      %dma_start3A_310 = arith.constant 0 : i32
      %dma_start3A_311 = tpu.memref_slice %arg9[%scan3A_306, %dma_start3A_310] : memref<25x128xi32, #tpu.memory_space<vmem>> -> memref<1x128xi32, #tpu.memory_space<vmem>>
      %dma_start3A_312 = tpu.memref_squeeze %dma_start3A_311 : memref<1x128xi32, #tpu.memory_space<vmem>> -> memref<128xi32, #tpu.memory_space<vmem>>
      %dma_start3A_313 = arith.constant 0 : i32
      %dma_start3A_314 = arith.constant 0 : i32
      %dma_start3A_315 = tpu.memref_slice %arg3[%dma_start3A_313, %dma_start3A_314] : memref<1000011x32xf32, #tpu.memory_space<hbm>> -> memref<1000011x32xf32, #tpu.memory_space<hbm>>
      tpu.enqueue_indirect_dma source(%dma_start3A_315 : memref<1000011x32xf32, #tpu.memory_space<hbm>>) target(%dma_start3A_309 : memref<128x32xf32, #tpu.memory_space<vmem>>) offsets(%dma_start3A_312 : memref<128xi32, #tpu.memory_space<vmem>>) semaphore(%arg18 : memref<!tpu.dma_semaphore, #tpu.memory_space<semaphore_mem>>)
    }
    %scan3A_91 = arith.constant 25 : i32
    %dma_wait3A_92 = arith.constant 0 : i32
    %dma_wait3A_93 = arith.constant 0 : i32
    %dma_wait3A_94 = tpu.memref_slice %arg3[%dma_wait3A_92, %dma_wait3A_93] : memref<1000011x32xf32, #tpu.memory_space<hbm>> -> memref<3200x32xf32, #tpu.memory_space<hbm>>
    %dma_wait3A_95 = arith.constant 0 : i32
    %dma_wait3A_96 = arith.constant 0 : i32
    %dma_wait3A_97 = tpu.memref_slice %arg3[%dma_wait3A_95, %dma_wait3A_96] : memref<1000011x32xf32, #tpu.memory_space<hbm>> -> memref<3200x32xf32, #tpu.memory_space<hbm>>
    tpu.wait_dma2 semaphore(%arg18 : memref<!tpu.dma_semaphore, #tpu.memory_space<semaphore_mem>>) src(%dma_wait3A_97 : memref<3200x32xf32, #tpu.memory_space<hbm>>) dst(%arg10 : memref<3200x32xf32, #tpu.memory_space<vmem>>)
    %scan3A_98 = arith.constant 0 : i32
    %scan3A_99 = arith.constant 0 : i32
    %scan3A_100 = arith.constant 16 : i32
    %scan3A_101 = arith.addi %scan3A_99, %scan3A_100 : i32
    %scan3A_102 = arith.constant 1 : i32
    scf.for %scan3A_306 = %scan3A_99 to %scan3A_101 step %scan3A_102  : i32 {
      %broadcast_in_dim3A_307 = arith.constant 0.000000e+00 : f32
      %broadcast_in_dim3A_308 = vector.broadcast %broadcast_in_dim3A_307 : f32 to vector<16xf32>
      %broadcast_in_dim3A_309 = arith.constant 0.000000e+00 : f32
      %broadcast_in_dim3A_310 = vector.broadcast %broadcast_in_dim3A_309 : f32 to vector<16xf32>
      %broadcast_in_dim3A_311 = arith.constant 0.000000e+00 : f32
      %broadcast_in_dim3A_312 = vector.broadcast %broadcast_in_dim3A_311 : f32 to vector<16xf32>
      %broadcast_in_dim3A_313 = arith.constant 0.000000e+00 : f32
      %broadcast_in_dim3A_314 = vector.broadcast %broadcast_in_dim3A_313 : f32 to vector<16xf32>
      %broadcast_in_dim3A_315 = arith.constant 0.000000e+00 : f32
      %broadcast_in_dim3A_316 = vector.broadcast %broadcast_in_dim3A_315 : f32 to vector<16xf32>
      %broadcast_in_dim3A_317 = arith.constant 0.000000e+00 : f32
      %broadcast_in_dim3A_318 = vector.broadcast %broadcast_in_dim3A_317 : f32 to vector<16xf32>
      %broadcast_in_dim3A_319 = arith.constant 0.000000e+00 : f32
      %broadcast_in_dim3A_320 = vector.broadcast %broadcast_in_dim3A_319 : f32 to vector<16xf32>
      %broadcast_in_dim3A_321 = arith.constant 0.000000e+00 : f32
      %broadcast_in_dim3A_322 = vector.broadcast %broadcast_in_dim3A_321 : f32 to vector<16xf32>
      %broadcast_in_dim3A_323 = arith.constant 0.000000e+00 : f32
      %broadcast_in_dim3A_324 = vector.broadcast %broadcast_in_dim3A_323 : f32 to vector<16xf32>
      %broadcast_in_dim3A_325 = arith.constant 0.000000e+00 : f32
      %broadcast_in_dim3A_326 = vector.broadcast %broadcast_in_dim3A_325 : f32 to vector<16xf32>
      %broadcast_in_dim3A_327 = arith.constant 0.000000e+00 : f32
      %broadcast_in_dim3A_328 = vector.broadcast %broadcast_in_dim3A_327 : f32 to vector<16xf32>
      %broadcast_in_dim3A_329 = arith.constant 0.000000e+00 : f32
      %broadcast_in_dim3A_330 = vector.broadcast %broadcast_in_dim3A_329 : f32 to vector<16xf32>
      %broadcast_in_dim3A_331 = arith.constant 0.000000e+00 : f32
      %broadcast_in_dim3A_332 = vector.broadcast %broadcast_in_dim3A_331 : f32 to vector<16xf32>
      %broadcast_in_dim3A_333 = arith.constant 0.000000e+00 : f32
      %broadcast_in_dim3A_334 = vector.broadcast %broadcast_in_dim3A_333 : f32 to vector<16xf32>
      %broadcast_in_dim3A_335 = arith.constant 0.000000e+00 : f32
      %broadcast_in_dim3A_336 = vector.broadcast %broadcast_in_dim3A_335 : f32 to vector<16xf32>
      %broadcast_in_dim3A_337 = arith.constant 0.000000e+00 : f32
      %broadcast_in_dim3A_338 = vector.broadcast %broadcast_in_dim3A_337 : f32 to vector<16xf32>
      %broadcast_in_dim3A_339 = arith.constant 0.000000e+00 : f32
      %broadcast_in_dim3A_340 = vector.broadcast %broadcast_in_dim3A_339 : f32 to vector<16xf32>
      %broadcast_in_dim3A_341 = arith.constant 0.000000e+00 : f32
      %broadcast_in_dim3A_342 = vector.broadcast %broadcast_in_dim3A_341 : f32 to vector<16xf32>
      %broadcast_in_dim3A_343 = arith.constant 0.000000e+00 : f32
      %broadcast_in_dim3A_344 = vector.broadcast %broadcast_in_dim3A_343 : f32 to vector<16xf32>
      %broadcast_in_dim3A_345 = arith.constant 0.000000e+00 : f32
      %broadcast_in_dim3A_346 = vector.broadcast %broadcast_in_dim3A_345 : f32 to vector<16xf32>
      %scan3A_347 = arith.constant 0 : i32
      %scan3A_348 = arith.constant 50 : i32
      %scan3A_349 = arith.addi %scan3A_347, %scan3A_348 : i32
      %scan3A_350 = arith.constant 1 : i32
      %scan3A_351:20 = scf.for %scan3A_878 = %scan3A_347 to %scan3A_349 step %scan3A_350 iter_args(%scan3A_879 = %broadcast_in_dim3A_308, %scan3A_880 = %broadcast_in_dim3A_310, %scan3A_881 = %broadcast_in_dim3A_312, %scan3A_882 = %broadcast_in_dim3A_314, %scan3A_883 = %broadcast_in_dim3A_316, %scan3A_884 = %broadcast_in_dim3A_318, %scan3A_885 = %broadcast_in_dim3A_320, %scan3A_886 = %broadcast_in_dim3A_322, %scan3A_887 = %broadcast_in_dim3A_324, %scan3A_888 = %broadcast_in_dim3A_326, %scan3A_889 = %broadcast_in_dim3A_328, %scan3A_890 = %broadcast_in_dim3A_330, %scan3A_891 = %broadcast_in_dim3A_332, %scan3A_892 = %broadcast_in_dim3A_334, %scan3A_893 = %broadcast_in_dim3A_336, %scan3A_894 = %broadcast_in_dim3A_338, %scan3A_895 = %broadcast_in_dim3A_340, %scan3A_896 = %broadcast_in_dim3A_342, %scan3A_897 = %broadcast_in_dim3A_344, %scan3A_898 = %broadcast_in_dim3A_346) -> (vector<16xf32>, vector<16xf32>, vector<16xf32>, vector<16xf32>, vector<16xf32>, vector<16xf32>, vector<16xf32>, vector<16xf32>, vector<16xf32>, vector<16xf32>, vector<16xf32>, vector<16xf32>, vector<16xf32>, vector<16xf32>, vector<16xf32>, vector<16xf32>, vector<16xf32>, vector<16xf32>, vector<16xf32>, vector<16xf32>)  : i32 {
        %mul3A_899 = arith.constant 4 : i32
        %mul3A_900 = arith.muli %scan3A_306, %mul3A_899 : i32
        %add3A_901 = arith.constant 0 : i32
        %add3A_902 = arith.addi %mul3A_900, %add3A_901 : i32
        %mul3A_903 = arith.constant 50 : i32
        %mul3A_904 = arith.muli %add3A_902, %mul3A_903 : i32
        %add3A_905 = arith.addi %mul3A_904, %scan3A_878 : i32
        %get3A = arith.index_cast %add3A_905 : i32 to index
        %get3A_906 = arith.constant 0 : index
        %get3A_907 = tpu.vector_load %arg10[%get3A, %get3A_906] {strides = array<i32>} : memref<3200x32xf32, #tpu.memory_space<vmem>>, vector<16xf32>,
        %get3A_908 = arith.index_cast %add3A_905 : i32 to index
        %get3A_909 = arith.constant 16 : index
        %get3A_910 = tpu.vector_load %arg10[%get3A_908, %get3A_909] {strides = array<i32>} : memref<3200x32xf32, #tpu.memory_space<vmem>>, vector<16xf32>,
        %mul3A_911 = arith.constant 4 : i32
        %mul3A_912 = arith.muli %scan3A_306, %mul3A_911 : i32
        %add3A_913 = arith.constant 1 : i32
        %add3A_914 = arith.addi %mul3A_912, %add3A_913 : i32
        %mul3A_915 = arith.constant 50 : i32
        %mul3A_916 = arith.muli %add3A_914, %mul3A_915 : i32
        %add3A_917 = arith.addi %mul3A_916, %scan3A_878 : i32
        %get3A_918 = arith.index_cast %add3A_917 : i32 to index
        %get3A_919 = arith.constant 0 : index
        %get3A_920 = tpu.vector_load %arg10[%get3A_918, %get3A_919] {strides = array<i32>} : memref<3200x32xf32, #tpu.memory_space<vmem>>, vector<16xf32>,
        %get3A_921 = arith.index_cast %add3A_917 : i32 to index
        %get3A_922 = arith.constant 16 : index
        %get3A_923 = tpu.vector_load %arg10[%get3A_921, %get3A_922] {strides = array<i32>} : memref<3200x32xf32, #tpu.memory_space<vmem>>, vector<16xf32>,
        %mul3A_924 = arith.constant 4 : i32
        %mul3A_925 = arith.muli %scan3A_306, %mul3A_924 : i32
        %add3A_926 = arith.constant 2 : i32
        %add3A_927 = arith.addi %mul3A_925, %add3A_926 : i32
        %mul3A_928 = arith.constant 50 : i32
        %mul3A_929 = arith.muli %add3A_927, %mul3A_928 : i32
        %add3A_930 = arith.addi %mul3A_929, %scan3A_878 : i32
        %get3A_931 = arith.index_cast %add3A_930 : i32 to index
        %get3A_932 = arith.constant 0 : index
        %get3A_933 = tpu.vector_load %arg10[%get3A_931, %get3A_932] {strides = array<i32>} : memref<3200x32xf32, #tpu.memory_space<vmem>>, vector<16xf32>,
        %get3A_934 = arith.index_cast %add3A_930 : i32 to index
        %get3A_935 = arith.constant 16 : index
        %get3A_936 = tpu.vector_load %arg10[%get3A_934, %get3A_935] {strides = array<i32>} : memref<3200x32xf32, #tpu.memory_space<vmem>>, vector<16xf32>,
        %mul3A_937 = arith.constant 4 : i32
        %mul3A_938 = arith.muli %scan3A_306, %mul3A_937 : i32
        %add3A_939 = arith.constant 3 : i32
        %add3A_940 = arith.addi %mul3A_938, %add3A_939 : i32
        %mul3A_941 = arith.constant 50 : i32
        %mul3A_942 = arith.muli %add3A_940, %mul3A_941 : i32
        %add3A_943 = arith.addi %mul3A_942, %scan3A_878 : i32
        %get3A_944 = arith.index_cast %add3A_943 : i32 to index
        %get3A_945 = arith.constant 0 : index
        %get3A_946 = tpu.vector_load %arg10[%get3A_944, %get3A_945] {strides = array<i32>} : memref<3200x32xf32, #tpu.memory_space<vmem>>, vector<16xf32>,
        %get3A_947 = arith.index_cast %add3A_943 : i32 to index
        %get3A_948 = arith.constant 16 : index
        %get3A_949 = tpu.vector_load %arg10[%get3A_947, %get3A_948] {strides = array<i32>} : memref<3200x32xf32, #tpu.memory_space<vmem>>, vector<16xf32>,
        %mul3A_950 = arith.constant 32 : i32
        %mul3A_951 = arith.muli %scan3A_878, %mul3A_950 : i32
        %get3A_952 = arith.constant 0 : i32
        %get3A_953 = arith.index_cast %get3A_952 : i32 to index
        %get3A_954 = arith.index_cast %mul3A_951 : i32 to index
        %get3A_955 = tpu.vector_load %arg12[%get3A_953, %get3A_954] {strides = array<i32>} : memref<10x1600xf32, #tpu.memory_space<vmem>>, vector<16xf32>,
        %mul3A_956 = arith.constant 32 : i32
        %mul3A_957 = arith.muli %scan3A_878, %mul3A_956 : i32
        %add3A_958 = arith.constant 16 : i32
        %add3A_959 = arith.addi %mul3A_957, %add3A_958 : i32
        %get3A_960 = arith.constant 0 : i32
        %get3A_961 = arith.index_cast %get3A_960 : i32 to index
        %get3A_962 = arith.index_cast %add3A_959 : i32 to index
        %get3A_963 = tpu.vector_load %arg12[%get3A_961, %get3A_962] {strides = array<i32>} : memref<10x1600xf32, #tpu.memory_space<vmem>>, vector<16xf32>,
        %mul3A_964 = arith.mulf %get3A_907, %get3A_955 : vector<16xf32>
        %add3A_965 = arith.addf %scan3A_879, %mul3A_964 : vector<16xf32>
        %mul3A_966 = arith.mulf %get3A_910, %get3A_963 : vector<16xf32>
        %add3A_967 = arith.addf %add3A_965, %mul3A_966 : vector<16xf32>
        %mul3A_968 = arith.mulf %get3A_920, %get3A_955 : vector<16xf32>
        %add3A_969 = arith.addf %scan3A_880, %mul3A_968 : vector<16xf32>
        %mul3A_970 = arith.mulf %get3A_923, %get3A_963 : vector<16xf32>
        %add3A_971 = arith.addf %add3A_969, %mul3A_970 : vector<16xf32>
        %mul3A_972 = arith.mulf %get3A_933, %get3A_955 : vector<16xf32>
        %add3A_973 = arith.addf %scan3A_881, %mul3A_972 : vector<16xf32>
        %mul3A_974 = arith.mulf %get3A_936, %get3A_963 : vector<16xf32>
        %add3A_975 = arith.addf %add3A_973, %mul3A_974 : vector<16xf32>
        %mul3A_976 = arith.mulf %get3A_946, %get3A_955 : vector<16xf32>
        %add3A_977 = arith.addf %scan3A_882, %mul3A_976 : vector<16xf32>
        %mul3A_978 = arith.mulf %get3A_949, %get3A_963 : vector<16xf32>
        %add3A_979 = arith.addf %add3A_977, %mul3A_978 : vector<16xf32>
        %mul3A_980 = arith.constant 32 : i32
        %mul3A_981 = arith.muli %scan3A_878, %mul3A_980 : i32
        %get3A_982 = arith.constant 1 : i32
        %get3A_983 = arith.index_cast %get3A_982 : i32 to index
        %get3A_984 = arith.index_cast %mul3A_981 : i32 to index
        %get3A_985 = tpu.vector_load %arg12[%get3A_983, %get3A_984] {strides = array<i32>} : memref<10x1600xf32, #tpu.memory_space<vmem>>, vector<16xf32>,
        %mul3A_986 = arith.constant 32 : i32
        %mul3A_987 = arith.muli %scan3A_878, %mul3A_986 : i32
        %add3A_988 = arith.constant 16 : i32
        %add3A_989 = arith.addi %mul3A_987, %add3A_988 : i32
        %get3A_990 = arith.constant 1 : i32
        %get3A_991 = arith.index_cast %get3A_990 : i32 to index
        %get3A_992 = arith.index_cast %add3A_989 : i32 to index
        %get3A_993 = tpu.vector_load %arg12[%get3A_991, %get3A_992] {strides = array<i32>} : memref<10x1600xf32, #tpu.memory_space<vmem>>, vector<16xf32>,
        %mul3A_994 = arith.mulf %get3A_907, %get3A_985 : vector<16xf32>
        %add3A_995 = arith.addf %scan3A_883, %mul3A_994 : vector<16xf32>
        %mul3A_996 = arith.mulf %get3A_910, %get3A_993 : vector<16xf32>
        %add3A_997 = arith.addf %add3A_995, %mul3A_996 : vector<16xf32>
        %mul3A_998 = arith.mulf %get3A_920, %get3A_985 : vector<16xf32>
        %add3A_999 = arith.addf %scan3A_884, %mul3A_998 : vector<16xf32>
        %mul3A_1000 = arith.mulf %get3A_923, %get3A_993 : vector<16xf32>
        %add3A_1001 = arith.addf %add3A_999, %mul3A_1000 : vector<16xf32>
        %mul3A_1002 = arith.mulf %get3A_933, %get3A_985 : vector<16xf32>
        %add3A_1003 = arith.addf %scan3A_885, %mul3A_1002 : vector<16xf32>
        %mul3A_1004 = arith.mulf %get3A_936, %get3A_993 : vector<16xf32>
        %add3A_1005 = arith.addf %add3A_1003, %mul3A_1004 : vector<16xf32>
        %mul3A_1006 = arith.mulf %get3A_946, %get3A_985 : vector<16xf32>
        %add3A_1007 = arith.addf %scan3A_886, %mul3A_1006 : vector<16xf32>
        %mul3A_1008 = arith.mulf %get3A_949, %get3A_993 : vector<16xf32>
        %add3A_1009 = arith.addf %add3A_1007, %mul3A_1008 : vector<16xf32>
        %mul3A_1010 = arith.constant 32 : i32
        %mul3A_1011 = arith.muli %scan3A_878, %mul3A_1010 : i32
        %get3A_1012 = arith.constant 2 : i32
        %get3A_1013 = arith.index_cast %get3A_1012 : i32 to index
        %get3A_1014 = arith.index_cast %mul3A_1011 : i32 to index
        %get3A_1015 = tpu.vector_load %arg12[%get3A_1013, %get3A_1014] {strides = array<i32>} : memref<10x1600xf32, #tpu.memory_space<vmem>>, vector<16xf32>,
        %mul3A_1016 = arith.constant 32 : i32
        %mul3A_1017 = arith.muli %scan3A_878, %mul3A_1016 : i32
        %add3A_1018 = arith.constant 16 : i32
        %add3A_1019 = arith.addi %mul3A_1017, %add3A_1018 : i32
        %get3A_1020 = arith.constant 2 : i32
        %get3A_1021 = arith.index_cast %get3A_1020 : i32 to index
        %get3A_1022 = arith.index_cast %add3A_1019 : i32 to index
        %get3A_1023 = tpu.vector_load %arg12[%get3A_1021, %get3A_1022] {strides = array<i32>} : memref<10x1600xf32, #tpu.memory_space<vmem>>, vector<16xf32>,
        %mul3A_1024 = arith.mulf %get3A_907, %get3A_1015 : vector<16xf32>
        %add3A_1025 = arith.addf %scan3A_887, %mul3A_1024 : vector<16xf32>
        %mul3A_1026 = arith.mulf %get3A_910, %get3A_1023 : vector<16xf32>
        %add3A_1027 = arith.addf %add3A_1025, %mul3A_1026 : vector<16xf32>
        %mul3A_1028 = arith.mulf %get3A_920, %get3A_1015 : vector<16xf32>
        %add3A_1029 = arith.addf %scan3A_888, %mul3A_1028 : vector<16xf32>
        %mul3A_1030 = arith.mulf %get3A_923, %get3A_1023 : vector<16xf32>
        %add3A_1031 = arith.addf %add3A_1029, %mul3A_1030 : vector<16xf32>
        %mul3A_1032 = arith.mulf %get3A_933, %get3A_1015 : vector<16xf32>
        %add3A_1033 = arith.addf %scan3A_889, %mul3A_1032 : vector<16xf32>
        %mul3A_1034 = arith.mulf %get3A_936, %get3A_1023 : vector<16xf32>
        %add3A_1035 = arith.addf %add3A_1033, %mul3A_1034 : vector<16xf32>
        %mul3A_1036 = arith.mulf %get3A_946, %get3A_1015 : vector<16xf32>
        %add3A_1037 = arith.addf %scan3A_890, %mul3A_1036 : vector<16xf32>
        %mul3A_1038 = arith.mulf %get3A_949, %get3A_1023 : vector<16xf32>
        %add3A_1039 = arith.addf %add3A_1037, %mul3A_1038 : vector<16xf32>
        %mul3A_1040 = arith.constant 32 : i32
        %mul3A_1041 = arith.muli %scan3A_878, %mul3A_1040 : i32
        %get3A_1042 = arith.constant 3 : i32
        %get3A_1043 = arith.index_cast %get3A_1042 : i32 to index
        %get3A_1044 = arith.index_cast %mul3A_1041 : i32 to index
        %get3A_1045 = tpu.vector_load %arg12[%get3A_1043, %get3A_1044] {strides = array<i32>} : memref<10x1600xf32, #tpu.memory_space<vmem>>, vector<16xf32>,
        %mul3A_1046 = arith.constant 32 : i32
        %mul3A_1047 = arith.muli %scan3A_878, %mul3A_1046 : i32
        %add3A_1048 = arith.constant 16 : i32
        %add3A_1049 = arith.addi %mul3A_1047, %add3A_1048 : i32
        %get3A_1050 = arith.constant 3 : i32
        %get3A_1051 = arith.index_cast %get3A_1050 : i32 to index
        %get3A_1052 = arith.index_cast %add3A_1049 : i32 to index
        %get3A_1053 = tpu.vector_load %arg12[%get3A_1051, %get3A_1052] {strides = array<i32>} : memref<10x1600xf32, #tpu.memory_space<vmem>>, vector<16xf32>,
        %mul3A_1054 = arith.mulf %get3A_907, %get3A_1045 : vector<16xf32>
        %add3A_1055 = arith.addf %scan3A_891, %mul3A_1054 : vector<16xf32>
        %mul3A_1056 = arith.mulf %get3A_910, %get3A_1053 : vector<16xf32>
        %add3A_1057 = arith.addf %add3A_1055, %mul3A_1056 : vector<16xf32>
        %mul3A_1058 = arith.mulf %get3A_920, %get3A_1045 : vector<16xf32>
        %add3A_1059 = arith.addf %scan3A_892, %mul3A_1058 : vector<16xf32>
        %mul3A_1060 = arith.mulf %get3A_923, %get3A_1053 : vector<16xf32>
        %add3A_1061 = arith.addf %add3A_1059, %mul3A_1060 : vector<16xf32>
        %mul3A_1062 = arith.mulf %get3A_933, %get3A_1045 : vector<16xf32>
        %add3A_1063 = arith.addf %scan3A_893, %mul3A_1062 : vector<16xf32>
        %mul3A_1064 = arith.mulf %get3A_936, %get3A_1053 : vector<16xf32>
        %add3A_1065 = arith.addf %add3A_1063, %mul3A_1064 : vector<16xf32>
        %mul3A_1066 = arith.mulf %get3A_946, %get3A_1045 : vector<16xf32>
        %add3A_1067 = arith.addf %scan3A_894, %mul3A_1066 : vector<16xf32>
        %mul3A_1068 = arith.mulf %get3A_949, %get3A_1053 : vector<16xf32>
        %add3A_1069 = arith.addf %add3A_1067, %mul3A_1068 : vector<16xf32>
        %mul3A_1070 = arith.constant 32 : i32
        %mul3A_1071 = arith.muli %scan3A_878, %mul3A_1070 : i32
        %get3A_1072 = arith.constant 4 : i32
        %get3A_1073 = arith.index_cast %get3A_1072 : i32 to index
        %get3A_1074 = arith.index_cast %mul3A_1071 : i32 to index
        %get3A_1075 = tpu.vector_load %arg12[%get3A_1073, %get3A_1074] {strides = array<i32>} : memref<10x1600xf32, #tpu.memory_space<vmem>>, vector<16xf32>,
        %mul3A_1076 = arith.constant 32 : i32
        %mul3A_1077 = arith.muli %scan3A_878, %mul3A_1076 : i32
        %add3A_1078 = arith.constant 16 : i32
        %add3A_1079 = arith.addi %mul3A_1077, %add3A_1078 : i32
        %get3A_1080 = arith.constant 4 : i32
        %get3A_1081 = arith.index_cast %get3A_1080 : i32 to index
        %get3A_1082 = arith.index_cast %add3A_1079 : i32 to index
        %get3A_1083 = tpu.vector_load %arg12[%get3A_1081, %get3A_1082] {strides = array<i32>} : memref<10x1600xf32, #tpu.memory_space<vmem>>, vector<16xf32>,
        %mul3A_1084 = arith.mulf %get3A_907, %get3A_1075 : vector<16xf32>
        %add3A_1085 = arith.addf %scan3A_895, %mul3A_1084 : vector<16xf32>
        %mul3A_1086 = arith.mulf %get3A_910, %get3A_1083 : vector<16xf32>
        %add3A_1087 = arith.addf %add3A_1085, %mul3A_1086 : vector<16xf32>
        %mul3A_1088 = arith.mulf %get3A_920, %get3A_1075 : vector<16xf32>
        %add3A_1089 = arith.addf %scan3A_896, %mul3A_1088 : vector<16xf32>
        %mul3A_1090 = arith.mulf %get3A_923, %get3A_1083 : vector<16xf32>
        %add3A_1091 = arith.addf %add3A_1089, %mul3A_1090 : vector<16xf32>
        %mul3A_1092 = arith.mulf %get3A_933, %get3A_1075 : vector<16xf32>
        %add3A_1093 = arith.addf %scan3A_897, %mul3A_1092 : vector<16xf32>
        %mul3A_1094 = arith.mulf %get3A_936, %get3A_1083 : vector<16xf32>
        %add3A_1095 = arith.addf %add3A_1093, %mul3A_1094 : vector<16xf32>
        %mul3A_1096 = arith.mulf %get3A_946, %get3A_1075 : vector<16xf32>
        %add3A_1097 = arith.addf %scan3A_898, %mul3A_1096 : vector<16xf32>
        %mul3A_1098 = arith.mulf %get3A_949, %get3A_1083 : vector<16xf32>
        %add3A_1099 = arith.addf %add3A_1097, %mul3A_1098 : vector<16xf32>
        scf.yield %add3A_967, %add3A_971, %add3A_975, %add3A_979, %add3A_997, %add3A_1001, %add3A_1005, %add3A_1009, %add3A_1027, %add3A_1031, %add3A_1035, %add3A_1039, %add3A_1057, %add3A_1061, %add3A_1065, %add3A_1069, %add3A_1087, %add3A_1091, %add3A_1095, %add3A_1099 : vector<16xf32>, vector<16xf32>, vector<16xf32>, vector<16xf32>, vector<16xf32>, vector<16xf32>, vector<16xf32>, vector<16xf32>, vector<16xf32>, vector<16xf32>, vector<16xf32>, vector<16xf32>, vector<16xf32>, vector<16xf32>, vector<16xf32>, vector<16xf32>, vector<16xf32>, vector<16xf32>, vector<16xf32>, vector<16xf32>
      }
      %scan3A_352 = arith.constant 50 : i32
      %cumsum3A = arith.constant true
      %cumsum3A_353 = vector.broadcast %cumsum3A : i1 to vector<16xi1>
      %cumsum3A_354 = tpu.scan <sum>, %scan3A_351#0 masked %cumsum3A_353 : vector<16xf32>, vector<16xi1> -> vector<16xf32>
      %mul3A_355 = arith.constant 4 : i32
      %mul3A_356 = arith.muli %scan3A_306, %mul3A_355 : i32
      %add3A_357 = arith.constant 64 : i32
      %add3A_358 = arith.addi %add3A_357, %mul3A_356 : i32
      %add3A_359 = arith.constant 0 : i32
      %add3A_360 = arith.addi %add3A_358, %add3A_359 : i32
      %broadcast_in_dim3A_361 = vector.broadcast %add3A_360 : i32 to vector<16xi32>
      %broadcast_in_dim3A_362 = arith.constant 0 : i32
      %broadcast_in_dim3A_363 = vector.broadcast %broadcast_in_dim3A_362 : i32 to vector<16xi32>
      tpu.vector_store_idx %arg16[%broadcast_in_dim3A_361, %broadcast_in_dim3A_363], %cumsum3A_354 masked %eq3A : memref<128x10xf32, #tpu.memory_space<vmem>>[vector<16xi32>, vector<16xi32>], vector<16xf32>, vector<16xi1>
      %cumsum3A_364 = arith.constant true
      %cumsum3A_365 = vector.broadcast %cumsum3A_364 : i1 to vector<16xi1>
      %cumsum3A_366 = tpu.scan <sum>, %scan3A_351#1 masked %cumsum3A_365 : vector<16xf32>, vector<16xi1> -> vector<16xf32>
      %mul3A_367 = arith.constant 4 : i32
      %mul3A_368 = arith.muli %scan3A_306, %mul3A_367 : i32
      %add3A_369 = arith.constant 64 : i32
      %add3A_370 = arith.addi %add3A_369, %mul3A_368 : i32
      %add3A_371 = arith.constant 1 : i32
      %add3A_372 = arith.addi %add3A_370, %add3A_371 : i32
      %broadcast_in_dim3A_373 = vector.broadcast %add3A_372 : i32 to vector<16xi32>
      %broadcast_in_dim3A_374 = arith.constant 0 : i32
      %broadcast_in_dim3A_375 = vector.broadcast %broadcast_in_dim3A_374 : i32 to vector<16xi32>
      tpu.vector_store_idx %arg16[%broadcast_in_dim3A_373, %broadcast_in_dim3A_375], %cumsum3A_366 masked %eq3A : memref<128x10xf32, #tpu.memory_space<vmem>>[vector<16xi32>, vector<16xi32>], vector<16xf32>, vector<16xi1>
      %cumsum3A_376 = arith.constant true
      %cumsum3A_377 = vector.broadcast %cumsum3A_376 : i1 to vector<16xi1>
      %cumsum3A_378 = tpu.scan <sum>, %scan3A_351#2 masked %cumsum3A_377 : vector<16xf32>, vector<16xi1> -> vector<16xf32>
      %mul3A_379 = arith.constant 4 : i32
      %mul3A_380 = arith.muli %scan3A_306, %mul3A_379 : i32
      %add3A_381 = arith.constant 64 : i32
      %add3A_382 = arith.addi %add3A_381, %mul3A_380 : i32
      %add3A_383 = arith.constant 2 : i32
      %add3A_384 = arith.addi %add3A_382, %add3A_383 : i32
      %broadcast_in_dim3A_385 = vector.broadcast %add3A_384 : i32 to vector<16xi32>
      %broadcast_in_dim3A_386 = arith.constant 0 : i32
      %broadcast_in_dim3A_387 = vector.broadcast %broadcast_in_dim3A_386 : i32 to vector<16xi32>
      tpu.vector_store_idx %arg16[%broadcast_in_dim3A_385, %broadcast_in_dim3A_387], %cumsum3A_378 masked %eq3A : memref<128x10xf32, #tpu.memory_space<vmem>>[vector<16xi32>, vector<16xi32>], vector<16xf32>, vector<16xi1>
      %cumsum3A_388 = arith.constant true
      %cumsum3A_389 = vector.broadcast %cumsum3A_388 : i1 to vector<16xi1>
      %cumsum3A_390 = tpu.scan <sum>, %scan3A_351#3 masked %cumsum3A_389 : vector<16xf32>, vector<16xi1> -> vector<16xf32>
      %mul3A_391 = arith.constant 4 : i32
      %mul3A_392 = arith.muli %scan3A_306, %mul3A_391 : i32
      %add3A_393 = arith.constant 64 : i32
      %add3A_394 = arith.addi %add3A_393, %mul3A_392 : i32
      %add3A_395 = arith.constant 3 : i32
      %add3A_396 = arith.addi %add3A_394, %add3A_395 : i32
      %broadcast_in_dim3A_397 = vector.broadcast %add3A_396 : i32 to vector<16xi32>
      %broadcast_in_dim3A_398 = arith.constant 0 : i32
      %broadcast_in_dim3A_399 = vector.broadcast %broadcast_in_dim3A_398 : i32 to vector<16xi32>
      tpu.vector_store_idx %arg16[%broadcast_in_dim3A_397, %broadcast_in_dim3A_399], %cumsum3A_390 masked %eq3A : memref<128x10xf32, #tpu.memory_space<vmem>>[vector<16xi32>, vector<16xi32>], vector<16xf32>, vector<16xi1>
      %cumsum3A_400 = arith.constant true
      %cumsum3A_401 = vector.broadcast %cumsum3A_400 : i1 to vector<16xi1>
      %cumsum3A_402 = tpu.scan <sum>, %scan3A_351#4 masked %cumsum3A_401 : vector<16xf32>, vector<16xi1> -> vector<16xf32>
      %mul3A_403 = arith.constant 4 : i32
      %mul3A_404 = arith.muli %scan3A_306, %mul3A_403 : i32
      %add3A_405 = arith.constant 64 : i32
      %add3A_406 = arith.addi %add3A_405, %mul3A_404 : i32
      %add3A_407 = arith.constant 0 : i32
      %add3A_408 = arith.addi %add3A_406, %add3A_407 : i32
      %broadcast_in_dim3A_409 = vector.broadcast %add3A_408 : i32 to vector<16xi32>
      %broadcast_in_dim3A_410 = arith.constant 1 : i32
      %broadcast_in_dim3A_411 = vector.broadcast %broadcast_in_dim3A_410 : i32 to vector<16xi32>
      tpu.vector_store_idx %arg16[%broadcast_in_dim3A_409, %broadcast_in_dim3A_411], %cumsum3A_402 masked %eq3A : memref<128x10xf32, #tpu.memory_space<vmem>>[vector<16xi32>, vector<16xi32>], vector<16xf32>, vector<16xi1>
      %cumsum3A_412 = arith.constant true
      %cumsum3A_413 = vector.broadcast %cumsum3A_412 : i1 to vector<16xi1>
      %cumsum3A_414 = tpu.scan <sum>, %scan3A_351#5 masked %cumsum3A_413 : vector<16xf32>, vector<16xi1> -> vector<16xf32>
      %mul3A_415 = arith.constant 4 : i32
      %mul3A_416 = arith.muli %scan3A_306, %mul3A_415 : i32
      %add3A_417 = arith.constant 64 : i32
      %add3A_418 = arith.addi %add3A_417, %mul3A_416 : i32
      %add3A_419 = arith.constant 1 : i32
      %add3A_420 = arith.addi %add3A_418, %add3A_419 : i32
      %broadcast_in_dim3A_421 = vector.broadcast %add3A_420 : i32 to vector<16xi32>
      %broadcast_in_dim3A_422 = arith.constant 1 : i32
      %broadcast_in_dim3A_423 = vector.broadcast %broadcast_in_dim3A_422 : i32 to vector<16xi32>
      tpu.vector_store_idx %arg16[%broadcast_in_dim3A_421, %broadcast_in_dim3A_423], %cumsum3A_414 masked %eq3A : memref<128x10xf32, #tpu.memory_space<vmem>>[vector<16xi32>, vector<16xi32>], vector<16xf32>, vector<16xi1>
      %cumsum3A_424 = arith.constant true
      %cumsum3A_425 = vector.broadcast %cumsum3A_424 : i1 to vector<16xi1>
      %cumsum3A_426 = tpu.scan <sum>, %scan3A_351#6 masked %cumsum3A_425 : vector<16xf32>, vector<16xi1> -> vector<16xf32>
      %mul3A_427 = arith.constant 4 : i32
      %mul3A_428 = arith.muli %scan3A_306, %mul3A_427 : i32
      %add3A_429 = arith.constant 64 : i32
      %add3A_430 = arith.addi %add3A_429, %mul3A_428 : i32
      %add3A_431 = arith.constant 2 : i32
      %add3A_432 = arith.addi %add3A_430, %add3A_431 : i32
      %broadcast_in_dim3A_433 = vector.broadcast %add3A_432 : i32 to vector<16xi32>
      %broadcast_in_dim3A_434 = arith.constant 1 : i32
      %broadcast_in_dim3A_435 = vector.broadcast %broadcast_in_dim3A_434 : i32 to vector<16xi32>
      tpu.vector_store_idx %arg16[%broadcast_in_dim3A_433, %broadcast_in_dim3A_435], %cumsum3A_426 masked %eq3A : memref<128x10xf32, #tpu.memory_space<vmem>>[vector<16xi32>, vector<16xi32>], vector<16xf32>, vector<16xi1>
      %cumsum3A_436 = arith.constant true
      %cumsum3A_437 = vector.broadcast %cumsum3A_436 : i1 to vector<16xi1>
      %cumsum3A_438 = tpu.scan <sum>, %scan3A_351#7 masked %cumsum3A_437 : vector<16xf32>, vector<16xi1> -> vector<16xf32>
      %mul3A_439 = arith.constant 4 : i32
      %mul3A_440 = arith.muli %scan3A_306, %mul3A_439 : i32
      %add3A_441 = arith.constant 64 : i32
      %add3A_442 = arith.addi %add3A_441, %mul3A_440 : i32
      %add3A_443 = arith.constant 3 : i32
      %add3A_444 = arith.addi %add3A_442, %add3A_443 : i32
      %broadcast_in_dim3A_445 = vector.broadcast %add3A_444 : i32 to vector<16xi32>
      %broadcast_in_dim3A_446 = arith.constant 1 : i32
      %broadcast_in_dim3A_447 = vector.broadcast %broadcast_in_dim3A_446 : i32 to vector<16xi32>
      tpu.vector_store_idx %arg16[%broadcast_in_dim3A_445, %broadcast_in_dim3A_447], %cumsum3A_438 masked %eq3A : memref<128x10xf32, #tpu.memory_space<vmem>>[vector<16xi32>, vector<16xi32>], vector<16xf32>, vector<16xi1>
      %cumsum3A_448 = arith.constant true
      %cumsum3A_449 = vector.broadcast %cumsum3A_448 : i1 to vector<16xi1>
      %cumsum3A_450 = tpu.scan <sum>, %scan3A_351#8 masked %cumsum3A_449 : vector<16xf32>, vector<16xi1> -> vector<16xf32>
      %mul3A_451 = arith.constant 4 : i32
      %mul3A_452 = arith.muli %scan3A_306, %mul3A_451 : i32
      %add3A_453 = arith.constant 64 : i32
      %add3A_454 = arith.addi %add3A_453, %mul3A_452 : i32
      %add3A_455 = arith.constant 0 : i32
      %add3A_456 = arith.addi %add3A_454, %add3A_455 : i32
      %broadcast_in_dim3A_457 = vector.broadcast %add3A_456 : i32 to vector<16xi32>
      %broadcast_in_dim3A_458 = arith.constant 2 : i32
      %broadcast_in_dim3A_459 = vector.broadcast %broadcast_in_dim3A_458 : i32 to vector<16xi32>
      tpu.vector_store_idx %arg16[%broadcast_in_dim3A_457, %broadcast_in_dim3A_459], %cumsum3A_450 masked %eq3A : memref<128x10xf32, #tpu.memory_space<vmem>>[vector<16xi32>, vector<16xi32>], vector<16xf32>, vector<16xi1>
      %cumsum3A_460 = arith.constant true
      %cumsum3A_461 = vector.broadcast %cumsum3A_460 : i1 to vector<16xi1>
      %cumsum3A_462 = tpu.scan <sum>, %scan3A_351#9 masked %cumsum3A_461 : vector<16xf32>, vector<16xi1> -> vector<16xf32>
      %mul3A_463 = arith.constant 4 : i32
      %mul3A_464 = arith.muli %scan3A_306, %mul3A_463 : i32
      %add3A_465 = arith.constant 64 : i32
      %add3A_466 = arith.addi %add3A_465, %mul3A_464 : i32
      %add3A_467 = arith.constant 1 : i32
      %add3A_468 = arith.addi %add3A_466, %add3A_467 : i32
      %broadcast_in_dim3A_469 = vector.broadcast %add3A_468 : i32 to vector<16xi32>
      %broadcast_in_dim3A_470 = arith.constant 2 : i32
      %broadcast_in_dim3A_471 = vector.broadcast %broadcast_in_dim3A_470 : i32 to vector<16xi32>
      tpu.vector_store_idx %arg16[%broadcast_in_dim3A_469, %broadcast_in_dim3A_471], %cumsum3A_462 masked %eq3A : memref<128x10xf32, #tpu.memory_space<vmem>>[vector<16xi32>, vector<16xi32>], vector<16xf32>, vector<16xi1>
      %cumsum3A_472 = arith.constant true
      %cumsum3A_473 = vector.broadcast %cumsum3A_472 : i1 to vector<16xi1>
      %cumsum3A_474 = tpu.scan <sum>, %scan3A_351#10 masked %cumsum3A_473 : vector<16xf32>, vector<16xi1> -> vector<16xf32>
      %mul3A_475 = arith.constant 4 : i32
      %mul3A_476 = arith.muli %scan3A_306, %mul3A_475 : i32
      %add3A_477 = arith.constant 64 : i32
      %add3A_478 = arith.addi %add3A_477, %mul3A_476 : i32
      %add3A_479 = arith.constant 2 : i32
      %add3A_480 = arith.addi %add3A_478, %add3A_479 : i32
      %broadcast_in_dim3A_481 = vector.broadcast %add3A_480 : i32 to vector<16xi32>
      %broadcast_in_dim3A_482 = arith.constant 2 : i32
      %broadcast_in_dim3A_483 = vector.broadcast %broadcast_in_dim3A_482 : i32 to vector<16xi32>
      tpu.vector_store_idx %arg16[%broadcast_in_dim3A_481, %broadcast_in_dim3A_483], %cumsum3A_474 masked %eq3A : memref<128x10xf32, #tpu.memory_space<vmem>>[vector<16xi32>, vector<16xi32>], vector<16xf32>, vector<16xi1>
      %cumsum3A_484 = arith.constant true
      %cumsum3A_485 = vector.broadcast %cumsum3A_484 : i1 to vector<16xi1>
      %cumsum3A_486 = tpu.scan <sum>, %scan3A_351#11 masked %cumsum3A_485 : vector<16xf32>, vector<16xi1> -> vector<16xf32>
      %mul3A_487 = arith.constant 4 : i32
      %mul3A_488 = arith.muli %scan3A_306, %mul3A_487 : i32
      %add3A_489 = arith.constant 64 : i32
      %add3A_490 = arith.addi %add3A_489, %mul3A_488 : i32
      %add3A_491 = arith.constant 3 : i32
      %add3A_492 = arith.addi %add3A_490, %add3A_491 : i32
      %broadcast_in_dim3A_493 = vector.broadcast %add3A_492 : i32 to vector<16xi32>
      %broadcast_in_dim3A_494 = arith.constant 2 : i32
      %broadcast_in_dim3A_495 = vector.broadcast %broadcast_in_dim3A_494 : i32 to vector<16xi32>
      tpu.vector_store_idx %arg16[%broadcast_in_dim3A_493, %broadcast_in_dim3A_495], %cumsum3A_486 masked %eq3A : memref<128x10xf32, #tpu.memory_space<vmem>>[vector<16xi32>, vector<16xi32>], vector<16xf32>, vector<16xi1>
      %cumsum3A_496 = arith.constant true
      %cumsum3A_497 = vector.broadcast %cumsum3A_496 : i1 to vector<16xi1>
      %cumsum3A_498 = tpu.scan <sum>, %scan3A_351#12 masked %cumsum3A_497 : vector<16xf32>, vector<16xi1> -> vector<16xf32>
      %mul3A_499 = arith.constant 4 : i32
      %mul3A_500 = arith.muli %scan3A_306, %mul3A_499 : i32
      %add3A_501 = arith.constant 64 : i32
      %add3A_502 = arith.addi %add3A_501, %mul3A_500 : i32
      %add3A_503 = arith.constant 0 : i32
      %add3A_504 = arith.addi %add3A_502, %add3A_503 : i32
      %broadcast_in_dim3A_505 = vector.broadcast %add3A_504 : i32 to vector<16xi32>
      %broadcast_in_dim3A_506 = arith.constant 3 : i32
      %broadcast_in_dim3A_507 = vector.broadcast %broadcast_in_dim3A_506 : i32 to vector<16xi32>
      tpu.vector_store_idx %arg16[%broadcast_in_dim3A_505, %broadcast_in_dim3A_507], %cumsum3A_498 masked %eq3A : memref<128x10xf32, #tpu.memory_space<vmem>>[vector<16xi32>, vector<16xi32>], vector<16xf32>, vector<16xi1>
      %cumsum3A_508 = arith.constant true
      %cumsum3A_509 = vector.broadcast %cumsum3A_508 : i1 to vector<16xi1>
      %cumsum3A_510 = tpu.scan <sum>, %scan3A_351#13 masked %cumsum3A_509 : vector<16xf32>, vector<16xi1> -> vector<16xf32>
      %mul3A_511 = arith.constant 4 : i32
      %mul3A_512 = arith.muli %scan3A_306, %mul3A_511 : i32
      %add3A_513 = arith.constant 64 : i32
      %add3A_514 = arith.addi %add3A_513, %mul3A_512 : i32
      %add3A_515 = arith.constant 1 : i32
      %add3A_516 = arith.addi %add3A_514, %add3A_515 : i32
      %broadcast_in_dim3A_517 = vector.broadcast %add3A_516 : i32 to vector<16xi32>
      %broadcast_in_dim3A_518 = arith.constant 3 : i32
      %broadcast_in_dim3A_519 = vector.broadcast %broadcast_in_dim3A_518 : i32 to vector<16xi32>
      tpu.vector_store_idx %arg16[%broadcast_in_dim3A_517, %broadcast_in_dim3A_519], %cumsum3A_510 masked %eq3A : memref<128x10xf32, #tpu.memory_space<vmem>>[vector<16xi32>, vector<16xi32>], vector<16xf32>, vector<16xi1>
      %cumsum3A_520 = arith.constant true
      %cumsum3A_521 = vector.broadcast %cumsum3A_520 : i1 to vector<16xi1>
      %cumsum3A_522 = tpu.scan <sum>, %scan3A_351#14 masked %cumsum3A_521 : vector<16xf32>, vector<16xi1> -> vector<16xf32>
      %mul3A_523 = arith.constant 4 : i32
      %mul3A_524 = arith.muli %scan3A_306, %mul3A_523 : i32
      %add3A_525 = arith.constant 64 : i32
      %add3A_526 = arith.addi %add3A_525, %mul3A_524 : i32
      %add3A_527 = arith.constant 2 : i32
      %add3A_528 = arith.addi %add3A_526, %add3A_527 : i32
      %broadcast_in_dim3A_529 = vector.broadcast %add3A_528 : i32 to vector<16xi32>
      %broadcast_in_dim3A_530 = arith.constant 3 : i32
      %broadcast_in_dim3A_531 = vector.broadcast %broadcast_in_dim3A_530 : i32 to vector<16xi32>
      tpu.vector_store_idx %arg16[%broadcast_in_dim3A_529, %broadcast_in_dim3A_531], %cumsum3A_522 masked %eq3A : memref<128x10xf32, #tpu.memory_space<vmem>>[vector<16xi32>, vector<16xi32>], vector<16xf32>, vector<16xi1>
      %cumsum3A_532 = arith.constant true
      %cumsum3A_533 = vector.broadcast %cumsum3A_532 : i1 to vector<16xi1>
      %cumsum3A_534 = tpu.scan <sum>, %scan3A_351#15 masked %cumsum3A_533 : vector<16xf32>, vector<16xi1> -> vector<16xf32>
      %mul3A_535 = arith.constant 4 : i32
      %mul3A_536 = arith.muli %scan3A_306, %mul3A_535 : i32
      %add3A_537 = arith.constant 64 : i32
      %add3A_538 = arith.addi %add3A_537, %mul3A_536 : i32
      %add3A_539 = arith.constant 3 : i32
      %add3A_540 = arith.addi %add3A_538, %add3A_539 : i32
      %broadcast_in_dim3A_541 = vector.broadcast %add3A_540 : i32 to vector<16xi32>
      %broadcast_in_dim3A_542 = arith.constant 3 : i32
      %broadcast_in_dim3A_543 = vector.broadcast %broadcast_in_dim3A_542 : i32 to vector<16xi32>
      tpu.vector_store_idx %arg16[%broadcast_in_dim3A_541, %broadcast_in_dim3A_543], %cumsum3A_534 masked %eq3A : memref<128x10xf32, #tpu.memory_space<vmem>>[vector<16xi32>, vector<16xi32>], vector<16xf32>, vector<16xi1>
      %cumsum3A_544 = arith.constant true
      %cumsum3A_545 = vector.broadcast %cumsum3A_544 : i1 to vector<16xi1>
      %cumsum3A_546 = tpu.scan <sum>, %scan3A_351#16 masked %cumsum3A_545 : vector<16xf32>, vector<16xi1> -> vector<16xf32>
      %mul3A_547 = arith.constant 4 : i32
      %mul3A_548 = arith.muli %scan3A_306, %mul3A_547 : i32
      %add3A_549 = arith.constant 64 : i32
      %add3A_550 = arith.addi %add3A_549, %mul3A_548 : i32
      %add3A_551 = arith.constant 0 : i32
      %add3A_552 = arith.addi %add3A_550, %add3A_551 : i32
      %broadcast_in_dim3A_553 = vector.broadcast %add3A_552 : i32 to vector<16xi32>
      %broadcast_in_dim3A_554 = arith.constant 4 : i32
      %broadcast_in_dim3A_555 = vector.broadcast %broadcast_in_dim3A_554 : i32 to vector<16xi32>
      tpu.vector_store_idx %arg16[%broadcast_in_dim3A_553, %broadcast_in_dim3A_555], %cumsum3A_546 masked %eq3A : memref<128x10xf32, #tpu.memory_space<vmem>>[vector<16xi32>, vector<16xi32>], vector<16xf32>, vector<16xi1>
      %cumsum3A_556 = arith.constant true
      %cumsum3A_557 = vector.broadcast %cumsum3A_556 : i1 to vector<16xi1>
      %cumsum3A_558 = tpu.scan <sum>, %scan3A_351#17 masked %cumsum3A_557 : vector<16xf32>, vector<16xi1> -> vector<16xf32>
      %mul3A_559 = arith.constant 4 : i32
      %mul3A_560 = arith.muli %scan3A_306, %mul3A_559 : i32
      %add3A_561 = arith.constant 64 : i32
      %add3A_562 = arith.addi %add3A_561, %mul3A_560 : i32
      %add3A_563 = arith.constant 1 : i32
      %add3A_564 = arith.addi %add3A_562, %add3A_563 : i32
      %broadcast_in_dim3A_565 = vector.broadcast %add3A_564 : i32 to vector<16xi32>
      %broadcast_in_dim3A_566 = arith.constant 4 : i32
      %broadcast_in_dim3A_567 = vector.broadcast %broadcast_in_dim3A_566 : i32 to vector<16xi32>
      tpu.vector_store_idx %arg16[%broadcast_in_dim3A_565, %broadcast_in_dim3A_567], %cumsum3A_558 masked %eq3A : memref<128x10xf32, #tpu.memory_space<vmem>>[vector<16xi32>, vector<16xi32>], vector<16xf32>, vector<16xi1>
      %cumsum3A_568 = arith.constant true
      %cumsum3A_569 = vector.broadcast %cumsum3A_568 : i1 to vector<16xi1>
      %cumsum3A_570 = tpu.scan <sum>, %scan3A_351#18 masked %cumsum3A_569 : vector<16xf32>, vector<16xi1> -> vector<16xf32>
      %mul3A_571 = arith.constant 4 : i32
      %mul3A_572 = arith.muli %scan3A_306, %mul3A_571 : i32
      %add3A_573 = arith.constant 64 : i32
      %add3A_574 = arith.addi %add3A_573, %mul3A_572 : i32
      %add3A_575 = arith.constant 2 : i32
      %add3A_576 = arith.addi %add3A_574, %add3A_575 : i32
      %broadcast_in_dim3A_577 = vector.broadcast %add3A_576 : i32 to vector<16xi32>
      %broadcast_in_dim3A_578 = arith.constant 4 : i32
      %broadcast_in_dim3A_579 = vector.broadcast %broadcast_in_dim3A_578 : i32 to vector<16xi32>
      tpu.vector_store_idx %arg16[%broadcast_in_dim3A_577, %broadcast_in_dim3A_579], %cumsum3A_570 masked %eq3A : memref<128x10xf32, #tpu.memory_space<vmem>>[vector<16xi32>, vector<16xi32>], vector<16xf32>, vector<16xi1>
      %cumsum3A_580 = arith.constant true
      %cumsum3A_581 = vector.broadcast %cumsum3A_580 : i1 to vector<16xi1>
      %cumsum3A_582 = tpu.scan <sum>, %scan3A_351#19 masked %cumsum3A_581 : vector<16xf32>, vector<16xi1> -> vector<16xf32>
      %mul3A_583 = arith.constant 4 : i32
      %mul3A_584 = arith.muli %scan3A_306, %mul3A_583 : i32
      %add3A_585 = arith.constant 64 : i32
      %add3A_586 = arith.addi %add3A_585, %mul3A_584 : i32
      %add3A_587 = arith.constant 3 : i32
      %add3A_588 = arith.addi %add3A_586, %add3A_587 : i32
      %broadcast_in_dim3A_589 = vector.broadcast %add3A_588 : i32 to vector<16xi32>
      %broadcast_in_dim3A_590 = arith.constant 4 : i32
      %broadcast_in_dim3A_591 = vector.broadcast %broadcast_in_dim3A_590 : i32 to vector<16xi32>
      tpu.vector_store_idx %arg16[%broadcast_in_dim3A_589, %broadcast_in_dim3A_591], %cumsum3A_582 masked %eq3A : memref<128x10xf32, #tpu.memory_space<vmem>>[vector<16xi32>, vector<16xi32>], vector<16xf32>, vector<16xi1>
      %broadcast_in_dim3A_592 = arith.constant 0.000000e+00 : f32
      %broadcast_in_dim3A_593 = vector.broadcast %broadcast_in_dim3A_592 : f32 to vector<16xf32>
      %broadcast_in_dim3A_594 = arith.constant 0.000000e+00 : f32
      %broadcast_in_dim3A_595 = vector.broadcast %broadcast_in_dim3A_594 : f32 to vector<16xf32>
      %broadcast_in_dim3A_596 = arith.constant 0.000000e+00 : f32
      %broadcast_in_dim3A_597 = vector.broadcast %broadcast_in_dim3A_596 : f32 to vector<16xf32>
      %broadcast_in_dim3A_598 = arith.constant 0.000000e+00 : f32
      %broadcast_in_dim3A_599 = vector.broadcast %broadcast_in_dim3A_598 : f32 to vector<16xf32>
      %broadcast_in_dim3A_600 = arith.constant 0.000000e+00 : f32
      %broadcast_in_dim3A_601 = vector.broadcast %broadcast_in_dim3A_600 : f32 to vector<16xf32>
      %broadcast_in_dim3A_602 = arith.constant 0.000000e+00 : f32
      %broadcast_in_dim3A_603 = vector.broadcast %broadcast_in_dim3A_602 : f32 to vector<16xf32>
      %broadcast_in_dim3A_604 = arith.constant 0.000000e+00 : f32
      %broadcast_in_dim3A_605 = vector.broadcast %broadcast_in_dim3A_604 : f32 to vector<16xf32>
      %broadcast_in_dim3A_606 = arith.constant 0.000000e+00 : f32
      %broadcast_in_dim3A_607 = vector.broadcast %broadcast_in_dim3A_606 : f32 to vector<16xf32>
      %broadcast_in_dim3A_608 = arith.constant 0.000000e+00 : f32
      %broadcast_in_dim3A_609 = vector.broadcast %broadcast_in_dim3A_608 : f32 to vector<16xf32>
      %broadcast_in_dim3A_610 = arith.constant 0.000000e+00 : f32
      %broadcast_in_dim3A_611 = vector.broadcast %broadcast_in_dim3A_610 : f32 to vector<16xf32>
      %broadcast_in_dim3A_612 = arith.constant 0.000000e+00 : f32
      %broadcast_in_dim3A_613 = vector.broadcast %broadcast_in_dim3A_612 : f32 to vector<16xf32>
      %broadcast_in_dim3A_614 = arith.constant 0.000000e+00 : f32
      %broadcast_in_dim3A_615 = vector.broadcast %broadcast_in_dim3A_614 : f32 to vector<16xf32>
      %broadcast_in_dim3A_616 = arith.constant 0.000000e+00 : f32
      %broadcast_in_dim3A_617 = vector.broadcast %broadcast_in_dim3A_616 : f32 to vector<16xf32>
      %broadcast_in_dim3A_618 = arith.constant 0.000000e+00 : f32
      %broadcast_in_dim3A_619 = vector.broadcast %broadcast_in_dim3A_618 : f32 to vector<16xf32>
      %broadcast_in_dim3A_620 = arith.constant 0.000000e+00 : f32
      %broadcast_in_dim3A_621 = vector.broadcast %broadcast_in_dim3A_620 : f32 to vector<16xf32>
      %broadcast_in_dim3A_622 = arith.constant 0.000000e+00 : f32
      %broadcast_in_dim3A_623 = vector.broadcast %broadcast_in_dim3A_622 : f32 to vector<16xf32>
      %broadcast_in_dim3A_624 = arith.constant 0.000000e+00 : f32
      %broadcast_in_dim3A_625 = vector.broadcast %broadcast_in_dim3A_624 : f32 to vector<16xf32>
      %broadcast_in_dim3A_626 = arith.constant 0.000000e+00 : f32
      %broadcast_in_dim3A_627 = vector.broadcast %broadcast_in_dim3A_626 : f32 to vector<16xf32>
      %broadcast_in_dim3A_628 = arith.constant 0.000000e+00 : f32
      %broadcast_in_dim3A_629 = vector.broadcast %broadcast_in_dim3A_628 : f32 to vector<16xf32>
      %broadcast_in_dim3A_630 = arith.constant 0.000000e+00 : f32
      %broadcast_in_dim3A_631 = vector.broadcast %broadcast_in_dim3A_630 : f32 to vector<16xf32>
      %scan3A_632 = arith.constant 0 : i32
      %scan3A_633 = arith.constant 50 : i32
      %scan3A_634 = arith.addi %scan3A_632, %scan3A_633 : i32
      %scan3A_635 = arith.constant 1 : i32
      %scan3A_636:20 = scf.for %scan3A_878 = %scan3A_632 to %scan3A_634 step %scan3A_635 iter_args(%scan3A_879 = %broadcast_in_dim3A_593, %scan3A_880 = %broadcast_in_dim3A_595, %scan3A_881 = %broadcast_in_dim3A_597, %scan3A_882 = %broadcast_in_dim3A_599, %scan3A_883 = %broadcast_in_dim3A_601, %scan3A_884 = %broadcast_in_dim3A_603, %scan3A_885 = %broadcast_in_dim3A_605, %scan3A_886 = %broadcast_in_dim3A_607, %scan3A_887 = %broadcast_in_dim3A_609, %scan3A_888 = %broadcast_in_dim3A_611, %scan3A_889 = %broadcast_in_dim3A_613, %scan3A_890 = %broadcast_in_dim3A_615, %scan3A_891 = %broadcast_in_dim3A_617, %scan3A_892 = %broadcast_in_dim3A_619, %scan3A_893 = %broadcast_in_dim3A_621, %scan3A_894 = %broadcast_in_dim3A_623, %scan3A_895 = %broadcast_in_dim3A_625, %scan3A_896 = %broadcast_in_dim3A_627, %scan3A_897 = %broadcast_in_dim3A_629, %scan3A_898 = %broadcast_in_dim3A_631) -> (vector<16xf32>, vector<16xf32>, vector<16xf32>, vector<16xf32>, vector<16xf32>, vector<16xf32>, vector<16xf32>, vector<16xf32>, vector<16xf32>, vector<16xf32>, vector<16xf32>, vector<16xf32>, vector<16xf32>, vector<16xf32>, vector<16xf32>, vector<16xf32>, vector<16xf32>, vector<16xf32>, vector<16xf32>, vector<16xf32>)  : i32 {
        %mul3A_899 = arith.constant 4 : i32
        %mul3A_900 = arith.muli %scan3A_306, %mul3A_899 : i32
        %add3A_901 = arith.constant 0 : i32
        %add3A_902 = arith.addi %mul3A_900, %add3A_901 : i32
        %mul3A_903 = arith.constant 50 : i32
        %mul3A_904 = arith.muli %add3A_902, %mul3A_903 : i32
        %add3A_905 = arith.addi %mul3A_904, %scan3A_878 : i32
        %get3A = arith.index_cast %add3A_905 : i32 to index
        %get3A_906 = arith.constant 0 : index
        %get3A_907 = tpu.vector_load %arg10[%get3A, %get3A_906] {strides = array<i32>} : memref<3200x32xf32, #tpu.memory_space<vmem>>, vector<16xf32>,
        %get3A_908 = arith.index_cast %add3A_905 : i32 to index
        %get3A_909 = arith.constant 16 : index
        %get3A_910 = tpu.vector_load %arg10[%get3A_908, %get3A_909] {strides = array<i32>} : memref<3200x32xf32, #tpu.memory_space<vmem>>, vector<16xf32>,
        %mul3A_911 = arith.constant 4 : i32
        %mul3A_912 = arith.muli %scan3A_306, %mul3A_911 : i32
        %add3A_913 = arith.constant 1 : i32
        %add3A_914 = arith.addi %mul3A_912, %add3A_913 : i32
        %mul3A_915 = arith.constant 50 : i32
        %mul3A_916 = arith.muli %add3A_914, %mul3A_915 : i32
        %add3A_917 = arith.addi %mul3A_916, %scan3A_878 : i32
        %get3A_918 = arith.index_cast %add3A_917 : i32 to index
        %get3A_919 = arith.constant 0 : index
        %get3A_920 = tpu.vector_load %arg10[%get3A_918, %get3A_919] {strides = array<i32>} : memref<3200x32xf32, #tpu.memory_space<vmem>>, vector<16xf32>,
        %get3A_921 = arith.index_cast %add3A_917 : i32 to index
        %get3A_922 = arith.constant 16 : index
        %get3A_923 = tpu.vector_load %arg10[%get3A_921, %get3A_922] {strides = array<i32>} : memref<3200x32xf32, #tpu.memory_space<vmem>>, vector<16xf32>,
        %mul3A_924 = arith.constant 4 : i32
        %mul3A_925 = arith.muli %scan3A_306, %mul3A_924 : i32
        %add3A_926 = arith.constant 2 : i32
        %add3A_927 = arith.addi %mul3A_925, %add3A_926 : i32
        %mul3A_928 = arith.constant 50 : i32
        %mul3A_929 = arith.muli %add3A_927, %mul3A_928 : i32
        %add3A_930 = arith.addi %mul3A_929, %scan3A_878 : i32
        %get3A_931 = arith.index_cast %add3A_930 : i32 to index
        %get3A_932 = arith.constant 0 : index
        %get3A_933 = tpu.vector_load %arg10[%get3A_931, %get3A_932] {strides = array<i32>} : memref<3200x32xf32, #tpu.memory_space<vmem>>, vector<16xf32>,
        %get3A_934 = arith.index_cast %add3A_930 : i32 to index
        %get3A_935 = arith.constant 16 : index
        %get3A_936 = tpu.vector_load %arg10[%get3A_934, %get3A_935] {strides = array<i32>} : memref<3200x32xf32, #tpu.memory_space<vmem>>, vector<16xf32>,
        %mul3A_937 = arith.constant 4 : i32
        %mul3A_938 = arith.muli %scan3A_306, %mul3A_937 : i32
        %add3A_939 = arith.constant 3 : i32
        %add3A_940 = arith.addi %mul3A_938, %add3A_939 : i32
        %mul3A_941 = arith.constant 50 : i32
        %mul3A_942 = arith.muli %add3A_940, %mul3A_941 : i32
        %add3A_943 = arith.addi %mul3A_942, %scan3A_878 : i32
        %get3A_944 = arith.index_cast %add3A_943 : i32 to index
        %get3A_945 = arith.constant 0 : index
        %get3A_946 = tpu.vector_load %arg10[%get3A_944, %get3A_945] {strides = array<i32>} : memref<3200x32xf32, #tpu.memory_space<vmem>>, vector<16xf32>,
        %get3A_947 = arith.index_cast %add3A_943 : i32 to index
        %get3A_948 = arith.constant 16 : index
        %get3A_949 = tpu.vector_load %arg10[%get3A_947, %get3A_948] {strides = array<i32>} : memref<3200x32xf32, #tpu.memory_space<vmem>>, vector<16xf32>,
        %mul3A_950 = arith.constant 32 : i32
        %mul3A_951 = arith.muli %scan3A_878, %mul3A_950 : i32
        %get3A_952 = arith.constant 5 : i32
        %get3A_953 = arith.index_cast %get3A_952 : i32 to index
        %get3A_954 = arith.index_cast %mul3A_951 : i32 to index
        %get3A_955 = tpu.vector_load %arg12[%get3A_953, %get3A_954] {strides = array<i32>} : memref<10x1600xf32, #tpu.memory_space<vmem>>, vector<16xf32>,
        %mul3A_956 = arith.constant 32 : i32
        %mul3A_957 = arith.muli %scan3A_878, %mul3A_956 : i32
        %add3A_958 = arith.constant 16 : i32
        %add3A_959 = arith.addi %mul3A_957, %add3A_958 : i32
        %get3A_960 = arith.constant 5 : i32
        %get3A_961 = arith.index_cast %get3A_960 : i32 to index
        %get3A_962 = arith.index_cast %add3A_959 : i32 to index
        %get3A_963 = tpu.vector_load %arg12[%get3A_961, %get3A_962] {strides = array<i32>} : memref<10x1600xf32, #tpu.memory_space<vmem>>, vector<16xf32>,
        %mul3A_964 = arith.mulf %get3A_907, %get3A_955 : vector<16xf32>
        %add3A_965 = arith.addf %scan3A_879, %mul3A_964 : vector<16xf32>
        %mul3A_966 = arith.mulf %get3A_910, %get3A_963 : vector<16xf32>
        %add3A_967 = arith.addf %add3A_965, %mul3A_966 : vector<16xf32>
        %mul3A_968 = arith.mulf %get3A_920, %get3A_955 : vector<16xf32>
        %add3A_969 = arith.addf %scan3A_880, %mul3A_968 : vector<16xf32>
        %mul3A_970 = arith.mulf %get3A_923, %get3A_963 : vector<16xf32>
        %add3A_971 = arith.addf %add3A_969, %mul3A_970 : vector<16xf32>
        %mul3A_972 = arith.mulf %get3A_933, %get3A_955 : vector<16xf32>
        %add3A_973 = arith.addf %scan3A_881, %mul3A_972 : vector<16xf32>
        %mul3A_974 = arith.mulf %get3A_936, %get3A_963 : vector<16xf32>
        %add3A_975 = arith.addf %add3A_973, %mul3A_974 : vector<16xf32>
        %mul3A_976 = arith.mulf %get3A_946, %get3A_955 : vector<16xf32>
        %add3A_977 = arith.addf %scan3A_882, %mul3A_976 : vector<16xf32>
        %mul3A_978 = arith.mulf %get3A_949, %get3A_963 : vector<16xf32>
        %add3A_979 = arith.addf %add3A_977, %mul3A_978 : vector<16xf32>
        %mul3A_980 = arith.constant 32 : i32
        %mul3A_981 = arith.muli %scan3A_878, %mul3A_980 : i32
        %get3A_982 = arith.constant 6 : i32
        %get3A_983 = arith.index_cast %get3A_982 : i32 to index
        %get3A_984 = arith.index_cast %mul3A_981 : i32 to index
        %get3A_985 = tpu.vector_load %arg12[%get3A_983, %get3A_984] {strides = array<i32>} : memref<10x1600xf32, #tpu.memory_space<vmem>>, vector<16xf32>,
        %mul3A_986 = arith.constant 32 : i32
        %mul3A_987 = arith.muli %scan3A_878, %mul3A_986 : i32
        %add3A_988 = arith.constant 16 : i32
        %add3A_989 = arith.addi %mul3A_987, %add3A_988 : i32
        %get3A_990 = arith.constant 6 : i32
        %get3A_991 = arith.index_cast %get3A_990 : i32 to index
        %get3A_992 = arith.index_cast %add3A_989 : i32 to index
        %get3A_993 = tpu.vector_load %arg12[%get3A_991, %get3A_992] {strides = array<i32>} : memref<10x1600xf32, #tpu.memory_space<vmem>>, vector<16xf32>,
        %mul3A_994 = arith.mulf %get3A_907, %get3A_985 : vector<16xf32>
        %add3A_995 = arith.addf %scan3A_883, %mul3A_994 : vector<16xf32>
        %mul3A_996 = arith.mulf %get3A_910, %get3A_993 : vector<16xf32>
        %add3A_997 = arith.addf %add3A_995, %mul3A_996 : vector<16xf32>
        %mul3A_998 = arith.mulf %get3A_920, %get3A_985 : vector<16xf32>
        %add3A_999 = arith.addf %scan3A_884, %mul3A_998 : vector<16xf32>
        %mul3A_1000 = arith.mulf %get3A_923, %get3A_993 : vector<16xf32>
        %add3A_1001 = arith.addf %add3A_999, %mul3A_1000 : vector<16xf32>
        %mul3A_1002 = arith.mulf %get3A_933, %get3A_985 : vector<16xf32>
        %add3A_1003 = arith.addf %scan3A_885, %mul3A_1002 : vector<16xf32>
        %mul3A_1004 = arith.mulf %get3A_936, %get3A_993 : vector<16xf32>
        %add3A_1005 = arith.addf %add3A_1003, %mul3A_1004 : vector<16xf32>
        %mul3A_1006 = arith.mulf %get3A_946, %get3A_985 : vector<16xf32>
        %add3A_1007 = arith.addf %scan3A_886, %mul3A_1006 : vector<16xf32>
        %mul3A_1008 = arith.mulf %get3A_949, %get3A_993 : vector<16xf32>
        %add3A_1009 = arith.addf %add3A_1007, %mul3A_1008 : vector<16xf32>
        %mul3A_1010 = arith.constant 32 : i32
        %mul3A_1011 = arith.muli %scan3A_878, %mul3A_1010 : i32
        %get3A_1012 = arith.constant 7 : i32
        %get3A_1013 = arith.index_cast %get3A_1012 : i32 to index
        %get3A_1014 = arith.index_cast %mul3A_1011 : i32 to index
        %get3A_1015 = tpu.vector_load %arg12[%get3A_1013, %get3A_1014] {strides = array<i32>} : memref<10x1600xf32, #tpu.memory_space<vmem>>, vector<16xf32>,
        %mul3A_1016 = arith.constant 32 : i32
        %mul3A_1017 = arith.muli %scan3A_878, %mul3A_1016 : i32
        %add3A_1018 = arith.constant 16 : i32
        %add3A_1019 = arith.addi %mul3A_1017, %add3A_1018 : i32
        %get3A_1020 = arith.constant 7 : i32
        %get3A_1021 = arith.index_cast %get3A_1020 : i32 to index
        %get3A_1022 = arith.index_cast %add3A_1019 : i32 to index
        %get3A_1023 = tpu.vector_load %arg12[%get3A_1021, %get3A_1022] {strides = array<i32>} : memref<10x1600xf32, #tpu.memory_space<vmem>>, vector<16xf32>,
        %mul3A_1024 = arith.mulf %get3A_907, %get3A_1015 : vector<16xf32>
        %add3A_1025 = arith.addf %scan3A_887, %mul3A_1024 : vector<16xf32>
        %mul3A_1026 = arith.mulf %get3A_910, %get3A_1023 : vector<16xf32>
        %add3A_1027 = arith.addf %add3A_1025, %mul3A_1026 : vector<16xf32>
        %mul3A_1028 = arith.mulf %get3A_920, %get3A_1015 : vector<16xf32>
        %add3A_1029 = arith.addf %scan3A_888, %mul3A_1028 : vector<16xf32>
        %mul3A_1030 = arith.mulf %get3A_923, %get3A_1023 : vector<16xf32>
        %add3A_1031 = arith.addf %add3A_1029, %mul3A_1030 : vector<16xf32>
        %mul3A_1032 = arith.mulf %get3A_933, %get3A_1015 : vector<16xf32>
        %add3A_1033 = arith.addf %scan3A_889, %mul3A_1032 : vector<16xf32>
        %mul3A_1034 = arith.mulf %get3A_936, %get3A_1023 : vector<16xf32>
        %add3A_1035 = arith.addf %add3A_1033, %mul3A_1034 : vector<16xf32>
        %mul3A_1036 = arith.mulf %get3A_946, %get3A_1015 : vector<16xf32>
        %add3A_1037 = arith.addf %scan3A_890, %mul3A_1036 : vector<16xf32>
        %mul3A_1038 = arith.mulf %get3A_949, %get3A_1023 : vector<16xf32>
        %add3A_1039 = arith.addf %add3A_1037, %mul3A_1038 : vector<16xf32>
        %mul3A_1040 = arith.constant 32 : i32
        %mul3A_1041 = arith.muli %scan3A_878, %mul3A_1040 : i32
        %get3A_1042 = arith.constant 8 : i32
        %get3A_1043 = arith.index_cast %get3A_1042 : i32 to index
        %get3A_1044 = arith.index_cast %mul3A_1041 : i32 to index
        %get3A_1045 = tpu.vector_load %arg12[%get3A_1043, %get3A_1044] {strides = array<i32>} : memref<10x1600xf32, #tpu.memory_space<vmem>>, vector<16xf32>,
        %mul3A_1046 = arith.constant 32 : i32
        %mul3A_1047 = arith.muli %scan3A_878, %mul3A_1046 : i32
        %add3A_1048 = arith.constant 16 : i32
        %add3A_1049 = arith.addi %mul3A_1047, %add3A_1048 : i32
        %get3A_1050 = arith.constant 8 : i32
        %get3A_1051 = arith.index_cast %get3A_1050 : i32 to index
        %get3A_1052 = arith.index_cast %add3A_1049 : i32 to index
        %get3A_1053 = tpu.vector_load %arg12[%get3A_1051, %get3A_1052] {strides = array<i32>} : memref<10x1600xf32, #tpu.memory_space<vmem>>, vector<16xf32>,
        %mul3A_1054 = arith.mulf %get3A_907, %get3A_1045 : vector<16xf32>
        %add3A_1055 = arith.addf %scan3A_891, %mul3A_1054 : vector<16xf32>
        %mul3A_1056 = arith.mulf %get3A_910, %get3A_1053 : vector<16xf32>
        %add3A_1057 = arith.addf %add3A_1055, %mul3A_1056 : vector<16xf32>
        %mul3A_1058 = arith.mulf %get3A_920, %get3A_1045 : vector<16xf32>
        %add3A_1059 = arith.addf %scan3A_892, %mul3A_1058 : vector<16xf32>
        %mul3A_1060 = arith.mulf %get3A_923, %get3A_1053 : vector<16xf32>
        %add3A_1061 = arith.addf %add3A_1059, %mul3A_1060 : vector<16xf32>
        %mul3A_1062 = arith.mulf %get3A_933, %get3A_1045 : vector<16xf32>
        %add3A_1063 = arith.addf %scan3A_893, %mul3A_1062 : vector<16xf32>
        %mul3A_1064 = arith.mulf %get3A_936, %get3A_1053 : vector<16xf32>
        %add3A_1065 = arith.addf %add3A_1063, %mul3A_1064 : vector<16xf32>
        %mul3A_1066 = arith.mulf %get3A_946, %get3A_1045 : vector<16xf32>
        %add3A_1067 = arith.addf %scan3A_894, %mul3A_1066 : vector<16xf32>
        %mul3A_1068 = arith.mulf %get3A_949, %get3A_1053 : vector<16xf32>
        %add3A_1069 = arith.addf %add3A_1067, %mul3A_1068 : vector<16xf32>
        %mul3A_1070 = arith.constant 32 : i32
        %mul3A_1071 = arith.muli %scan3A_878, %mul3A_1070 : i32
        %get3A_1072 = arith.constant 9 : i32
        %get3A_1073 = arith.index_cast %get3A_1072 : i32 to index
        %get3A_1074 = arith.index_cast %mul3A_1071 : i32 to index
        %get3A_1075 = tpu.vector_load %arg12[%get3A_1073, %get3A_1074] {strides = array<i32>} : memref<10x1600xf32, #tpu.memory_space<vmem>>, vector<16xf32>,
        %mul3A_1076 = arith.constant 32 : i32
        %mul3A_1077 = arith.muli %scan3A_878, %mul3A_1076 : i32
        %add3A_1078 = arith.constant 16 : i32
        %add3A_1079 = arith.addi %mul3A_1077, %add3A_1078 : i32
        %get3A_1080 = arith.constant 9 : i32
        %get3A_1081 = arith.index_cast %get3A_1080 : i32 to index
        %get3A_1082 = arith.index_cast %add3A_1079 : i32 to index
        %get3A_1083 = tpu.vector_load %arg12[%get3A_1081, %get3A_1082] {strides = array<i32>} : memref<10x1600xf32, #tpu.memory_space<vmem>>, vector<16xf32>,
        %mul3A_1084 = arith.mulf %get3A_907, %get3A_1075 : vector<16xf32>
        %add3A_1085 = arith.addf %scan3A_895, %mul3A_1084 : vector<16xf32>
        %mul3A_1086 = arith.mulf %get3A_910, %get3A_1083 : vector<16xf32>
        %add3A_1087 = arith.addf %add3A_1085, %mul3A_1086 : vector<16xf32>
        %mul3A_1088 = arith.mulf %get3A_920, %get3A_1075 : vector<16xf32>
        %add3A_1089 = arith.addf %scan3A_896, %mul3A_1088 : vector<16xf32>
        %mul3A_1090 = arith.mulf %get3A_923, %get3A_1083 : vector<16xf32>
        %add3A_1091 = arith.addf %add3A_1089, %mul3A_1090 : vector<16xf32>
        %mul3A_1092 = arith.mulf %get3A_933, %get3A_1075 : vector<16xf32>
        %add3A_1093 = arith.addf %scan3A_897, %mul3A_1092 : vector<16xf32>
        %mul3A_1094 = arith.mulf %get3A_936, %get3A_1083 : vector<16xf32>
        %add3A_1095 = arith.addf %add3A_1093, %mul3A_1094 : vector<16xf32>
        %mul3A_1096 = arith.mulf %get3A_946, %get3A_1075 : vector<16xf32>
        %add3A_1097 = arith.addf %scan3A_898, %mul3A_1096 : vector<16xf32>
        %mul3A_1098 = arith.mulf %get3A_949, %get3A_1083 : vector<16xf32>
        %add3A_1099 = arith.addf %add3A_1097, %mul3A_1098 : vector<16xf32>
        scf.yield %add3A_967, %add3A_971, %add3A_975, %add3A_979, %add3A_997, %add3A_1001, %add3A_1005, %add3A_1009, %add3A_1027, %add3A_1031, %add3A_1035, %add3A_1039, %add3A_1057, %add3A_1061, %add3A_1065, %add3A_1069, %add3A_1087, %add3A_1091, %add3A_1095, %add3A_1099 : vector<16xf32>, vector<16xf32>, vector<16xf32>, vector<16xf32>, vector<16xf32>, vector<16xf32>, vector<16xf32>, vector<16xf32>, vector<16xf32>, vector<16xf32>, vector<16xf32>, vector<16xf32>, vector<16xf32>, vector<16xf32>, vector<16xf32>, vector<16xf32>, vector<16xf32>, vector<16xf32>, vector<16xf32>, vector<16xf32>
      }
      %scan3A_637 = arith.constant 50 : i32
      %cumsum3A_638 = arith.constant true
      %cumsum3A_639 = vector.broadcast %cumsum3A_638 : i1 to vector<16xi1>
      %cumsum3A_640 = tpu.scan <sum>, %scan3A_636#0 masked %cumsum3A_639 : vector<16xf32>, vector<16xi1> -> vector<16xf32>
      %mul3A_641 = arith.constant 4 : i32
      %mul3A_642 = arith.muli %scan3A_306, %mul3A_641 : i32
      %add3A_643 = arith.constant 64 : i32
      %add3A_644 = arith.addi %add3A_643, %mul3A_642 : i32
      %add3A_645 = arith.constant 0 : i32
      %add3A_646 = arith.addi %add3A_644, %add3A_645 : i32
      %broadcast_in_dim3A_647 = vector.broadcast %add3A_646 : i32 to vector<16xi32>
      %broadcast_in_dim3A_648 = arith.constant 5 : i32
      %broadcast_in_dim3A_649 = vector.broadcast %broadcast_in_dim3A_648 : i32 to vector<16xi32>
      tpu.vector_store_idx %arg16[%broadcast_in_dim3A_647, %broadcast_in_dim3A_649], %cumsum3A_640 masked %eq3A : memref<128x10xf32, #tpu.memory_space<vmem>>[vector<16xi32>, vector<16xi32>], vector<16xf32>, vector<16xi1>
      %cumsum3A_650 = arith.constant true
      %cumsum3A_651 = vector.broadcast %cumsum3A_650 : i1 to vector<16xi1>
      %cumsum3A_652 = tpu.scan <sum>, %scan3A_636#1 masked %cumsum3A_651 : vector<16xf32>, vector<16xi1> -> vector<16xf32>
      %mul3A_653 = arith.constant 4 : i32
      %mul3A_654 = arith.muli %scan3A_306, %mul3A_653 : i32
      %add3A_655 = arith.constant 64 : i32
      %add3A_656 = arith.addi %add3A_655, %mul3A_654 : i32
      %add3A_657 = arith.constant 1 : i32
      %add3A_658 = arith.addi %add3A_656, %add3A_657 : i32
      %broadcast_in_dim3A_659 = vector.broadcast %add3A_658 : i32 to vector<16xi32>
      %broadcast_in_dim3A_660 = arith.constant 5 : i32
      %broadcast_in_dim3A_661 = vector.broadcast %broadcast_in_dim3A_660 : i32 to vector<16xi32>
      tpu.vector_store_idx %arg16[%broadcast_in_dim3A_659, %broadcast_in_dim3A_661], %cumsum3A_652 masked %eq3A : memref<128x10xf32, #tpu.memory_space<vmem>>[vector<16xi32>, vector<16xi32>], vector<16xf32>, vector<16xi1>
      %cumsum3A_662 = arith.constant true
      %cumsum3A_663 = vector.broadcast %cumsum3A_662 : i1 to vector<16xi1>
      %cumsum3A_664 = tpu.scan <sum>, %scan3A_636#2 masked %cumsum3A_663 : vector<16xf32>, vector<16xi1> -> vector<16xf32>
      %mul3A_665 = arith.constant 4 : i32
      %mul3A_666 = arith.muli %scan3A_306, %mul3A_665 : i32
      %add3A_667 = arith.constant 64 : i32
      %add3A_668 = arith.addi %add3A_667, %mul3A_666 : i32
      %add3A_669 = arith.constant 2 : i32
      %add3A_670 = arith.addi %add3A_668, %add3A_669 : i32
      %broadcast_in_dim3A_671 = vector.broadcast %add3A_670 : i32 to vector<16xi32>
      %broadcast_in_dim3A_672 = arith.constant 5 : i32
      %broadcast_in_dim3A_673 = vector.broadcast %broadcast_in_dim3A_672 : i32 to vector<16xi32>
      tpu.vector_store_idx %arg16[%broadcast_in_dim3A_671, %broadcast_in_dim3A_673], %cumsum3A_664 masked %eq3A : memref<128x10xf32, #tpu.memory_space<vmem>>[vector<16xi32>, vector<16xi32>], vector<16xf32>, vector<16xi1>
      %cumsum3A_674 = arith.constant true
      %cumsum3A_675 = vector.broadcast %cumsum3A_674 : i1 to vector<16xi1>
      %cumsum3A_676 = tpu.scan <sum>, %scan3A_636#3 masked %cumsum3A_675 : vector<16xf32>, vector<16xi1> -> vector<16xf32>
      %mul3A_677 = arith.constant 4 : i32
      %mul3A_678 = arith.muli %scan3A_306, %mul3A_677 : i32
      %add3A_679 = arith.constant 64 : i32
      %add3A_680 = arith.addi %add3A_679, %mul3A_678 : i32
      %add3A_681 = arith.constant 3 : i32
      %add3A_682 = arith.addi %add3A_680, %add3A_681 : i32
      %broadcast_in_dim3A_683 = vector.broadcast %add3A_682 : i32 to vector<16xi32>
      %broadcast_in_dim3A_684 = arith.constant 5 : i32
      %broadcast_in_dim3A_685 = vector.broadcast %broadcast_in_dim3A_684 : i32 to vector<16xi32>
      tpu.vector_store_idx %arg16[%broadcast_in_dim3A_683, %broadcast_in_dim3A_685], %cumsum3A_676 masked %eq3A : memref<128x10xf32, #tpu.memory_space<vmem>>[vector<16xi32>, vector<16xi32>], vector<16xf32>, vector<16xi1>
      %cumsum3A_686 = arith.constant true
      %cumsum3A_687 = vector.broadcast %cumsum3A_686 : i1 to vector<16xi1>
      %cumsum3A_688 = tpu.scan <sum>, %scan3A_636#4 masked %cumsum3A_687 : vector<16xf32>, vector<16xi1> -> vector<16xf32>
      %mul3A_689 = arith.constant 4 : i32
      %mul3A_690 = arith.muli %scan3A_306, %mul3A_689 : i32
      %add3A_691 = arith.constant 64 : i32
      %add3A_692 = arith.addi %add3A_691, %mul3A_690 : i32
      %add3A_693 = arith.constant 0 : i32
      %add3A_694 = arith.addi %add3A_692, %add3A_693 : i32
      %broadcast_in_dim3A_695 = vector.broadcast %add3A_694 : i32 to vector<16xi32>
      %broadcast_in_dim3A_696 = arith.constant 6 : i32
      %broadcast_in_dim3A_697 = vector.broadcast %broadcast_in_dim3A_696 : i32 to vector<16xi32>
      tpu.vector_store_idx %arg16[%broadcast_in_dim3A_695, %broadcast_in_dim3A_697], %cumsum3A_688 masked %eq3A : memref<128x10xf32, #tpu.memory_space<vmem>>[vector<16xi32>, vector<16xi32>], vector<16xf32>, vector<16xi1>
      %cumsum3A_698 = arith.constant true
      %cumsum3A_699 = vector.broadcast %cumsum3A_698 : i1 to vector<16xi1>
      %cumsum3A_700 = tpu.scan <sum>, %scan3A_636#5 masked %cumsum3A_699 : vector<16xf32>, vector<16xi1> -> vector<16xf32>
      %mul3A_701 = arith.constant 4 : i32
      %mul3A_702 = arith.muli %scan3A_306, %mul3A_701 : i32
      %add3A_703 = arith.constant 64 : i32
      %add3A_704 = arith.addi %add3A_703, %mul3A_702 : i32
      %add3A_705 = arith.constant 1 : i32
      %add3A_706 = arith.addi %add3A_704, %add3A_705 : i32
      %broadcast_in_dim3A_707 = vector.broadcast %add3A_706 : i32 to vector<16xi32>
      %broadcast_in_dim3A_708 = arith.constant 6 : i32
      %broadcast_in_dim3A_709 = vector.broadcast %broadcast_in_dim3A_708 : i32 to vector<16xi32>
      tpu.vector_store_idx %arg16[%broadcast_in_dim3A_707, %broadcast_in_dim3A_709], %cumsum3A_700 masked %eq3A : memref<128x10xf32, #tpu.memory_space<vmem>>[vector<16xi32>, vector<16xi32>], vector<16xf32>, vector<16xi1>
      %cumsum3A_710 = arith.constant true
      %cumsum3A_711 = vector.broadcast %cumsum3A_710 : i1 to vector<16xi1>
      %cumsum3A_712 = tpu.scan <sum>, %scan3A_636#6 masked %cumsum3A_711 : vector<16xf32>, vector<16xi1> -> vector<16xf32>
      %mul3A_713 = arith.constant 4 : i32
      %mul3A_714 = arith.muli %scan3A_306, %mul3A_713 : i32
      %add3A_715 = arith.constant 64 : i32
      %add3A_716 = arith.addi %add3A_715, %mul3A_714 : i32
      %add3A_717 = arith.constant 2 : i32
      %add3A_718 = arith.addi %add3A_716, %add3A_717 : i32
      %broadcast_in_dim3A_719 = vector.broadcast %add3A_718 : i32 to vector<16xi32>
      %broadcast_in_dim3A_720 = arith.constant 6 : i32
      %broadcast_in_dim3A_721 = vector.broadcast %broadcast_in_dim3A_720 : i32 to vector<16xi32>
      tpu.vector_store_idx %arg16[%broadcast_in_dim3A_719, %broadcast_in_dim3A_721], %cumsum3A_712 masked %eq3A : memref<128x10xf32, #tpu.memory_space<vmem>>[vector<16xi32>, vector<16xi32>], vector<16xf32>, vector<16xi1>
      %cumsum3A_722 = arith.constant true
      %cumsum3A_723 = vector.broadcast %cumsum3A_722 : i1 to vector<16xi1>
      %cumsum3A_724 = tpu.scan <sum>, %scan3A_636#7 masked %cumsum3A_723 : vector<16xf32>, vector<16xi1> -> vector<16xf32>
      %mul3A_725 = arith.constant 4 : i32
      %mul3A_726 = arith.muli %scan3A_306, %mul3A_725 : i32
      %add3A_727 = arith.constant 64 : i32
      %add3A_728 = arith.addi %add3A_727, %mul3A_726 : i32
      %add3A_729 = arith.constant 3 : i32
      %add3A_730 = arith.addi %add3A_728, %add3A_729 : i32
      %broadcast_in_dim3A_731 = vector.broadcast %add3A_730 : i32 to vector<16xi32>
      %broadcast_in_dim3A_732 = arith.constant 6 : i32
      %broadcast_in_dim3A_733 = vector.broadcast %broadcast_in_dim3A_732 : i32 to vector<16xi32>
      tpu.vector_store_idx %arg16[%broadcast_in_dim3A_731, %broadcast_in_dim3A_733], %cumsum3A_724 masked %eq3A : memref<128x10xf32, #tpu.memory_space<vmem>>[vector<16xi32>, vector<16xi32>], vector<16xf32>, vector<16xi1>
      %cumsum3A_734 = arith.constant true
      %cumsum3A_735 = vector.broadcast %cumsum3A_734 : i1 to vector<16xi1>
      %cumsum3A_736 = tpu.scan <sum>, %scan3A_636#8 masked %cumsum3A_735 : vector<16xf32>, vector<16xi1> -> vector<16xf32>
      %mul3A_737 = arith.constant 4 : i32
      %mul3A_738 = arith.muli %scan3A_306, %mul3A_737 : i32
      %add3A_739 = arith.constant 64 : i32
      %add3A_740 = arith.addi %add3A_739, %mul3A_738 : i32
      %add3A_741 = arith.constant 0 : i32
      %add3A_742 = arith.addi %add3A_740, %add3A_741 : i32
      %broadcast_in_dim3A_743 = vector.broadcast %add3A_742 : i32 to vector<16xi32>
      %broadcast_in_dim3A_744 = arith.constant 7 : i32
      %broadcast_in_dim3A_745 = vector.broadcast %broadcast_in_dim3A_744 : i32 to vector<16xi32>
      tpu.vector_store_idx %arg16[%broadcast_in_dim3A_743, %broadcast_in_dim3A_745], %cumsum3A_736 masked %eq3A : memref<128x10xf32, #tpu.memory_space<vmem>>[vector<16xi32>, vector<16xi32>], vector<16xf32>, vector<16xi1>
      %cumsum3A_746 = arith.constant true
      %cumsum3A_747 = vector.broadcast %cumsum3A_746 : i1 to vector<16xi1>
      %cumsum3A_748 = tpu.scan <sum>, %scan3A_636#9 masked %cumsum3A_747 : vector<16xf32>, vector<16xi1> -> vector<16xf32>
      %mul3A_749 = arith.constant 4 : i32
      %mul3A_750 = arith.muli %scan3A_306, %mul3A_749 : i32
      %add3A_751 = arith.constant 64 : i32
      %add3A_752 = arith.addi %add3A_751, %mul3A_750 : i32
      %add3A_753 = arith.constant 1 : i32
      %add3A_754 = arith.addi %add3A_752, %add3A_753 : i32
      %broadcast_in_dim3A_755 = vector.broadcast %add3A_754 : i32 to vector<16xi32>
      %broadcast_in_dim3A_756 = arith.constant 7 : i32
      %broadcast_in_dim3A_757 = vector.broadcast %broadcast_in_dim3A_756 : i32 to vector<16xi32>
      tpu.vector_store_idx %arg16[%broadcast_in_dim3A_755, %broadcast_in_dim3A_757], %cumsum3A_748 masked %eq3A : memref<128x10xf32, #tpu.memory_space<vmem>>[vector<16xi32>, vector<16xi32>], vector<16xf32>, vector<16xi1>
      %cumsum3A_758 = arith.constant true
      %cumsum3A_759 = vector.broadcast %cumsum3A_758 : i1 to vector<16xi1>
      %cumsum3A_760 = tpu.scan <sum>, %scan3A_636#10 masked %cumsum3A_759 : vector<16xf32>, vector<16xi1> -> vector<16xf32>
      %mul3A_761 = arith.constant 4 : i32
      %mul3A_762 = arith.muli %scan3A_306, %mul3A_761 : i32
      %add3A_763 = arith.constant 64 : i32
      %add3A_764 = arith.addi %add3A_763, %mul3A_762 : i32
      %add3A_765 = arith.constant 2 : i32
      %add3A_766 = arith.addi %add3A_764, %add3A_765 : i32
      %broadcast_in_dim3A_767 = vector.broadcast %add3A_766 : i32 to vector<16xi32>
      %broadcast_in_dim3A_768 = arith.constant 7 : i32
      %broadcast_in_dim3A_769 = vector.broadcast %broadcast_in_dim3A_768 : i32 to vector<16xi32>
      tpu.vector_store_idx %arg16[%broadcast_in_dim3A_767, %broadcast_in_dim3A_769], %cumsum3A_760 masked %eq3A : memref<128x10xf32, #tpu.memory_space<vmem>>[vector<16xi32>, vector<16xi32>], vector<16xf32>, vector<16xi1>
      %cumsum3A_770 = arith.constant true
      %cumsum3A_771 = vector.broadcast %cumsum3A_770 : i1 to vector<16xi1>
      %cumsum3A_772 = tpu.scan <sum>, %scan3A_636#11 masked %cumsum3A_771 : vector<16xf32>, vector<16xi1> -> vector<16xf32>
      %mul3A_773 = arith.constant 4 : i32
      %mul3A_774 = arith.muli %scan3A_306, %mul3A_773 : i32
      %add3A_775 = arith.constant 64 : i32
      %add3A_776 = arith.addi %add3A_775, %mul3A_774 : i32
      %add3A_777 = arith.constant 3 : i32
      %add3A_778 = arith.addi %add3A_776, %add3A_777 : i32
      %broadcast_in_dim3A_779 = vector.broadcast %add3A_778 : i32 to vector<16xi32>
      %broadcast_in_dim3A_780 = arith.constant 7 : i32
      %broadcast_in_dim3A_781 = vector.broadcast %broadcast_in_dim3A_780 : i32 to vector<16xi32>
      tpu.vector_store_idx %arg16[%broadcast_in_dim3A_779, %broadcast_in_dim3A_781], %cumsum3A_772 masked %eq3A : memref<128x10xf32, #tpu.memory_space<vmem>>[vector<16xi32>, vector<16xi32>], vector<16xf32>, vector<16xi1>
      %cumsum3A_782 = arith.constant true
      %cumsum3A_783 = vector.broadcast %cumsum3A_782 : i1 to vector<16xi1>
      %cumsum3A_784 = tpu.scan <sum>, %scan3A_636#12 masked %cumsum3A_783 : vector<16xf32>, vector<16xi1> -> vector<16xf32>
      %mul3A_785 = arith.constant 4 : i32
      %mul3A_786 = arith.muli %scan3A_306, %mul3A_785 : i32
      %add3A_787 = arith.constant 64 : i32
      %add3A_788 = arith.addi %add3A_787, %mul3A_786 : i32
      %add3A_789 = arith.constant 0 : i32
      %add3A_790 = arith.addi %add3A_788, %add3A_789 : i32
      %broadcast_in_dim3A_791 = vector.broadcast %add3A_790 : i32 to vector<16xi32>
      %broadcast_in_dim3A_792 = arith.constant 8 : i32
      %broadcast_in_dim3A_793 = vector.broadcast %broadcast_in_dim3A_792 : i32 to vector<16xi32>
      tpu.vector_store_idx %arg16[%broadcast_in_dim3A_791, %broadcast_in_dim3A_793], %cumsum3A_784 masked %eq3A : memref<128x10xf32, #tpu.memory_space<vmem>>[vector<16xi32>, vector<16xi32>], vector<16xf32>, vector<16xi1>
      %cumsum3A_794 = arith.constant true
      %cumsum3A_795 = vector.broadcast %cumsum3A_794 : i1 to vector<16xi1>
      %cumsum3A_796 = tpu.scan <sum>, %scan3A_636#13 masked %cumsum3A_795 : vector<16xf32>, vector<16xi1> -> vector<16xf32>
      %mul3A_797 = arith.constant 4 : i32
      %mul3A_798 = arith.muli %scan3A_306, %mul3A_797 : i32
      %add3A_799 = arith.constant 64 : i32
      %add3A_800 = arith.addi %add3A_799, %mul3A_798 : i32
      %add3A_801 = arith.constant 1 : i32
      %add3A_802 = arith.addi %add3A_800, %add3A_801 : i32
      %broadcast_in_dim3A_803 = vector.broadcast %add3A_802 : i32 to vector<16xi32>
      %broadcast_in_dim3A_804 = arith.constant 8 : i32
      %broadcast_in_dim3A_805 = vector.broadcast %broadcast_in_dim3A_804 : i32 to vector<16xi32>
      tpu.vector_store_idx %arg16[%broadcast_in_dim3A_803, %broadcast_in_dim3A_805], %cumsum3A_796 masked %eq3A : memref<128x10xf32, #tpu.memory_space<vmem>>[vector<16xi32>, vector<16xi32>], vector<16xf32>, vector<16xi1>
      %cumsum3A_806 = arith.constant true
      %cumsum3A_807 = vector.broadcast %cumsum3A_806 : i1 to vector<16xi1>
      %cumsum3A_808 = tpu.scan <sum>, %scan3A_636#14 masked %cumsum3A_807 : vector<16xf32>, vector<16xi1> -> vector<16xf32>
      %mul3A_809 = arith.constant 4 : i32
      %mul3A_810 = arith.muli %scan3A_306, %mul3A_809 : i32
      %add3A_811 = arith.constant 64 : i32
      %add3A_812 = arith.addi %add3A_811, %mul3A_810 : i32
      %add3A_813 = arith.constant 2 : i32
      %add3A_814 = arith.addi %add3A_812, %add3A_813 : i32
      %broadcast_in_dim3A_815 = vector.broadcast %add3A_814 : i32 to vector<16xi32>
      %broadcast_in_dim3A_816 = arith.constant 8 : i32
      %broadcast_in_dim3A_817 = vector.broadcast %broadcast_in_dim3A_816 : i32 to vector<16xi32>
      tpu.vector_store_idx %arg16[%broadcast_in_dim3A_815, %broadcast_in_dim3A_817], %cumsum3A_808 masked %eq3A : memref<128x10xf32, #tpu.memory_space<vmem>>[vector<16xi32>, vector<16xi32>], vector<16xf32>, vector<16xi1>
      %cumsum3A_818 = arith.constant true
      %cumsum3A_819 = vector.broadcast %cumsum3A_818 : i1 to vector<16xi1>
      %cumsum3A_820 = tpu.scan <sum>, %scan3A_636#15 masked %cumsum3A_819 : vector<16xf32>, vector<16xi1> -> vector<16xf32>
      %mul3A_821 = arith.constant 4 : i32
      %mul3A_822 = arith.muli %scan3A_306, %mul3A_821 : i32
      %add3A_823 = arith.constant 64 : i32
      %add3A_824 = arith.addi %add3A_823, %mul3A_822 : i32
      %add3A_825 = arith.constant 3 : i32
      %add3A_826 = arith.addi %add3A_824, %add3A_825 : i32
      %broadcast_in_dim3A_827 = vector.broadcast %add3A_826 : i32 to vector<16xi32>
      %broadcast_in_dim3A_828 = arith.constant 8 : i32
      %broadcast_in_dim3A_829 = vector.broadcast %broadcast_in_dim3A_828 : i32 to vector<16xi32>
      tpu.vector_store_idx %arg16[%broadcast_in_dim3A_827, %broadcast_in_dim3A_829], %cumsum3A_820 masked %eq3A : memref<128x10xf32, #tpu.memory_space<vmem>>[vector<16xi32>, vector<16xi32>], vector<16xf32>, vector<16xi1>
      %cumsum3A_830 = arith.constant true
      %cumsum3A_831 = vector.broadcast %cumsum3A_830 : i1 to vector<16xi1>
      %cumsum3A_832 = tpu.scan <sum>, %scan3A_636#16 masked %cumsum3A_831 : vector<16xf32>, vector<16xi1> -> vector<16xf32>
      %mul3A_833 = arith.constant 4 : i32
      %mul3A_834 = arith.muli %scan3A_306, %mul3A_833 : i32
      %add3A_835 = arith.constant 64 : i32
      %add3A_836 = arith.addi %add3A_835, %mul3A_834 : i32
      %add3A_837 = arith.constant 0 : i32
      %add3A_838 = arith.addi %add3A_836, %add3A_837 : i32
      %broadcast_in_dim3A_839 = vector.broadcast %add3A_838 : i32 to vector<16xi32>
      %broadcast_in_dim3A_840 = arith.constant 9 : i32
      %broadcast_in_dim3A_841 = vector.broadcast %broadcast_in_dim3A_840 : i32 to vector<16xi32>
      tpu.vector_store_idx %arg16[%broadcast_in_dim3A_839, %broadcast_in_dim3A_841], %cumsum3A_832 masked %eq3A : memref<128x10xf32, #tpu.memory_space<vmem>>[vector<16xi32>, vector<16xi32>], vector<16xf32>, vector<16xi1>
      %cumsum3A_842 = arith.constant true
      %cumsum3A_843 = vector.broadcast %cumsum3A_842 : i1 to vector<16xi1>
      %cumsum3A_844 = tpu.scan <sum>, %scan3A_636#17 masked %cumsum3A_843 : vector<16xf32>, vector<16xi1> -> vector<16xf32>
      %mul3A_845 = arith.constant 4 : i32
      %mul3A_846 = arith.muli %scan3A_306, %mul3A_845 : i32
      %add3A_847 = arith.constant 64 : i32
      %add3A_848 = arith.addi %add3A_847, %mul3A_846 : i32
      %add3A_849 = arith.constant 1 : i32
      %add3A_850 = arith.addi %add3A_848, %add3A_849 : i32
      %broadcast_in_dim3A_851 = vector.broadcast %add3A_850 : i32 to vector<16xi32>
      %broadcast_in_dim3A_852 = arith.constant 9 : i32
      %broadcast_in_dim3A_853 = vector.broadcast %broadcast_in_dim3A_852 : i32 to vector<16xi32>
      tpu.vector_store_idx %arg16[%broadcast_in_dim3A_851, %broadcast_in_dim3A_853], %cumsum3A_844 masked %eq3A : memref<128x10xf32, #tpu.memory_space<vmem>>[vector<16xi32>, vector<16xi32>], vector<16xf32>, vector<16xi1>
      %cumsum3A_854 = arith.constant true
      %cumsum3A_855 = vector.broadcast %cumsum3A_854 : i1 to vector<16xi1>
      %cumsum3A_856 = tpu.scan <sum>, %scan3A_636#18 masked %cumsum3A_855 : vector<16xf32>, vector<16xi1> -> vector<16xf32>
      %mul3A_857 = arith.constant 4 : i32
      %mul3A_858 = arith.muli %scan3A_306, %mul3A_857 : i32
      %add3A_859 = arith.constant 64 : i32
      %add3A_860 = arith.addi %add3A_859, %mul3A_858 : i32
      %add3A_861 = arith.constant 2 : i32
      %add3A_862 = arith.addi %add3A_860, %add3A_861 : i32
      %broadcast_in_dim3A_863 = vector.broadcast %add3A_862 : i32 to vector<16xi32>
      %broadcast_in_dim3A_864 = arith.constant 9 : i32
      %broadcast_in_dim3A_865 = vector.broadcast %broadcast_in_dim3A_864 : i32 to vector<16xi32>
      tpu.vector_store_idx %arg16[%broadcast_in_dim3A_863, %broadcast_in_dim3A_865], %cumsum3A_856 masked %eq3A : memref<128x10xf32, #tpu.memory_space<vmem>>[vector<16xi32>, vector<16xi32>], vector<16xf32>, vector<16xi1>
      %cumsum3A_866 = arith.constant true
      %cumsum3A_867 = vector.broadcast %cumsum3A_866 : i1 to vector<16xi1>
      %cumsum3A_868 = tpu.scan <sum>, %scan3A_636#19 masked %cumsum3A_867 : vector<16xf32>, vector<16xi1> -> vector<16xf32>
      %mul3A_869 = arith.constant 4 : i32
      %mul3A_870 = arith.muli %scan3A_306, %mul3A_869 : i32
      %add3A_871 = arith.constant 64 : i32
      %add3A_872 = arith.addi %add3A_871, %mul3A_870 : i32
      %add3A_873 = arith.constant 3 : i32
      %add3A_874 = arith.addi %add3A_872, %add3A_873 : i32
      %broadcast_in_dim3A_875 = vector.broadcast %add3A_874 : i32 to vector<16xi32>
      %broadcast_in_dim3A_876 = arith.constant 9 : i32
      %broadcast_in_dim3A_877 = vector.broadcast %broadcast_in_dim3A_876 : i32 to vector<16xi32>
      tpu.vector_store_idx %arg16[%broadcast_in_dim3A_875, %broadcast_in_dim3A_877], %cumsum3A_868 masked %eq3A : memref<128x10xf32, #tpu.memory_space<vmem>>[vector<16xi32>, vector<16xi32>], vector<16xf32>, vector<16xi1>
    }
    %scan3A_103 = arith.constant 16 : i32
    %broadcast_in_dim3A_104 = arith.constant 0 : i32
    %broadcast_in_dim3A_105 = vector.broadcast %broadcast_in_dim3A_104 : i32 to vector<16xi32>
    %gather3A = tpu.vector_load_idx %arg13[%broadcast_in_dim3A_105] : memref<16xf32, #tpu.memory_space<vmem>>[vector<16xi32>], vector<16xf32>,
    %broadcast_in_dim3A_106 = arith.constant 1 : i32
    %broadcast_in_dim3A_107 = vector.broadcast %broadcast_in_dim3A_106 : i32 to vector<16xi32>
    %gather3A_108 = tpu.vector_load_idx %arg13[%broadcast_in_dim3A_107] : memref<16xf32, #tpu.memory_space<vmem>>[vector<16xi32>], vector<16xf32>,
    %broadcast_in_dim3A_109 = arith.constant 2 : i32
    %broadcast_in_dim3A_110 = vector.broadcast %broadcast_in_dim3A_109 : i32 to vector<16xi32>
    %gather3A_111 = tpu.vector_load_idx %arg13[%broadcast_in_dim3A_110] : memref<16xf32, #tpu.memory_space<vmem>>[vector<16xi32>], vector<16xf32>,
    %broadcast_in_dim3A_112 = arith.constant 3 : i32
    %broadcast_in_dim3A_113 = vector.broadcast %broadcast_in_dim3A_112 : i32 to vector<16xi32>
    %gather3A_114 = tpu.vector_load_idx %arg13[%broadcast_in_dim3A_113] : memref<16xf32, #tpu.memory_space<vmem>>[vector<16xi32>], vector<16xf32>,
    %broadcast_in_dim3A_115 = arith.constant 4 : i32
    %broadcast_in_dim3A_116 = vector.broadcast %broadcast_in_dim3A_115 : i32 to vector<16xi32>
    %gather3A_117 = tpu.vector_load_idx %arg13[%broadcast_in_dim3A_116] : memref<16xf32, #tpu.memory_space<vmem>>[vector<16xi32>], vector<16xf32>,
    %broadcast_in_dim3A_118 = arith.constant 5 : i32
    %broadcast_in_dim3A_119 = vector.broadcast %broadcast_in_dim3A_118 : i32 to vector<16xi32>
    %gather3A_120 = tpu.vector_load_idx %arg13[%broadcast_in_dim3A_119] : memref<16xf32, #tpu.memory_space<vmem>>[vector<16xi32>], vector<16xf32>,
    %broadcast_in_dim3A_121 = arith.constant 6 : i32
    %broadcast_in_dim3A_122 = vector.broadcast %broadcast_in_dim3A_121 : i32 to vector<16xi32>
    %gather3A_123 = tpu.vector_load_idx %arg13[%broadcast_in_dim3A_122] : memref<16xf32, #tpu.memory_space<vmem>>[vector<16xi32>], vector<16xf32>,
    %broadcast_in_dim3A_124 = arith.constant 7 : i32
    %broadcast_in_dim3A_125 = vector.broadcast %broadcast_in_dim3A_124 : i32 to vector<16xi32>
    %gather3A_126 = tpu.vector_load_idx %arg13[%broadcast_in_dim3A_125] : memref<16xf32, #tpu.memory_space<vmem>>[vector<16xi32>], vector<16xf32>,
    %broadcast_in_dim3A_127 = arith.constant 8 : i32
    %broadcast_in_dim3A_128 = vector.broadcast %broadcast_in_dim3A_127 : i32 to vector<16xi32>
    %gather3A_129 = tpu.vector_load_idx %arg13[%broadcast_in_dim3A_128] : memref<16xf32, #tpu.memory_space<vmem>>[vector<16xi32>], vector<16xf32>,
    %broadcast_in_dim3A_130 = arith.constant 9 : i32
    %broadcast_in_dim3A_131 = vector.broadcast %broadcast_in_dim3A_130 : i32 to vector<16xi32>
    %gather3A_132 = tpu.vector_load_idx %arg13[%broadcast_in_dim3A_131] : memref<16xf32, #tpu.memory_space<vmem>>[vector<16xi32>], vector<16xf32>,
    %broadcast_in_dim3A_133 = arith.constant 0 : i32
    %broadcast_in_dim3A_134 = vector.broadcast %broadcast_in_dim3A_133 : i32 to vector<16xi32>
    %gather3A_135 = tpu.vector_load_idx %arg15[%broadcast_in_dim3A_134] : memref<16xf32, #tpu.memory_space<vmem>>[vector<16xi32>], vector<16xf32>,
    %broadcast_in_dim3A_136 = arith.constant 1 : i32
    %broadcast_in_dim3A_137 = vector.broadcast %broadcast_in_dim3A_136 : i32 to vector<16xi32>
    %gather3A_138 = tpu.vector_load_idx %arg15[%broadcast_in_dim3A_137] : memref<16xf32, #tpu.memory_space<vmem>>[vector<16xi32>], vector<16xf32>,
    %broadcast_in_dim3A_139 = arith.constant 2 : i32
    %broadcast_in_dim3A_140 = vector.broadcast %broadcast_in_dim3A_139 : i32 to vector<16xi32>
    %gather3A_141 = tpu.vector_load_idx %arg15[%broadcast_in_dim3A_140] : memref<16xf32, #tpu.memory_space<vmem>>[vector<16xi32>], vector<16xf32>,
    %broadcast_in_dim3A_142 = arith.constant 3 : i32
    %broadcast_in_dim3A_143 = vector.broadcast %broadcast_in_dim3A_142 : i32 to vector<16xi32>
    %gather3A_144 = tpu.vector_load_idx %arg15[%broadcast_in_dim3A_143] : memref<16xf32, #tpu.memory_space<vmem>>[vector<16xi32>], vector<16xf32>,
    %broadcast_in_dim3A_145 = arith.constant 4 : i32
    %broadcast_in_dim3A_146 = vector.broadcast %broadcast_in_dim3A_145 : i32 to vector<16xi32>
    %gather3A_147 = tpu.vector_load_idx %arg15[%broadcast_in_dim3A_146] : memref<16xf32, #tpu.memory_space<vmem>>[vector<16xi32>], vector<16xf32>,
    %broadcast_in_dim3A_148 = arith.constant 0 : i32
    %broadcast_in_dim3A_149 = vector.broadcast %broadcast_in_dim3A_148 : i32 to vector<16xi32>
    %gather3A_150 = tpu.vector_load_idx %arg14[%broadcast_in_dim3A_149] : memref<64xf32, #tpu.memory_space<vmem>>[vector<16xi32>], vector<16xf32>,
    %broadcast_in_dim3A_151 = arith.constant 1 : i32
    %broadcast_in_dim3A_152 = vector.broadcast %broadcast_in_dim3A_151 : i32 to vector<16xi32>
    %gather3A_153 = tpu.vector_load_idx %arg14[%broadcast_in_dim3A_152] : memref<64xf32, #tpu.memory_space<vmem>>[vector<16xi32>], vector<16xf32>,
    %broadcast_in_dim3A_154 = arith.constant 2 : i32
    %broadcast_in_dim3A_155 = vector.broadcast %broadcast_in_dim3A_154 : i32 to vector<16xi32>
    %gather3A_156 = tpu.vector_load_idx %arg14[%broadcast_in_dim3A_155] : memref<64xf32, #tpu.memory_space<vmem>>[vector<16xi32>], vector<16xf32>,
    %broadcast_in_dim3A_157 = arith.constant 3 : i32
    %broadcast_in_dim3A_158 = vector.broadcast %broadcast_in_dim3A_157 : i32 to vector<16xi32>
    %gather3A_159 = tpu.vector_load_idx %arg14[%broadcast_in_dim3A_158] : memref<64xf32, #tpu.memory_space<vmem>>[vector<16xi32>], vector<16xf32>,
    %broadcast_in_dim3A_160 = arith.constant 4 : i32
    %broadcast_in_dim3A_161 = vector.broadcast %broadcast_in_dim3A_160 : i32 to vector<16xi32>
    %gather3A_162 = tpu.vector_load_idx %arg14[%broadcast_in_dim3A_161] : memref<64xf32, #tpu.memory_space<vmem>>[vector<16xi32>], vector<16xf32>,
    %broadcast_in_dim3A_163 = arith.constant 5 : i32
    %broadcast_in_dim3A_164 = vector.broadcast %broadcast_in_dim3A_163 : i32 to vector<16xi32>
    %gather3A_165 = tpu.vector_load_idx %arg14[%broadcast_in_dim3A_164] : memref<64xf32, #tpu.memory_space<vmem>>[vector<16xi32>], vector<16xf32>,
    %broadcast_in_dim3A_166 = arith.constant 6 : i32
    %broadcast_in_dim3A_167 = vector.broadcast %broadcast_in_dim3A_166 : i32 to vector<16xi32>
    %gather3A_168 = tpu.vector_load_idx %arg14[%broadcast_in_dim3A_167] : memref<64xf32, #tpu.memory_space<vmem>>[vector<16xi32>], vector<16xf32>,
    %broadcast_in_dim3A_169 = arith.constant 7 : i32
    %broadcast_in_dim3A_170 = vector.broadcast %broadcast_in_dim3A_169 : i32 to vector<16xi32>
    %gather3A_171 = tpu.vector_load_idx %arg14[%broadcast_in_dim3A_170] : memref<64xf32, #tpu.memory_space<vmem>>[vector<16xi32>], vector<16xf32>,
    %broadcast_in_dim3A_172 = arith.constant 8 : i32
    %broadcast_in_dim3A_173 = vector.broadcast %broadcast_in_dim3A_172 : i32 to vector<16xi32>
    %gather3A_174 = tpu.vector_load_idx %arg14[%broadcast_in_dim3A_173] : memref<64xf32, #tpu.memory_space<vmem>>[vector<16xi32>], vector<16xf32>,
    %broadcast_in_dim3A_175 = arith.constant 9 : i32
    %broadcast_in_dim3A_176 = vector.broadcast %broadcast_in_dim3A_175 : i32 to vector<16xi32>
    %gather3A_177 = tpu.vector_load_idx %arg14[%broadcast_in_dim3A_176] : memref<64xf32, #tpu.memory_space<vmem>>[vector<16xi32>], vector<16xf32>,
    %broadcast_in_dim3A_178 = arith.constant 10 : i32
    %broadcast_in_dim3A_179 = vector.broadcast %broadcast_in_dim3A_178 : i32 to vector<16xi32>
    %gather3A_180 = tpu.vector_load_idx %arg14[%broadcast_in_dim3A_179] : memref<64xf32, #tpu.memory_space<vmem>>[vector<16xi32>], vector<16xf32>,
    %broadcast_in_dim3A_181 = arith.constant 11 : i32
    %broadcast_in_dim3A_182 = vector.broadcast %broadcast_in_dim3A_181 : i32 to vector<16xi32>
    %gather3A_183 = tpu.vector_load_idx %arg14[%broadcast_in_dim3A_182] : memref<64xf32, #tpu.memory_space<vmem>>[vector<16xi32>], vector<16xf32>,
    %broadcast_in_dim3A_184 = arith.constant 12 : i32
    %broadcast_in_dim3A_185 = vector.broadcast %broadcast_in_dim3A_184 : i32 to vector<16xi32>
    %gather3A_186 = tpu.vector_load_idx %arg14[%broadcast_in_dim3A_185] : memref<64xf32, #tpu.memory_space<vmem>>[vector<16xi32>], vector<16xf32>,
    %broadcast_in_dim3A_187 = arith.constant 13 : i32
    %broadcast_in_dim3A_188 = vector.broadcast %broadcast_in_dim3A_187 : i32 to vector<16xi32>
    %gather3A_189 = tpu.vector_load_idx %arg14[%broadcast_in_dim3A_188] : memref<64xf32, #tpu.memory_space<vmem>>[vector<16xi32>], vector<16xf32>,
    %broadcast_in_dim3A_190 = arith.constant 14 : i32
    %broadcast_in_dim3A_191 = vector.broadcast %broadcast_in_dim3A_190 : i32 to vector<16xi32>
    %gather3A_192 = tpu.vector_load_idx %arg14[%broadcast_in_dim3A_191] : memref<64xf32, #tpu.memory_space<vmem>>[vector<16xi32>], vector<16xf32>,
    %broadcast_in_dim3A_193 = arith.constant 15 : i32
    %broadcast_in_dim3A_194 = vector.broadcast %broadcast_in_dim3A_193 : i32 to vector<16xi32>
    %gather3A_195 = tpu.vector_load_idx %arg14[%broadcast_in_dim3A_194] : memref<64xf32, #tpu.memory_space<vmem>>[vector<16xi32>], vector<16xf32>,
    %broadcast_in_dim3A_196 = arith.constant 16 : i32
    %broadcast_in_dim3A_197 = vector.broadcast %broadcast_in_dim3A_196 : i32 to vector<16xi32>
    %gather3A_198 = tpu.vector_load_idx %arg14[%broadcast_in_dim3A_197] : memref<64xf32, #tpu.memory_space<vmem>>[vector<16xi32>], vector<16xf32>,
    %broadcast_in_dim3A_199 = arith.constant 17 : i32
    %broadcast_in_dim3A_200 = vector.broadcast %broadcast_in_dim3A_199 : i32 to vector<16xi32>
    %gather3A_201 = tpu.vector_load_idx %arg14[%broadcast_in_dim3A_200] : memref<64xf32, #tpu.memory_space<vmem>>[vector<16xi32>], vector<16xf32>,
    %broadcast_in_dim3A_202 = arith.constant 18 : i32
    %broadcast_in_dim3A_203 = vector.broadcast %broadcast_in_dim3A_202 : i32 to vector<16xi32>
    %gather3A_204 = tpu.vector_load_idx %arg14[%broadcast_in_dim3A_203] : memref<64xf32, #tpu.memory_space<vmem>>[vector<16xi32>], vector<16xf32>,
    %broadcast_in_dim3A_205 = arith.constant 19 : i32
    %broadcast_in_dim3A_206 = vector.broadcast %broadcast_in_dim3A_205 : i32 to vector<16xi32>
    %gather3A_207 = tpu.vector_load_idx %arg14[%broadcast_in_dim3A_206] : memref<64xf32, #tpu.memory_space<vmem>>[vector<16xi32>], vector<16xf32>,
    %broadcast_in_dim3A_208 = arith.constant 20 : i32
    %broadcast_in_dim3A_209 = vector.broadcast %broadcast_in_dim3A_208 : i32 to vector<16xi32>
    %gather3A_210 = tpu.vector_load_idx %arg14[%broadcast_in_dim3A_209] : memref<64xf32, #tpu.memory_space<vmem>>[vector<16xi32>], vector<16xf32>,
    %broadcast_in_dim3A_211 = arith.constant 21 : i32
    %broadcast_in_dim3A_212 = vector.broadcast %broadcast_in_dim3A_211 : i32 to vector<16xi32>
    %gather3A_213 = tpu.vector_load_idx %arg14[%broadcast_in_dim3A_212] : memref<64xf32, #tpu.memory_space<vmem>>[vector<16xi32>], vector<16xf32>,
    %broadcast_in_dim3A_214 = arith.constant 22 : i32
    %broadcast_in_dim3A_215 = vector.broadcast %broadcast_in_dim3A_214 : i32 to vector<16xi32>
    %gather3A_216 = tpu.vector_load_idx %arg14[%broadcast_in_dim3A_215] : memref<64xf32, #tpu.memory_space<vmem>>[vector<16xi32>], vector<16xf32>,
    %broadcast_in_dim3A_217 = arith.constant 23 : i32
    %broadcast_in_dim3A_218 = vector.broadcast %broadcast_in_dim3A_217 : i32 to vector<16xi32>
    %gather3A_219 = tpu.vector_load_idx %arg14[%broadcast_in_dim3A_218] : memref<64xf32, #tpu.memory_space<vmem>>[vector<16xi32>], vector<16xf32>,
    %broadcast_in_dim3A_220 = arith.constant 24 : i32
    %broadcast_in_dim3A_221 = vector.broadcast %broadcast_in_dim3A_220 : i32 to vector<16xi32>
    %gather3A_222 = tpu.vector_load_idx %arg14[%broadcast_in_dim3A_221] : memref<64xf32, #tpu.memory_space<vmem>>[vector<16xi32>], vector<16xf32>,
    %broadcast_in_dim3A_223 = arith.constant 25 : i32
    %broadcast_in_dim3A_224 = vector.broadcast %broadcast_in_dim3A_223 : i32 to vector<16xi32>
    %gather3A_225 = tpu.vector_load_idx %arg14[%broadcast_in_dim3A_224] : memref<64xf32, #tpu.memory_space<vmem>>[vector<16xi32>], vector<16xf32>,
    %broadcast_in_dim3A_226 = arith.constant 26 : i32
    %broadcast_in_dim3A_227 = vector.broadcast %broadcast_in_dim3A_226 : i32 to vector<16xi32>
    %gather3A_228 = tpu.vector_load_idx %arg14[%broadcast_in_dim3A_227] : memref<64xf32, #tpu.memory_space<vmem>>[vector<16xi32>], vector<16xf32>,
    %broadcast_in_dim3A_229 = arith.constant 27 : i32
    %broadcast_in_dim3A_230 = vector.broadcast %broadcast_in_dim3A_229 : i32 to vector<16xi32>
    %gather3A_231 = tpu.vector_load_idx %arg14[%broadcast_in_dim3A_230] : memref<64xf32, #tpu.memory_space<vmem>>[vector<16xi32>], vector<16xf32>,
    %broadcast_in_dim3A_232 = arith.constant 28 : i32
    %broadcast_in_dim3A_233 = vector.broadcast %broadcast_in_dim3A_232 : i32 to vector<16xi32>
    %gather3A_234 = tpu.vector_load_idx %arg14[%broadcast_in_dim3A_233] : memref<64xf32, #tpu.memory_space<vmem>>[vector<16xi32>], vector<16xf32>,
    %broadcast_in_dim3A_235 = arith.constant 29 : i32
    %broadcast_in_dim3A_236 = vector.broadcast %broadcast_in_dim3A_235 : i32 to vector<16xi32>
    %gather3A_237 = tpu.vector_load_idx %arg14[%broadcast_in_dim3A_236] : memref<64xf32, #tpu.memory_space<vmem>>[vector<16xi32>], vector<16xf32>,
    %broadcast_in_dim3A_238 = arith.constant 30 : i32
    %broadcast_in_dim3A_239 = vector.broadcast %broadcast_in_dim3A_238 : i32 to vector<16xi32>
    %gather3A_240 = tpu.vector_load_idx %arg14[%broadcast_in_dim3A_239] : memref<64xf32, #tpu.memory_space<vmem>>[vector<16xi32>], vector<16xf32>,
    %broadcast_in_dim3A_241 = arith.constant 31 : i32
    %broadcast_in_dim3A_242 = vector.broadcast %broadcast_in_dim3A_241 : i32 to vector<16xi32>
    %gather3A_243 = tpu.vector_load_idx %arg14[%broadcast_in_dim3A_242] : memref<64xf32, #tpu.memory_space<vmem>>[vector<16xi32>], vector<16xf32>,
    %broadcast_in_dim3A_244 = arith.constant 32 : i32
    %broadcast_in_dim3A_245 = vector.broadcast %broadcast_in_dim3A_244 : i32 to vector<16xi32>
    %gather3A_246 = tpu.vector_load_idx %arg14[%broadcast_in_dim3A_245] : memref<64xf32, #tpu.memory_space<vmem>>[vector<16xi32>], vector<16xf32>,
    %broadcast_in_dim3A_247 = arith.constant 33 : i32
    %broadcast_in_dim3A_248 = vector.broadcast %broadcast_in_dim3A_247 : i32 to vector<16xi32>
    %gather3A_249 = tpu.vector_load_idx %arg14[%broadcast_in_dim3A_248] : memref<64xf32, #tpu.memory_space<vmem>>[vector<16xi32>], vector<16xf32>,
    %broadcast_in_dim3A_250 = arith.constant 34 : i32
    %broadcast_in_dim3A_251 = vector.broadcast %broadcast_in_dim3A_250 : i32 to vector<16xi32>
    %gather3A_252 = tpu.vector_load_idx %arg14[%broadcast_in_dim3A_251] : memref<64xf32, #tpu.memory_space<vmem>>[vector<16xi32>], vector<16xf32>,
    %broadcast_in_dim3A_253 = arith.constant 35 : i32
    %broadcast_in_dim3A_254 = vector.broadcast %broadcast_in_dim3A_253 : i32 to vector<16xi32>
    %gather3A_255 = tpu.vector_load_idx %arg14[%broadcast_in_dim3A_254] : memref<64xf32, #tpu.memory_space<vmem>>[vector<16xi32>], vector<16xf32>,
    %broadcast_in_dim3A_256 = arith.constant 36 : i32
    %broadcast_in_dim3A_257 = vector.broadcast %broadcast_in_dim3A_256 : i32 to vector<16xi32>
    %gather3A_258 = tpu.vector_load_idx %arg14[%broadcast_in_dim3A_257] : memref<64xf32, #tpu.memory_space<vmem>>[vector<16xi32>], vector<16xf32>,
    %broadcast_in_dim3A_259 = arith.constant 37 : i32
    %broadcast_in_dim3A_260 = vector.broadcast %broadcast_in_dim3A_259 : i32 to vector<16xi32>
    %gather3A_261 = tpu.vector_load_idx %arg14[%broadcast_in_dim3A_260] : memref<64xf32, #tpu.memory_space<vmem>>[vector<16xi32>], vector<16xf32>,
    %broadcast_in_dim3A_262 = arith.constant 38 : i32
    %broadcast_in_dim3A_263 = vector.broadcast %broadcast_in_dim3A_262 : i32 to vector<16xi32>
    %gather3A_264 = tpu.vector_load_idx %arg14[%broadcast_in_dim3A_263] : memref<64xf32, #tpu.memory_space<vmem>>[vector<16xi32>], vector<16xf32>,
    %broadcast_in_dim3A_265 = arith.constant 39 : i32
    %broadcast_in_dim3A_266 = vector.broadcast %broadcast_in_dim3A_265 : i32 to vector<16xi32>
    %gather3A_267 = tpu.vector_load_idx %arg14[%broadcast_in_dim3A_266] : memref<64xf32, #tpu.memory_space<vmem>>[vector<16xi32>], vector<16xf32>,
    %broadcast_in_dim3A_268 = arith.constant 40 : i32
    %broadcast_in_dim3A_269 = vector.broadcast %broadcast_in_dim3A_268 : i32 to vector<16xi32>
    %gather3A_270 = tpu.vector_load_idx %arg14[%broadcast_in_dim3A_269] : memref<64xf32, #tpu.memory_space<vmem>>[vector<16xi32>], vector<16xf32>,
    %broadcast_in_dim3A_271 = arith.constant 41 : i32
    %broadcast_in_dim3A_272 = vector.broadcast %broadcast_in_dim3A_271 : i32 to vector<16xi32>
    %gather3A_273 = tpu.vector_load_idx %arg14[%broadcast_in_dim3A_272] : memref<64xf32, #tpu.memory_space<vmem>>[vector<16xi32>], vector<16xf32>,
    %broadcast_in_dim3A_274 = arith.constant 42 : i32
    %broadcast_in_dim3A_275 = vector.broadcast %broadcast_in_dim3A_274 : i32 to vector<16xi32>
    %gather3A_276 = tpu.vector_load_idx %arg14[%broadcast_in_dim3A_275] : memref<64xf32, #tpu.memory_space<vmem>>[vector<16xi32>], vector<16xf32>,
    %broadcast_in_dim3A_277 = arith.constant 43 : i32
    %broadcast_in_dim3A_278 = vector.broadcast %broadcast_in_dim3A_277 : i32 to vector<16xi32>
    %gather3A_279 = tpu.vector_load_idx %arg14[%broadcast_in_dim3A_278] : memref<64xf32, #tpu.memory_space<vmem>>[vector<16xi32>], vector<16xf32>,
    %broadcast_in_dim3A_280 = arith.constant 44 : i32
    %broadcast_in_dim3A_281 = vector.broadcast %broadcast_in_dim3A_280 : i32 to vector<16xi32>
    %gather3A_282 = tpu.vector_load_idx %arg14[%broadcast_in_dim3A_281] : memref<64xf32, #tpu.memory_space<vmem>>[vector<16xi32>], vector<16xf32>,
    %broadcast_in_dim3A_283 = arith.constant 45 : i32
    %broadcast_in_dim3A_284 = vector.broadcast %broadcast_in_dim3A_283 : i32 to vector<16xi32>
    %gather3A_285 = tpu.vector_load_idx %arg14[%broadcast_in_dim3A_284] : memref<64xf32, #tpu.memory_space<vmem>>[vector<16xi32>], vector<16xf32>,
    %broadcast_in_dim3A_286 = arith.constant 46 : i32
    %broadcast_in_dim3A_287 = vector.broadcast %broadcast_in_dim3A_286 : i32 to vector<16xi32>
    %gather3A_288 = tpu.vector_load_idx %arg14[%broadcast_in_dim3A_287] : memref<64xf32, #tpu.memory_space<vmem>>[vector<16xi32>], vector<16xf32>,
    %broadcast_in_dim3A_289 = arith.constant 47 : i32
    %broadcast_in_dim3A_290 = vector.broadcast %broadcast_in_dim3A_289 : i32 to vector<16xi32>
    %gather3A_291 = tpu.vector_load_idx %arg14[%broadcast_in_dim3A_290] : memref<64xf32, #tpu.memory_space<vmem>>[vector<16xi32>], vector<16xf32>,
    %broadcast_in_dim3A_292 = arith.constant 48 : i32
    %broadcast_in_dim3A_293 = vector.broadcast %broadcast_in_dim3A_292 : i32 to vector<16xi32>
    %gather3A_294 = tpu.vector_load_idx %arg14[%broadcast_in_dim3A_293] : memref<64xf32, #tpu.memory_space<vmem>>[vector<16xi32>], vector<16xf32>,
    %broadcast_in_dim3A_295 = arith.constant 49 : i32
    %broadcast_in_dim3A_296 = vector.broadcast %broadcast_in_dim3A_295 : i32 to vector<16xi32>
    %gather3A_297 = tpu.vector_load_idx %arg14[%broadcast_in_dim3A_296] : memref<64xf32, #tpu.memory_space<vmem>>[vector<16xi32>], vector<16xf32>,
    %scan3A_298 = arith.constant 0 : i32
    %scan3A_299 = arith.constant 0 : i32
    %scan3A_300 = arith.constant 8 : i32
    %scan3A_301 = arith.addi %scan3A_299, %scan3A_300 : i32
    %scan3A_302 = arith.constant 1 : i32
    scf.for %scan3A_306 = %scan3A_299 to %scan3A_301 step %scan3A_302  : i32 {
      %mul3A_307 = arith.constant 16 : i32
      %mul3A_308 = arith.muli %scan3A_306, %mul3A_307 : i32
      %broadcast_in_dim3A_309 = vector.broadcast %mul3A_308 : i32 to vector<16xi32>
      %add3A_310 = arith.addi %iota3A, %broadcast_in_dim3A_309 : vector<16xi32>
      %broadcast_in_dim3A_311 = arith.constant 0 : i32
      %broadcast_in_dim3A_312 = vector.broadcast %broadcast_in_dim3A_311 : i32 to vector<16xi32>
      %gather3A_313 = tpu.vector_load_idx %arg16[%add3A_310, %broadcast_in_dim3A_312] : memref<128x10xf32, #tpu.memory_space<vmem>>[vector<16xi32>, vector<16xi32>], vector<16xf32>,
      %add3A_314 = arith.addf %gather3A_313, %gather3A : vector<16xf32>
      %max3A = arith.constant 0.000000e+00 : f32
      %max3A_315 = vector.broadcast %max3A : f32 to vector<16xf32>
      %max3A_316 = arith.maximumf %add3A_314, %max3A_315 : vector<16xf32>
      %broadcast_in_dim3A_317 = arith.constant 1 : i32
      %broadcast_in_dim3A_318 = vector.broadcast %broadcast_in_dim3A_317 : i32 to vector<16xi32>
      %gather3A_319 = tpu.vector_load_idx %arg16[%add3A_310, %broadcast_in_dim3A_318] : memref<128x10xf32, #tpu.memory_space<vmem>>[vector<16xi32>, vector<16xi32>], vector<16xf32>,
      %add3A_320 = arith.addf %gather3A_319, %gather3A_108 : vector<16xf32>
      %max3A_321 = arith.constant 0.000000e+00 : f32
      %max3A_322 = vector.broadcast %max3A_321 : f32 to vector<16xf32>
      %max3A_323 = arith.maximumf %add3A_320, %max3A_322 : vector<16xf32>
      %broadcast_in_dim3A_324 = arith.constant 2 : i32
      %broadcast_in_dim3A_325 = vector.broadcast %broadcast_in_dim3A_324 : i32 to vector<16xi32>
      %gather3A_326 = tpu.vector_load_idx %arg16[%add3A_310, %broadcast_in_dim3A_325] : memref<128x10xf32, #tpu.memory_space<vmem>>[vector<16xi32>, vector<16xi32>], vector<16xf32>,
      %add3A_327 = arith.addf %gather3A_326, %gather3A_111 : vector<16xf32>
      %max3A_328 = arith.constant 0.000000e+00 : f32
      %max3A_329 = vector.broadcast %max3A_328 : f32 to vector<16xf32>
      %max3A_330 = arith.maximumf %add3A_327, %max3A_329 : vector<16xf32>
      %broadcast_in_dim3A_331 = arith.constant 3 : i32
      %broadcast_in_dim3A_332 = vector.broadcast %broadcast_in_dim3A_331 : i32 to vector<16xi32>
      %gather3A_333 = tpu.vector_load_idx %arg16[%add3A_310, %broadcast_in_dim3A_332] : memref<128x10xf32, #tpu.memory_space<vmem>>[vector<16xi32>, vector<16xi32>], vector<16xf32>,
      %add3A_334 = arith.addf %gather3A_333, %gather3A_114 : vector<16xf32>
      %max3A_335 = arith.constant 0.000000e+00 : f32
      %max3A_336 = vector.broadcast %max3A_335 : f32 to vector<16xf32>
      %max3A_337 = arith.maximumf %add3A_334, %max3A_336 : vector<16xf32>
      %broadcast_in_dim3A_338 = arith.constant 4 : i32
      %broadcast_in_dim3A_339 = vector.broadcast %broadcast_in_dim3A_338 : i32 to vector<16xi32>
      %gather3A_340 = tpu.vector_load_idx %arg16[%add3A_310, %broadcast_in_dim3A_339] : memref<128x10xf32, #tpu.memory_space<vmem>>[vector<16xi32>, vector<16xi32>], vector<16xf32>,
      %add3A_341 = arith.addf %gather3A_340, %gather3A_117 : vector<16xf32>
      %max3A_342 = arith.constant 0.000000e+00 : f32
      %max3A_343 = vector.broadcast %max3A_342 : f32 to vector<16xf32>
      %max3A_344 = arith.maximumf %add3A_341, %max3A_343 : vector<16xf32>
      %broadcast_in_dim3A_345 = arith.constant 5 : i32
      %broadcast_in_dim3A_346 = vector.broadcast %broadcast_in_dim3A_345 : i32 to vector<16xi32>
      %gather3A_347 = tpu.vector_load_idx %arg16[%add3A_310, %broadcast_in_dim3A_346] : memref<128x10xf32, #tpu.memory_space<vmem>>[vector<16xi32>, vector<16xi32>], vector<16xf32>,
      %add3A_348 = arith.addf %gather3A_347, %gather3A_120 : vector<16xf32>
      %max3A_349 = arith.constant 0.000000e+00 : f32
      %max3A_350 = vector.broadcast %max3A_349 : f32 to vector<16xf32>
      %max3A_351 = arith.maximumf %add3A_348, %max3A_350 : vector<16xf32>
      %broadcast_in_dim3A_352 = arith.constant 6 : i32
      %broadcast_in_dim3A_353 = vector.broadcast %broadcast_in_dim3A_352 : i32 to vector<16xi32>
      %gather3A_354 = tpu.vector_load_idx %arg16[%add3A_310, %broadcast_in_dim3A_353] : memref<128x10xf32, #tpu.memory_space<vmem>>[vector<16xi32>, vector<16xi32>], vector<16xf32>,
      %add3A_355 = arith.addf %gather3A_354, %gather3A_123 : vector<16xf32>
      %max3A_356 = arith.constant 0.000000e+00 : f32
      %max3A_357 = vector.broadcast %max3A_356 : f32 to vector<16xf32>
      %max3A_358 = arith.maximumf %add3A_355, %max3A_357 : vector<16xf32>
      %broadcast_in_dim3A_359 = arith.constant 7 : i32
      %broadcast_in_dim3A_360 = vector.broadcast %broadcast_in_dim3A_359 : i32 to vector<16xi32>
      %gather3A_361 = tpu.vector_load_idx %arg16[%add3A_310, %broadcast_in_dim3A_360] : memref<128x10xf32, #tpu.memory_space<vmem>>[vector<16xi32>, vector<16xi32>], vector<16xf32>,
      %add3A_362 = arith.addf %gather3A_361, %gather3A_126 : vector<16xf32>
      %max3A_363 = arith.constant 0.000000e+00 : f32
      %max3A_364 = vector.broadcast %max3A_363 : f32 to vector<16xf32>
      %max3A_365 = arith.maximumf %add3A_362, %max3A_364 : vector<16xf32>
      %broadcast_in_dim3A_366 = arith.constant 8 : i32
      %broadcast_in_dim3A_367 = vector.broadcast %broadcast_in_dim3A_366 : i32 to vector<16xi32>
      %gather3A_368 = tpu.vector_load_idx %arg16[%add3A_310, %broadcast_in_dim3A_367] : memref<128x10xf32, #tpu.memory_space<vmem>>[vector<16xi32>, vector<16xi32>], vector<16xf32>,
      %add3A_369 = arith.addf %gather3A_368, %gather3A_129 : vector<16xf32>
      %max3A_370 = arith.constant 0.000000e+00 : f32
      %max3A_371 = vector.broadcast %max3A_370 : f32 to vector<16xf32>
      %max3A_372 = arith.maximumf %add3A_369, %max3A_371 : vector<16xf32>
      %broadcast_in_dim3A_373 = arith.constant 9 : i32
      %broadcast_in_dim3A_374 = vector.broadcast %broadcast_in_dim3A_373 : i32 to vector<16xi32>
      %gather3A_375 = tpu.vector_load_idx %arg16[%add3A_310, %broadcast_in_dim3A_374] : memref<128x10xf32, #tpu.memory_space<vmem>>[vector<16xi32>, vector<16xi32>], vector<16xf32>,
      %add3A_376 = arith.addf %gather3A_375, %gather3A_132 : vector<16xf32>
      %max3A_377 = arith.constant 0.000000e+00 : f32
      %max3A_378 = vector.broadcast %max3A_377 : f32 to vector<16xf32>
      %max3A_379 = arith.maximumf %add3A_376, %max3A_378 : vector<16xf32>
      %mul3A_380 = arith.mulf %max3A_316, %gather3A_150 : vector<16xf32>
      %add3A_381 = arith.addf %gather3A_135, %mul3A_380 : vector<16xf32>
      %mul3A_382 = arith.mulf %max3A_323, %gather3A_165 : vector<16xf32>
      %add3A_383 = arith.addf %add3A_381, %mul3A_382 : vector<16xf32>
      %mul3A_384 = arith.mulf %max3A_330, %gather3A_180 : vector<16xf32>
      %add3A_385 = arith.addf %add3A_383, %mul3A_384 : vector<16xf32>
      %mul3A_386 = arith.mulf %max3A_337, %gather3A_195 : vector<16xf32>
      %add3A_387 = arith.addf %add3A_385, %mul3A_386 : vector<16xf32>
      %mul3A_388 = arith.mulf %max3A_344, %gather3A_210 : vector<16xf32>
      %add3A_389 = arith.addf %add3A_387, %mul3A_388 : vector<16xf32>
      %mul3A_390 = arith.mulf %max3A_351, %gather3A_225 : vector<16xf32>
      %add3A_391 = arith.addf %add3A_389, %mul3A_390 : vector<16xf32>
      %mul3A_392 = arith.mulf %max3A_358, %gather3A_240 : vector<16xf32>
      %add3A_393 = arith.addf %add3A_391, %mul3A_392 : vector<16xf32>
      %mul3A_394 = arith.mulf %max3A_365, %gather3A_255 : vector<16xf32>
      %add3A_395 = arith.addf %add3A_393, %mul3A_394 : vector<16xf32>
      %mul3A_396 = arith.mulf %max3A_372, %gather3A_270 : vector<16xf32>
      %add3A_397 = arith.addf %add3A_395, %mul3A_396 : vector<16xf32>
      %mul3A_398 = arith.mulf %max3A_379, %gather3A_285 : vector<16xf32>
      %add3A_399 = arith.addf %add3A_397, %mul3A_398 : vector<16xf32>
      %neg3A = arith.constant 0.000000e+00 : f32
      %neg3A_400 = vector.broadcast %neg3A : f32 to vector<16xf32>
      %neg3A_401 = arith.subf %neg3A_400, %add3A_399 : vector<16xf32>
      %exp3A = math.exp %neg3A_401 : vector<16xf32>
      %add3A_402 = arith.constant 1.000000e+00 : f32
      %add3A_403 = vector.broadcast %add3A_402 : f32 to vector<16xf32>
      %add3A_404 = arith.addf %add3A_403, %exp3A : vector<16xf32>
      %div3A = arith.constant 1.000000e+00 : f32
      %div3A_405 = vector.broadcast %div3A : f32 to vector<16xf32>
      %div3A_406 = arith.divf %div3A_405, %add3A_404 : vector<16xf32>
      %broadcast_in_dim3A_407 = arith.constant 0 : i32
      %broadcast_in_dim3A_408 = vector.broadcast %broadcast_in_dim3A_407 : i32 to vector<16xi32>
      tpu.vector_store_idx %arg17[%add3A_310, %broadcast_in_dim3A_408], %div3A_406 : memref<128x5xf32, #tpu.memory_space<vmem>>[vector<16xi32>, vector<16xi32>], vector<16xf32>,
      %mul3A_409 = arith.mulf %max3A_316, %gather3A_153 : vector<16xf32>
      %add3A_410 = arith.addf %gather3A_138, %mul3A_409 : vector<16xf32>
      %mul3A_411 = arith.mulf %max3A_323, %gather3A_168 : vector<16xf32>
      %add3A_412 = arith.addf %add3A_410, %mul3A_411 : vector<16xf32>
      %mul3A_413 = arith.mulf %max3A_330, %gather3A_183 : vector<16xf32>
      %add3A_414 = arith.addf %add3A_412, %mul3A_413 : vector<16xf32>
      %mul3A_415 = arith.mulf %max3A_337, %gather3A_198 : vector<16xf32>
      %add3A_416 = arith.addf %add3A_414, %mul3A_415 : vector<16xf32>
      %mul3A_417 = arith.mulf %max3A_344, %gather3A_213 : vector<16xf32>
      %add3A_418 = arith.addf %add3A_416, %mul3A_417 : vector<16xf32>
      %mul3A_419 = arith.mulf %max3A_351, %gather3A_228 : vector<16xf32>
      %add3A_420 = arith.addf %add3A_418, %mul3A_419 : vector<16xf32>
      %mul3A_421 = arith.mulf %max3A_358, %gather3A_243 : vector<16xf32>
      %add3A_422 = arith.addf %add3A_420, %mul3A_421 : vector<16xf32>
      %mul3A_423 = arith.mulf %max3A_365, %gather3A_258 : vector<16xf32>
      %add3A_424 = arith.addf %add3A_422, %mul3A_423 : vector<16xf32>
      %mul3A_425 = arith.mulf %max3A_372, %gather3A_273 : vector<16xf32>
      %add3A_426 = arith.addf %add3A_424, %mul3A_425 : vector<16xf32>
      %mul3A_427 = arith.mulf %max3A_379, %gather3A_288 : vector<16xf32>
      %add3A_428 = arith.addf %add3A_426, %mul3A_427 : vector<16xf32>
      %neg3A_429 = arith.constant 0.000000e+00 : f32
      %neg3A_430 = vector.broadcast %neg3A_429 : f32 to vector<16xf32>
      %neg3A_431 = arith.subf %neg3A_430, %add3A_428 : vector<16xf32>
      %exp3A_432 = math.exp %neg3A_431 : vector<16xf32>
      %add3A_433 = arith.constant 1.000000e+00 : f32
      %add3A_434 = vector.broadcast %add3A_433 : f32 to vector<16xf32>
      %add3A_435 = arith.addf %add3A_434, %exp3A_432 : vector<16xf32>
      %div3A_436 = arith.constant 1.000000e+00 : f32
      %div3A_437 = vector.broadcast %div3A_436 : f32 to vector<16xf32>
      %div3A_438 = arith.divf %div3A_437, %add3A_435 : vector<16xf32>
      %broadcast_in_dim3A_439 = arith.constant 1 : i32
      %broadcast_in_dim3A_440 = vector.broadcast %broadcast_in_dim3A_439 : i32 to vector<16xi32>
      tpu.vector_store_idx %arg17[%add3A_310, %broadcast_in_dim3A_440], %div3A_438 : memref<128x5xf32, #tpu.memory_space<vmem>>[vector<16xi32>, vector<16xi32>], vector<16xf32>,
      %mul3A_441 = arith.mulf %max3A_316, %gather3A_156 : vector<16xf32>
      %add3A_442 = arith.addf %gather3A_141, %mul3A_441 : vector<16xf32>
      %mul3A_443 = arith.mulf %max3A_323, %gather3A_171 : vector<16xf32>
      %add3A_444 = arith.addf %add3A_442, %mul3A_443 : vector<16xf32>
      %mul3A_445 = arith.mulf %max3A_330, %gather3A_186 : vector<16xf32>
      %add3A_446 = arith.addf %add3A_444, %mul3A_445 : vector<16xf32>
      %mul3A_447 = arith.mulf %max3A_337, %gather3A_201 : vector<16xf32>
      %add3A_448 = arith.addf %add3A_446, %mul3A_447 : vector<16xf32>
      %mul3A_449 = arith.mulf %max3A_344, %gather3A_216 : vector<16xf32>
      %add3A_450 = arith.addf %add3A_448, %mul3A_449 : vector<16xf32>
      %mul3A_451 = arith.mulf %max3A_351, %gather3A_231 : vector<16xf32>
      %add3A_452 = arith.addf %add3A_450, %mul3A_451 : vector<16xf32>
      %mul3A_453 = arith.mulf %max3A_358, %gather3A_246 : vector<16xf32>
      %add3A_454 = arith.addf %add3A_452, %mul3A_453 : vector<16xf32>
      %mul3A_455 = arith.mulf %max3A_365, %gather3A_261 : vector<16xf32>
      %add3A_456 = arith.addf %add3A_454, %mul3A_455 : vector<16xf32>
      %mul3A_457 = arith.mulf %max3A_372, %gather3A_276 : vector<16xf32>
      %add3A_458 = arith.addf %add3A_456, %mul3A_457 : vector<16xf32>
      %mul3A_459 = arith.mulf %max3A_379, %gather3A_291 : vector<16xf32>
      %add3A_460 = arith.addf %add3A_458, %mul3A_459 : vector<16xf32>
      %neg3A_461 = arith.constant 0.000000e+00 : f32
      %neg3A_462 = vector.broadcast %neg3A_461 : f32 to vector<16xf32>
      %neg3A_463 = arith.subf %neg3A_462, %add3A_460 : vector<16xf32>
      %exp3A_464 = math.exp %neg3A_463 : vector<16xf32>
      %add3A_465 = arith.constant 1.000000e+00 : f32
      %add3A_466 = vector.broadcast %add3A_465 : f32 to vector<16xf32>
      %add3A_467 = arith.addf %add3A_466, %exp3A_464 : vector<16xf32>
      %div3A_468 = arith.constant 1.000000e+00 : f32
      %div3A_469 = vector.broadcast %div3A_468 : f32 to vector<16xf32>
      %div3A_470 = arith.divf %div3A_469, %add3A_467 : vector<16xf32>
      %broadcast_in_dim3A_471 = arith.constant 2 : i32
      %broadcast_in_dim3A_472 = vector.broadcast %broadcast_in_dim3A_471 : i32 to vector<16xi32>
      tpu.vector_store_idx %arg17[%add3A_310, %broadcast_in_dim3A_472], %div3A_470 : memref<128x5xf32, #tpu.memory_space<vmem>>[vector<16xi32>, vector<16xi32>], vector<16xf32>,
      %mul3A_473 = arith.mulf %max3A_316, %gather3A_159 : vector<16xf32>
      %add3A_474 = arith.addf %gather3A_144, %mul3A_473 : vector<16xf32>
      %mul3A_475 = arith.mulf %max3A_323, %gather3A_174 : vector<16xf32>
      %add3A_476 = arith.addf %add3A_474, %mul3A_475 : vector<16xf32>
      %mul3A_477 = arith.mulf %max3A_330, %gather3A_189 : vector<16xf32>
      %add3A_478 = arith.addf %add3A_476, %mul3A_477 : vector<16xf32>
      %mul3A_479 = arith.mulf %max3A_337, %gather3A_204 : vector<16xf32>
      %add3A_480 = arith.addf %add3A_478, %mul3A_479 : vector<16xf32>
      %mul3A_481 = arith.mulf %max3A_344, %gather3A_219 : vector<16xf32>
      %add3A_482 = arith.addf %add3A_480, %mul3A_481 : vector<16xf32>
      %mul3A_483 = arith.mulf %max3A_351, %gather3A_234 : vector<16xf32>
      %add3A_484 = arith.addf %add3A_482, %mul3A_483 : vector<16xf32>
      %mul3A_485 = arith.mulf %max3A_358, %gather3A_249 : vector<16xf32>
      %add3A_486 = arith.addf %add3A_484, %mul3A_485 : vector<16xf32>
      %mul3A_487 = arith.mulf %max3A_365, %gather3A_264 : vector<16xf32>
      %add3A_488 = arith.addf %add3A_486, %mul3A_487 : vector<16xf32>
      %mul3A_489 = arith.mulf %max3A_372, %gather3A_279 : vector<16xf32>
      %add3A_490 = arith.addf %add3A_488, %mul3A_489 : vector<16xf32>
      %mul3A_491 = arith.mulf %max3A_379, %gather3A_294 : vector<16xf32>
      %add3A_492 = arith.addf %add3A_490, %mul3A_491 : vector<16xf32>
      %neg3A_493 = arith.constant 0.000000e+00 : f32
      %neg3A_494 = vector.broadcast %neg3A_493 : f32 to vector<16xf32>
      %neg3A_495 = arith.subf %neg3A_494, %add3A_492 : vector<16xf32>
      %exp3A_496 = math.exp %neg3A_495 : vector<16xf32>
      %add3A_497 = arith.constant 1.000000e+00 : f32
      %add3A_498 = vector.broadcast %add3A_497 : f32 to vector<16xf32>
      %add3A_499 = arith.addf %add3A_498, %exp3A_496 : vector<16xf32>
      %div3A_500 = arith.constant 1.000000e+00 : f32
      %div3A_501 = vector.broadcast %div3A_500 : f32 to vector<16xf32>
      %div3A_502 = arith.divf %div3A_501, %add3A_499 : vector<16xf32>
      %broadcast_in_dim3A_503 = arith.constant 3 : i32
      %broadcast_in_dim3A_504 = vector.broadcast %broadcast_in_dim3A_503 : i32 to vector<16xi32>
      tpu.vector_store_idx %arg17[%add3A_310, %broadcast_in_dim3A_504], %div3A_502 : memref<128x5xf32, #tpu.memory_space<vmem>>[vector<16xi32>, vector<16xi32>], vector<16xf32>,
      %mul3A_505 = arith.mulf %max3A_316, %gather3A_162 : vector<16xf32>
      %add3A_506 = arith.addf %gather3A_147, %mul3A_505 : vector<16xf32>
      %mul3A_507 = arith.mulf %max3A_323, %gather3A_177 : vector<16xf32>
      %add3A_508 = arith.addf %add3A_506, %mul3A_507 : vector<16xf32>
      %mul3A_509 = arith.mulf %max3A_330, %gather3A_192 : vector<16xf32>
      %add3A_510 = arith.addf %add3A_508, %mul3A_509 : vector<16xf32>
      %mul3A_511 = arith.mulf %max3A_337, %gather3A_207 : vector<16xf32>
      %add3A_512 = arith.addf %add3A_510, %mul3A_511 : vector<16xf32>
      %mul3A_513 = arith.mulf %max3A_344, %gather3A_222 : vector<16xf32>
      %add3A_514 = arith.addf %add3A_512, %mul3A_513 : vector<16xf32>
      %mul3A_515 = arith.mulf %max3A_351, %gather3A_237 : vector<16xf32>
      %add3A_516 = arith.addf %add3A_514, %mul3A_515 : vector<16xf32>
      %mul3A_517 = arith.mulf %max3A_358, %gather3A_252 : vector<16xf32>
      %add3A_518 = arith.addf %add3A_516, %mul3A_517 : vector<16xf32>
      %mul3A_519 = arith.mulf %max3A_365, %gather3A_267 : vector<16xf32>
      %add3A_520 = arith.addf %add3A_518, %mul3A_519 : vector<16xf32>
      %mul3A_521 = arith.mulf %max3A_372, %gather3A_282 : vector<16xf32>
      %add3A_522 = arith.addf %add3A_520, %mul3A_521 : vector<16xf32>
      %mul3A_523 = arith.mulf %max3A_379, %gather3A_297 : vector<16xf32>
      %add3A_524 = arith.addf %add3A_522, %mul3A_523 : vector<16xf32>
      %neg3A_525 = arith.constant 0.000000e+00 : f32
      %neg3A_526 = vector.broadcast %neg3A_525 : f32 to vector<16xf32>
      %neg3A_527 = arith.subf %neg3A_526, %add3A_524 : vector<16xf32>
      %exp3A_528 = math.exp %neg3A_527 : vector<16xf32>
      %add3A_529 = arith.constant 1.000000e+00 : f32
      %add3A_530 = vector.broadcast %add3A_529 : f32 to vector<16xf32>
      %add3A_531 = arith.addf %add3A_530, %exp3A_528 : vector<16xf32>
      %div3A_532 = arith.constant 1.000000e+00 : f32
      %div3A_533 = vector.broadcast %div3A_532 : f32 to vector<16xf32>
      %div3A_534 = arith.divf %div3A_533, %add3A_531 : vector<16xf32>
      %broadcast_in_dim3A_535 = arith.constant 4 : i32
      %broadcast_in_dim3A_536 = vector.broadcast %broadcast_in_dim3A_535 : i32 to vector<16xi32>
      tpu.vector_store_idx %arg17[%add3A_310, %broadcast_in_dim3A_536], %div3A_534 : memref<128x5xf32, #tpu.memory_space<vmem>>[vector<16xi32>, vector<16xi32>], vector<16xf32>,
    }
    %scan3A_303 = arith.constant 8 : i32
    %mul3A_304 = arith.constant 128 : i32
    %mul3A_305 = arith.muli %add3A, %mul3A_304 : i32
    "tpu.region"() ({
      %run_scoped3A = tpu.sem_alloc : memref<!tpu.dma_semaphore, #tpu.memory_space<semaphore_mem>>
      %dma_start3A = arith.constant 0 : i32
      %dma_start3A_306 = tpu.memref_slice %arg8[%mul3A_305, %dma_start3A] : memref<4096x5xf32, #tpu.memory_space<hbm>> -> memref<128x5xf32, #tpu.memory_space<hbm>>
      %dma_start3A_307 = arith.constant 0 : i32
      %dma_start3A_308 = tpu.memref_slice %arg8[%mul3A_305, %dma_start3A_307] : memref<4096x5xf32, #tpu.memory_space<hbm>> -> memref<128x5xf32, #tpu.memory_space<hbm>>
      tpu.enqueue_dma source(%arg17 : memref<128x5xf32, #tpu.memory_space<vmem>>) target(%dma_start3A_308 : memref<128x5xf32, #tpu.memory_space<hbm>>) target_semaphore(%run_scoped3A : memref<!tpu.dma_semaphore, #tpu.memory_space<semaphore_mem>>)
      %dma_wait3A_309 = arith.constant 0 : i32
      %dma_wait3A_310 = tpu.memref_slice %arg8[%mul3A_305, %dma_wait3A_309] : memref<4096x5xf32, #tpu.memory_space<hbm>> -> memref<128x5xf32, #tpu.memory_space<hbm>>
      %dma_wait3A_311 = arith.constant 0 : i32
      %dma_wait3A_312 = tpu.memref_slice %arg8[%mul3A_305, %dma_wait3A_311] : memref<4096x5xf32, #tpu.memory_space<hbm>> -> memref<128x5xf32, #tpu.memory_space<hbm>>
      tpu.wait_dma2 semaphore(%run_scoped3A : memref<!tpu.dma_semaphore, #tpu.memory_space<semaphore_mem>>) src(%arg17 : memref<128x5xf32, #tpu.memory_space<vmem>>) dst(%dma_wait3A_312 : memref<128x5xf32, #tpu.memory_space<hbm>>)
      tpu.yield
    }) : () -> ()
    return
  }
}

</mosaic_0001>

<sc_bundles>
// kernel: kernel.3.cloned.1.call-start
scs
__scs_entry_jumppad:
0x0: {  	(pc) =	sbr.rel $0x88, $3  }
0x1: {  	(tag) =	ssettag $0x0;
	lr =	simm.s32 $0x1  }
0x2: {  	[smem:$0x3F9B] =	sst lr;
	_ =	strace $0xD0000000  }
0x3: {  	_ = 	snop  }
0x4: {  	_ = 	snop  }
0x5: {  	_ = 	snop  }
0x6: {  	_ = 	snop  }
0x7: {  	_ = 	snop  }
__scs_overlays_trampoline_lowered:
0x8: {  	[smem:$0x3FAA] =	sst s0  }
0x9: {  	[smem:$0x3FAB] =	sst s1  }
0xa: {  	[smem:$0x3FAC] =	sst s2  }
0xb: {  	[smem:$0x3FAD] =	sst s3  }
0xc: {  	[smem:$0x3FAE] =	sst s4  }
0xd: {  	[smem:$0x3FAF] =	sst s5  }
0xe: {  	[smem:$0x3FB0] =	sst s6  }
0xf: {  	[smem:$0x3FB1] =	sst s7  }
0x10: {  	[smem:$0x3FB2] =	sst s8  }
0x11: {  	[smem:$0x3FB3] =	sst s9;
	s0 =	simm.s32 @!p0 $0x0  }
0x12: {  	s1 =	sld [smem:$0x3F99];
	s0 =	simm.s32 @p0 $0x1  }
0x13: {  	[smem:$0x3FB4] =	sst s0;
	s0 =	simm.s32 @!p1 $0x0  }
0x14: {  	s2 =	sld [smem:$0x3F98];
	s0 =	simm.s32 @p1 $0x1  }
0x15: {  	[smem:$0x3FB5] =	sst s0;
	s0 =	simm.s32 @!p2 $0x0  }
0x16: {  	s3 =	sld [smem:$0x3FDB];
	s0 =	simm.s32 @p2 $0x1  }
0x17: {  	s4 =	simm.s32 $0x1BF5;
	[smem:$0x3FB7] =	sst s0  }
0x18: {  	s0 =	sld [smem:$0x3F9A];
	_ =	swait.ge [sflag:s4], $0x0  }
0x19: {  	s7 =	sld [smem:$0x3F9B]  }
0x1a: {  	s8 =	sadd.s32 $0xFFFFE003, lr  }
0x1b: {  	s9 =	sadd.s32 $0xFFFFFEF7, lr;
	s5 =	simm.s32 $0xFFFFFFFF;
	p2 =	slt.u32 s8, $0xFFFFF086  }
0x1c: {  	p1 =	slt.u32 s9, $0xF7A;
	s5 =	simm.s32 @!p2 $0x0  }
0x1d: {  	s5 =	simm.s32 @p1 $0x1;
	p0 =	seq.s32 s7, s2  }
0x1e: {  	s7 =	smul.u32 @!p0 $0xF7A, s2;
	p2 =	seq.s32 @!p0 s5, $0x0  }
0x1f: {  	s9 =	smul.u32 $0xF7A, s1;
	s8 =	simm.s32 @!p0 $0x1BF5;
	p2 =	por !p2, p0  }
0x20: {  	[sflag:s8] =	ssyncset.s32 @!p0 $0xFFFFF086;
	s6 =	sadd.s32 @!p0 s3, s7;
	s7 =	simm.s32 @!p0 $0x108  }
0x21: {  	s3 =	sadd.s32 s3, s9;
	s6 =	sadd.s32 @!p0 $0x88, s6;
	s7 =	simm.s32 @p2 $0x1082  }
0x22: {  	[simem:s7], [sflag:s8] =	dma.local @!p0 [hbm:s6], $0xF7A  }
0x23: {  	s9 =	sor.u32 $0xD0000000, s2;
	s6 =	simm.s32 $0x108;
	_ =	swait.ge @!p0 [sflag:s8], $0x0  }
0x24: {  	s3 =	sadd.s32 $0x88, s3;
	s6 =	simm.s32 @!p1 $0x1082;
	[sflag:s4] =	ssyncset.s32 $0xFFFFF086  }
0x25: {  	[simem:s6], [sflag:s4] =	dma.local [hbm:s3], $0xF7A  }
0x26: {  	[smem:$0x3F9B] =	sst s1;
	(tag) =	ssettag s2;
	_ =	strace s9  }
0x27: {  	s1 =	sld [smem:$0x3FAB]  }
0x28: {  	s2 =	sld [smem:$0x3FAC]  }
0x29: {  	s4 =	sld [smem:$0x3FAE]  }
0x2a: {  	p0 =	seq.s32 s5, $0x0;
	s5 =	sld [smem:$0x3FAF]  }
0x2b: {  	s6 =	sld [smem:$0x3FB0]  }
0x2c: {  	s7 =	sld [smem:$0x3FB1]  }
0x2d: {  	s3 =	simm.s32 $0x108;
	s8 =	sld [smem:$0x3FB2]  }
0x2e: {  	s3 =	simm.s32 @!p0 $0x1082;
	s9 =	sld [smem:$0x3FB3]  }
0x2f: {  	lr =	sadd.s32 s0, s3;
	s0 =	sld [smem:$0x3FAA]  }
0x30: {  	s3 =	sld [smem:$0x3FAD]  }
0x31: {  	[smem:$0x3FB6] =	sst s10  }
0x32: {  	s10 =	sld [smem:$0x3FB4];
	_ =	sdelay $0x3  }
0x33: {  	p0 =	seq.s32 s10, $0x1;
	s10 =	sld [smem:$0x3FB6];
	_ =	sdelay $0x3  }
0x34: {  	[smem:$0x3FB6] =	sst s10  }
0x35: {  	s10 =	sld [smem:$0x3FB5];
	_ =	sdelay $0x3  }
0x36: {  	p1 =	seq.s32 s10, $0x1;
	s10 =	sld [smem:$0x3FB6];
	_ =	sdelay $0x3  }
0x37: {  	[smem:$0x3FB6] =	sst s10  }
0x38: {  	s10 =	sld [smem:$0x3FB7]  }
0x39: {  	_ = 	snop;
	(pc) =	sbr.ind lr, $3  }
0x3a: {  	_ = 	snop  }
0x3b: {  	_ = 	snop  }
0x3c: {  	p2 =	seq.s32 s10, $0x1;
	s10 =	sld [smem:$0x3FB6]  }
0x3d: {  	_ =	shalt  }
0x3e: {  	_ =	shalt  }
0x3f: {  	_ =	shalt  }
0x40: {  	_ =	shalt  }
0x41: {  	_ =	shalt  }
0x42: {  	_ =	shalt  }
0x43: {  	_ =	shalt  }
0x44: {  	_ =	shalt  }
0x45: {  	_ =	shalt  }
0x46: {  	_ =	shalt  }
0x47: {  	_ =	shalt  }
0x48: {  	_ =	shalt  }
0x49: {  	_ =	shalt  }
0x4a: {  	_ =	shalt  }
0x4b: {  	_ =	shalt  }
0x4c: {  	_ =	shalt  }
0x4d: {  	_ =	shalt  }
0x4e: {  	_ =	shalt  }
0x4f: {  	_ =	shalt  }
0x50: {  	_ =	shalt  }
0x51: {  	_ =	shalt  }
0x52: {  	_ =	shalt  }
0x53: {  	_ =	shalt  }
0x54: {  	_ =	shalt  }
0x55: {  	_ =	shalt  }
0x56: {  	_ =	shalt  }
0x57: {  	_ =	shalt  }
0x58: {  	_ =	shalt  }
0x59: {  	_ =	shalt  }
0x5a: {  	_ =	shalt  }
0x5b: {  	_ =	shalt  }
0x5c: {  	_ =	shalt  }
0x5d: {  	_ =	shalt  }
0x5e: {  	_ =	shalt  }
0x5f: {  	_ =	shalt  }
0x60: {  	_ =	shalt  }
0x61: {  	_ =	shalt  }
0x62: {  	_ =	shalt  }
0x63: {  	_ =	shalt  }
0x64: {  	_ =	shalt  }
0x65: {  	_ =	shalt  }
0x66: {  	_ =	shalt  }
0x67: {  	_ =	shalt  }
0x68: {  	_ =	shalt  }
0x69: {  	_ =	shalt  }
0x6a: {  	_ =	shalt  }
0x6b: {  	_ =	shalt  }
0x6c: {  	_ =	shalt  }
0x6d: {  	_ =	shalt  }
0x6e: {  	_ =	shalt  }
0x6f: {  	_ =	shalt  }
0x70: {  	_ =	shalt  }
0x71: {  	_ =	shalt  }
0x72: {  	_ =	shalt  }
0x73: {  	_ =	shalt  }
0x74: {  	_ =	shalt  }
0x75: {  	_ =	shalt  }
0x76: {  	_ =	shalt  }
0x77: {  	_ =	shalt  }
0x78: {  	_ =	shalt  }
0x79: {  	_ =	shalt  }
0x7a: {  	_ =	shalt  }
0x7b: {  	_ =	shalt  }
0x7c: {  	_ =	shalt  }
0x7d: {  	_ =	shalt  }
0x7e: {  	_ =	shalt  }
0x7f: {  	_ =	shalt  }
0x80: {  	_ =	shalt  }
0x81: {  	_ =	shalt  }
0x82: {  	_ =	shalt  }
0x83: {  	_ =	shalt  }
0x84: {  	_ =	shalt  }
0x85: {  	_ =	shalt  }
0x86: {  	_ =	shalt  }
0x87: {  	_ =	shalt  }
.Lfunc_end0:
.L_simem_size_0:
called_computation_lowered:
.L_overlay_start_0:
0x88: {  	s2 =	sld [smem:$0x3FD9]  }
0x89: {  	s3 =	sld [smem:$0x3FFE];
	_ =	sdelay $0x1  }
0x8a: {  	s1 =	srdreg.scid  }
0x8b: {  	s0 =	sand.u32 $0x1, s1  }
0x8c: {  	s17 =	sshll.u32 s0, $0xA;
	s2 =	sadd.s32 s3, s2  }
0x8d: {  	s2 =	sadd.s32 s2, s17  }
0x8e: {  	[smem:$0x3FC2] =	sst s2  }
0x8f: {  	_ = 	snop  }
0x90: {  	s2 =	sld [smem:$0x3FD0];
	(tm) =	ssettm $0x1  }
0x91: {  	s18 =	sld [smem:$0x3FFB];
	_ =	sdelay $0x3  }
0x92: {  	_ =	strace s18  }
0x93: {  	s3 =	sld [smem:$0x3FFC];
	_ =	sdelay $0x3  }
0x94: {  	_ =	strace s3  }
0x95: {  	s3 =	sld [smem:$0x3FFD];
	_ =	sdelay $0x3  }
0x96: {  	_ =	strace s3  }
0x97: {  	_ =	strace $0x8FFFFFFF  }
0x98: {  	s19 =	sld [smem:$0x3FDB];
	_ =	sdelay $0x1  }
0x99: {  	s4 =	simm.s32 $_scs_section_size  }
0x9a: {  	s5 =	simm.s32 $_size__tile_overlayer_lowered;
	s6 =	simm.s32 $_tile_overlayer_lowered  }
0x9b: {  	s22 =	simm.s32 $0x1BFF;
	s21 =	sshll.u32 s6, $0x1;
	s3 =	sadd.s32 s4, s19  }
0x9c: {  	s7 =	simm.s32 $0x0;
	s20 =	sshll.u32 s5, $0x1;
	s5 =	sadd.s32 s21, s3  }
0x9d: {  	[timem:s7], [sflag:s22] =	dma.local [hbm:s5], s20  }
0x9e: {  	_ =	swait.ge [sflag:s22], s20  }
0x9f: {  	s4 =	ssub.s32 $0x0, s20;
	[sflag:s22] =	ssyncset.done $0x0  }
0xa0: {  	[sflag:s22] =	ssyncadd.s32 s4;
	_ =	sdelay $0x1  }
0xa1: {  	s23 =	simm.s32 $0x1B8B  }
0xa2: {  	_ =	swait.ge [sflag:s23], $0x1  }
0xa3: {  	[sflag:s23] =	ssyncset.done $0x0  }
0xa4: {  	s25 =	simm.s32 $0x1B8E;
	s24 =	sld [smem:$0x3FFE];
	[sflag:s23] =	ssyncadd.s32 $0xFFFFFFFF  }
0xa5: {  	s26 =	simm.s32 $execute0_lowered;
	[smem:$0x3FD2] =	sst s25  }
0xa6: {  	s5 =	sshll.u32 s26, $0x1;
	_ =	strace $0x80000046;
	[dreg:$0x1] =	wrdreg $0xFFFFFFFF  }
0xa7: {  	s28 =	simm.s32 $_size_execute0_lowered;
	s3 =	sadd.s32 s3, s5;
	[dreg:$0x0] =	wrdreg $0x0  }
0xa8: {  	s5 =	sshll.u32 s28, $0x1;
	[dreg:$0x2] =	wrdreg s3  }
0xa9: {  	[dreg:$0x3] =	wrdreg s5  }
0xaa: {  	[dreg:$0x4] =	wrdreg $0xC0  }
0xab: {  	_ =	task [dreg:s7], $0x5FFFF  }
0xac: {  	[dreg:$0x1] =	wrdreg $0xFFFFFFFF  }
0xad: {  	[dreg:$0x0] =	wrdreg $0x60  }
0xae: {  	[dreg:$0x2] =	wrdreg s24  }
0xaf: {  	[dreg:$0x3] =	wrdreg s2  }
0xb0: {  	[dreg:$0x4] =	wrdreg $0x9  }
0xb1: {  	_ =	task.clear_ibuf [dreg:s7], $0x5FFFF;
	_ =	strace $0x90000046  }
0xb2: {  	s29 =	simm.s32 $0x9;
	_ =	strace $0x80000048  }
0xb3: {  	_ =	swait.ge [sflag:s29], $0x1  }
0xb4: {  	[sflag:s29] =	ssyncadd.s32 $0xFFFFFFFF  }
0xb5: {  	_ =	strace $0x90000048  }
0xb6: {  	_ =	sfence  }
0xb7: {  	s30 =	sld [smem:$0x0];
	_ =	sdelay $0x2  }
0xb8: {  	s31 =	sshll.u32 s1, $0xD;
	s1 =	sshrl.u32 s1, $0x2  }
0xb9: {  	s3 =	sand.u32 $0x4000, s31;
	s1 =	sadd.s32 s1, s30  }
0xba: {  	s0 =	sor.u32 s3, s0;
	s1 =	sshll.u32 s1, $0x11  }
0xbb: {  	s0 =	sor.u32 s1, s0  }
0xbc: {  	s0 =	sadd.s32 $0x8F2B, s0  }
0xbd: {  	[sflag:s0] =	ssyncadd.remote.s32 $0x1  }
0xbe: {  	_ =	sfence.sel $0xFFFF  }
0xbf: {  	[dreg:$0x0] =	wrdreg $0xFFFFFFFF;
	(pc) =	sbr.abs _section_cstart, $3  }
0xc0: {  	[dreg:$0x1] =	wrdreg $0xFFFFFFFF  }
0xc1: {  	_ =	task.clear_ibuf [dreg:s7], $0x2FFFF;
	_ =	strace $0x9FFFFFFF  }
0xc2: {  	(tm) =	ssettm $0x7FFFFFFF  }
0xc3: {  	_ =	shalt  }
tec
execute0_lowered:
.L_overlay_start_1:
0x0: {  	(tag) =	ssettag $0x1  }
0x1: {  	s0 =	rddreg [dreg:$0x0]  }
0x2: {  	s2 =	rddreg [dreg:$0x1];
	s1 =	simm.s32 $0x0  }
0x3: {  	s5 =	srdreg.scid;
	s8 =	stileid.u32;
	s28 =	simm.s32 $0x13C80  }
0x4: {  	s29 =	simm.s32 $0x15C80;
	[smem:$0x7FF] =	sst s1;
	s6 =	sadd.s32 $0x7200, s0  }
0x5: {  	s9 =	sadd.s32 $0x8400, s0;
	_ =	strace $0x80000047;
	[dreg:$0x3] =	wrdreg s6  }
0x6: {  	s30 =	simm.s32 $0xB80;
	s7 =	sadd.s32 $0x8000, s0;
	[dreg:$0x4] =	wrdreg s9  }
0x7: {  	s31 =	simm.s32 $0x1E560;
	s12 =	sadd.s32 $0x7340, s0;
	[dreg:$0x5] =	wrdreg s7  }
0x8: {  	s4 =	sadd.s32 $0xE00, s0;
	s13 =	sadd.s32 $0x7480, s0;
	[dreg:$0x7] =	wrdreg s12  }
0x9: {  	s3 =	sadd.s32 $0xF43400, s0;
	s14 =	sadd.s32 $0x75C0, s0;
	[dreg:$0x8] =	wrdreg s13  }
0xa: {  	s5 =	sand.u32 $0x1, s5;
	s15 =	sadd.s32 $0x7700, s0;
	[dreg:$0x9] =	wrdreg s14  }
0xb: {  	s8 =	sshll.u32 s8, $0x1;
	s16 =	sadd.s32 $0x7840, s0;
	[dreg:$0xa] =	wrdreg s15  }
0xc: {  	s18 =	sadd.s32 $0x7980, s0;
	s19 =	sadd.s32 $0x7AC0, s0;
	[dreg:$0xb] =	wrdreg s16  }
0xd: {  	s21 =	sadd.s32 $0x7C00, s0;
	s10 =	ssub.s32 $0x2, s5;
	[dreg:$0xc] =	wrdreg s18  }
0xe: {  	s9 =	sadd.s32 $0x8200, s0;
	s5 =	sor.u32 s5, s8;
	[dreg:$0xd] =	wrdreg s19  }
0xf: {  	[dreg:$0xe] =	wrdreg s21;
	s0 =	sadd.s32 $0x7D40, s0;
	s21 =	simm.s32 $0x1E500  }
0x10: {  	s13 =	simm.s32 $0x980;
	s14 =	simm.s32 $0xA00;
	s15 =	simm.s32 $0x14C80  }
0x11: {  	s16 =	simm.s32 $0xA80;
	s18 =	simm.s32 $0x17C80;
	s19 =	simm.s32 $0xC00  }
0x12: {  	s7 =	simm.s32 $0x18C80;
	s8 =	simm.s32 $0x0;
	s17 =	smul.u32 $0x1900, s5  }
0x13: {  	s11 =	sshrl.u32 s10, $0x1;
	[dreg:$0x6] =	wrdreg s9;
	s20 =	smul.u32 $0x320, s5  }
0x14: {  	[dreg:$0xf] =	wrdreg s0;
	s24 =	sshll.u32 s5, $0x7;
	s5 =	simm.s32 $0x12C80  }
0x15: {  	s6 =	ssub.s32 s10, s11;
	s25 =	sadd.s32 s2, s24;
	s24 =	simm.s32 $0x1E550  }
0x16: {  	s22 =	sshrl.u32 s17, $0x3;
	s23 =	sadd.s32 s4, s20;
	[dreg:$0x12] =	wrdreg s25  }
0x17: {  	s26 =	smax.u32 s6, $0x1;
	s25 =	simm.s32 $0x19C80;
	s6 =	simm.s32 $0xB00  }
0x18: {  	s17 =	simm.s32 $0x16C80;
	s20 =	simm.s32 $0x1;
	[dreg:$0x10] =	wrdreg s23  }
0x19: {  	s0 =	sadd.s32 s4, s22;
	[dreg:$0x13] =	wrdreg s26;
	s22 =	simm.s32 $0x2  }
0x1a: {  	v62 =	vlaneseq.u32;
	s23 =	simm.s32 $0x1E510;
	s26 =	simm.s32 $0x80;
	s0 =	sadd.s32 $0x190, s0  }
0x1b: {  	vm0 =	vcmask $0x3F3C;
	v1 =	vmul.u32 $0x10, v62;
	s4 =	simm.s32 $0x900;
	[dreg:$0x11] =	wrdreg s0;
	s0 =	simm.s32 $0x1ED60  }
.LBB2_1:
0x1c: {  	s2 =	rddreg [dreg:$0x4]  }
0x1d: {  	[tilespmem:s21], [sflag:$0x2] =	stream.linear.gather [hbm4b:s2+s1], $0x10, $0x38;
	[tilespmem:$0x1F160] =	vst v63  }
0x1e: {  	_ =	swait.ge [sflag:s22], $0x10  }
0x1f: {  	[sflag:s22] =	ssyncset.done $0x0  }
0x20: {  	s10 =	rddreg [dreg:$0x5];
	[sflag:s22] =	ssyncadd.s32 $0xFFFFFFF0  }
0x21: {  	[tilespmem:s23], [sflag:$0x2] =	stream.linear.gather [hbm4b:s10+s1], $0x40, $0x38;
	[tilespmem:$0x1F160] =	vst v63  }
0x22: {  	_ =	swait.ge [sflag:s22], $0x40  }
0x23: {  	[sflag:s22] =	ssyncset.done $0x0  }
0x24: {  	s11 =	rddreg [dreg:$0x6];
	[sflag:s22] =	ssyncadd.s32 $0xFFFFFFC0  }
0x25: {  	[tilespmem:s24], [sflag:$0x2] =	stream.linear.gather [hbm4b:s11+s1], $0x10, $0x38;
	[tilespmem:$0x1F160] =	vst v63  }
0x26: {  	v0 =	vmov s1;
	_ =	swait.ge [sflag:s22], $0x10  }
0x27: {  	v0 =	vshll.u32 v0, $0x4;
	[sflag:s22] =	ssyncset.done $0x0  }
0x28: {  	v0 =	vor.u32 v1, v0;
	s12 =	rddreg [dreg:$0x3];
	[sflag:s22] =	ssyncadd.s32 $0xFFFFFFF0  }
0x29: {  	[tilespmem:s25], [sflag:$0x2] =	stream.linear.gather [hbm4b:s12+s1], $0xA00, $0x38;
	[tilespmem:$0x1F160] =	vst v63  }
0x2a: {  	_ =	swait.ge [sflag:s22], $0xA00  }
0x2b: {  	[sflag:s22] =	ssyncset.done $0x0  }
0x2c: {  	[sflag:s22] =	ssyncadd.s32 $0xFFFFF600  }
0x2d: {  	v2 =	vld.idx.msk [tilespmem:v0+s25+$0x0], $0xffff  }
0x2e: {  	v3 =	vor.u32 $0x1, v0;
	_ =	sdelay $0x2  }
0x2f: {  	s2 =	simm.s32 $0x1C5C0  }
0x30: {  	[tilespmem:s2+$0xFFFFE0C0] =	vst v2  }
0x31: {  	v2 =	vld.idx.msk [tilespmem:v3+s25+$0x0], $0xffff  }
0x32: {  	v3 =	vor.u32 $0x2, v0;
	_ =	sdelay $0x3  }
0x33: {  	[tilespmem:s2+$0xFFFFE700] =	vst v2  }
0x34: {  	v2 =	vld.idx.msk [tilespmem:v3+s25+$0x0], $0xffff  }
0x35: {  	v3 =	vor.u32 $0x3, v0;
	_ =	sdelay $0x3  }
0x36: {  	[tilespmem:s2+$0xFFFFED40] =	vst v2  }
0x37: {  	v2 =	vld.idx.msk [tilespmem:v3+s25+$0x0], $0xffff  }
0x38: {  	v3 =	vor.u32 $0x4, v0;
	_ =	sdelay $0x3  }
0x39: {  	[tilespmem:s2+$0xFFFFF380] =	vst v2  }
0x3a: {  	v2 =	vld.idx.msk [tilespmem:v3+s25+$0x0], $0xffff  }
0x3b: {  	v3 =	vor.u32 $0x5, v0;
	_ =	sdelay $0x3  }
0x3c: {  	[tilespmem:s2+$0xFFFFF9C0] =	vst v2  }
0x3d: {  	v2 =	vld.idx.msk [tilespmem:v3+s25+$0x0], $0xffff  }
0x3e: {  	v3 =	vor.u32 $0x6, v0;
	_ =	sdelay $0x3  }
0x3f: {  	[tilespmem:s2+$0x0] =	vst v2  }
0x40: {  	v2 =	vld.idx.msk [tilespmem:v3+s25+$0x0], $0xffff  }
0x41: {  	v3 =	vor.u32 $0x7, v0;
	_ =	sdelay $0x3  }
0x42: {  	[tilespmem:s2+$0x640] =	vst v2  }
0x43: {  	v2 =	vld.idx.msk [tilespmem:v3+s25+$0x0], $0xffff  }
0x44: {  	v3 =	vor.u32 $0x8, v0;
	_ =	sdelay $0x3  }
0x45: {  	[tilespmem:s2+$0xC80] =	vst v2  }
0x46: {  	v2 =	vld.idx.msk [tilespmem:v3+s25+$0x0], $0xffff  }
0x47: {  	v0 =	vor.u32 $0x9, v0;
	_ =	sdelay $0x3  }
0x48: {  	s9 =	simm.s32 $0x10;
	[tilespmem:s2+$0x12C0] =	vst v2  }
0x49: {  	v2 =	vmov s9;
	s9 =	simm.s32 $0x20;
	v0 =	vld.idx.msk [tilespmem:v0+s25+$0x0], $0xffff  }
.LBB2_2:
0x4a: {  	p0 =	sne.s32 s9, $0x90;
	v2 =	vshll.u32 v2, $0x4  }
0x4b: {  	v2 =	vor.u32 v1, v2;
	_ =	sdelay $0x3  }
0x4c: {  	[tilespmem:s2+$0x1900] =	vst v0  }
0x4d: {  	v0 =	vld.idx.msk [tilespmem:v2+s25+$0x0], $0xffff;
	_ =	sdelay $0x1  }
0x4e: {  	v3 =	vor.u32 $0x1, v2;
	_ =	sdelay $0x2  }
0x4f: {  	s2 =	sadd.s32 $0x10, s2  }
0x50: {  	[tilespmem:s2+$0xFFFFE0C0] =	vst v0  }
0x51: {  	v0 =	vld.idx.msk [tilespmem:v3+s25+$0x0], $0xffff;
	_ =	sdelay $0x1  }
0x52: {  	v3 =	vor.u32 $0x2, v2;
	_ =	sdelay $0x3  }
0x53: {  	[tilespmem:s2+$0xFFFFE700] =	vst v0  }
0x54: {  	v0 =	vld.idx.msk [tilespmem:v3+s25+$0x0], $0xffff;
	_ =	sdelay $0x1  }
0x55: {  	v3 =	vor.u32 $0x3, v2;
	_ =	sdelay $0x3  }
0x56: {  	[tilespmem:s2+$0xFFFFED40] =	vst v0  }
0x57: {  	v0 =	vld.idx.msk [tilespmem:v3+s25+$0x0], $0xffff;
	_ =	sdelay $0x1  }
0x58: {  	v3 =	vor.u32 $0x4, v2;
	_ =	sdelay $0x3  }
0x59: {  	[tilespmem:s2+$0xFFFFF380] =	vst v0  }
0x5a: {  	v0 =	vld.idx.msk [tilespmem:v3+s25+$0x0], $0xffff;
	_ =	sdelay $0x1  }
0x5b: {  	v3 =	vor.u32 $0x5, v2;
	_ =	sdelay $0x3  }
0x5c: {  	[tilespmem:s2+$0xFFFFF9C0] =	vst v0  }
0x5d: {  	v0 =	vld.idx.msk [tilespmem:v3+s25+$0x0], $0xffff;
	_ =	sdelay $0x1  }
0x5e: {  	v3 =	vor.u32 $0x6, v2;
	_ =	sdelay $0x3  }
0x5f: {  	[tilespmem:s2+$0x0] =	vst v0  }
0x60: {  	v0 =	vld.idx.msk [tilespmem:v3+s25+$0x0], $0xffff;
	_ =	sdelay $0x1  }
0x61: {  	v3 =	vor.u32 $0x7, v2;
	_ =	sdelay $0x3  }
0x62: {  	[tilespmem:s2+$0x640] =	vst v0  }
0x63: {  	v0 =	vld.idx.msk [tilespmem:v3+s25+$0x0], $0xffff;
	_ =	sdelay $0x1  }
0x64: {  	v3 =	vor.u32 $0x8, v2;
	_ =	sdelay $0x3  }
0x65: {  	[tilespmem:s2+$0xC80] =	vst v0  }
0x66: {  	v0 =	vld.idx.msk [tilespmem:v3+s25+$0x0], $0xffff;
	_ =	sdelay $0x1  }
0x67: {  	v3 =	vor.u32 $0x9, v2  }
.Ltmp0:
0x68: {  	(pc) =	sbr.rel @p0 .LBB2_2-.Ltmp0, $3  }
0x69: {  	_ =	sdelay $0x1  }
0x6a: {  	[tilespmem:s2+$0x12C0] =	vst v0  }
0x6b: {  	v2 =	vmov s9;
	s9 =	sadd.s32 $0x10, s9;
	v0 =	vld.idx.msk [tilespmem:v3+s25+$0x0], $0xffff  }
0x6c: {  	v2 =	vshll.u32 v2, $0x4  }
0x6d: {  	v2 =	vor.u32 v1, v2;
	_ =	sdelay $0x3  }
0x6e: {  	[tilespmem:s2+$0x1900] =	vst v0  }
0x6f: {  	v0 =	vld.idx.msk [tilespmem:v2+s25+$0x0], $0xffff  }
0x70: {  	v3 =	vor.u32 $0x1, v2;
	_ =	sdelay $0x2  }
0x71: {  	s10 =	sadd.s32 $0x10, s2  }
0x72: {  	[tilespmem:s10+$0xFFFFE0C0] =	vst v0  }
0x73: {  	v0 =	vld.idx.msk [tilespmem:v3+s25+$0x0], $0xffff  }
0x74: {  	v3 =	vor.u32 $0x2, v2;
	_ =	sdelay $0x3  }
0x75: {  	[tilespmem:s10+$0xFFFFE700] =	vst v0  }
0x76: {  	v0 =	vld.idx.msk [tilespmem:v3+s25+$0x0], $0xffff  }
0x77: {  	v3 =	vor.u32 $0x3, v2;
	_ =	sdelay $0x3  }
0x78: {  	[tilespmem:s10+$0xFFFFED40] =	vst v0  }
0x79: {  	v0 =	vld.idx.msk [tilespmem:v3+s25+$0x0], $0xffff  }
0x7a: {  	v3 =	vor.u32 $0x4, v2;
	_ =	sdelay $0x3  }
0x7b: {  	[tilespmem:s10+$0xFFFFF380] =	vst v0  }
0x7c: {  	v0 =	vld.idx.msk [tilespmem:v3+s25+$0x0], $0xffff  }
0x7d: {  	v3 =	vor.u32 $0x5, v2;
	_ =	sdelay $0x3  }
0x7e: {  	[tilespmem:s10+$0xFFFFF9C0] =	vst v0  }
0x7f: {  	v0 =	vld.idx.msk [tilespmem:v3+s25+$0x0], $0xffff  }
0x80: {  	v3 =	vor.u32 $0x6, v2;
	_ =	sdelay $0x3  }
0x81: {  	[tilespmem:s10+$0x0] =	vst v0  }
0x82: {  	v0 =	vld.idx.msk [tilespmem:v3+s25+$0x0], $0xffff  }
0x83: {  	v3 =	vor.u32 $0x7, v2;
	_ =	sdelay $0x3  }
0x84: {  	[tilespmem:s10+$0x640] =	vst v0  }
0x85: {  	v0 =	vld.idx.msk [tilespmem:v3+s25+$0x0], $0xffff  }
0x86: {  	v3 =	vor.u32 $0x8, v2;
	_ =	sdelay $0x3  }
0x87: {  	[tilespmem:s10+$0xC80] =	vst v0  }
0x88: {  	v0 =	vld.idx.msk [tilespmem:v3+s25+$0x0], $0xffff  }
0x89: {  	v2 =	vor.u32 $0x9, v2;
	_ =	sdelay $0x3  }
0x8a: {  	[tilespmem:s10+$0x12C0] =	vst v0  }
0x8b: {  	v0 =	vld.idx.msk [tilespmem:v2+s25+$0x0], $0xffff;
	_ =	sdelay $0x1  }
0x8c: {  	s9 =	simm.s32 $0x0  }
0x8d: {  	v2 =	vmov s9  }
0x8e: {  	v2 =	vshll.u32 v2, $0x4  }
0x8f: {  	s11 =	rddreg [dreg:$0x7];
	[tilespmem:s10+$0x1900] =	vst v0;
	v0 =	vor.u32 v1, v2  }
0x90: {  	[tilespmem:s25], [sflag:$0x2] =	stream.linear.gather [hbm4b:s11+s9], $0xA00, $0x38;
	[tilespmem:$0x1F160] =	vst v63  }
0x91: {  	_ =	swait.ge [sflag:s22], $0xA00  }
0x92: {  	[sflag:s22] =	ssyncset.done $0x0  }
0x93: {  	[sflag:s22] =	ssyncadd.s32 $0xFFFFF600  }
0x94: {  	v2 =	vld.idx.msk [tilespmem:v0+s25+$0x0], $0xffff  }
0x95: {  	v3 =	vor.u32 $0x1, v0;
	_ =	sdelay $0x2  }
0x96: {  	s2 =	simm.s32 $0x1C660  }
0x97: {  	[tilespmem:s2+$0xFFFFE0C0] =	vst v2  }
0x98: {  	v2 =	vld.idx.msk [tilespmem:v3+s25+$0x0], $0xffff  }
0x99: {  	v3 =	vor.u32 $0x2, v0;
	_ =	sdelay $0x3  }
0x9a: {  	[tilespmem:s2+$0xFFFFE700] =	vst v2  }
0x9b: {  	v2 =	vld.idx.msk [tilespmem:v3+s25+$0x0], $0xffff  }
0x9c: {  	v3 =	vor.u32 $0x3, v0;
	_ =	sdelay $0x3  }
0x9d: {  	[tilespmem:s2+$0xFFFFED40] =	vst v2  }
0x9e: {  	v2 =	vld.idx.msk [tilespmem:v3+s25+$0x0], $0xffff  }
0x9f: {  	v3 =	vor.u32 $0x4, v0;
	_ =	sdelay $0x3  }
0xa0: {  	[tilespmem:s2+$0xFFFFF380] =	vst v2  }
0xa1: {  	v2 =	vld.idx.msk [tilespmem:v3+s25+$0x0], $0xffff  }
0xa2: {  	v3 =	vor.u32 $0x5, v0;
	_ =	sdelay $0x3  }
0xa3: {  	[tilespmem:s2+$0xFFFFF9C0] =	vst v2  }
0xa4: {  	v2 =	vld.idx.msk [tilespmem:v3+s25+$0x0], $0xffff  }
0xa5: {  	v3 =	vor.u32 $0x6, v0;
	_ =	sdelay $0x3  }
0xa6: {  	[tilespmem:s2+$0x0] =	vst v2  }
0xa7: {  	v2 =	vld.idx.msk [tilespmem:v3+s25+$0x0], $0xffff  }
0xa8: {  	v3 =	vor.u32 $0x7, v0;
	_ =	sdelay $0x3  }
0xa9: {  	[tilespmem:s2+$0x640] =	vst v2  }
0xaa: {  	v2 =	vld.idx.msk [tilespmem:v3+s25+$0x0], $0xffff  }
0xab: {  	v3 =	vor.u32 $0x8, v0;
	_ =	sdelay $0x3  }
0xac: {  	[tilespmem:s2+$0xC80] =	vst v2  }
0xad: {  	v2 =	vld.idx.msk [tilespmem:v3+s25+$0x0], $0xffff  }
0xae: {  	v0 =	vor.u32 $0x9, v0;
	_ =	sdelay $0x3  }
0xaf: {  	s12 =	simm.s32 $0x10;
	[tilespmem:s2+$0x12C0] =	vst v2  }
0xb0: {  	s9 =	simm.s32 $0x20;
	v2 =	vmov s12;
	v0 =	vld.idx.msk [tilespmem:v0+s25+$0x0], $0xffff  }
.LBB2_4:
0xb1: {  	p0 =	sne.s32 s9, $0x90;
	v2 =	vshll.u32 v2, $0x4  }
0xb2: {  	v2 =	vor.u32 v1, v2;
	_ =	sdelay $0x3  }
0xb3: {  	[tilespmem:s2+$0x1900] =	vst v0  }
0xb4: {  	v0 =	vld.idx.msk [tilespmem:v2+s25+$0x0], $0xffff;
	_ =	sdelay $0x1  }
0xb5: {  	v3 =	vor.u32 $0x1, v2;
	_ =	sdelay $0x2  }
0xb6: {  	s2 =	sadd.s32 $0x10, s2  }
0xb7: {  	[tilespmem:s2+$0xFFFFE0C0] =	vst v0  }
0xb8: {  	v0 =	vld.idx.msk [tilespmem:v3+s25+$0x0], $0xffff;
	_ =	sdelay $0x1  }
0xb9: {  	v3 =	vor.u32 $0x2, v2;
	_ =	sdelay $0x3  }
0xba: {  	[tilespmem:s2+$0xFFFFE700] =	vst v0  }
0xbb: {  	v0 =	vld.idx.msk [tilespmem:v3+s25+$0x0], $0xffff;
	_ =	sdelay $0x1  }
0xbc: {  	v3 =	vor.u32 $0x3, v2;
	_ =	sdelay $0x3  }
0xbd: {  	[tilespmem:s2+$0xFFFFED40] =	vst v0  }
0xbe: {  	v0 =	vld.idx.msk [tilespmem:v3+s25+$0x0], $0xffff;
	_ =	sdelay $0x1  }
0xbf: {  	v3 =	vor.u32 $0x4, v2;
	_ =	sdelay $0x3  }
0xc0: {  	[tilespmem:s2+$0xFFFFF380] =	vst v0  }
0xc1: {  	v0 =	vld.idx.msk [tilespmem:v3+s25+$0x0], $0xffff;
	_ =	sdelay $0x1  }
0xc2: {  	v3 =	vor.u32 $0x5, v2;
	_ =	sdelay $0x3  }
0xc3: {  	[tilespmem:s2+$0xFFFFF9C0] =	vst v0  }
0xc4: {  	v0 =	vld.idx.msk [tilespmem:v3+s25+$0x0], $0xffff;
	_ =	sdelay $0x1  }
0xc5: {  	v3 =	vor.u32 $0x6, v2;
	_ =	sdelay $0x3  }
0xc6: {  	[tilespmem:s2+$0x0] =	vst v0  }
0xc7: {  	v0 =	vld.idx.msk [tilespmem:v3+s25+$0x0], $0xffff;
	_ =	sdelay $0x1  }
0xc8: {  	v3 =	vor.u32 $0x7, v2;
	_ =	sdelay $0x3  }
0xc9: {  	[tilespmem:s2+$0x640] =	vst v0  }
0xca: {  	v0 =	vld.idx.msk [tilespmem:v3+s25+$0x0], $0xffff;
	_ =	sdelay $0x1  }
0xcb: {  	v3 =	vor.u32 $0x8, v2;
	_ =	sdelay $0x3  }
0xcc: {  	[tilespmem:s2+$0xC80] =	vst v0  }
0xcd: {  	v0 =	vld.idx.msk [tilespmem:v3+s25+$0x0], $0xffff;
	_ =	sdelay $0x1  }
0xce: {  	v3 =	vor.u32 $0x9, v2  }
.Ltmp1:
0xcf: {  	(pc) =	sbr.rel @p0 .LBB2_4-.Ltmp1, $3  }
0xd0: {  	_ =	sdelay $0x1  }
0xd1: {  	[tilespmem:s2+$0x12C0] =	vst v0  }
0xd2: {  	v2 =	vmov s9;
	s9 =	sadd.s32 $0x10, s9;
	v0 =	vld.idx.msk [tilespmem:v3+s25+$0x0], $0xffff  }
0xd3: {  	v2 =	vshll.u32 v2, $0x4  }
0xd4: {  	v2 =	vor.u32 v1, v2;
	_ =	sdelay $0x3  }
0xd5: {  	[tilespmem:s2+$0x1900] =	vst v0  }
0xd6: {  	v0 =	vld.idx.msk [tilespmem:v2+s25+$0x0], $0xffff  }
0xd7: {  	v3 =	vor.u32 $0x1, v2;
	_ =	sdelay $0x2  }
0xd8: {  	s10 =	sadd.s32 $0x10, s2  }
0xd9: {  	[tilespmem:s10+$0xFFFFE0C0] =	vst v0  }
0xda: {  	v0 =	vld.idx.msk [tilespmem:v3+s25+$0x0], $0xffff  }
0xdb: {  	v3 =	vor.u32 $0x2, v2;
	_ =	sdelay $0x3  }
0xdc: {  	[tilespmem:s10+$0xFFFFE700] =	vst v0  }
0xdd: {  	v0 =	vld.idx.msk [tilespmem:v3+s25+$0x0], $0xffff  }
0xde: {  	v3 =	vor.u32 $0x3, v2;
	_ =	sdelay $0x3  }
0xdf: {  	[tilespmem:s10+$0xFFFFED40] =	vst v0  }
0xe0: {  	v0 =	vld.idx.msk [tilespmem:v3+s25+$0x0], $0xffff  }
0xe1: {  	v3 =	vor.u32 $0x4, v2;
	_ =	sdelay $0x3  }
0xe2: {  	[tilespmem:s10+$0xFFFFF380] =	vst v0  }
0xe3: {  	v0 =	vld.idx.msk [tilespmem:v3+s25+$0x0], $0xffff  }
0xe4: {  	v3 =	vor.u32 $0x5, v2;
	_ =	sdelay $0x3  }
0xe5: {  	[tilespmem:s10+$0xFFFFF9C0] =	vst v0  }
0xe6: {  	v0 =	vld.idx.msk [tilespmem:v3+s25+$0x0], $0xffff  }
0xe7: {  	v3 =	vor.u32 $0x6, v2;
	_ =	sdelay $0x3  }
0xe8: {  	[tilespmem:s10+$0x0] =	vst v0  }
0xe9: {  	v0 =	vld.idx.msk [tilespmem:v3+s25+$0x0], $0xffff  }
0xea: {  	v3 =	vor.u32 $0x7, v2;
	_ =	sdelay $0x3  }
0xeb: {  	[tilespmem:s10+$0x640] =	vst v0  }
0xec: {  	v0 =	vld.idx.msk [tilespmem:v3+s25+$0x0], $0xffff  }
0xed: {  	v3 =	vor.u32 $0x8, v2;
	_ =	sdelay $0x3  }
0xee: {  	[tilespmem:s10+$0xC80] =	vst v0  }
0xef: {  	v0 =	vld.idx.msk [tilespmem:v3+s25+$0x0], $0xffff  }
0xf0: {  	v2 =	vor.u32 $0x9, v2;
	_ =	sdelay $0x3  }
0xf1: {  	[tilespmem:s10+$0x12C0] =	vst v0  }
0xf2: {  	v0 =	vld.idx.msk [tilespmem:v2+s25+$0x0], $0xffff;
	_ =	sdelay $0x1  }
0xf3: {  	s9 =	simm.s32 $0x0  }
0xf4: {  	v2 =	vmov s9  }
0xf5: {  	v2 =	vshll.u32 v2, $0x4  }
0xf6: {  	s11 =	rddreg [dreg:$0x8];
	[tilespmem:s10+$0x1900] =	vst v0;
	v0 =	vor.u32 v1, v2  }
0xf7: {  	[tilespmem:s25], [sflag:$0x2] =	stream.linear.gather [hbm4b:s11+s9], $0xA00, $0x38;
	[tilespmem:$0x1F160] =	vst v63  }
0xf8: {  	_ =	swait.ge [sflag:s22], $0xA00  }
0xf9: {  	[sflag:s22] =	ssyncset.done $0x0  }
0xfa: {  	[sflag:s22] =	ssyncadd.s32 $0xFFFFF600  }
0xfb: {  	v2 =	vld.idx.msk [tilespmem:v0+s25+$0x0], $0xffff  }
0xfc: {  	v3 =	vor.u32 $0x1, v0;
	_ =	sdelay $0x2  }
0xfd: {  	s2 =	simm.s32 $0x1C700  }
0xfe: {  	[tilespmem:s2+$0xFFFFE0C0] =	vst v2  }
0xff: {  	v2 =	vld.idx.msk [tilespmem:v3+s25+$0x0], $0xffff  }
0x100: {  	v3 =	vor.u32 $0x2, v0;
	_ =	sdelay $0x3  }
0x101: {  	[tilespmem:s2+$0xFFFFE700] =	vst v2  }
0x102: {  	v2 =	vld.idx.msk [tilespmem:v3+s25+$0x0], $0xffff  }
0x103: {  	v3 =	vor.u32 $0x3, v0;
	_ =	sdelay $0x3  }
0x104: {  	[tilespmem:s2+$0xFFFFED40] =	vst v2  }
0x105: {  	v2 =	vld.idx.msk [tilespmem:v3+s25+$0x0], $0xffff  }
0x106: {  	v3 =	vor.u32 $0x4, v0;
	_ =	sdelay $0x3  }
0x107: {  	[tilespmem:s2+$0xFFFFF380] =	vst v2  }
0x108: {  	v2 =	vld.idx.msk [tilespmem:v3+s25+$0x0], $0xffff  }
0x109: {  	v3 =	vor.u32 $0x5, v0;
	_ =	sdelay $0x3  }
0x10a: {  	[tilespmem:s2+$0xFFFFF9C0] =	vst v2  }
0x10b: {  	v2 =	vld.idx.msk [tilespmem:v3+s25+$0x0], $0xffff  }
0x10c: {  	v3 =	vor.u32 $0x6, v0;
	_ =	sdelay $0x3  }
0x10d: {  	[tilespmem:s2+$0x0] =	vst v2  }
0x10e: {  	v2 =	vld.idx.msk [tilespmem:v3+s25+$0x0], $0xffff  }
0x10f: {  	v3 =	vor.u32 $0x7, v0;
	_ =	sdelay $0x3  }
0x110: {  	[tilespmem:s2+$0x640] =	vst v2  }
0x111: {  	v2 =	vld.idx.msk [tilespmem:v3+s25+$0x0], $0xffff  }
0x112: {  	v3 =	vor.u32 $0x8, v0;
	_ =	sdelay $0x3  }
0x113: {  	[tilespmem:s2+$0xC80] =	vst v2  }
0x114: {  	v2 =	vld.idx.msk [tilespmem:v3+s25+$0x0], $0xffff  }
0x115: {  	v0 =	vor.u32 $0x9, v0;
	_ =	sdelay $0x3  }
0x116: {  	s12 =	simm.s32 $0x10;
	[tilespmem:s2+$0x12C0] =	vst v2  }
0x117: {  	s9 =	simm.s32 $0x20;
	v2 =	vmov s12;
	v0 =	vld.idx.msk [tilespmem:v0+s25+$0x0], $0xffff  }
.LBB2_6:
0x118: {  	p0 =	sne.s32 s9, $0x90;
	v2 =	vshll.u32 v2, $0x4  }
0x119: {  	v2 =	vor.u32 v1, v2;
	_ =	sdelay $0x3  }
0x11a: {  	[tilespmem:s2+$0x1900] =	vst v0  }
0x11b: {  	v0 =	vld.idx.msk [tilespmem:v2+s25+$0x0], $0xffff;
	_ =	sdelay $0x1  }
0x11c: {  	v3 =	vor.u32 $0x1, v2;
	_ =	sdelay $0x2  }
0x11d: {  	s2 =	sadd.s32 $0x10, s2  }
0x11e: {  	[tilespmem:s2+$0xFFFFE0C0] =	vst v0  }
0x11f: {  	v0 =	vld.idx.msk [tilespmem:v3+s25+$0x0], $0xffff;
	_ =	sdelay $0x1  }
0x120: {  	v3 =	vor.u32 $0x2, v2;
	_ =	sdelay $0x3  }
0x121: {  	[tilespmem:s2+$0xFFFFE700] =	vst v0  }
0x122: {  	v0 =	vld.idx.msk [tilespmem:v3+s25+$0x0], $0xffff;
	_ =	sdelay $0x1  }
0x123: {  	v3 =	vor.u32 $0x3, v2;
	_ =	sdelay $0x3  }
0x124: {  	[tilespmem:s2+$0xFFFFED40] =	vst v0  }
0x125: {  	v0 =	vld.idx.msk [tilespmem:v3+s25+$0x0], $0xffff;
	_ =	sdelay $0x1  }
0x126: {  	v3 =	vor.u32 $0x4, v2;
	_ =	sdelay $0x3  }
0x127: {  	[tilespmem:s2+$0xFFFFF380] =	vst v0  }
0x128: {  	v0 =	vld.idx.msk [tilespmem:v3+s25+$0x0], $0xffff;
	_ =	sdelay $0x1  }
0x129: {  	v3 =	vor.u32 $0x5, v2;
	_ =	sdelay $0x3  }
0x12a: {  	[tilespmem:s2+$0xFFFFF9C0] =	vst v0  }
0x12b: {  	v0 =	vld.idx.msk [tilespmem:v3+s25+$0x0], $0xffff;
	_ =	sdelay $0x1  }
0x12c: {  	v3 =	vor.u32 $0x6, v2;
	_ =	sdelay $0x3  }
0x12d: {  	[tilespmem:s2+$0x0] =	vst v0  }
0x12e: {  	v0 =	vld.idx.msk [tilespmem:v3+s25+$0x0], $0xffff;
	_ =	sdelay $0x1  }
0x12f: {  	v3 =	vor.u32 $0x7, v2;
	_ =	sdelay $0x3  }
0x130: {  	[tilespmem:s2+$0x640] =	vst v0  }
0x131: {  	v0 =	vld.idx.msk [tilespmem:v3+s25+$0x0], $0xffff;
	_ =	sdelay $0x1  }
0x132: {  	v3 =	vor.u32 $0x8, v2;
	_ =	sdelay $0x3  }
0x133: {  	[tilespmem:s2+$0xC80] =	vst v0  }
0x134: {  	v0 =	vld.idx.msk [tilespmem:v3+s25+$0x0], $0xffff;
	_ =	sdelay $0x1  }
0x135: {  	v3 =	vor.u32 $0x9, v2  }
.Ltmp2:
0x136: {  	(pc) =	sbr.rel @p0 .LBB2_6-.Ltmp2, $3  }
0x137: {  	_ =	sdelay $0x1  }
0x138: {  	[tilespmem:s2+$0x12C0] =	vst v0  }
0x139: {  	v2 =	vmov s9;
	s9 =	sadd.s32 $0x10, s9;
	v0 =	vld.idx.msk [tilespmem:v3+s25+$0x0], $0xffff  }
0x13a: {  	v2 =	vshll.u32 v2, $0x4  }
0x13b: {  	v2 =	vor.u32 v1, v2;
	_ =	sdelay $0x3  }
0x13c: {  	[tilespmem:s2+$0x1900] =	vst v0  }
0x13d: {  	v0 =	vld.idx.msk [tilespmem:v2+s25+$0x0], $0xffff  }
0x13e: {  	v3 =	vor.u32 $0x1, v2;
	_ =	sdelay $0x2  }
0x13f: {  	s10 =	sadd.s32 $0x10, s2  }
0x140: {  	[tilespmem:s10+$0xFFFFE0C0] =	vst v0  }
0x141: {  	v0 =	vld.idx.msk [tilespmem:v3+s25+$0x0], $0xffff  }
0x142: {  	v3 =	vor.u32 $0x2, v2;
	_ =	sdelay $0x3  }
0x143: {  	[tilespmem:s10+$0xFFFFE700] =	vst v0  }
0x144: {  	v0 =	vld.idx.msk [tilespmem:v3+s25+$0x0], $0xffff  }
0x145: {  	v3 =	vor.u32 $0x3, v2;
	_ =	sdelay $0x3  }
0x146: {  	[tilespmem:s10+$0xFFFFED40] =	vst v0  }
0x147: {  	v0 =	vld.idx.msk [tilespmem:v3+s25+$0x0], $0xffff  }
0x148: {  	v3 =	vor.u32 $0x4, v2;
	_ =	sdelay $0x3  }
0x149: {  	[tilespmem:s10+$0xFFFFF380] =	vst v0  }
0x14a: {  	v0 =	vld.idx.msk [tilespmem:v3+s25+$0x0], $0xffff  }
0x14b: {  	v3 =	vor.u32 $0x5, v2;
	_ =	sdelay $0x3  }
0x14c: {  	[tilespmem:s10+$0xFFFFF9C0] =	vst v0  }
0x14d: {  	v0 =	vld.idx.msk [tilespmem:v3+s25+$0x0], $0xffff  }
0x14e: {  	v3 =	vor.u32 $0x6, v2;
	_ =	sdelay $0x3  }
0x14f: {  	[tilespmem:s10+$0x0] =	vst v0  }
0x150: {  	v0 =	vld.idx.msk [tilespmem:v3+s25+$0x0], $0xffff  }
0x151: {  	v3 =	vor.u32 $0x7, v2;
	_ =	sdelay $0x3  }
0x152: {  	[tilespmem:s10+$0x640] =	vst v0  }
0x153: {  	v0 =	vld.idx.msk [tilespmem:v3+s25+$0x0], $0xffff  }
0x154: {  	v3 =	vor.u32 $0x8, v2;
	_ =	sdelay $0x3  }
0x155: {  	[tilespmem:s10+$0xC80] =	vst v0  }
0x156: {  	v0 =	vld.idx.msk [tilespmem:v3+s25+$0x0], $0xffff  }
0x157: {  	v2 =	vor.u32 $0x9, v2;
	_ =	sdelay $0x3  }
0x158: {  	[tilespmem:s10+$0x12C0] =	vst v0  }
0x159: {  	v0 =	vld.idx.msk [tilespmem:v2+s25+$0x0], $0xffff;
	_ =	sdelay $0x1  }
0x15a: {  	s9 =	simm.s32 $0x0  }
0x15b: {  	v2 =	vmov s9  }
0x15c: {  	v2 =	vshll.u32 v2, $0x4  }
0x15d: {  	s11 =	rddreg [dreg:$0x9];
	[tilespmem:s10+$0x1900] =	vst v0;
	v0 =	vor.u32 v1, v2  }
0x15e: {  	[tilespmem:s25], [sflag:$0x2] =	stream.linear.gather [hbm4b:s11+s9], $0xA00, $0x38;
	[tilespmem:$0x1F160] =	vst v63  }
0x15f: {  	_ =	swait.ge [sflag:s22], $0xA00  }
0x160: {  	[sflag:s22] =	ssyncset.done $0x0  }
0x161: {  	[sflag:s22] =	ssyncadd.s32 $0xFFFFF600  }
0x162: {  	v2 =	vld.idx.msk [tilespmem:v0+s25+$0x0], $0xffff  }
0x163: {  	v3 =	vor.u32 $0x1, v0;
	_ =	sdelay $0x2  }
0x164: {  	s2 =	simm.s32 $0x1C7A0  }
0x165: {  	[tilespmem:s2+$0xFFFFE0C0] =	vst v2  }
0x166: {  	v2 =	vld.idx.msk [tilespmem:v3+s25+$0x0], $0xffff  }
0x167: {  	v3 =	vor.u32 $0x2, v0;
	_ =	sdelay $0x3  }
0x168: {  	[tilespmem:s2+$0xFFFFE700] =	vst v2  }
0x169: {  	v2 =	vld.idx.msk [tilespmem:v3+s25+$0x0], $0xffff  }
0x16a: {  	v3 =	vor.u32 $0x3, v0;
	_ =	sdelay $0x3  }
0x16b: {  	[tilespmem:s2+$0xFFFFED40] =	vst v2  }
0x16c: {  	v2 =	vld.idx.msk [tilespmem:v3+s25+$0x0], $0xffff  }
0x16d: {  	v3 =	vor.u32 $0x4, v0;
	_ =	sdelay $0x3  }
0x16e: {  	[tilespmem:s2+$0xFFFFF380] =	vst v2  }
0x16f: {  	v2 =	vld.idx.msk [tilespmem:v3+s25+$0x0], $0xffff  }
0x170: {  	v3 =	vor.u32 $0x5, v0;
	_ =	sdelay $0x3  }
0x171: {  	[tilespmem:s2+$0xFFFFF9C0] =	vst v2  }
0x172: {  	v2 =	vld.idx.msk [tilespmem:v3+s25+$0x0], $0xffff  }
0x173: {  	v3 =	vor.u32 $0x6, v0;
	_ =	sdelay $0x3  }
0x174: {  	[tilespmem:s2+$0x0] =	vst v2  }
0x175: {  	v2 =	vld.idx.msk [tilespmem:v3+s25+$0x0], $0xffff  }
0x176: {  	v3 =	vor.u32 $0x7, v0;
	_ =	sdelay $0x3  }
0x177: {  	[tilespmem:s2+$0x640] =	vst v2  }
0x178: {  	v2 =	vld.idx.msk [tilespmem:v3+s25+$0x0], $0xffff  }
0x179: {  	v3 =	vor.u32 $0x8, v0;
	_ =	sdelay $0x3  }
0x17a: {  	[tilespmem:s2+$0xC80] =	vst v2  }
0x17b: {  	v2 =	vld.idx.msk [tilespmem:v3+s25+$0x0], $0xffff  }
0x17c: {  	v0 =	vor.u32 $0x9, v0;
	_ =	sdelay $0x3  }
0x17d: {  	s12 =	simm.s32 $0x10;
	[tilespmem:s2+$0x12C0] =	vst v2  }
0x17e: {  	s9 =	simm.s32 $0x20;
	v2 =	vmov s12;
	v0 =	vld.idx.msk [tilespmem:v0+s25+$0x0], $0xffff  }
.LBB2_8:
0x17f: {  	p0 =	sne.s32 s9, $0x90;
	v2 =	vshll.u32 v2, $0x4  }
0x180: {  	v2 =	vor.u32 v1, v2;
	_ =	sdelay $0x3  }
0x181: {  	[tilespmem:s2+$0x1900] =	vst v0  }
0x182: {  	v0 =	vld.idx.msk [tilespmem:v2+s25+$0x0], $0xffff;
	_ =	sdelay $0x1  }
0x183: {  	v3 =	vor.u32 $0x1, v2;
	_ =	sdelay $0x2  }
0x184: {  	s2 =	sadd.s32 $0x10, s2  }
0x185: {  	[tilespmem:s2+$0xFFFFE0C0] =	vst v0  }
0x186: {  	v0 =	vld.idx.msk [tilespmem:v3+s25+$0x0], $0xffff;
	_ =	sdelay $0x1  }
0x187: {  	v3 =	vor.u32 $0x2, v2;
	_ =	sdelay $0x3  }
0x188: {  	[tilespmem:s2+$0xFFFFE700] =	vst v0  }
0x189: {  	v0 =	vld.idx.msk [tilespmem:v3+s25+$0x0], $0xffff;
	_ =	sdelay $0x1  }
0x18a: {  	v3 =	vor.u32 $0x3, v2;
	_ =	sdelay $0x3  }
0x18b: {  	[tilespmem:s2+$0xFFFFED40] =	vst v0  }
0x18c: {  	v0 =	vld.idx.msk [tilespmem:v3+s25+$0x0], $0xffff;
	_ =	sdelay $0x1  }
0x18d: {  	v3 =	vor.u32 $0x4, v2;
	_ =	sdelay $0x3  }
0x18e: {  	[tilespmem:s2+$0xFFFFF380] =	vst v0  }
0x18f: {  	v0 =	vld.idx.msk [tilespmem:v3+s25+$0x0], $0xffff;
	_ =	sdelay $0x1  }
0x190: {  	v3 =	vor.u32 $0x5, v2;
	_ =	sdelay $0x3  }
0x191: {  	[tilespmem:s2+$0xFFFFF9C0] =	vst v0  }
0x192: {  	v0 =	vld.idx.msk [tilespmem:v3+s25+$0x0], $0xffff;
	_ =	sdelay $0x1  }
0x193: {  	v3 =	vor.u32 $0x6, v2;
	_ =	sdelay $0x3  }
0x194: {  	[tilespmem:s2+$0x0] =	vst v0  }
0x195: {  	v0 =	vld.idx.msk [tilespmem:v3+s25+$0x0], $0xffff;
	_ =	sdelay $0x1  }
0x196: {  	v3 =	vor.u32 $0x7, v2;
	_ =	sdelay $0x3  }
0x197: {  	[tilespmem:s2+$0x640] =	vst v0  }
0x198: {  	v0 =	vld.idx.msk [tilespmem:v3+s25+$0x0], $0xffff;
	_ =	sdelay $0x1  }
0x199: {  	v3 =	vor.u32 $0x8, v2;
	_ =	sdelay $0x3  }
0x19a: {  	[tilespmem:s2+$0xC80] =	vst v0  }
0x19b: {  	v0 =	vld.idx.msk [tilespmem:v3+s25+$0x0], $0xffff;
	_ =	sdelay $0x1  }
0x19c: {  	v3 =	vor.u32 $0x9, v2  }
.Ltmp3:
0x19d: {  	(pc) =	sbr.rel @p0 .LBB2_8-.Ltmp3, $3  }
0x19e: {  	_ =	sdelay $0x1  }
0x19f: {  	[tilespmem:s2+$0x12C0] =	vst v0  }
0x1a0: {  	v2 =	vmov s9;
	s9 =	sadd.s32 $0x10, s9;
	v0 =	vld.idx.msk [tilespmem:v3+s25+$0x0], $0xffff  }
0x1a1: {  	v2 =	vshll.u32 v2, $0x4  }
0x1a2: {  	v2 =	vor.u32 v1, v2;
	_ =	sdelay $0x3  }
0x1a3: {  	[tilespmem:s2+$0x1900] =	vst v0  }
0x1a4: {  	v0 =	vld.idx.msk [tilespmem:v2+s25+$0x0], $0xffff  }
0x1a5: {  	v3 =	vor.u32 $0x1, v2;
	_ =	sdelay $0x2  }
0x1a6: {  	s10 =	sadd.s32 $0x10, s2  }
0x1a7: {  	[tilespmem:s10+$0xFFFFE0C0] =	vst v0  }
0x1a8: {  	v0 =	vld.idx.msk [tilespmem:v3+s25+$0x0], $0xffff  }
0x1a9: {  	v3 =	vor.u32 $0x2, v2;
	_ =	sdelay $0x3  }
0x1aa: {  	[tilespmem:s10+$0xFFFFE700] =	vst v0  }
0x1ab: {  	v0 =	vld.idx.msk [tilespmem:v3+s25+$0x0], $0xffff  }
0x1ac: {  	v3 =	vor.u32 $0x3, v2;
	_ =	sdelay $0x3  }
0x1ad: {  	[tilespmem:s10+$0xFFFFED40] =	vst v0  }
0x1ae: {  	v0 =	vld.idx.msk [tilespmem:v3+s25+$0x0], $0xffff  }
0x1af: {  	v3 =	vor.u32 $0x4, v2;
	_ =	sdelay $0x3  }
0x1b0: {  	[tilespmem:s10+$0xFFFFF380] =	vst v0  }
0x1b1: {  	v0 =	vld.idx.msk [tilespmem:v3+s25+$0x0], $0xffff  }
0x1b2: {  	v3 =	vor.u32 $0x5, v2;
	_ =	sdelay $0x3  }
0x1b3: {  	[tilespmem:s10+$0xFFFFF9C0] =	vst v0  }
0x1b4: {  	v0 =	vld.idx.msk [tilespmem:v3+s25+$0x0], $0xffff  }
0x1b5: {  	v3 =	vor.u32 $0x6, v2;
	_ =	sdelay $0x3  }
0x1b6: {  	[tilespmem:s10+$0x0] =	vst v0  }
0x1b7: {  	v0 =	vld.idx.msk [tilespmem:v3+s25+$0x0], $0xffff  }
0x1b8: {  	v3 =	vor.u32 $0x7, v2;
	_ =	sdelay $0x3  }
0x1b9: {  	[tilespmem:s10+$0x640] =	vst v0  }
0x1ba: {  	v0 =	vld.idx.msk [tilespmem:v3+s25+$0x0], $0xffff  }
0x1bb: {  	v3 =	vor.u32 $0x8, v2;
	_ =	sdelay $0x3  }
0x1bc: {  	[tilespmem:s10+$0xC80] =	vst v0  }
0x1bd: {  	v0 =	vld.idx.msk [tilespmem:v3+s25+$0x0], $0xffff  }
0x1be: {  	v2 =	vor.u32 $0x9, v2;
	_ =	sdelay $0x3  }
0x1bf: {  	[tilespmem:s10+$0x12C0] =	vst v0  }
0x1c0: {  	v0 =	vld.idx.msk [tilespmem:v2+s25+$0x0], $0xffff;
	_ =	sdelay $0x1  }
0x1c1: {  	s9 =	simm.s32 $0x0  }
0x1c2: {  	v2 =	vmov s9  }
0x1c3: {  	v2 =	vshll.u32 v2, $0x4  }
0x1c4: {  	s11 =	rddreg [dreg:$0xa];
	[tilespmem:s10+$0x1900] =	vst v0;
	v0 =	vor.u32 v1, v2  }
0x1c5: {  	[tilespmem:s25], [sflag:$0x2] =	stream.linear.gather [hbm4b:s11+s9], $0xA00, $0x38;
	[tilespmem:$0x1F160] =	vst v63  }
0x1c6: {  	_ =	swait.ge [sflag:s22], $0xA00  }
0x1c7: {  	[sflag:s22] =	ssyncset.done $0x0  }
0x1c8: {  	[sflag:s22] =	ssyncadd.s32 $0xFFFFF600  }
0x1c9: {  	v2 =	vld.idx.msk [tilespmem:v0+s25+$0x0], $0xffff  }
0x1ca: {  	v3 =	vor.u32 $0x1, v0;
	_ =	sdelay $0x2  }
0x1cb: {  	s2 =	simm.s32 $0x1C840  }
0x1cc: {  	[tilespmem:s2+$0xFFFFE0C0] =	vst v2  }
0x1cd: {  	v2 =	vld.idx.msk [tilespmem:v3+s25+$0x0], $0xffff  }
0x1ce: {  	v3 =	vor.u32 $0x2, v0;
	_ =	sdelay $0x3  }
0x1cf: {  	[tilespmem:s2+$0xFFFFE700] =	vst v2  }
0x1d0: {  	v2 =	vld.idx.msk [tilespmem:v3+s25+$0x0], $0xffff  }
0x1d1: {  	v3 =	vor.u32 $0x3, v0;
	_ =	sdelay $0x3  }
0x1d2: {  	[tilespmem:s2+$0xFFFFED40] =	vst v2  }
0x1d3: {  	v2 =	vld.idx.msk [tilespmem:v3+s25+$0x0], $0xffff  }
0x1d4: {  	v3 =	vor.u32 $0x4, v0;
	_ =	sdelay $0x3  }
0x1d5: {  	[tilespmem:s2+$0xFFFFF380] =	vst v2  }
0x1d6: {  	v2 =	vld.idx.msk [tilespmem:v3+s25+$0x0], $0xffff  }
0x1d7: {  	v3 =	vor.u32 $0x5, v0;
	_ =	sdelay $0x3  }
0x1d8: {  	[tilespmem:s2+$0xFFFFF9C0] =	vst v2  }
0x1d9: {  	v2 =	vld.idx.msk [tilespmem:v3+s25+$0x0], $0xffff  }
0x1da: {  	v3 =	vor.u32 $0x6, v0;
	_ =	sdelay $0x3  }
0x1db: {  	[tilespmem:s2+$0x0] =	vst v2  }
0x1dc: {  	v2 =	vld.idx.msk [tilespmem:v3+s25+$0x0], $0xffff  }
0x1dd: {  	v3 =	vor.u32 $0x7, v0;
	_ =	sdelay $0x3  }
0x1de: {  	[tilespmem:s2+$0x640] =	vst v2  }
0x1df: {  	v2 =	vld.idx.msk [tilespmem:v3+s25+$0x0], $0xffff  }
0x1e0: {  	v3 =	vor.u32 $0x8, v0;
	_ =	sdelay $0x3  }
0x1e1: {  	[tilespmem:s2+$0xC80] =	vst v2  }
0x1e2: {  	v2 =	vld.idx.msk [tilespmem:v3+s25+$0x0], $0xffff  }
0x1e3: {  	v0 =	vor.u32 $0x9, v0;
	_ =	sdelay $0x3  }
0x1e4: {  	s12 =	simm.s32 $0x10;
	[tilespmem:s2+$0x12C0] =	vst v2  }
0x1e5: {  	s9 =	simm.s32 $0x20;
	v2 =	vmov s12;
	v0 =	vld.idx.msk [tilespmem:v0+s25+$0x0], $0xffff  }
.LBB2_10:
0x1e6: {  	p0 =	sne.s32 s9, $0x90;
	v2 =	vshll.u32 v2, $0x4  }
0x1e7: {  	v2 =	vor.u32 v1, v2;
	_ =	sdelay $0x3  }
0x1e8: {  	[tilespmem:s2+$0x1900] =	vst v0  }
0x1e9: {  	v0 =	vld.idx.msk [tilespmem:v2+s25+$0x0], $0xffff;
	_ =	sdelay $0x1  }
0x1ea: {  	v3 =	vor.u32 $0x1, v2;
	_ =	sdelay $0x2  }
0x1eb: {  	s2 =	sadd.s32 $0x10, s2  }
0x1ec: {  	[tilespmem:s2+$0xFFFFE0C0] =	vst v0  }
0x1ed: {  	v0 =	vld.idx.msk [tilespmem:v3+s25+$0x0], $0xffff;
	_ =	sdelay $0x1  }
0x1ee: {  	v3 =	vor.u32 $0x2, v2;
	_ =	sdelay $0x3  }
0x1ef: {  	[tilespmem:s2+$0xFFFFE700] =	vst v0  }
0x1f0: {  	v0 =	vld.idx.msk [tilespmem:v3+s25+$0x0], $0xffff;
	_ =	sdelay $0x1  }
0x1f1: {  	v3 =	vor.u32 $0x3, v2;
	_ =	sdelay $0x3  }
0x1f2: {  	[tilespmem:s2+$0xFFFFED40] =	vst v0  }
0x1f3: {  	v0 =	vld.idx.msk [tilespmem:v3+s25+$0x0], $0xffff;
	_ =	sdelay $0x1  }
0x1f4: {  	v3 =	vor.u32 $0x4, v2;
	_ =	sdelay $0x3  }
0x1f5: {  	[tilespmem:s2+$0xFFFFF380] =	vst v0  }
0x1f6: {  	v0 =	vld.idx.msk [tilespmem:v3+s25+$0x0], $0xffff;
	_ =	sdelay $0x1  }
0x1f7: {  	v3 =	vor.u32 $0x5, v2;
	_ =	sdelay $0x3  }
0x1f8: {  	[tilespmem:s2+$0xFFFFF9C0] =	vst v0  }
0x1f9: {  	v0 =	vld.idx.msk [tilespmem:v3+s25+$0x0], $0xffff;
	_ =	sdelay $0x1  }
0x1fa: {  	v3 =	vor.u32 $0x6, v2;
	_ =	sdelay $0x3  }
0x1fb: {  	[tilespmem:s2+$0x0] =	vst v0  }
0x1fc: {  	v0 =	vld.idx.msk [tilespmem:v3+s25+$0x0], $0xffff;
	_ =	sdelay $0x1  }
0x1fd: {  	v3 =	vor.u32 $0x7, v2;
	_ =	sdelay $0x3  }
0x1fe: {  	[tilespmem:s2+$0x640] =	vst v0  }
0x1ff: {  	v0 =	vld.idx.msk [tilespmem:v3+s25+$0x0], $0xffff;
	_ =	sdelay $0x1  }
0x200: {  	v3 =	vor.u32 $0x8, v2;
	_ =	sdelay $0x3  }
0x201: {  	[tilespmem:s2+$0xC80] =	vst v0  }
0x202: {  	v0 =	vld.idx.msk [tilespmem:v3+s25+$0x0], $0xffff;
	_ =	sdelay $0x1  }
0x203: {  	v3 =	vor.u32 $0x9, v2  }
.Ltmp4:
0x204: {  	(pc) =	sbr.rel @p0 .LBB2_10-.Ltmp4, $3  }
0x205: {  	_ =	sdelay $0x1  }
0x206: {  	[tilespmem:s2+$0x12C0] =	vst v0  }
0x207: {  	v2 =	vmov s9;
	s9 =	sadd.s32 $0x10, s9;
	v0 =	vld.idx.msk [tilespmem:v3+s25+$0x0], $0xffff  }
0x208: {  	v2 =	vshll.u32 v2, $0x4  }
0x209: {  	v2 =	vor.u32 v1, v2;
	_ =	sdelay $0x3  }
0x20a: {  	[tilespmem:s2+$0x1900] =	vst v0  }
0x20b: {  	v0 =	vld.idx.msk [tilespmem:v2+s25+$0x0], $0xffff  }
0x20c: {  	v3 =	vor.u32 $0x1, v2;
	_ =	sdelay $0x2  }
0x20d: {  	s10 =	sadd.s32 $0x10, s2  }
0x20e: {  	[tilespmem:s10+$0xFFFFE0C0] =	vst v0  }
0x20f: {  	v0 =	vld.idx.msk [tilespmem:v3+s25+$0x0], $0xffff  }
0x210: {  	v3 =	vor.u32 $0x2, v2;
	_ =	sdelay $0x3  }
0x211: {  	[tilespmem:s10+$0xFFFFE700] =	vst v0  }
0x212: {  	v0 =	vld.idx.msk [tilespmem:v3+s25+$0x0], $0xffff  }
0x213: {  	v3 =	vor.u32 $0x3, v2;
	_ =	sdelay $0x3  }
0x214: {  	[tilespmem:s10+$0xFFFFED40] =	vst v0  }
0x215: {  	v0 =	vld.idx.msk [tilespmem:v3+s25+$0x0], $0xffff  }
0x216: {  	v3 =	vor.u32 $0x4, v2;
	_ =	sdelay $0x3  }
0x217: {  	[tilespmem:s10+$0xFFFFF380] =	vst v0  }
0x218: {  	v0 =	vld.idx.msk [tilespmem:v3+s25+$0x0], $0xffff  }
0x219: {  	v3 =	vor.u32 $0x5, v2;
	_ =	sdelay $0x3  }
0x21a: {  	[tilespmem:s10+$0xFFFFF9C0] =	vst v0  }
0x21b: {  	v0 =	vld.idx.msk [tilespmem:v3+s25+$0x0], $0xffff  }
0x21c: {  	v3 =	vor.u32 $0x6, v2;
	_ =	sdelay $0x3  }
0x21d: {  	[tilespmem:s10+$0x0] =	vst v0  }
0x21e: {  	v0 =	vld.idx.msk [tilespmem:v3+s25+$0x0], $0xffff  }
0x21f: {  	v3 =	vor.u32 $0x7, v2;
	_ =	sdelay $0x3  }
0x220: {  	[tilespmem:s10+$0x640] =	vst v0  }
0x221: {  	v0 =	vld.idx.msk [tilespmem:v3+s25+$0x0], $0xffff  }
0x222: {  	v3 =	vor.u32 $0x8, v2;
	_ =	sdelay $0x3  }
0x223: {  	[tilespmem:s10+$0xC80] =	vst v0  }
0x224: {  	v0 =	vld.idx.msk [tilespmem:v3+s25+$0x0], $0xffff  }
0x225: {  	v2 =	vor.u32 $0x9, v2;
	_ =	sdelay $0x3  }
0x226: {  	[tilespmem:s10+$0x12C0] =	vst v0  }
0x227: {  	v0 =	vld.idx.msk [tilespmem:v2+s25+$0x0], $0xffff;
	_ =	sdelay $0x1  }
0x228: {  	s9 =	simm.s32 $0x0  }
0x229: {  	v2 =	vmov s9  }
0x22a: {  	v2 =	vshll.u32 v2, $0x4  }
0x22b: {  	s11 =	rddreg [dreg:$0xb];
	[tilespmem:s10+$0x1900] =	vst v0;
	v0 =	vor.u32 v1, v2  }
0x22c: {  	[tilespmem:s25], [sflag:$0x2] =	stream.linear.gather [hbm4b:s11+s9], $0xA00, $0x38;
	[tilespmem:$0x1F160] =	vst v63  }
0x22d: {  	_ =	swait.ge [sflag:s22], $0xA00  }
0x22e: {  	[sflag:s22] =	ssyncset.done $0x0  }
0x22f: {  	[sflag:s22] =	ssyncadd.s32 $0xFFFFF600  }
0x230: {  	v2 =	vld.idx.msk [tilespmem:v0+s25+$0x0], $0xffff  }
0x231: {  	v3 =	vor.u32 $0x1, v0;
	_ =	sdelay $0x2  }
0x232: {  	s2 =	simm.s32 $0x1C8E0  }
0x233: {  	[tilespmem:s2+$0xFFFFE0C0] =	vst v2  }
0x234: {  	v2 =	vld.idx.msk [tilespmem:v3+s25+$0x0], $0xffff  }
0x235: {  	v3 =	vor.u32 $0x2, v0;
	_ =	sdelay $0x3  }
0x236: {  	[tilespmem:s2+$0xFFFFE700] =	vst v2  }
0x237: {  	v2 =	vld.idx.msk [tilespmem:v3+s25+$0x0], $0xffff  }
0x238: {  	v3 =	vor.u32 $0x3, v0;
	_ =	sdelay $0x3  }
0x239: {  	[tilespmem:s2+$0xFFFFED40] =	vst v2  }
0x23a: {  	v2 =	vld.idx.msk [tilespmem:v3+s25+$0x0], $0xffff  }
0x23b: {  	v3 =	vor.u32 $0x4, v0;
	_ =	sdelay $0x3  }
0x23c: {  	[tilespmem:s2+$0xFFFFF380] =	vst v2  }
0x23d: {  	v2 =	vld.idx.msk [tilespmem:v3+s25+$0x0], $0xffff  }
0x23e: {  	v3 =	vor.u32 $0x5, v0;
	_ =	sdelay $0x3  }
0x23f: {  	[tilespmem:s2+$0xFFFFF9C0] =	vst v2  }
0x240: {  	v2 =	vld.idx.msk [tilespmem:v3+s25+$0x0], $0xffff  }
0x241: {  	v3 =	vor.u32 $0x6, v0;
	_ =	sdelay $0x3  }
0x242: {  	[tilespmem:s2+$0x0] =	vst v2  }
0x243: {  	v2 =	vld.idx.msk [tilespmem:v3+s25+$0x0], $0xffff  }
0x244: {  	v3 =	vor.u32 $0x7, v0;
	_ =	sdelay $0x3  }
0x245: {  	[tilespmem:s2+$0x640] =	vst v2  }
0x246: {  	v2 =	vld.idx.msk [tilespmem:v3+s25+$0x0], $0xffff  }
0x247: {  	v3 =	vor.u32 $0x8, v0;
	_ =	sdelay $0x3  }
0x248: {  	[tilespmem:s2+$0xC80] =	vst v2  }
0x249: {  	v2 =	vld.idx.msk [tilespmem:v3+s25+$0x0], $0xffff  }
0x24a: {  	v0 =	vor.u32 $0x9, v0;
	_ =	sdelay $0x3  }
0x24b: {  	s12 =	simm.s32 $0x10;
	[tilespmem:s2+$0x12C0] =	vst v2  }
0x24c: {  	s9 =	simm.s32 $0x20;
	v2 =	vmov s12;
	v0 =	vld.idx.msk [tilespmem:v0+s25+$0x0], $0xffff  }
.LBB2_12:
0x24d: {  	p0 =	sne.s32 s9, $0x90;
	v2 =	vshll.u32 v2, $0x4  }
0x24e: {  	v2 =	vor.u32 v1, v2;
	_ =	sdelay $0x3  }
0x24f: {  	[tilespmem:s2+$0x1900] =	vst v0  }
0x250: {  	v0 =	vld.idx.msk [tilespmem:v2+s25+$0x0], $0xffff;
	_ =	sdelay $0x1  }
0x251: {  	v3 =	vor.u32 $0x1, v2;
	_ =	sdelay $0x2  }
0x252: {  	s2 =	sadd.s32 $0x10, s2  }
0x253: {  	[tilespmem:s2+$0xFFFFE0C0] =	vst v0  }
0x254: {  	v0 =	vld.idx.msk [tilespmem:v3+s25+$0x0], $0xffff;
	_ =	sdelay $0x1  }
0x255: {  	v3 =	vor.u32 $0x2, v2;
	_ =	sdelay $0x3  }
0x256: {  	[tilespmem:s2+$0xFFFFE700] =	vst v0  }
0x257: {  	v0 =	vld.idx.msk [tilespmem:v3+s25+$0x0], $0xffff;
	_ =	sdelay $0x1  }
0x258: {  	v3 =	vor.u32 $0x3, v2;
	_ =	sdelay $0x3  }
0x259: {  	[tilespmem:s2+$0xFFFFED40] =	vst v0  }
0x25a: {  	v0 =	vld.idx.msk [tilespmem:v3+s25+$0x0], $0xffff;
	_ =	sdelay $0x1  }
0x25b: {  	v3 =	vor.u32 $0x4, v2;
	_ =	sdelay $0x3  }
0x25c: {  	[tilespmem:s2+$0xFFFFF380] =	vst v0  }
0x25d: {  	v0 =	vld.idx.msk [tilespmem:v3+s25+$0x0], $0xffff;
	_ =	sdelay $0x1  }
0x25e: {  	v3 =	vor.u32 $0x5, v2;
	_ =	sdelay $0x3  }
0x25f: {  	[tilespmem:s2+$0xFFFFF9C0] =	vst v0  }
0x260: {  	v0 =	vld.idx.msk [tilespmem:v3+s25+$0x0], $0xffff;
	_ =	sdelay $0x1  }
0x261: {  	v3 =	vor.u32 $0x6, v2;
	_ =	sdelay $0x3  }
0x262: {  	[tilespmem:s2+$0x0] =	vst v0  }
0x263: {  	v0 =	vld.idx.msk [tilespmem:v3+s25+$0x0], $0xffff;
	_ =	sdelay $0x1  }
0x264: {  	v3 =	vor.u32 $0x7, v2;
	_ =	sdelay $0x3  }
0x265: {  	[tilespmem:s2+$0x640] =	vst v0  }
0x266: {  	v0 =	vld.idx.msk [tilespmem:v3+s25+$0x0], $0xffff;
	_ =	sdelay $0x1  }
0x267: {  	v3 =	vor.u32 $0x8, v2;
	_ =	sdelay $0x3  }
0x268: {  	[tilespmem:s2+$0xC80] =	vst v0  }
0x269: {  	v0 =	vld.idx.msk [tilespmem:v3+s25+$0x0], $0xffff;
	_ =	sdelay $0x1  }
0x26a: {  	v3 =	vor.u32 $0x9, v2  }
.Ltmp5:
0x26b: {  	(pc) =	sbr.rel @p0 .LBB2_12-.Ltmp5, $3  }
0x26c: {  	_ =	sdelay $0x1  }
0x26d: {  	[tilespmem:s2+$0x12C0] =	vst v0  }
0x26e: {  	v2 =	vmov s9;
	s9 =	sadd.s32 $0x10, s9;
	v0 =	vld.idx.msk [tilespmem:v3+s25+$0x0], $0xffff  }
0x26f: {  	v2 =	vshll.u32 v2, $0x4  }
0x270: {  	v2 =	vor.u32 v1, v2;
	_ =	sdelay $0x3  }
0x271: {  	[tilespmem:s2+$0x1900] =	vst v0  }
0x272: {  	v0 =	vld.idx.msk [tilespmem:v2+s25+$0x0], $0xffff  }
0x273: {  	v3 =	vor.u32 $0x1, v2;
	_ =	sdelay $0x2  }
0x274: {  	s10 =	sadd.s32 $0x10, s2  }
0x275: {  	[tilespmem:s10+$0xFFFFE0C0] =	vst v0  }
0x276: {  	v0 =	vld.idx.msk [tilespmem:v3+s25+$0x0], $0xffff  }
0x277: {  	v3 =	vor.u32 $0x2, v2;
	_ =	sdelay $0x3  }
0x278: {  	[tilespmem:s10+$0xFFFFE700] =	vst v0  }
0x279: {  	v0 =	vld.idx.msk [tilespmem:v3+s25+$0x0], $0xffff  }
0x27a: {  	v3 =	vor.u32 $0x3, v2;
	_ =	sdelay $0x3  }
0x27b: {  	[tilespmem:s10+$0xFFFFED40] =	vst v0  }
0x27c: {  	v0 =	vld.idx.msk [tilespmem:v3+s25+$0x0], $0xffff  }
0x27d: {  	v3 =	vor.u32 $0x4, v2;
	_ =	sdelay $0x3  }
0x27e: {  	[tilespmem:s10+$0xFFFFF380] =	vst v0  }
0x27f: {  	v0 =	vld.idx.msk [tilespmem:v3+s25+$0x0], $0xffff  }
0x280: {  	v3 =	vor.u32 $0x5, v2;
	_ =	sdelay $0x3  }
0x281: {  	[tilespmem:s10+$0xFFFFF9C0] =	vst v0  }
0x282: {  	v0 =	vld.idx.msk [tilespmem:v3+s25+$0x0], $0xffff  }
0x283: {  	v3 =	vor.u32 $0x6, v2;
	_ =	sdelay $0x3  }
0x284: {  	[tilespmem:s10+$0x0] =	vst v0  }
0x285: {  	v0 =	vld.idx.msk [tilespmem:v3+s25+$0x0], $0xffff  }
0x286: {  	v3 =	vor.u32 $0x7, v2;
	_ =	sdelay $0x3  }
0x287: {  	[tilespmem:s10+$0x640] =	vst v0  }
0x288: {  	v0 =	vld.idx.msk [tilespmem:v3+s25+$0x0], $0xffff  }
0x289: {  	v3 =	vor.u32 $0x8, v2;
	_ =	sdelay $0x3  }
0x28a: {  	[tilespmem:s10+$0xC80] =	vst v0  }
0x28b: {  	v0 =	vld.idx.msk [tilespmem:v3+s25+$0x0], $0xffff  }
0x28c: {  	v2 =	vor.u32 $0x9, v2;
	_ =	sdelay $0x3  }
0x28d: {  	[tilespmem:s10+$0x12C0] =	vst v0  }
0x28e: {  	v0 =	vld.idx.msk [tilespmem:v2+s25+$0x0], $0xffff;
	_ =	sdelay $0x1  }
0x28f: {  	s9 =	simm.s32 $0x0  }
0x290: {  	v2 =	vmov s9  }
0x291: {  	v2 =	vshll.u32 v2, $0x4  }
0x292: {  	s11 =	rddreg [dreg:$0xc];
	[tilespmem:s10+$0x1900] =	vst v0;
	v0 =	vor.u32 v1, v2  }
0x293: {  	[tilespmem:s25], [sflag:$0x2] =	stream.linear.gather [hbm4b:s11+s9], $0xA00, $0x38;
	[tilespmem:$0x1F160] =	vst v63  }
0x294: {  	_ =	swait.ge [sflag:s22], $0xA00  }
0x295: {  	[sflag:s22] =	ssyncset.done $0x0  }
0x296: {  	[sflag:s22] =	ssyncadd.s32 $0xFFFFF600  }
0x297: {  	v2 =	vld.idx.msk [tilespmem:v0+s25+$0x0], $0xffff  }
0x298: {  	v3 =	vor.u32 $0x1, v0;
	_ =	sdelay $0x2  }
0x299: {  	s2 =	simm.s32 $0x1C980  }
0x29a: {  	[tilespmem:s2+$0xFFFFE0C0] =	vst v2  }
0x29b: {  	v2 =	vld.idx.msk [tilespmem:v3+s25+$0x0], $0xffff  }
0x29c: {  	v3 =	vor.u32 $0x2, v0;
	_ =	sdelay $0x3  }
0x29d: {  	[tilespmem:s2+$0xFFFFE700] =	vst v2  }
0x29e: {  	v2 =	vld.idx.msk [tilespmem:v3+s25+$0x0], $0xffff  }
0x29f: {  	v3 =	vor.u32 $0x3, v0;
	_ =	sdelay $0x3  }
0x2a0: {  	[tilespmem:s2+$0xFFFFED40] =	vst v2  }
0x2a1: {  	v2 =	vld.idx.msk [tilespmem:v3+s25+$0x0], $0xffff  }
0x2a2: {  	v3 =	vor.u32 $0x4, v0;
	_ =	sdelay $0x3  }
0x2a3: {  	[tilespmem:s2+$0xFFFFF380] =	vst v2  }
0x2a4: {  	v2 =	vld.idx.msk [tilespmem:v3+s25+$0x0], $0xffff  }
0x2a5: {  	v3 =	vor.u32 $0x5, v0;
	_ =	sdelay $0x3  }
0x2a6: {  	[tilespmem:s2+$0xFFFFF9C0] =	vst v2  }
0x2a7: {  	v2 =	vld.idx.msk [tilespmem:v3+s25+$0x0], $0xffff  }
0x2a8: {  	v3 =	vor.u32 $0x6, v0;
	_ =	sdelay $0x3  }
0x2a9: {  	[tilespmem:s2+$0x0] =	vst v2  }
0x2aa: {  	v2 =	vld.idx.msk [tilespmem:v3+s25+$0x0], $0xffff  }
0x2ab: {  	v3 =	vor.u32 $0x7, v0;
	_ =	sdelay $0x3  }
0x2ac: {  	[tilespmem:s2+$0x640] =	vst v2  }
0x2ad: {  	v2 =	vld.idx.msk [tilespmem:v3+s25+$0x0], $0xffff  }
0x2ae: {  	v3 =	vor.u32 $0x8, v0;
	_ =	sdelay $0x3  }
0x2af: {  	[tilespmem:s2+$0xC80] =	vst v2  }
0x2b0: {  	v2 =	vld.idx.msk [tilespmem:v3+s25+$0x0], $0xffff  }
0x2b1: {  	v0 =	vor.u32 $0x9, v0;
	_ =	sdelay $0x3  }
0x2b2: {  	s12 =	simm.s32 $0x10;
	[tilespmem:s2+$0x12C0] =	vst v2  }
0x2b3: {  	s9 =	simm.s32 $0x20;
	v2 =	vmov s12;
	v0 =	vld.idx.msk [tilespmem:v0+s25+$0x0], $0xffff  }
.LBB2_14:
0x2b4: {  	p0 =	sne.s32 s9, $0x90;
	v2 =	vshll.u32 v2, $0x4  }
0x2b5: {  	v2 =	vor.u32 v1, v2;
	_ =	sdelay $0x3  }
0x2b6: {  	[tilespmem:s2+$0x1900] =	vst v0  }
0x2b7: {  	v0 =	vld.idx.msk [tilespmem:v2+s25+$0x0], $0xffff;
	_ =	sdelay $0x1  }
0x2b8: {  	v3 =	vor.u32 $0x1, v2;
	_ =	sdelay $0x2  }
0x2b9: {  	s2 =	sadd.s32 $0x10, s2  }
0x2ba: {  	[tilespmem:s2+$0xFFFFE0C0] =	vst v0  }
0x2bb: {  	v0 =	vld.idx.msk [tilespmem:v3+s25+$0x0], $0xffff;
	_ =	sdelay $0x1  }
0x2bc: {  	v3 =	vor.u32 $0x2, v2;
	_ =	sdelay $0x3  }
0x2bd: {  	[tilespmem:s2+$0xFFFFE700] =	vst v0  }
0x2be: {  	v0 =	vld.idx.msk [tilespmem:v3+s25+$0x0], $0xffff;
	_ =	sdelay $0x1  }
0x2bf: {  	v3 =	vor.u32 $0x3, v2;
	_ =	sdelay $0x3  }
0x2c0: {  	[tilespmem:s2+$0xFFFFED40] =	vst v0  }
0x2c1: {  	v0 =	vld.idx.msk [tilespmem:v3+s25+$0x0], $0xffff;
	_ =	sdelay $0x1  }
0x2c2: {  	v3 =	vor.u32 $0x4, v2;
	_ =	sdelay $0x3  }
0x2c3: {  	[tilespmem:s2+$0xFFFFF380] =	vst v0  }
0x2c4: {  	v0 =	vld.idx.msk [tilespmem:v3+s25+$0x0], $0xffff;
	_ =	sdelay $0x1  }
0x2c5: {  	v3 =	vor.u32 $0x5, v2;
	_ =	sdelay $0x3  }
0x2c6: {  	[tilespmem:s2+$0xFFFFF9C0] =	vst v0  }
0x2c7: {  	v0 =	vld.idx.msk [tilespmem:v3+s25+$0x0], $0xffff;
	_ =	sdelay $0x1  }
0x2c8: {  	v3 =	vor.u32 $0x6, v2;
	_ =	sdelay $0x3  }
0x2c9: {  	[tilespmem:s2+$0x0] =	vst v0  }
0x2ca: {  	v0 =	vld.idx.msk [tilespmem:v3+s25+$0x0], $0xffff;
	_ =	sdelay $0x1  }
0x2cb: {  	v3 =	vor.u32 $0x7, v2;
	_ =	sdelay $0x3  }
0x2cc: {  	[tilespmem:s2+$0x640] =	vst v0  }
0x2cd: {  	v0 =	vld.idx.msk [tilespmem:v3+s25+$0x0], $0xffff;
	_ =	sdelay $0x1  }
0x2ce: {  	v3 =	vor.u32 $0x8, v2;
	_ =	sdelay $0x3  }
0x2cf: {  	[tilespmem:s2+$0xC80] =	vst v0  }
0x2d0: {  	v0 =	vld.idx.msk [tilespmem:v3+s25+$0x0], $0xffff;
	_ =	sdelay $0x1  }
0x2d1: {  	v3 =	vor.u32 $0x9, v2  }
.Ltmp6:
0x2d2: {  	(pc) =	sbr.rel @p0 .LBB2_14-.Ltmp6, $3  }
0x2d3: {  	_ =	sdelay $0x1  }
0x2d4: {  	[tilespmem:s2+$0x12C0] =	vst v0  }
0x2d5: {  	v2 =	vmov s9;
	s9 =	sadd.s32 $0x10, s9;
	v0 =	vld.idx.msk [tilespmem:v3+s25+$0x0], $0xffff  }
0x2d6: {  	v2 =	vshll.u32 v2, $0x4  }
0x2d7: {  	v2 =	vor.u32 v1, v2;
	_ =	sdelay $0x3  }
0x2d8: {  	[tilespmem:s2+$0x1900] =	vst v0  }
0x2d9: {  	v0 =	vld.idx.msk [tilespmem:v2+s25+$0x0], $0xffff  }
0x2da: {  	v3 =	vor.u32 $0x1, v2;
	_ =	sdelay $0x2  }
0x2db: {  	s10 =	sadd.s32 $0x10, s2  }
0x2dc: {  	[tilespmem:s10+$0xFFFFE0C0] =	vst v0  }
0x2dd: {  	v0 =	vld.idx.msk [tilespmem:v3+s25+$0x0], $0xffff  }
0x2de: {  	v3 =	vor.u32 $0x2, v2;
	_ =	sdelay $0x3  }
0x2df: {  	[tilespmem:s10+$0xFFFFE700] =	vst v0  }
0x2e0: {  	v0 =	vld.idx.msk [tilespmem:v3+s25+$0x0], $0xffff  }
0x2e1: {  	v3 =	vor.u32 $0x3, v2;
	_ =	sdelay $0x3  }
0x2e2: {  	[tilespmem:s10+$0xFFFFED40] =	vst v0  }
0x2e3: {  	v0 =	vld.idx.msk [tilespmem:v3+s25+$0x0], $0xffff  }
0x2e4: {  	v3 =	vor.u32 $0x4, v2;
	_ =	sdelay $0x3  }
0x2e5: {  	[tilespmem:s10+$0xFFFFF380] =	vst v0  }
0x2e6: {  	v0 =	vld.idx.msk [tilespmem:v3+s25+$0x0], $0xffff  }
0x2e7: {  	v3 =	vor.u32 $0x5, v2;
	_ =	sdelay $0x3  }
0x2e8: {  	[tilespmem:s10+$0xFFFFF9C0] =	vst v0  }
0x2e9: {  	v0 =	vld.idx.msk [tilespmem:v3+s25+$0x0], $0xffff  }
0x2ea: {  	v3 =	vor.u32 $0x6, v2;
	_ =	sdelay $0x3  }
0x2eb: {  	[tilespmem:s10+$0x0] =	vst v0  }
0x2ec: {  	v0 =	vld.idx.msk [tilespmem:v3+s25+$0x0], $0xffff  }
0x2ed: {  	v3 =	vor.u32 $0x7, v2;
	_ =	sdelay $0x3  }
0x2ee: {  	[tilespmem:s10+$0x640] =	vst v0  }
0x2ef: {  	v0 =	vld.idx.msk [tilespmem:v3+s25+$0x0], $0xffff  }
0x2f0: {  	v3 =	vor.u32 $0x8, v2;
	_ =	sdelay $0x3  }
0x2f1: {  	[tilespmem:s10+$0xC80] =	vst v0  }
0x2f2: {  	v0 =	vld.idx.msk [tilespmem:v3+s25+$0x0], $0xffff  }
0x2f3: {  	v2 =	vor.u32 $0x9, v2;
	_ =	sdelay $0x3  }
0x2f4: {  	[tilespmem:s10+$0x12C0] =	vst v0  }
0x2f5: {  	v0 =	vld.idx.msk [tilespmem:v2+s25+$0x0], $0xffff;
	_ =	sdelay $0x1  }
0x2f6: {  	s9 =	simm.s32 $0x0  }
0x2f7: {  	v2 =	vmov s9  }
0x2f8: {  	v2 =	vshll.u32 v2, $0x4  }
0x2f9: {  	s11 =	rddreg [dreg:$0xd];
	[tilespmem:s10+$0x1900] =	vst v0;
	v0 =	vor.u32 v1, v2  }
0x2fa: {  	[tilespmem:s25], [sflag:$0x2] =	stream.linear.gather [hbm4b:s11+s9], $0xA00, $0x38;
	[tilespmem:$0x1F160] =	vst v63  }
0x2fb: {  	_ =	swait.ge [sflag:s22], $0xA00  }
0x2fc: {  	[sflag:s22] =	ssyncset.done $0x0  }
0x2fd: {  	[sflag:s22] =	ssyncadd.s32 $0xFFFFF600  }
0x2fe: {  	v2 =	vld.idx.msk [tilespmem:v0+s25+$0x0], $0xffff  }
0x2ff: {  	v3 =	vor.u32 $0x1, v0;
	_ =	sdelay $0x2  }
0x300: {  	s2 =	simm.s32 $0x1CA20  }
0x301: {  	[tilespmem:s2+$0xFFFFE0C0] =	vst v2  }
0x302: {  	v2 =	vld.idx.msk [tilespmem:v3+s25+$0x0], $0xffff  }
0x303: {  	v3 =	vor.u32 $0x2, v0;
	_ =	sdelay $0x3  }
0x304: {  	[tilespmem:s2+$0xFFFFE700] =	vst v2  }
0x305: {  	v2 =	vld.idx.msk [tilespmem:v3+s25+$0x0], $0xffff  }
0x306: {  	v3 =	vor.u32 $0x3, v0;
	_ =	sdelay $0x3  }
0x307: {  	[tilespmem:s2+$0xFFFFED40] =	vst v2  }
0x308: {  	v2 =	vld.idx.msk [tilespmem:v3+s25+$0x0], $0xffff  }
0x309: {  	v3 =	vor.u32 $0x4, v0;
	_ =	sdelay $0x3  }
0x30a: {  	[tilespmem:s2+$0xFFFFF380] =	vst v2  }
0x30b: {  	v2 =	vld.idx.msk [tilespmem:v3+s25+$0x0], $0xffff  }
0x30c: {  	v3 =	vor.u32 $0x5, v0;
	_ =	sdelay $0x3  }
0x30d: {  	[tilespmem:s2+$0xFFFFF9C0] =	vst v2  }
0x30e: {  	v2 =	vld.idx.msk [tilespmem:v3+s25+$0x0], $0xffff  }
0x30f: {  	v3 =	vor.u32 $0x6, v0;
	_ =	sdelay $0x3  }
0x310: {  	[tilespmem:s2+$0x0] =	vst v2  }
0x311: {  	v2 =	vld.idx.msk [tilespmem:v3+s25+$0x0], $0xffff  }
0x312: {  	v3 =	vor.u32 $0x7, v0;
	_ =	sdelay $0x3  }
0x313: {  	[tilespmem:s2+$0x640] =	vst v2  }
0x314: {  	v2 =	vld.idx.msk [tilespmem:v3+s25+$0x0], $0xffff  }
0x315: {  	v3 =	vor.u32 $0x8, v0;
	_ =	sdelay $0x3  }
0x316: {  	[tilespmem:s2+$0xC80] =	vst v2  }
0x317: {  	v2 =	vld.idx.msk [tilespmem:v3+s25+$0x0], $0xffff  }
0x318: {  	v0 =	vor.u32 $0x9, v0;
	_ =	sdelay $0x3  }
0x319: {  	s12 =	simm.s32 $0x10;
	[tilespmem:s2+$0x12C0] =	vst v2  }
0x31a: {  	s9 =	simm.s32 $0x20;
	v2 =	vmov s12;
	v0 =	vld.idx.msk [tilespmem:v0+s25+$0x0], $0xffff  }
.LBB2_16:
0x31b: {  	p0 =	sne.s32 s9, $0x90;
	v2 =	vshll.u32 v2, $0x4  }
0x31c: {  	v2 =	vor.u32 v1, v2;
	_ =	sdelay $0x3  }
0x31d: {  	[tilespmem:s2+$0x1900] =	vst v0  }
0x31e: {  	v0 =	vld.idx.msk [tilespmem:v2+s25+$0x0], $0xffff;
	_ =	sdelay $0x1  }
0x31f: {  	v3 =	vor.u32 $0x1, v2;
	_ =	sdelay $0x2  }
0x320: {  	s2 =	sadd.s32 $0x10, s2  }
0x321: {  	[tilespmem:s2+$0xFFFFE0C0] =	vst v0  }
0x322: {  	v0 =	vld.idx.msk [tilespmem:v3+s25+$0x0], $0xffff;
	_ =	sdelay $0x1  }
0x323: {  	v3 =	vor.u32 $0x2, v2;
	_ =	sdelay $0x3  }
0x324: {  	[tilespmem:s2+$0xFFFFE700] =	vst v0  }
0x325: {  	v0 =	vld.idx.msk [tilespmem:v3+s25+$0x0], $0xffff;
	_ =	sdelay $0x1  }
0x326: {  	v3 =	vor.u32 $0x3, v2;
	_ =	sdelay $0x3  }
0x327: {  	[tilespmem:s2+$0xFFFFED40] =	vst v0  }
0x328: {  	v0 =	vld.idx.msk [tilespmem:v3+s25+$0x0], $0xffff;
	_ =	sdelay $0x1  }
0x329: {  	v3 =	vor.u32 $0x4, v2;
	_ =	sdelay $0x3  }
0x32a: {  	[tilespmem:s2+$0xFFFFF380] =	vst v0  }
0x32b: {  	v0 =	vld.idx.msk [tilespmem:v3+s25+$0x0], $0xffff;
	_ =	sdelay $0x1  }
0x32c: {  	v3 =	vor.u32 $0x5, v2;
	_ =	sdelay $0x3  }
0x32d: {  	[tilespmem:s2+$0xFFFFF9C0] =	vst v0  }
0x32e: {  	v0 =	vld.idx.msk [tilespmem:v3+s25+$0x0], $0xffff;
	_ =	sdelay $0x1  }
0x32f: {  	v3 =	vor.u32 $0x6, v2;
	_ =	sdelay $0x3  }
0x330: {  	[tilespmem:s2+$0x0] =	vst v0  }
0x331: {  	v0 =	vld.idx.msk [tilespmem:v3+s25+$0x0], $0xffff;
	_ =	sdelay $0x1  }
0x332: {  	v3 =	vor.u32 $0x7, v2;
	_ =	sdelay $0x3  }
0x333: {  	[tilespmem:s2+$0x640] =	vst v0  }
0x334: {  	v0 =	vld.idx.msk [tilespmem:v3+s25+$0x0], $0xffff;
	_ =	sdelay $0x1  }
0x335: {  	v3 =	vor.u32 $0x8, v2;
	_ =	sdelay $0x3  }
0x336: {  	[tilespmem:s2+$0xC80] =	vst v0  }
0x337: {  	v0 =	vld.idx.msk [tilespmem:v3+s25+$0x0], $0xffff;
	_ =	sdelay $0x1  }
0x338: {  	v3 =	vor.u32 $0x9, v2  }
.Ltmp7:
0x339: {  	(pc) =	sbr.rel @p0 .LBB2_16-.Ltmp7, $3  }
0x33a: {  	_ =	sdelay $0x1  }
0x33b: {  	[tilespmem:s2+$0x12C0] =	vst v0  }
0x33c: {  	v2 =	vmov s9;
	s9 =	sadd.s32 $0x10, s9;
	v0 =	vld.idx.msk [tilespmem:v3+s25+$0x0], $0xffff  }
0x33d: {  	v2 =	vshll.u32 v2, $0x4  }
0x33e: {  	v2 =	vor.u32 v1, v2;
	_ =	sdelay $0x3  }
0x33f: {  	[tilespmem:s2+$0x1900] =	vst v0  }
0x340: {  	v0 =	vld.idx.msk [tilespmem:v2+s25+$0x0], $0xffff  }
0x341: {  	v3 =	vor.u32 $0x1, v2;
	_ =	sdelay $0x2  }
0x342: {  	s10 =	sadd.s32 $0x10, s2  }
0x343: {  	[tilespmem:s10+$0xFFFFE0C0] =	vst v0  }
0x344: {  	v0 =	vld.idx.msk [tilespmem:v3+s25+$0x0], $0xffff  }
0x345: {  	v3 =	vor.u32 $0x2, v2;
	_ =	sdelay $0x3  }
0x346: {  	[tilespmem:s10+$0xFFFFE700] =	vst v0  }
0x347: {  	v0 =	vld.idx.msk [tilespmem:v3+s25+$0x0], $0xffff  }
0x348: {  	v3 =	vor.u32 $0x3, v2;
	_ =	sdelay $0x3  }
0x349: {  	[tilespmem:s10+$0xFFFFED40] =	vst v0  }
0x34a: {  	v0 =	vld.idx.msk [tilespmem:v3+s25+$0x0], $0xffff  }
0x34b: {  	v3 =	vor.u32 $0x4, v2;
	_ =	sdelay $0x3  }
0x34c: {  	[tilespmem:s10+$0xFFFFF380] =	vst v0  }
0x34d: {  	v0 =	vld.idx.msk [tilespmem:v3+s25+$0x0], $0xffff  }
0x34e: {  	v3 =	vor.u32 $0x5, v2;
	_ =	sdelay $0x3  }
0x34f: {  	[tilespmem:s10+$0xFFFFF9C0] =	vst v0  }
0x350: {  	v0 =	vld.idx.msk [tilespmem:v3+s25+$0x0], $0xffff  }
0x351: {  	v3 =	vor.u32 $0x6, v2;
	_ =	sdelay $0x3  }
0x352: {  	[tilespmem:s10+$0x0] =	vst v0  }
0x353: {  	v0 =	vld.idx.msk [tilespmem:v3+s25+$0x0], $0xffff  }
0x354: {  	v3 =	vor.u32 $0x7, v2;
	_ =	sdelay $0x3  }
0x355: {  	[tilespmem:s10+$0x640] =	vst v0  }
0x356: {  	v0 =	vld.idx.msk [tilespmem:v3+s25+$0x0], $0xffff  }
0x357: {  	v3 =	vor.u32 $0x8, v2;
	_ =	sdelay $0x3  }
0x358: {  	[tilespmem:s10+$0xC80] =	vst v0  }
0x359: {  	v0 =	vld.idx.msk [tilespmem:v3+s25+$0x0], $0xffff  }
0x35a: {  	v2 =	vor.u32 $0x9, v2;
	_ =	sdelay $0x3  }
0x35b: {  	[tilespmem:s10+$0x12C0] =	vst v0  }
0x35c: {  	v0 =	vld.idx.msk [tilespmem:v2+s25+$0x0], $0xffff;
	_ =	sdelay $0x1  }
0x35d: {  	s9 =	simm.s32 $0x0  }
0x35e: {  	v2 =	vmov s9  }
0x35f: {  	v2 =	vshll.u32 v2, $0x4  }
0x360: {  	s11 =	rddreg [dreg:$0xe];
	[tilespmem:s10+$0x1900] =	vst v0;
	v0 =	vor.u32 v1, v2  }
0x361: {  	[tilespmem:s25], [sflag:$0x2] =	stream.linear.gather [hbm4b:s11+s9], $0xA00, $0x38;
	[tilespmem:$0x1F160] =	vst v63  }
0x362: {  	_ =	swait.ge [sflag:s22], $0xA00  }
0x363: {  	[sflag:s22] =	ssyncset.done $0x0  }
0x364: {  	[sflag:s22] =	ssyncadd.s32 $0xFFFFF600  }
0x365: {  	v2 =	vld.idx.msk [tilespmem:v0+s25+$0x0], $0xffff  }
0x366: {  	v3 =	vor.u32 $0x1, v0;
	_ =	sdelay $0x2  }
0x367: {  	s2 =	simm.s32 $0x1CAC0  }
0x368: {  	[tilespmem:s2+$0xFFFFE0C0] =	vst v2  }
0x369: {  	v2 =	vld.idx.msk [tilespmem:v3+s25+$0x0], $0xffff  }
0x36a: {  	v3 =	vor.u32 $0x2, v0;
	_ =	sdelay $0x3  }
0x36b: {  	[tilespmem:s2+$0xFFFFE700] =	vst v2  }
0x36c: {  	v2 =	vld.idx.msk [tilespmem:v3+s25+$0x0], $0xffff  }
0x36d: {  	v3 =	vor.u32 $0x3, v0;
	_ =	sdelay $0x3  }
0x36e: {  	[tilespmem:s2+$0xFFFFED40] =	vst v2  }
0x36f: {  	v2 =	vld.idx.msk [tilespmem:v3+s25+$0x0], $0xffff  }
0x370: {  	v3 =	vor.u32 $0x4, v0;
	_ =	sdelay $0x3  }
0x371: {  	[tilespmem:s2+$0xFFFFF380] =	vst v2  }
0x372: {  	v2 =	vld.idx.msk [tilespmem:v3+s25+$0x0], $0xffff  }
0x373: {  	v3 =	vor.u32 $0x5, v0;
	_ =	sdelay $0x3  }
0x374: {  	[tilespmem:s2+$0xFFFFF9C0] =	vst v2  }
0x375: {  	v2 =	vld.idx.msk [tilespmem:v3+s25+$0x0], $0xffff  }
0x376: {  	v3 =	vor.u32 $0x6, v0;
	_ =	sdelay $0x3  }
0x377: {  	[tilespmem:s2+$0x0] =	vst v2  }
0x378: {  	v2 =	vld.idx.msk [tilespmem:v3+s25+$0x0], $0xffff  }
0x379: {  	v3 =	vor.u32 $0x7, v0;
	_ =	sdelay $0x3  }
0x37a: {  	[tilespmem:s2+$0x640] =	vst v2  }
0x37b: {  	v2 =	vld.idx.msk [tilespmem:v3+s25+$0x0], $0xffff  }
0x37c: {  	v3 =	vor.u32 $0x8, v0;
	_ =	sdelay $0x3  }
0x37d: {  	[tilespmem:s2+$0xC80] =	vst v2  }
0x37e: {  	v2 =	vld.idx.msk [tilespmem:v3+s25+$0x0], $0xffff  }
0x37f: {  	v0 =	vor.u32 $0x9, v0;
	_ =	sdelay $0x3  }
0x380: {  	s12 =	simm.s32 $0x10;
	[tilespmem:s2+$0x12C0] =	vst v2  }
0x381: {  	s9 =	simm.s32 $0x20;
	v2 =	vmov s12;
	v0 =	vld.idx.msk [tilespmem:v0+s25+$0x0], $0xffff  }
.LBB2_18:
0x382: {  	p0 =	sne.s32 s9, $0x90;
	v2 =	vshll.u32 v2, $0x4  }
0x383: {  	v2 =	vor.u32 v1, v2;
	_ =	sdelay $0x3  }
0x384: {  	[tilespmem:s2+$0x1900] =	vst v0  }
0x385: {  	v0 =	vld.idx.msk [tilespmem:v2+s25+$0x0], $0xffff;
	_ =	sdelay $0x1  }
0x386: {  	v3 =	vor.u32 $0x1, v2;
	_ =	sdelay $0x2  }
0x387: {  	s2 =	sadd.s32 $0x10, s2  }
0x388: {  	[tilespmem:s2+$0xFFFFE0C0] =	vst v0  }
0x389: {  	v0 =	vld.idx.msk [tilespmem:v3+s25+$0x0], $0xffff;
	_ =	sdelay $0x1  }
0x38a: {  	v3 =	vor.u32 $0x2, v2;
	_ =	sdelay $0x3  }
0x38b: {  	[tilespmem:s2+$0xFFFFE700] =	vst v0  }
0x38c: {  	v0 =	vld.idx.msk [tilespmem:v3+s25+$0x0], $0xffff;
	_ =	sdelay $0x1  }
0x38d: {  	v3 =	vor.u32 $0x3, v2;
	_ =	sdelay $0x3  }
0x38e: {  	[tilespmem:s2+$0xFFFFED40] =	vst v0  }
0x38f: {  	v0 =	vld.idx.msk [tilespmem:v3+s25+$0x0], $0xffff;
	_ =	sdelay $0x1  }
0x390: {  	v3 =	vor.u32 $0x4, v2;
	_ =	sdelay $0x3  }
0x391: {  	[tilespmem:s2+$0xFFFFF380] =	vst v0  }
0x392: {  	v0 =	vld.idx.msk [tilespmem:v3+s25+$0x0], $0xffff;
	_ =	sdelay $0x1  }
0x393: {  	v3 =	vor.u32 $0x5, v2;
	_ =	sdelay $0x3  }
0x394: {  	[tilespmem:s2+$0xFFFFF9C0] =	vst v0  }
0x395: {  	v0 =	vld.idx.msk [tilespmem:v3+s25+$0x0], $0xffff;
	_ =	sdelay $0x1  }
0x396: {  	v3 =	vor.u32 $0x6, v2;
	_ =	sdelay $0x3  }
0x397: {  	[tilespmem:s2+$0x0] =	vst v0  }
0x398: {  	v0 =	vld.idx.msk [tilespmem:v3+s25+$0x0], $0xffff;
	_ =	sdelay $0x1  }
0x399: {  	v3 =	vor.u32 $0x7, v2;
	_ =	sdelay $0x3  }
0x39a: {  	[tilespmem:s2+$0x640] =	vst v0  }
0x39b: {  	v0 =	vld.idx.msk [tilespmem:v3+s25+$0x0], $0xffff;
	_ =	sdelay $0x1  }
0x39c: {  	v3 =	vor.u32 $0x8, v2;
	_ =	sdelay $0x3  }
0x39d: {  	[tilespmem:s2+$0xC80] =	vst v0  }
0x39e: {  	v0 =	vld.idx.msk [tilespmem:v3+s25+$0x0], $0xffff;
	_ =	sdelay $0x1  }
0x39f: {  	v3 =	vor.u32 $0x9, v2  }
.Ltmp8:
0x3a0: {  	(pc) =	sbr.rel @p0 .LBB2_18-.Ltmp8, $3  }
0x3a1: {  	_ =	sdelay $0x1  }
0x3a2: {  	[tilespmem:s2+$0x12C0] =	vst v0  }
0x3a3: {  	v2 =	vmov s9;
	s9 =	sadd.s32 $0x10, s9;
	v0 =	vld.idx.msk [tilespmem:v3+s25+$0x0], $0xffff  }
0x3a4: {  	v2 =	vshll.u32 v2, $0x4  }
0x3a5: {  	v2 =	vor.u32 v1, v2;
	_ =	sdelay $0x3  }
0x3a6: {  	[tilespmem:s2+$0x1900] =	vst v0  }
0x3a7: {  	v0 =	vld.idx.msk [tilespmem:v2+s25+$0x0], $0xffff  }
0x3a8: {  	v3 =	vor.u32 $0x1, v2;
	_ =	sdelay $0x2  }
0x3a9: {  	s10 =	sadd.s32 $0x10, s2  }
0x3aa: {  	[tilespmem:s10+$0xFFFFE0C0] =	vst v0  }
0x3ab: {  	v0 =	vld.idx.msk [tilespmem:v3+s25+$0x0], $0xffff  }
0x3ac: {  	v3 =	vor.u32 $0x2, v2;
	_ =	sdelay $0x3  }
0x3ad: {  	[tilespmem:s10+$0xFFFFE700] =	vst v0  }
0x3ae: {  	v0 =	vld.idx.msk [tilespmem:v3+s25+$0x0], $0xffff  }
0x3af: {  	v3 =	vor.u32 $0x3, v2;
	_ =	sdelay $0x3  }
0x3b0: {  	[tilespmem:s10+$0xFFFFED40] =	vst v0  }
0x3b1: {  	v0 =	vld.idx.msk [tilespmem:v3+s25+$0x0], $0xffff  }
0x3b2: {  	v3 =	vor.u32 $0x4, v2;
	_ =	sdelay $0x3  }
0x3b3: {  	[tilespmem:s10+$0xFFFFF380] =	vst v0  }
0x3b4: {  	v0 =	vld.idx.msk [tilespmem:v3+s25+$0x0], $0xffff  }
0x3b5: {  	v3 =	vor.u32 $0x5, v2;
	_ =	sdelay $0x3  }
0x3b6: {  	[tilespmem:s10+$0xFFFFF9C0] =	vst v0  }
0x3b7: {  	v0 =	vld.idx.msk [tilespmem:v3+s25+$0x0], $0xffff  }
0x3b8: {  	v3 =	vor.u32 $0x6, v2;
	_ =	sdelay $0x3  }
0x3b9: {  	[tilespmem:s10+$0x0] =	vst v0  }
0x3ba: {  	v0 =	vld.idx.msk [tilespmem:v3+s25+$0x0], $0xffff  }
0x3bb: {  	v3 =	vor.u32 $0x7, v2;
	_ =	sdelay $0x3  }
0x3bc: {  	[tilespmem:s10+$0x640] =	vst v0  }
0x3bd: {  	v0 =	vld.idx.msk [tilespmem:v3+s25+$0x0], $0xffff  }
0x3be: {  	v3 =	vor.u32 $0x8, v2;
	_ =	sdelay $0x3  }
0x3bf: {  	[tilespmem:s10+$0xC80] =	vst v0  }
0x3c0: {  	v0 =	vld.idx.msk [tilespmem:v3+s25+$0x0], $0xffff  }
0x3c1: {  	v2 =	vor.u32 $0x9, v2;
	_ =	sdelay $0x3  }
0x3c2: {  	[tilespmem:s10+$0x12C0] =	vst v0  }
0x3c3: {  	v0 =	vld.idx.msk [tilespmem:v2+s25+$0x0], $0xffff;
	_ =	sdelay $0x1  }
0x3c4: {  	s9 =	simm.s32 $0x0  }
0x3c5: {  	v2 =	vmov s9  }
0x3c6: {  	v2 =	vshll.u32 v2, $0x4  }
0x3c7: {  	s11 =	rddreg [dreg:$0xf];
	[tilespmem:s10+$0x1900] =	vst v0;
	v0 =	vor.u32 v1, v2  }
0x3c8: {  	[tilespmem:s25], [sflag:$0x2] =	stream.linear.gather [hbm4b:s11+s9], $0xA00, $0x38;
	[tilespmem:$0x1F160] =	vst v63  }
0x3c9: {  	_ =	swait.ge [sflag:s22], $0xA00  }
0x3ca: {  	[sflag:s22] =	ssyncset.done $0x0  }
0x3cb: {  	[sflag:s22] =	ssyncadd.s32 $0xFFFFF600  }
0x3cc: {  	v2 =	vld.idx.msk [tilespmem:v0+s25+$0x0], $0xffff  }
0x3cd: {  	v3 =	vor.u32 $0x1, v0;
	_ =	sdelay $0x2  }
0x3ce: {  	s2 =	simm.s32 $0x1CB60  }
0x3cf: {  	[tilespmem:s2+$0xFFFFE0C0] =	vst v2  }
0x3d0: {  	v2 =	vld.idx.msk [tilespmem:v3+s25+$0x0], $0xffff  }
0x3d1: {  	v3 =	vor.u32 $0x2, v0;
	_ =	sdelay $0x3  }
0x3d2: {  	[tilespmem:s2+$0xFFFFE700] =	vst v2  }
0x3d3: {  	v2 =	vld.idx.msk [tilespmem:v3+s25+$0x0], $0xffff  }
0x3d4: {  	v3 =	vor.u32 $0x3, v0;
	_ =	sdelay $0x3  }
0x3d5: {  	[tilespmem:s2+$0xFFFFED40] =	vst v2  }
0x3d6: {  	v2 =	vld.idx.msk [tilespmem:v3+s25+$0x0], $0xffff  }
0x3d7: {  	v3 =	vor.u32 $0x4, v0;
	_ =	sdelay $0x3  }
0x3d8: {  	[tilespmem:s2+$0xFFFFF380] =	vst v2  }
0x3d9: {  	v2 =	vld.idx.msk [tilespmem:v3+s25+$0x0], $0xffff  }
0x3da: {  	v3 =	vor.u32 $0x5, v0;
	_ =	sdelay $0x3  }
0x3db: {  	[tilespmem:s2+$0xFFFFF9C0] =	vst v2  }
0x3dc: {  	v2 =	vld.idx.msk [tilespmem:v3+s25+$0x0], $0xffff  }
0x3dd: {  	v3 =	vor.u32 $0x6, v0;
	_ =	sdelay $0x3  }
0x3de: {  	[tilespmem:s2+$0x0] =	vst v2  }
0x3df: {  	v2 =	vld.idx.msk [tilespmem:v3+s25+$0x0], $0xffff  }
0x3e0: {  	v3 =	vor.u32 $0x7, v0;
	_ =	sdelay $0x3  }
0x3e1: {  	[tilespmem:s2+$0x640] =	vst v2  }
0x3e2: {  	v2 =	vld.idx.msk [tilespmem:v3+s25+$0x0], $0xffff  }
0x3e3: {  	v3 =	vor.u32 $0x8, v0;
	_ =	sdelay $0x3  }
0x3e4: {  	[tilespmem:s2+$0xC80] =	vst v2  }
0x3e5: {  	v2 =	vld.idx.msk [tilespmem:v3+s25+$0x0], $0xffff  }
0x3e6: {  	v0 =	vor.u32 $0x9, v0;
	_ =	sdelay $0x3  }
0x3e7: {  	s12 =	simm.s32 $0x10;
	[tilespmem:s2+$0x12C0] =	vst v2  }
0x3e8: {  	s9 =	simm.s32 $0x20;
	v2 =	vmov s12;
	v0 =	vld.idx.msk [tilespmem:v0+s25+$0x0], $0xffff  }
.LBB2_20:
0x3e9: {  	p0 =	sne.s32 s9, $0x90;
	v2 =	vshll.u32 v2, $0x4  }
0x3ea: {  	v2 =	vor.u32 v1, v2;
	_ =	sdelay $0x3  }
0x3eb: {  	[tilespmem:s2+$0x1900] =	vst v0  }
0x3ec: {  	v0 =	vld.idx.msk [tilespmem:v2+s25+$0x0], $0xffff;
	_ =	sdelay $0x1  }
0x3ed: {  	v3 =	vor.u32 $0x1, v2;
	_ =	sdelay $0x2  }
0x3ee: {  	s2 =	sadd.s32 $0x10, s2  }
0x3ef: {  	[tilespmem:s2+$0xFFFFE0C0] =	vst v0  }
0x3f0: {  	v0 =	vld.idx.msk [tilespmem:v3+s25+$0x0], $0xffff;
	_ =	sdelay $0x1  }
0x3f1: {  	v3 =	vor.u32 $0x2, v2;
	_ =	sdelay $0x3  }
0x3f2: {  	[tilespmem:s2+$0xFFFFE700] =	vst v0  }
0x3f3: {  	v0 =	vld.idx.msk [tilespmem:v3+s25+$0x0], $0xffff;
	_ =	sdelay $0x1  }
0x3f4: {  	v3 =	vor.u32 $0x3, v2;
	_ =	sdelay $0x3  }
0x3f5: {  	[tilespmem:s2+$0xFFFFED40] =	vst v0  }
0x3f6: {  	v0 =	vld.idx.msk [tilespmem:v3+s25+$0x0], $0xffff;
	_ =	sdelay $0x1  }
0x3f7: {  	v3 =	vor.u32 $0x4, v2;
	_ =	sdelay $0x3  }
0x3f8: {  	[tilespmem:s2+$0xFFFFF380] =	vst v0  }
0x3f9: {  	v0 =	vld.idx.msk [tilespmem:v3+s25+$0x0], $0xffff;
	_ =	sdelay $0x1  }
0x3fa: {  	v3 =	vor.u32 $0x5, v2;
	_ =	sdelay $0x3  }
0x3fb: {  	[tilespmem:s2+$0xFFFFF9C0] =	vst v0  }
0x3fc: {  	v0 =	vld.idx.msk [tilespmem:v3+s25+$0x0], $0xffff;
	_ =	sdelay $0x1  }
0x3fd: {  	v3 =	vor.u32 $0x6, v2;
	_ =	sdelay $0x3  }
0x3fe: {  	[tilespmem:s2+$0x0] =	vst v0  }
0x3ff: {  	v0 =	vld.idx.msk [tilespmem:v3+s25+$0x0], $0xffff;
	_ =	sdelay $0x1  }
0x400: {  	v3 =	vor.u32 $0x7, v2;
	_ =	sdelay $0x3  }
0x401: {  	[tilespmem:s2+$0x640] =	vst v0  }
0x402: {  	v0 =	vld.idx.msk [tilespmem:v3+s25+$0x0], $0xffff;
	_ =	sdelay $0x1  }
0x403: {  	v3 =	vor.u32 $0x8, v2;
	_ =	sdelay $0x3  }
0x404: {  	[tilespmem:s2+$0xC80] =	vst v0  }
0x405: {  	v0 =	vld.idx.msk [tilespmem:v3+s25+$0x0], $0xffff;
	_ =	sdelay $0x1  }
0x406: {  	v3 =	vor.u32 $0x9, v2  }
.Ltmp9:
0x407: {  	(pc) =	sbr.rel @p0 .LBB2_20-.Ltmp9, $3  }
0x408: {  	_ =	sdelay $0x1  }
0x409: {  	[tilespmem:s2+$0x12C0] =	vst v0  }
0x40a: {  	v2 =	vmov s9;
	s9 =	sadd.s32 $0x10, s9;
	v0 =	vld.idx.msk [tilespmem:v3+s25+$0x0], $0xffff  }
0x40b: {  	v2 =	vshll.u32 v2, $0x4  }
0x40c: {  	v2 =	vor.u32 v1, v2;
	_ =	sdelay $0x3  }
0x40d: {  	[tilespmem:s2+$0x1900] =	vst v0  }
0x40e: {  	v0 =	vld.idx.msk [tilespmem:v2+s25+$0x0], $0xffff  }
0x40f: {  	v3 =	vor.u32 $0x1, v2;
	_ =	sdelay $0x2  }
0x410: {  	s11 =	sadd.s32 $0x10, s2  }
0x411: {  	[tilespmem:s11+$0xFFFFE0C0] =	vst v0  }
0x412: {  	v0 =	vld.idx.msk [tilespmem:v3+s25+$0x0], $0xffff  }
0x413: {  	v3 =	vor.u32 $0x2, v2;
	_ =	sdelay $0x3  }
0x414: {  	[tilespmem:s11+$0xFFFFE700] =	vst v0  }
0x415: {  	v0 =	vld.idx.msk [tilespmem:v3+s25+$0x0], $0xffff  }
0x416: {  	v3 =	vor.u32 $0x3, v2;
	_ =	sdelay $0x3  }
0x417: {  	[tilespmem:s11+$0xFFFFED40] =	vst v0  }
0x418: {  	v0 =	vld.idx.msk [tilespmem:v3+s25+$0x0], $0xffff  }
0x419: {  	v3 =	vor.u32 $0x4, v2;
	_ =	sdelay $0x3  }
0x41a: {  	[tilespmem:s11+$0xFFFFF380] =	vst v0  }
0x41b: {  	v0 =	vld.idx.msk [tilespmem:v3+s25+$0x0], $0xffff  }
0x41c: {  	v3 =	vor.u32 $0x5, v2;
	_ =	sdelay $0x3  }
0x41d: {  	[tilespmem:s11+$0xFFFFF9C0] =	vst v0  }
0x41e: {  	v0 =	vld.idx.msk [tilespmem:v3+s25+$0x0], $0xffff  }
0x41f: {  	v3 =	vor.u32 $0x6, v2;
	_ =	sdelay $0x3  }
0x420: {  	[tilespmem:s11+$0x0] =	vst v0  }
0x421: {  	v0 =	vld.idx.msk [tilespmem:v3+s25+$0x0], $0xffff  }
0x422: {  	v3 =	vor.u32 $0x7, v2;
	_ =	sdelay $0x3  }
0x423: {  	[tilespmem:s11+$0x640] =	vst v0  }
0x424: {  	v0 =	vld.idx.msk [tilespmem:v3+s25+$0x0], $0xffff  }
0x425: {  	v3 =	vor.u32 $0x8, v2;
	_ =	sdelay $0x3  }
0x426: {  	[tilespmem:s11+$0xC80] =	vst v0  }
0x427: {  	v0 =	vld.idx.msk [tilespmem:v3+s25+$0x0], $0xffff  }
0x428: {  	v2 =	vor.u32 $0x9, v2;
	_ =	sdelay $0x3  }
0x429: {  	[tilespmem:s11+$0x12C0] =	vst v0  }
0x42a: {  	v0 =	vld.idx.msk [tilespmem:v2+s25+$0x0], $0xffff;
	_ =	sdelay $0x4  }
0x42b: {  	s9 =	rddreg [dreg:$0x10];
	s2 =	simm.s32 $0x0;
	[tilespmem:s11+$0x1900] =	vst v0  }
0x42c: {  	[tilespmem:s2], [sflag:$0x2] =	stream.linear.gather [hbm4b:s9+s2], $0xC80, $0x38;
	[tilespmem:$0x1F160] =	vst v63  }
0x42d: {  	_ =	swait.ge [sflag:s22], $0xC80  }
0x42e: {  	[sflag:s22] =	ssyncset.done $0x0  }
0x42f: {  	s9 =	simm.s32 $0xC80;
	[sflag:s22] =	ssyncadd.s32 $0xFFFFF380  }
0x430: {  	[tilespmem:s9], [sflag:$0x1] =	stream.indirect.gather [hbm4b:s3+s26], $0x20, s2, s26, $0xb8;
	[tilespmem:$0x1F160] =	vst v63  }
0x431: {  	s10 =	simm.s32 $0x1C80  }
0x432: {  	[tilespmem:s10], [sflag:$0x1] =	stream.indirect.gather [hbm4b:s3+s26], $0x20, s26, s26, $0xb8;
	[tilespmem:$0x1F160] =	vst v63  }
0x433: {  	s12 =	simm.s32 $0x100;
	s11 =	simm.s32 $0x2C80  }
0x434: {  	[tilespmem:s11], [sflag:$0x1] =	stream.indirect.gather [hbm4b:s3+s26], $0x20, s12, s26, $0xb8;
	[tilespmem:$0x1F160] =	vst v63  }
0x435: {  	s11 =	simm.s32 $0x180;
	s12 =	simm.s32 $0x3C80  }
0x436: {  	[tilespmem:s12], [sflag:$0x1] =	stream.indirect.gather [hbm4b:s3+s26], $0x20, s11, s26, $0xb8;
	[tilespmem:$0x1F160] =	vst v63  }
0x437: {  	s11 =	simm.s32 $0x200;
	s12 =	simm.s32 $0x4C80  }
0x438: {  	[tilespmem:s12], [sflag:$0x1] =	stream.indirect.gather [hbm4b:s3+s26], $0x20, s11, s26, $0xb8;
	[tilespmem:$0x1F160] =	vst v63  }
0x439: {  	s11 =	simm.s32 $0x280;
	s12 =	simm.s32 $0x5C80  }
0x43a: {  	[tilespmem:s12], [sflag:$0x1] =	stream.indirect.gather [hbm4b:s3+s26], $0x20, s11, s26, $0xb8;
	[tilespmem:$0x1F160] =	vst v63  }
0x43b: {  	s11 =	simm.s32 $0x300;
	s12 =	simm.s32 $0x6C80  }
0x43c: {  	[tilespmem:s12], [sflag:$0x1] =	stream.indirect.gather [hbm4b:s3+s26], $0x20, s11, s26, $0xb8;
	[tilespmem:$0x1F160] =	vst v63  }
0x43d: {  	s11 =	simm.s32 $0x380;
	s12 =	simm.s32 $0x7C80  }
0x43e: {  	[tilespmem:s12], [sflag:$0x1] =	stream.indirect.gather [hbm4b:s3+s26], $0x20, s11, s26, $0xb8;
	[tilespmem:$0x1F160] =	vst v63  }
0x43f: {  	s11 =	simm.s32 $0x400;
	s12 =	simm.s32 $0x8C80  }
0x440: {  	[tilespmem:s12], [sflag:$0x1] =	stream.indirect.gather [hbm4b:s3+s26], $0x20, s11, s26, $0xb8;
	[tilespmem:$0x1F160] =	vst v63  }
0x441: {  	s11 =	simm.s32 $0x480;
	s12 =	simm.s32 $0x9C80  }
0x442: {  	[tilespmem:s12], [sflag:$0x1] =	stream.indirect.gather [hbm4b:s3+s26], $0x20, s11, s26, $0xb8;
	[tilespmem:$0x1F160] =	vst v63  }
0x443: {  	s11 =	simm.s32 $0x500;
	s12 =	simm.s32 $0xAC80  }
0x444: {  	[tilespmem:s12], [sflag:$0x1] =	stream.indirect.gather [hbm4b:s3+s26], $0x20, s11, s26, $0xb8;
	[tilespmem:$0x1F160] =	vst v63  }
0x445: {  	s11 =	simm.s32 $0x580;
	s12 =	simm.s32 $0xBC80  }
0x446: {  	[tilespmem:s12], [sflag:$0x1] =	stream.indirect.gather [hbm4b:s3+s26], $0x20, s11, s26, $0xb8;
	[tilespmem:$0x1F160] =	vst v63  }
0x447: {  	s11 =	simm.s32 $0x600;
	s12 =	simm.s32 $0xCC80  }
0x448: {  	[tilespmem:s12], [sflag:$0x1] =	stream.indirect.gather [hbm4b:s3+s26], $0x20, s11, s26, $0xb8;
	[tilespmem:$0x1F160] =	vst v63  }
0x449: {  	s11 =	simm.s32 $0x680;
	s12 =	simm.s32 $0xDC80  }
0x44a: {  	[tilespmem:s12], [sflag:$0x1] =	stream.indirect.gather [hbm4b:s3+s26], $0x20, s11, s26, $0xb8;
	[tilespmem:$0x1F160] =	vst v63  }
0x44b: {  	s11 =	simm.s32 $0x700;
	s12 =	simm.s32 $0xEC80  }
0x44c: {  	[tilespmem:s12], [sflag:$0x1] =	stream.indirect.gather [hbm4b:s3+s26], $0x20, s11, s26, $0xb8;
	[tilespmem:$0x1F160] =	vst v63  }
0x44d: {  	s11 =	simm.s32 $0x780;
	s12 =	simm.s32 $0xFC80  }
0x44e: {  	[tilespmem:s12], [sflag:$0x1] =	stream.indirect.gather [hbm4b:s3+s26], $0x20, s11, s26, $0xb8;
	[tilespmem:$0x1F160] =	vst v63  }
0x44f: {  	s11 =	simm.s32 $0x800;
	s12 =	simm.s32 $0x10C80  }
0x450: {  	[tilespmem:s12], [sflag:$0x1] =	stream.indirect.gather [hbm4b:s3+s26], $0x20, s11, s26, $0xb8;
	[tilespmem:$0x1F160] =	vst v63  }
0x451: {  	s11 =	simm.s32 $0x880;
	s12 =	simm.s32 $0x11C80  }
0x452: {  	[tilespmem:s12], [sflag:$0x1] =	stream.indirect.gather [hbm4b:s3+s26], $0x20, s11, s26, $0xb8;
	[tilespmem:$0x1F160] =	vst v63  }
0x453: {  	_ = 	snop  }
0x454: {  	[tilespmem:s5], [sflag:$0x1] =	stream.indirect.gather [hbm4b:s3+s26], $0x20, s4, s26, $0xb8;
	[tilespmem:$0x1F160] =	vst v63  }
0x455: {  	_ = 	snop  }
0x456: {  	[tilespmem:s28], [sflag:$0x1] =	stream.indirect.gather [hbm4b:s3+s26], $0x20, s13, s26, $0xb8;
	[tilespmem:$0x1F160] =	vst v63  }
0x457: {  	_ = 	snop  }
0x458: {  	[tilespmem:s15], [sflag:$0x1] =	stream.indirect.gather [hbm4b:s3+s26], $0x20, s14, s26, $0xb8;
	[tilespmem:$0x1F160] =	vst v63  }
0x459: {  	_ = 	snop  }
0x45a: {  	[tilespmem:s29], [sflag:$0x1] =	stream.indirect.gather [hbm4b:s3+s26], $0x20, s16, s26, $0xb8;
	[tilespmem:$0x1F160] =	vst v63  }
0x45b: {  	_ = 	snop  }
0x45c: {  	[tilespmem:s17], [sflag:$0x1] =	stream.indirect.gather [hbm4b:s3+s26], $0x20, s6, s26, $0xb8;
	[tilespmem:$0x1F160] =	vst v63  }
0x45d: {  	_ = 	snop  }
0x45e: {  	[tilespmem:s18], [sflag:$0x1] =	stream.indirect.gather [hbm4b:s3+s26], $0x20, s30, s26, $0xb8;
	[tilespmem:$0x1F160] =	vst v63  }
0x45f: {  	_ = 	snop  }
0x460: {  	[tilespmem:s7], [sflag:$0x1] =	stream.indirect.gather [hbm4b:s3+s26], $0x20, s19, s26, $0xb8;
	[tilespmem:$0x1F160] =	vst v63  }
0x461: {  	_ =	swait.ge [sflag:s20], $0x19000  }
0x462: {  	[sflag:s20] =	ssyncset.done $0x0  }
0x463: {  	s10 =	simm.s32 $0x1900;
	[sflag:s20] =	ssyncadd.s32 $0xFFFE7000  }
.LBB2_22:
0x464: {  	s12 =	simm.s32 $0xC80  }
0x465: {  	v16 =	vld [tilespmem:s12+$0x1B310]  }
0x466: {  	v9 =	vmov s9;
	v6 =	vld [tilespmem:s12+$0x1A690]  }
0x467: {  	v7 =	vld [tilespmem:s12+$0x19A10]  }
0x468: {  	v12 =	vld [tilespmem:s12+$0x1A040]  }
0x469: {  	v10 =	vld [tilespmem:s12+$0x1ACD0]  }
0x46a: {  	v13 =	vld [tilespmem:s12+$0x1A050]  }
0x46b: {  	v17 =	vld.idx.msk [tilespmem:v9+s12+$0x650 ss:$0x1], $0xffff  }
0x46c: {  	v31 =	vld [tilespmem:s12+$0x19A00]  }
0x46d: {  	v11 =	vld.idx.msk [tilespmem:v9+s12+$0xFFFFF9D0 ss:$0x1], $0xffff  }
0x46e: {  	v27 =	vld.idx.msk [tilespmem:v9+s12+$0xFFFFF390 ss:$0x1], $0xffff  }
0x46f: {  	v26 =	vimm.f32 $0.0e+00;
	v29 =	vld [tilespmem:s12+$0x1A680]  }
0x470: {  	v46 =	vimm.f32 $0.0e+00;
	v5 =	vld.idx.msk [tilespmem:v9+s12+$0x640 ss:$0x1], $0xffff;
	v8 =	vmul.f32 v7, v17;
	v21 =	vmul.f32 v10, v17  }
0x471: {  	v35 =	vimm.f32 $0.0e+00;
	v18 =	vld.idx.msk [tilespmem:v9+s12+$0x10 ss:$0x1], $0xffff;
	v2 =	vmul.f32 v16, v17;
	v41 =	vmul.f32 v6, v17  }
0x472: {  	v43 =	vimm.f32 $0.0e+00;
	v28 =	vld.idx.msk [tilespmem:v9+s12+$0x0 ss:$0x1], $0xffff;
	v38 =	vmul.f32 v7, v11;
	v0 =	vmul.f32 v16, v11  }
0x473: {  	v37 =	vimm.f32 $0.0e+00;
	v22 =	vmul.f32 v6, v27;
	v4 =	vmul.f32 v10, v11  }
0x474: {  	v32 =	vimm.f32 $0.0e+00;
	v14 =	vld [tilespmem:s12+$0x1ACC0];
	v24 =	vmul.f32 v7, v27;
	v3 =	vmul.f32 v16, v27  }
0x475: {  	v34 =	vimm.f32 $0.0e+00;
	v33 =	vld.idx.msk [tilespmem:v9+s12+$0xFFFFF380 ss:$0x1], $0xffff;
	v19 =	vmul.f32 v12, v5;
	v20 =	vmul.f32 v31, v5  }
0x476: {  	v44 =	vimm.f32 $0.0e+00;
	v15 =	vmul.f32 v10, v27;
	v10 =	vmul.f32 v10, v18  }
0x477: {  	v39 =	vmul.f32 v13, v18;
	v40 =	vadd.f32 v20, v26;
	v20 =	vmul.f32 v29, v28  }
0x478: {  	v42 =	vimm.f32 $0.0e+00;
	v23 =	vmul.f32 v6, v18;
	v25 =	vmul.f32 v29, v5  }
0x479: {  	v30 =	vmul.f32 v31, v28;
	v52 =	vmul.f32 v14, v5;
	v20 =	vadd.f32 v20, v26  }
0x47a: {  	v36 =	vimm.f32 $0.0e+00;
	v51 =	vmul.f32 v12, v33;
	v17 =	vmul.f32 v13, v17  }
0x47b: {  	v48 =	vmul.f32 v7, v18;
	v49 =	vmul.f32 v31, v33;
	v7 =	vadd.f32 v23, v20;
	v20 =	vld.idx.msk [tilespmem:v9+s12+$0xFFFFF9C0 ss:$0x1], $0xffff  }
0x47c: {  	v50 =	vmul.f32 v12, v28;
	v54 =	vmul.f32 v14, v28;
	v19 =	vadd.f32 v19, v26  }
0x47d: {  	v53 =	vadd.f32 v25, v26;
	v47 =	vadd.f32 v30, v26;
	v25 =	vmul.f32 v16, v18  }
0x47e: {  	v30 =	vimm.f32 $0.0e+00;
	v18 =	vimm.f32 $0.0e+00;
	v16 =	vadd.f32 v17, v19  }
0x47f: {  	s11 =	simm.s32 $0x3280;
	v45 =	vld [tilespmem:s12+$0x1B300];
	v17 =	vimm.f32 $0.0e+00;
	v19 =	vimm.f32 $0.0e+00;
	v23 =	vimm.f32 $0.0e+00  }
.LBB2_23:
0x480: {  	s12 =	sshra.s32 s11, $0x2;
	p0 =	sne.s32 s11, $0x4A80;
	s11 =	sadd.s32 $0x80, s11;
	v31 =	vmul.f32 v31, v20;
	v53 =	vadd.f32 v41, v53;
	v26 =	vadd.f32 v52, v26  }
0x481: {  	v41 =	vmul.f32 v13, v27;
	v27 =	vmul.f32 v29, v33;
	v55 =	vld [tilespmem:s12+$0x1B310];
	v46 =	vadd.f32 v54, v46  }
0x482: {  	v43 =	vadd.f32 v51, v43;
	v51 =	vmul.f32 v14, v33;
	v52 =	vld [tilespmem:s12+$0x1A690];
	v31 =	vadd.f32 v31, v35  }
0x483: {  	v56 =	vmul.f32 v12, v20;
	v27 =	vadd.f32 v27, v37;
	v26 =	vadd.f32 v21, v26;
	v54 =	vld [tilespmem:s12+$0x19A10]  }
0x484: {  	v21 =	vadd.f32 v50, v32;
	v57 =	vld.idx.msk [tilespmem:v9+s12+$0x650 ss:$0x1], $0xffff;
	v35 =	vadd.f32 v38, v31;
	v28 =	vmul.f32 v45, v28  }
0x485: {  	v47 =	vadd.f32 v48, v47;
	v34 =	vadd.f32 v51, v34;
	v33 =	vmul.f32 v45, v33;
	v12 =	vld [tilespmem:s12+$0x1A040]  }
0x486: {  	v29 =	vmul.f32 v29, v20;
	v44 =	vadd.f32 v56, v44;
	v48 =	vld [tilespmem:s12+$0x1ACD0];
	v23 =	vadd.f32 v28, v23  }
0x487: {  	v32 =	vadd.f32 v39, v21;
	v37 =	vadd.f32 v22, v27;
	v39 =	vmul.f32 v14, v20;
	v50 =	vld [tilespmem:s12+$0x1A050]  }
0x488: {  	v14 =	vadd.f32 v49, v42;
	v22 =	vadd.f32 v29, v36;
	v28 =	vmul.f32 v45, v20;
	v31 =	vld [tilespmem:s12+$0x19A00]  }
0x489: {  	v5 =	vmul.f32 v45, v5;
	v29 =	vadd.f32 v33, v30;
	v23 =	vadd.f32 v25, v23;
	v49 =	vld.idx.msk [tilespmem:v9+s12+$0xFFFFF9D0 ss:$0x1], $0xffff  }
0x48a: {  	v6 =	vmul.f32 v6, v11;
	v34 =	vadd.f32 v15, v34;
	v25 =	vadd.f32 v8, v40;
	v27 =	vld.idx.msk [tilespmem:v9+s12+$0xFFFFF390 ss:$0x1], $0xffff  }
0x48b: {  	v15 =	vadd.f32 v5, v18;
	v8 =	vmul.f32 v54, v57;
	v20 =	vld.idx.msk [tilespmem:v9+s12+$0xFFFFF9C0 ss:$0x1], $0xffff;
	v21 =	vmul.f32 v48, v57  }
0x48c: {  	v43 =	vadd.f32 v41, v43;
	v46 =	vadd.f32 v10, v46;
	v40 =	vmul.f32 v55, v57;
	v5 =	vld.idx.msk [tilespmem:v9+s12+$0x640 ss:$0x1], $0xffff  }
0x48d: {  	v10 =	vmul.f32 v13, v11;
	v42 =	vadd.f32 v24, v14;
	v11 =	vadd.f32 v28, v17;
	v45 =	vld.idx.msk [tilespmem:v9+s12+$0x10 ss:$0x1], $0xffff  }
0x48e: {  	v36 =	vadd.f32 v6, v22;
	v6 =	vmovc v52;
	v18 =	vadd.f32 v2, v15;
	v41 =	vmul.f32 v52, v57;
	v14 =	vld [tilespmem:s12+$0x1ACC0]  }
0x48f: {  	v30 =	vadd.f32 v3, v29;
	v38 =	vmul.f32 v54, v49;
	v51 =	vmul.f32 v55, v49;
	v28 =	vld.idx.msk [tilespmem:v9+s12+$0x0 ss:$0x1], $0xffff  }
0x490: {  	v44 =	vadd.f32 v10, v44;
	v13 =	vmovc v50;
	v52 =	vmul.f32 v48, v49;
	v22 =	vmul.f32 v6, v27;
	v29 =	vld [tilespmem:s12+$0x1A680]  }
0x491: {  	v39 =	vadd.f32 v39, v19;
	v24 =	vmul.f32 v54, v27;
	v3 =	vmul.f32 v55, v27;
	v33 =	vld.idx.msk [tilespmem:v9+s12+$0xFFFFF380 ss:$0x1], $0xffff  }
0x492: {  	v17 =	vadd.f32 v0, v11;
	v11 =	vmovc v49;
	v15 =	vmul.f32 v48, v27;
	v50 =	vmul.f32 v12, v5  }
0x493: {  	v19 =	vadd.f32 v4, v39;
	v2 =	vmovc v40;
	v49 =	vmul.f32 v31, v5;
	v10 =	vmul.f32 v48, v45  }
0x494: {  	v0 =	vmovc v51;
	v4 =	vmov v52;
	v39 =	vmul.f32 v13, v45;
	v56 =	vmul.f32 v6, v45  }
0x495: {  	v40 =	vadd.f32 v49, v25;
	v25 =	vmul.f32 v29, v28;
	v48 =	vmul.f32 v29, v5  }
.Ltmp10:
0x496: {  	v16 =	vadd.f32 v50, v16;
	v52 =	vmul.f32 v14, v5;
	v49 =	vmul.f32 v31, v28;
	(pc) =	sbr.rel @p0 .LBB2_23-.Ltmp10, $4  }
0x497: {  	v51 =	vmul.f32 v12, v33;
	v7 =	vadd.f32 v25, v7;
	v53 =	vadd.f32 v48, v53  }
0x498: {  	v47 =	vadd.f32 v49, v47;
	v48 =	vmul.f32 v54, v45;
	v54 =	vmul.f32 v13, v57  }
0x499: {  	v49 =	vmul.f32 v31, v33;
	v25 =	vmul.f32 v55, v45;
	v7 =	vadd.f32 v56, v7  }
0x49a: {  	v50 =	vmul.f32 v12, v28;
	v16 =	vadd.f32 v54, v16;
	v54 =	vmul.f32 v14, v28;
	v45 =	vld [tilespmem:s12+$0x1B300]  }
0x49b: {  	v9 =	vmul.f32 v31, v20  }
0x49c: {  	v31 =	vadd.f32 v41, v53;
	v56 =	vadd.f32 v49, v42  }
0x49d: {  	v26 =	vadd.f32 v52, v26;
	v57 =	vmul.f32 v29, v33;
	v9 =	vadd.f32 v9, v35  }
0x49e: {  	v59 =	vadd.f32 v51, v43;
	v12 =	vmul.f32 v12, v20;
	v24 =	vadd.f32 v24, v56  }
0x49f: {  	v27 =	vmul.f32 v13, v27;
	v60 =	vadd.f32 v48, v47;
	v9 =	vadd.f32 v38, v9  }
0x4a0: {  	v8 =	vadd.f32 v8, v40;
	v13 =	vmul.f32 v13, v11;
	v58 =	vadd.f32 v54, v46;
	(xrf2) =	vadd.scan.msk.f32 $0xffff, v24  }
0x4a1: {  	v6 =	vmul.f32 v6, v11;
	v12 =	vadd.f32 v12, v44;
	v27 =	vadd.f32 v27, v59;
	(xrf2) =	vadd.scan.msk.f32 $0xffff, v9  }
0x4a2: {  	s11 =	sshll.u32 s2, $0x6;
	v21 =	vadd.f32 v21, v26;
	v26 =	vmul.f32 v29, v20;
	v24 =	vadd.f32 v50, v32;
	(xrf2) =	vadd.scan.msk.f32 $0xffff, v60  }
0x4a3: {  	v11 =	vmov s11;
	v35 =	vadd.f32 v57, v37;
	v12 =	vadd.f32 v13, v12;
	(xrf2) =	vadd.scan.msk.f32 $0xffff, v8  }
0x4a4: {  	v26 =	vadd.f32 v26, v36;
	v9 =	vmul.f32 v14, v33;
	v13 =	vadd.f32 v39, v24;
	(xrf2) =	vadd.scan.msk.f32 $0xffff, v27  }
0x4a5: {  	v10 =	vadd.f32 v10, v58;
	v22 =	vadd.f32 v22, v35;
	v14 =	vmul.f32 v14, v20;
	(xrf2) =	vadd.scan.msk.f32 $0xffff, v12  }
0x4a6: {  	s12 =	sor.u32 $0x10, s11;
	v5 =	vmul.f32 v45, v5;
	v6 =	vadd.f32 v6, v26;
	v9 =	vadd.f32 v9, v34;
	(xrf2) =	vadd.scan.msk.f32 $0xffff, v13  }
0x4a7: {  	v8 =	vmul.f32 v45, v28;
	v19 =	vadd.f32 v14, v19;
	v12 =	vmov s12;
	s12 =	sor.u32 $0x20, s11;
	(xrf2) =	vadd.scan.msk.f32 $0xffff, v16  }
0x4a8: {  	v24 =	vmul.f32 v45, v33;
	v5 =	vadd.f32 v5, v18;
	s11 =	sor.u32 $0x30, s11;
	v13 =	vmov s12;
	(xrf2) =	vadd.scan.msk.f32 $0xffff, v22  }
0x4a9: {  	v8 =	vadd.f32 v8, v23;
	v4 =	vadd.f32 v4, v19;
	v14 =	vmov s11;
	(xrf2) =	vadd.scan.msk.f32 $0xffff, v6  }
0x4aa: {  	v16 =	vmul.f32 v45, v20;
	v6 =	vadd.f32 v15, v9;
	v9, _, _ =	vpop (xrf2);
	v15 =	vor.u32 $0x1, v11;
	(xrf2) =	vadd.scan.msk.f32 $0xffff, v7  }
0x4ab: {  	v20 =	vadd.f32 v24, v30;
	[tilespmem:v11+s31+$0x0] =	vst.idx.msk vm0, v9;
	v9 =	vor.u32 $0x1, v12;
	v7, _, _ =	vpop (xrf2);
	(xrf2) =	vadd.scan.msk.f32 $0xffff, v31  }
0x4ac: {  	v18 =	vor.u32 $0x1, v13;
	[tilespmem:v12+s31+$0x0] =	vst.idx.msk vm0, v7;
	v7, _, _ =	vpop (xrf2);
	(xrf2) =	vadd.scan.msk.f32 $0xffff, v6;
	v6 =	vadd.f32 v16, v17  }
0x4ad: {  	v3 =	vadd.f32 v3, v20;
	v16 =	vor.u32 $0x1, v14;
	[tilespmem:v13+s31+$0x0] =	vst.idx.msk vm0, v7;
	v7, _, _ =	vpop (xrf2);
	(xrf2) =	vadd.scan.msk.f32 $0xffff, v4  }
0x4ae: {  	[tilespmem:v14+s31+$0x0] =	vst.idx.msk vm0, v7;
	v4, _, _ =	vpop (xrf2);
	v7 =	vor.u32 $0x2, v11;
	(xrf2) =	vadd.scan.msk.f32 $0xffff, v10;
	v0 =	vadd.f32 v0, v6  }
0x4af: {  	v2 =	vadd.f32 v2, v5;
	v6 =	vor.u32 $0x2, v12;
	[tilespmem:v15+s31+$0x0] =	vst.idx.msk vm0, v4;
	v4, _, _ =	vpop (xrf2);
	(xrf2) =	vadd.scan.msk.f32 $0xffff, v21  }
0x4b0: {  	v8 =	vadd.f32 v25, v8;
	[tilespmem:v9+s31+$0x0] =	vst.idx.msk vm0, v4;
	v4, _, _ =	vpop (xrf2);
	v9 =	vor.u32 $0x2, v13;
	(xrf2) =	vadd.scan.msk.f32 $0xffff, v3  }
0x4b1: {  	[tilespmem:v18+s31+$0x0] =	vst.idx.msk vm0, v4;
	v3, _, _ =	vpop (xrf2);
	v4 =	vor.u32 $0x2, v14;
	(xrf2) =	vadd.scan.msk.f32 $0xffff, v0  }
0x4b2: {  	[tilespmem:v16+s31+$0x0] =	vst.idx.msk vm0, v3;
	v0, _, _ =	vpop (xrf2);
	v3 =	vor.u32 $0x3, v11;
	(xrf2) =	vadd.scan.msk.f32 $0xffff, v8  }
0x4b3: {  	v5 =	vor.u32 $0x3, v12;
	[tilespmem:v7+s31+$0x0] =	vst.idx.msk vm0, v0;
	v0, _, _ =	vpop (xrf2);
	(xrf2) =	vadd.scan.msk.f32 $0xffff, v2  }
0x4b4: {  	v2, _, _ =	vpop (xrf2);
	[tilespmem:v6+s31+$0x0] =	vst.idx.msk vm0, v0;
	v0 =	vor.u32 $0x3, v13  }
0x4b5: {  	v6, _, _ =	vpop (xrf2);
	[tilespmem:v9+s31+$0x0] =	vst.idx.msk vm0, v2;
	v2 =	vor.u32 $0x3, v14  }
0x4b6: {  	v7, _, _ =	vpop (xrf2);
	[tilespmem:v4+s31+$0x0] =	vst.idx.msk vm0, v6;
	v4 =	vor.u32 $0x4, v11  }
0x4b7: {  	v6, _, _ =	vpop (xrf2);
	[tilespmem:v3+s31+$0x0] =	vst.idx.msk vm0, v7;
	v3 =	vor.u32 $0x4, v12  }
0x4b8: {  	v7, _, _ =	vpop (xrf2);
	[tilespmem:v5+s31+$0x0] =	vst.idx.msk vm0, v6;
	v5 =	vor.u32 $0x4, v13  }
0x4b9: {  	v6, _, _ =	vpop (xrf2);
	[tilespmem:v0+s31+$0x0] =	vst.idx.msk vm0, v7;
	v0 =	vor.u32 $0x4, v14  }
0x4ba: {  	v7, _, _ =	vpop (xrf2);
	[tilespmem:v2+s31+$0x0] =	vst.idx.msk vm0, v6  }
0x4bb: {  	v2, _, _ =	vpop (xrf2);
	[tilespmem:v4+s31+$0x0] =	vst.idx.msk vm0, v7  }
0x4bc: {  	v4, _, _ =	vpop (xrf2);
	[tilespmem:v3+s31+$0x0] =	vst.idx.msk vm0, v2  }
0x4bd: {  	[tilespmem:v5+s31+$0x0] =	vst.idx.msk vm0, v4;
	v2, _, _ =	vpop (xrf2)  }
0x4be: {  	s12 =	simm.s32 $0x0;
	[tilespmem:v0+s31+$0x0] =	vst.idx.msk vm0, v2  }
0x4bf: {  	v7 =	vmov s10;
	v20 =	vld [tilespmem:s12+$0x1DED0]  }
0x4c0: {  	v6 =	vld [tilespmem:s12+$0x1D250]  }
0x4c1: {  	v9 =	vld [tilespmem:s12+$0x1C5D0]  }
0x4c2: {  	v15 =	vld [tilespmem:s12+$0x1CC00]  }
0x4c3: {  	v16 =	vld [tilespmem:s12+$0x1D890]  }
0x4c4: {  	v21 =	vld.idx.msk [tilespmem:v7+s12+$0x650 ss:$0x1], $0xffff  }
0x4c5: {  	v17 =	vld [tilespmem:s12+$0x1CC10]  }
0x4c6: {  	v10 =	vld.idx.msk [tilespmem:v7+s12+$0xFFFFF9D0 ss:$0x1], $0xffff  }
0x4c7: {  	v30 =	vld.idx.msk [tilespmem:v7+s12+$0xFFFFF390 ss:$0x1], $0xffff  }
0x4c8: {  	v34 =	vld [tilespmem:s12+$0x1C5C0]  }
0x4c9: {  	v5 =	vld.idx.msk [tilespmem:v7+s12+$0x640 ss:$0x1], $0xffff;
	v8 =	vmul.f32 v9, v21  }
0x4ca: {  	v49 =	vimm.f32 $0.0e+00;
	v32 =	vld [tilespmem:s12+$0x1D240];
	v23 =	vmul.f32 v16, v21;
	v2 =	vmul.f32 v20, v21  }
0x4cb: {  	v47 =	vimm.f32 $0.0e+00;
	v22 =	vld.idx.msk [tilespmem:v7+s12+$0x10 ss:$0x1], $0xffff;
	v45 =	vmul.f32 v6, v21;
	v42 =	vmul.f32 v9, v10  }
0x4cc: {  	v41 =	vimm.f32 $0.0e+00;
	v18 =	vld [tilespmem:s12+$0x1D880];
	v0 =	vmul.f32 v20, v10;
	v26 =	vmul.f32 v6, v30  }
0x4cd: {  	v48 =	vimm.f32 $0.0e+00;
	v31 =	vld.idx.msk [tilespmem:v7+s12+$0x0 ss:$0x1], $0xffff;
	v4 =	vmul.f32 v16, v10;
	v28 =	vmul.f32 v9, v30  }
0x4ce: {  	v40 =	vimm.f32 $0.0e+00;
	v37 =	vld.idx.msk [tilespmem:v7+s12+$0xFFFFF380 ss:$0x1], $0xffff;
	v3 =	vmul.f32 v20, v30;
	v24 =	vmul.f32 v15, v5  }
0x4cf: {  	v46 =	vimm.f32 $0.0e+00;
	v19 =	vmul.f32 v16, v30;
	v25 =	vmul.f32 v34, v5  }
0x4d0: {  	v29 =	vimm.f32 $0.0e+00;
	v16 =	vmul.f32 v16, v22;
	v43 =	vmul.f32 v17, v22  }
0x4d1: {  	v36 =	vimm.f32 $0.0e+00;
	v27 =	vmul.f32 v6, v22;
	v61 =	vmul.f32 v32, v5  }
0x4d2: {  	v38 =	vimm.f32 $0.0e+00;
	v63 =	vmul.f32 v34, v31;
	v56 =	vmul.f32 v18, v5  }
0x4d3: {  	v35 =	vimm.f32 $0.0e+00;
	v55 =	vmul.f32 v15, v37;
	v21 =	vmul.f32 v17, v21  }
0x4d4: {  	v39 =	vimm.f32 $0.0e+00;
	v52 =	vmul.f32 v9, v22;
	v53 =	vmul.f32 v34, v37  }
0x4d5: {  	v33 =	vmul.f32 v20, v22;
	v22 =	vld.idx.msk [tilespmem:v7+s12+$0xFFFFF9C0 ss:$0x1], $0xffff;
	v44 =	vadd.f32 v25, v29;
	v25 =	vmul.f32 v32, v31  }
0x4d6: {  	v54 =	vmul.f32 v15, v31;
	v24 =	vadd.f32 v24, v29;
	v57 =	vadd.f32 v61, v29  }
0x4d7: {  	v58 =	vmul.f32 v18, v31;
	v51 =	vadd.f32 v63, v29;
	v25 =	vadd.f32 v25, v29  }
0x4d8: {  	v20 =	vadd.f32 v21, v24;
	v24 =	vimm.f32 $0.0e+00;
	v21 =	vimm.f32 $0.0e+00  }
0x4d9: {  	s11 =	simm.s32 $0x80;
	v50 =	vld [tilespmem:s12+$0x1DEC0];
	v9 =	vadd.f32 v27, v25;
	v27 =	vimm.f32 $0.0e+00;
	v25 =	vimm.f32 $0.0e+00  }
.LBB2_25:
0x4da: {  	s12 =	sshra.s32 s11, $0x2;
	p0 =	sne.s32 s11, $0x1880;
	s11 =	sadd.s32 $0x80, s11;
	v34 =	vmul.f32 v34, v22;
	v57 =	vadd.f32 v45, v57;
	v29 =	vadd.f32 v56, v29  }
0x4db: {  	v45 =	vmul.f32 v17, v30;
	v30 =	vmul.f32 v32, v37;
	v59 =	vld [tilespmem:s12+$0x1DED0];
	v49 =	vadd.f32 v58, v49  }
0x4dc: {  	v47 =	vadd.f32 v55, v47;
	v55 =	vmul.f32 v18, v37;
	v56 =	vld [tilespmem:s12+$0x1D250];
	v34 =	vadd.f32 v34, v39  }
0x4dd: {  	v60 =	vmul.f32 v15, v22;
	v30 =	vadd.f32 v30, v41;
	v29 =	vadd.f32 v23, v29;
	v58 =	vld [tilespmem:s12+$0x1C5D0]  }
0x4de: {  	v23 =	vadd.f32 v54, v36;
	v61 =	vld.idx.msk [tilespmem:v7+s12+$0x650 ss:$0x1], $0xffff;
	v39 =	vadd.f32 v42, v34;
	v31 =	vmul.f32 v50, v31  }
0x4df: {  	v51 =	vadd.f32 v52, v51;
	v38 =	vadd.f32 v55, v38;
	v37 =	vmul.f32 v50, v37;
	v15 =	vld [tilespmem:s12+$0x1CC00]  }
0x4e0: {  	v32 =	vmul.f32 v32, v22;
	v48 =	vadd.f32 v60, v48;
	v52 =	vld [tilespmem:s12+$0x1D890];
	v27 =	vadd.f32 v31, v27  }
0x4e1: {  	v36 =	vadd.f32 v43, v23;
	v41 =	vadd.f32 v26, v30;
	v43 =	vmul.f32 v18, v22;
	v54 =	vld [tilespmem:s12+$0x1CC10]  }
0x4e2: {  	v18 =	vadd.f32 v53, v46;
	v26 =	vadd.f32 v32, v40;
	v31 =	vmul.f32 v50, v22;
	v34 =	vld [tilespmem:s12+$0x1C5C0]  }
0x4e3: {  	v5 =	vmul.f32 v50, v5;
	v32 =	vadd.f32 v37, v35;
	v27 =	vadd.f32 v33, v27;
	v53 =	vld.idx.msk [tilespmem:v7+s12+$0xFFFFF9D0 ss:$0x1], $0xffff  }
0x4e4: {  	v6 =	vmul.f32 v6, v10;
	v38 =	vadd.f32 v19, v38;
	v33 =	vadd.f32 v8, v44;
	v30 =	vld.idx.msk [tilespmem:v7+s12+$0xFFFFF390 ss:$0x1], $0xffff  }
0x4e5: {  	v19 =	vadd.f32 v5, v24;
	v8 =	vmul.f32 v58, v61;
	v22 =	vld.idx.msk [tilespmem:v7+s12+$0xFFFFF9C0 ss:$0x1], $0xffff;
	v23 =	vmul.f32 v52, v61  }
0x4e6: {  	v47 =	vadd.f32 v45, v47;
	v49 =	vadd.f32 v16, v49;
	v44 =	vmul.f32 v59, v61;
	v5 =	vld.idx.msk [tilespmem:v7+s12+$0x640 ss:$0x1], $0xffff  }
0x4e7: {  	v10 =	vmul.f32 v17, v10;
	v46 =	vadd.f32 v28, v18;
	v16 =	vadd.f32 v31, v21;
	v50 =	vld.idx.msk [tilespmem:v7+s12+$0x10 ss:$0x1], $0xffff  }
0x4e8: {  	v40 =	vadd.f32 v6, v26;
	v6 =	vmovc v56;
	v24 =	vadd.f32 v2, v19;
	v45 =	vmul.f32 v56, v61;
	v18 =	vld [tilespmem:s12+$0x1D880]  }
0x4e9: {  	v35 =	vadd.f32 v3, v32;
	v42 =	vmul.f32 v58, v53;
	v55 =	vmul.f32 v59, v53;
	v31 =	vld.idx.msk [tilespmem:v7+s12+$0x0 ss:$0x1], $0xffff  }
0x4ea: {  	v48 =	vadd.f32 v10, v48;
	v17 =	vmovc v54;
	v56 =	vmul.f32 v52, v53;
	v26 =	vmul.f32 v6, v30;
	v32 =	vld [tilespmem:s12+$0x1D240]  }
0x4eb: {  	v43 =	vadd.f32 v43, v25;
	v28 =	vmul.f32 v58, v30;
	v3 =	vmul.f32 v59, v30;
	v37 =	vld.idx.msk [tilespmem:v7+s12+$0xFFFFF380 ss:$0x1], $0xffff  }
0x4ec: {  	v21 =	vadd.f32 v0, v16;
	v10 =	vmovc v53;
	v19 =	vmul.f32 v52, v30;
	v54 =	vmul.f32 v15, v5  }
0x4ed: {  	v25 =	vadd.f32 v4, v43;
	v2 =	vmovc v44;
	v53 =	vmul.f32 v34, v5;
	v16 =	vmul.f32 v52, v50  }
0x4ee: {  	v0 =	vmovc v55;
	v4 =	vmov v56;
	v43 =	vmul.f32 v17, v50;
	v60 =	vmul.f32 v6, v50  }
0x4ef: {  	v44 =	vadd.f32 v53, v33;
	v33 =	vmul.f32 v32, v31;
	v52 =	vmul.f32 v32, v5  }
.Ltmp11:
0x4f0: {  	v20 =	vadd.f32 v54, v20;
	v56 =	vmul.f32 v18, v5;
	v53 =	vmul.f32 v34, v31;
	(pc) =	sbr.rel @p0 .LBB2_25-.Ltmp11, $4  }
0x4f1: {  	v55 =	vmul.f32 v15, v37;
	v9 =	vadd.f32 v33, v9;
	v57 =	vadd.f32 v52, v57  }
0x4f2: {  	v51 =	vadd.f32 v53, v51;
	v52 =	vmul.f32 v58, v50;
	v58 =	vmul.f32 v17, v61  }
0x4f3: {  	v53 =	vmul.f32 v34, v37;
	v33 =	vmul.f32 v59, v50;
	v9 =	vadd.f32 v60, v9  }
0x4f4: {  	v54 =	vmul.f32 v15, v31;
	v20 =	vadd.f32 v58, v20;
	v58 =	vmul.f32 v18, v31;
	v50 =	vld [tilespmem:s12+$0x1DEC0]  }
0x4f5: {  	v7 =	vmul.f32 v34, v22  }
0x4f6: {  	v34 =	vadd.f32 v45, v57;
	v61 =	vadd.f32 v53, v46  }
0x4f7: {  	v29 =	vadd.f32 v56, v29;
	v63 =	vmul.f32 v32, v37;
	v7 =	vadd.f32 v7, v39  }
0x4f8: {  	v15 =	vmul.f32 v15, v22;
	v51 =	vadd.f32 v52, v51;
	v28 =	vadd.f32 v28, v61  }
0x4f9: {  	v30 =	vmul.f32 v17, v30;
	v8 =	vadd.f32 v8, v44;
	v7 =	vadd.f32 v42, v7  }
0x4fa: {  	v52 =	vmul.f32 v17, v10;
	v46 =	vadd.f32 v58, v49;
	v49 =	vadd.f32 v55, v47;
	(xrf2) =	vadd.scan.msk.f32 $0xffff, v28  }
0x4fb: {  	v53 =	vmul.f32 v18, v37;
	v6 =	vmul.f32 v6, v10;
	v15 =	vadd.f32 v15, v48;
	(xrf2) =	vadd.scan.msk.f32 $0xffff, v7  }
0x4fc: {  	v60 =	vor.u32 $0x5, v11;
	v54 =	vadd.f32 v54, v36;
	v30 =	vadd.f32 v30, v49;
	(xrf2) =	vadd.scan.msk.f32 $0xffff, v51  }
0x4fd: {  	v45 =	vor.u32 $0x6, v14;
	v55 =	vmul.f32 v32, v22;
	v15 =	vadd.f32 v52, v15;
	(xrf2) =	vadd.scan.msk.f32 $0xffff, v8  }
0x4fe: {  	v32 =	vor.u32 $0x5, v14;
	v39 =	vadd.f32 v63, v41;
	v57 =	vadd.f32 v43, v54;
	(xrf2) =	vadd.scan.msk.f32 $0xffff, v30  }
0x4ff: {  	v47 =	vor.u32 $0x7, v11;
	v23 =	vadd.f32 v23, v29;
	v29 =	vadd.f32 v55, v40;
	(xrf2) =	vadd.scan.msk.f32 $0xffff, v15  }
0x500: {  	v61 =	vmul.f32 v18, v22;
	v63 =	vor.u32 $0x5, v12;
	v59 =	vadd.f32 v26, v39;
	(xrf2) =	vadd.scan.msk.f32 $0xffff, v57  }
0x501: {  	v40 =	vadd.f32 v16, v46;
	v56 =	vmul.f32 v50, v31;
	v6 =	vadd.f32 v6, v29;
	(xrf2) =	vadd.scan.msk.f32 $0xffff, v20  }
0x502: {  	v58 =	vmul.f32 v50, v37;
	v7 =	vadd.f32 v53, v38;
	v30 =	vor.u32 $0x5, v13;
	(xrf2) =	vadd.scan.msk.f32 $0xffff, v59  }
0x503: {  	v5 =	vmul.f32 v50, v5;
	v17 =	vadd.f32 v61, v25;
	v37 =	vor.u32 $0x6, v11;
	(xrf2) =	vadd.scan.msk.f32 $0xffff, v6  }
0x504: {  	v29 =	vmul.f32 v50, v22;
	v31 =	vadd.f32 v58, v35;
	v35 =	vadd.f32 v19, v7;
	v36, _, _ =	vpop (xrf2);
	(xrf2) =	vadd.scan.msk.f32 $0xffff, v9  }
0x505: {  	v39 =	vor.u32 $0x6, v12;
	v4 =	vadd.f32 v4, v17;
	[tilespmem:v60+s31+$0x0] =	vst.idx.msk vm0, v36;
	v38, _, _ =	vpop (xrf2);
	(xrf2) =	vadd.scan.msk.f32 $0xffff, v34  }
0x506: {  	v42 =	vor.u32 $0x6, v13;
	v43 =	vadd.f32 v29, v21;
	[tilespmem:v63+s31+$0x0] =	vst.idx.msk vm0, v38;
	v41, _, _ =	vpop (xrf2);
	(xrf2) =	vadd.scan.msk.f32 $0xffff, v35  }
0x507: {  	v5 =	vadd.f32 v5, v24;
	v3 =	vadd.f32 v3, v31;
	[tilespmem:v30+s31+$0x0] =	vst.idx.msk vm0, v41;
	v44, _, _ =	vpop (xrf2);
	(xrf2) =	vadd.scan.msk.f32 $0xffff, v4  }
0x508: {  	v8 =	vadd.f32 v56, v27;
	v0 =	vadd.f32 v0, v43;
	[tilespmem:v32+s31+$0x0] =	vst.idx.msk vm0, v44;
	v46, _, _ =	vpop (xrf2);
	(xrf2) =	vadd.scan.msk.f32 $0xffff, v40  }
0x509: {  	v49 =	vor.u32 $0x7, v12;
	v51 =	vor.u32 $0x7, v13;
	[tilespmem:v37+s31+$0x0] =	vst.idx.msk vm0, v46;
	v48, _, _ =	vpop (xrf2);
	(xrf2) =	vadd.scan.msk.f32 $0xffff, v23  }
0x50a: {  	v2 =	vadd.f32 v2, v5;
	v8 =	vadd.f32 v33, v8;
	[tilespmem:v39+s31+$0x0] =	vst.idx.msk vm0, v48;
	v50, _, _ =	vpop (xrf2);
	(xrf2) =	vadd.scan.msk.f32 $0xffff, v3  }
0x50b: {  	v52 =	vor.u32 $0x7, v14;
	[tilespmem:v42+s31+$0x0] =	vst.idx.msk vm0, v50;
	v3, _, _ =	vpop (xrf2);
	(xrf2) =	vadd.scan.msk.f32 $0xffff, v0  }
0x50c: {  	[tilespmem:v45+s31+$0x0] =	vst.idx.msk vm0, v3;
	v0, _, _ =	vpop (xrf2);
	v3 =	vor.u32 $0x8, v11;
	(xrf2) =	vadd.scan.msk.f32 $0xffff, v8  }
0x50d: {  	v53 =	vor.u32 $0x8, v12;
	[tilespmem:v47+s31+$0x0] =	vst.idx.msk vm0, v0;
	v0, _, _ =	vpop (xrf2);
	(xrf2) =	vadd.scan.msk.f32 $0xffff, v2  }
0x50e: {  	v2, _, _ =	vpop (xrf2);
	[tilespmem:v49+s31+$0x0] =	vst.idx.msk vm0, v0;
	v0 =	vor.u32 $0x8, v13  }
0x50f: {  	v54, _, _ =	vpop (xrf2);
	[tilespmem:v51+s31+$0x0] =	vst.idx.msk vm0, v2;
	v2 =	vor.u32 $0x8, v14  }
0x510: {  	v56 =	vor.u32 $0x9, v11;
	v55, _, _ =	vpop (xrf2);
	[tilespmem:v52+s31+$0x0] =	vst.idx.msk vm0, v54  }
0x511: {  	v57, _, _ =	vpop (xrf2);
	[tilespmem:v3+s31+$0x0] =	vst.idx.msk vm0, v55;
	v3 =	vor.u32 $0x9, v12  }
0x512: {  	s2 =	sadd.s32 $0x1, s2;
	v59 =	vor.u32 $0x9, v13;
	v58, _, _ =	vpop (xrf2);
	[tilespmem:v53+s31+$0x0] =	vst.idx.msk vm0, v57  }
0x513: {  	p0 =	sne.s32 s2, $0x10;
	v60, _, _ =	vpop (xrf2);
	[tilespmem:v0+s31+$0x0] =	vst.idx.msk vm0, v58;
	v0 =	vor.u32 $0x9, v14  }
.Ltmp12:
0x514: {  	v61, _, _ =	vpop (xrf2);
	[tilespmem:v2+s31+$0x0] =	vst.idx.msk vm0, v60;
	(pc) =	sbr.rel @p0 .LBB2_22-.Ltmp12, $4  }
0x515: {  	v2, _, _ =	vpop (xrf2);
	[tilespmem:v56+s31+$0x0] =	vst.idx.msk vm0, v61  }
0x516: {  	v63, _, _ =	vpop (xrf2);
	[tilespmem:v3+s31+$0x0] =	vst.idx.msk vm0, v2  }
0x517: {  	[tilespmem:v59+s31+$0x0] =	vst.idx.msk vm0, v63;
	v2, _, _ =	vpop (xrf2)  }
0x518: {  	s9 =	sadd.s32 $0x1900, s9;
	s10 =	sadd.s32 $0x1900, s10;
	[tilespmem:v0+s31+$0x0] =	vst.idx.msk vm0, v2  }
0x519: {  	s2 =	simm.s32 $0x0;
	s9 =	rddreg [dreg:$0x11]  }
0x51a: {  	[tilespmem:s2], [sflag:$0x2] =	stream.linear.gather [hbm4b:s9+s2], $0xC80, $0x38;
	[tilespmem:$0x1F160] =	vst v63  }
0x51b: {  	_ =	swait.ge [sflag:s22], $0xC80  }
0x51c: {  	[sflag:s22] =	ssyncset.done $0x0  }
0x51d: {  	s9 =	simm.s32 $0xC80;
	[sflag:s22] =	ssyncadd.s32 $0xFFFFF380  }
0x51e: {  	[tilespmem:s9], [sflag:$0x1] =	stream.indirect.gather [hbm4b:s3+s26], $0x20, s2, s26, $0xb8;
	[tilespmem:$0x1F160] =	vst v63  }
0x51f: {  	s10 =	simm.s32 $0x1C80  }
0x520: {  	[tilespmem:s10], [sflag:$0x1] =	stream.indirect.gather [hbm4b:s3+s26], $0x20, s26, s26, $0xb8;
	[tilespmem:$0x1F160] =	vst v63  }
0x521: {  	s12 =	simm.s32 $0x100;
	s11 =	simm.s32 $0x2C80  }
0x522: {  	[tilespmem:s11], [sflag:$0x1] =	stream.indirect.gather [hbm4b:s3+s26], $0x20, s12, s26, $0xb8;
	[tilespmem:$0x1F160] =	vst v63  }
0x523: {  	s11 =	simm.s32 $0x180;
	s12 =	simm.s32 $0x3C80  }
0x524: {  	[tilespmem:s12], [sflag:$0x1] =	stream.indirect.gather [hbm4b:s3+s26], $0x20, s11, s26, $0xb8;
	[tilespmem:$0x1F160] =	vst v63  }
0x525: {  	s11 =	simm.s32 $0x200;
	s12 =	simm.s32 $0x4C80  }
0x526: {  	[tilespmem:s12], [sflag:$0x1] =	stream.indirect.gather [hbm4b:s3+s26], $0x20, s11, s26, $0xb8;
	[tilespmem:$0x1F160] =	vst v63  }
0x527: {  	s11 =	simm.s32 $0x280;
	s12 =	simm.s32 $0x5C80  }
0x528: {  	[tilespmem:s12], [sflag:$0x1] =	stream.indirect.gather [hbm4b:s3+s26], $0x20, s11, s26, $0xb8;
	[tilespmem:$0x1F160] =	vst v63  }
0x529: {  	s11 =	simm.s32 $0x300;
	s12 =	simm.s32 $0x6C80  }
0x52a: {  	[tilespmem:s12], [sflag:$0x1] =	stream.indirect.gather [hbm4b:s3+s26], $0x20, s11, s26, $0xb8;
	[tilespmem:$0x1F160] =	vst v63  }
0x52b: {  	s11 =	simm.s32 $0x380;
	s12 =	simm.s32 $0x7C80  }
0x52c: {  	[tilespmem:s12], [sflag:$0x1] =	stream.indirect.gather [hbm4b:s3+s26], $0x20, s11, s26, $0xb8;
	[tilespmem:$0x1F160] =	vst v63  }
0x52d: {  	s11 =	simm.s32 $0x400;
	s12 =	simm.s32 $0x8C80  }
0x52e: {  	[tilespmem:s12], [sflag:$0x1] =	stream.indirect.gather [hbm4b:s3+s26], $0x20, s11, s26, $0xb8;
	[tilespmem:$0x1F160] =	vst v63  }
0x52f: {  	s11 =	simm.s32 $0x480;
	s12 =	simm.s32 $0x9C80  }
0x530: {  	[tilespmem:s12], [sflag:$0x1] =	stream.indirect.gather [hbm4b:s3+s26], $0x20, s11, s26, $0xb8;
	[tilespmem:$0x1F160] =	vst v63  }
0x531: {  	s11 =	simm.s32 $0x500;
	s12 =	simm.s32 $0xAC80  }
0x532: {  	[tilespmem:s12], [sflag:$0x1] =	stream.indirect.gather [hbm4b:s3+s26], $0x20, s11, s26, $0xb8;
	[tilespmem:$0x1F160] =	vst v63  }
0x533: {  	s11 =	simm.s32 $0x580;
	s12 =	simm.s32 $0xBC80  }
0x534: {  	[tilespmem:s12], [sflag:$0x1] =	stream.indirect.gather [hbm4b:s3+s26], $0x20, s11, s26, $0xb8;
	[tilespmem:$0x1F160] =	vst v63  }
0x535: {  	s11 =	simm.s32 $0x600;
	s12 =	simm.s32 $0xCC80  }
0x536: {  	[tilespmem:s12], [sflag:$0x1] =	stream.indirect.gather [hbm4b:s3+s26], $0x20, s11, s26, $0xb8;
	[tilespmem:$0x1F160] =	vst v63  }
0x537: {  	s11 =	simm.s32 $0x680;
	s12 =	simm.s32 $0xDC80  }
0x538: {  	[tilespmem:s12], [sflag:$0x1] =	stream.indirect.gather [hbm4b:s3+s26], $0x20, s11, s26, $0xb8;
	[tilespmem:$0x1F160] =	vst v63  }
0x539: {  	s11 =	simm.s32 $0x700;
	s12 =	simm.s32 $0xEC80  }
0x53a: {  	[tilespmem:s12], [sflag:$0x1] =	stream.indirect.gather [hbm4b:s3+s26], $0x20, s11, s26, $0xb8;
	[tilespmem:$0x1F160] =	vst v63  }
0x53b: {  	s11 =	simm.s32 $0x780;
	s12 =	simm.s32 $0xFC80  }
0x53c: {  	[tilespmem:s12], [sflag:$0x1] =	stream.indirect.gather [hbm4b:s3+s26], $0x20, s11, s26, $0xb8;
	[tilespmem:$0x1F160] =	vst v63  }
0x53d: {  	s11 =	simm.s32 $0x800;
	s12 =	simm.s32 $0x10C80  }
0x53e: {  	[tilespmem:s12], [sflag:$0x1] =	stream.indirect.gather [hbm4b:s3+s26], $0x20, s11, s26, $0xb8;
	[tilespmem:$0x1F160] =	vst v63  }
0x53f: {  	s11 =	simm.s32 $0x880;
	s12 =	simm.s32 $0x11C80  }
0x540: {  	[tilespmem:s12], [sflag:$0x1] =	stream.indirect.gather [hbm4b:s3+s26], $0x20, s11, s26, $0xb8;
	[tilespmem:$0x1F160] =	vst v63  }
0x541: {  	_ = 	snop  }
0x542: {  	[tilespmem:s5], [sflag:$0x1] =	stream.indirect.gather [hbm4b:s3+s26], $0x20, s4, s26, $0xb8;
	[tilespmem:$0x1F160] =	vst v63  }
0x543: {  	_ = 	snop  }
0x544: {  	[tilespmem:s28], [sflag:$0x1] =	stream.indirect.gather [hbm4b:s3+s26], $0x20, s13, s26, $0xb8;
	[tilespmem:$0x1F160] =	vst v63  }
0x545: {  	_ = 	snop  }
0x546: {  	[tilespmem:s15], [sflag:$0x1] =	stream.indirect.gather [hbm4b:s3+s26], $0x20, s14, s26, $0xb8;
	[tilespmem:$0x1F160] =	vst v63  }
0x547: {  	_ = 	snop  }
0x548: {  	[tilespmem:s29], [sflag:$0x1] =	stream.indirect.gather [hbm4b:s3+s26], $0x20, s16, s26, $0xb8;
	[tilespmem:$0x1F160] =	vst v63  }
0x549: {  	_ = 	snop  }
0x54a: {  	[tilespmem:s17], [sflag:$0x1] =	stream.indirect.gather [hbm4b:s3+s26], $0x20, s6, s26, $0xb8;
	[tilespmem:$0x1F160] =	vst v63  }
0x54b: {  	_ = 	snop  }
0x54c: {  	[tilespmem:s18], [sflag:$0x1] =	stream.indirect.gather [hbm4b:s3+s26], $0x20, s30, s26, $0xb8;
	[tilespmem:$0x1F160] =	vst v63  }
0x54d: {  	_ = 	snop  }
0x54e: {  	[tilespmem:s7], [sflag:$0x1] =	stream.indirect.gather [hbm4b:s3+s26], $0x20, s19, s26, $0xb8;
	[tilespmem:$0x1F160] =	vst v63  }
0x54f: {  	_ =	swait.ge [sflag:s20], $0x19000  }
0x550: {  	[sflag:s20] =	ssyncset.done $0x0  }
0x551: {  	s10 =	simm.s32 $0x1900;
	[sflag:s20] =	ssyncadd.s32 $0xFFFE7000  }
.LBB2_28:
0x552: {  	s12 =	simm.s32 $0xC80  }
0x553: {  	v16 =	vld [tilespmem:s12+$0x1B310]  }
0x554: {  	v10 =	vmov s9;
	v6 =	vld [tilespmem:s12+$0x1A690]  }
0x555: {  	v7 =	vld [tilespmem:s12+$0x19A10]  }
0x556: {  	v12 =	vld [tilespmem:s12+$0x1A040]  }
0x557: {  	v9 =	vld [tilespmem:s12+$0x1ACD0]  }
0x558: {  	v13 =	vld [tilespmem:s12+$0x1A050]  }
0x559: {  	v17 =	vld.idx.msk [tilespmem:v10+s12+$0x650 ss:$0x1], $0xffff  }
0x55a: {  	v31 =	vld [tilespmem:s12+$0x19A00]  }
0x55b: {  	v11 =	vld.idx.msk [tilespmem:v10+s12+$0xFFFFF9D0 ss:$0x1], $0xffff  }
0x55c: {  	v27 =	vld.idx.msk [tilespmem:v10+s12+$0xFFFFF390 ss:$0x1], $0xffff  }
0x55d: {  	v26 =	vimm.f32 $0.0e+00;
	v30 =	vld [tilespmem:s12+$0x1A680]  }
0x55e: {  	v46 =	vimm.f32 $0.0e+00;
	v5 =	vld.idx.msk [tilespmem:v10+s12+$0x640 ss:$0x1], $0xffff;
	v8 =	vmul.f32 v7, v17;
	v22 =	vmul.f32 v9, v17  }
0x55f: {  	v35 =	vimm.f32 $0.0e+00;
	v18 =	vld.idx.msk [tilespmem:v10+s12+$0x10 ss:$0x1], $0xffff;
	v2 =	vmul.f32 v16, v17;
	v41 =	vmul.f32 v6, v17  }
0x560: {  	v43 =	vimm.f32 $0.0e+00;
	v28 =	vld.idx.msk [tilespmem:v10+s12+$0x0 ss:$0x1], $0xffff;
	v38 =	vmul.f32 v7, v11;
	v0 =	vmul.f32 v16, v11  }
0x561: {  	v37 =	vimm.f32 $0.0e+00;
	v21 =	vmul.f32 v6, v27;
	v4 =	vmul.f32 v9, v11  }
0x562: {  	v32 =	vimm.f32 $0.0e+00;
	v14 =	vld [tilespmem:s12+$0x1ACC0];
	v24 =	vmul.f32 v7, v27;
	v3 =	vmul.f32 v16, v27  }
0x563: {  	v34 =	vimm.f32 $0.0e+00;
	v33 =	vld.idx.msk [tilespmem:v10+s12+$0xFFFFF380 ss:$0x1], $0xffff;
	v19 =	vmul.f32 v12, v5;
	v20 =	vmul.f32 v31, v5  }
0x564: {  	v44 =	vimm.f32 $0.0e+00;
	v15 =	vmul.f32 v9, v27;
	v9 =	vmul.f32 v9, v18  }
0x565: {  	v39 =	vmul.f32 v13, v18;
	v40 =	vadd.f32 v20, v26;
	v20 =	vmul.f32 v30, v28  }
0x566: {  	v42 =	vimm.f32 $0.0e+00;
	v23 =	vmul.f32 v6, v18;
	v25 =	vmul.f32 v30, v5  }
0x567: {  	v29 =	vmul.f32 v31, v28;
	v52 =	vmul.f32 v14, v5;
	v20 =	vadd.f32 v20, v26  }
0x568: {  	v36 =	vimm.f32 $0.0e+00;
	v51 =	vmul.f32 v12, v33;
	v17 =	vmul.f32 v13, v17  }
0x569: {  	v48 =	vmul.f32 v7, v18;
	v49 =	vmul.f32 v31, v33;
	v7 =	vadd.f32 v23, v20;
	v20 =	vld.idx.msk [tilespmem:v10+s12+$0xFFFFF9C0 ss:$0x1], $0xffff  }
0x56a: {  	v50 =	vmul.f32 v12, v28;
	v54 =	vmul.f32 v14, v28;
	v19 =	vadd.f32 v19, v26  }
0x56b: {  	v53 =	vadd.f32 v25, v26;
	v47 =	vadd.f32 v29, v26;
	v25 =	vmul.f32 v16, v18  }
0x56c: {  	v29 =	vimm.f32 $0.0e+00;
	v18 =	vimm.f32 $0.0e+00;
	v16 =	vadd.f32 v17, v19  }
0x56d: {  	s11 =	simm.s32 $0x3280;
	v45 =	vld [tilespmem:s12+$0x1B300];
	v17 =	vimm.f32 $0.0e+00;
	v19 =	vimm.f32 $0.0e+00;
	v23 =	vimm.f32 $0.0e+00  }
.LBB2_29:
0x56e: {  	s12 =	sshra.s32 s11, $0x2;
	p0 =	sne.s32 s11, $0x4A80;
	s11 =	sadd.s32 $0x80, s11;
	v31 =	vmul.f32 v31, v20;
	v53 =	vadd.f32 v41, v53;
	v26 =	vadd.f32 v52, v26  }
0x56f: {  	v41 =	vmul.f32 v13, v27;
	v27 =	vmul.f32 v30, v33;
	v55 =	vld [tilespmem:s12+$0x1B310];
	v46 =	vadd.f32 v54, v46  }
0x570: {  	v43 =	vadd.f32 v51, v43;
	v51 =	vmul.f32 v14, v33;
	v52 =	vld [tilespmem:s12+$0x1A690];
	v31 =	vadd.f32 v31, v35  }
0x571: {  	v56 =	vmul.f32 v12, v20;
	v27 =	vadd.f32 v27, v37;
	v26 =	vadd.f32 v22, v26;
	v54 =	vld [tilespmem:s12+$0x19A10]  }
0x572: {  	v22 =	vadd.f32 v50, v32;
	v57 =	vld.idx.msk [tilespmem:v10+s12+$0x650 ss:$0x1], $0xffff;
	v35 =	vadd.f32 v38, v31;
	v28 =	vmul.f32 v45, v28  }
0x573: {  	v47 =	vadd.f32 v48, v47;
	v34 =	vadd.f32 v51, v34;
	v33 =	vmul.f32 v45, v33;
	v12 =	vld [tilespmem:s12+$0x1A040]  }
0x574: {  	v30 =	vmul.f32 v30, v20;
	v44 =	vadd.f32 v56, v44;
	v48 =	vld [tilespmem:s12+$0x1ACD0];
	v23 =	vadd.f32 v28, v23  }
0x575: {  	v32 =	vadd.f32 v39, v22;
	v37 =	vadd.f32 v21, v27;
	v39 =	vmul.f32 v14, v20;
	v50 =	vld [tilespmem:s12+$0x1A050]  }
0x576: {  	v14 =	vadd.f32 v49, v42;
	v21 =	vadd.f32 v30, v36;
	v28 =	vmul.f32 v45, v20;
	v31 =	vld [tilespmem:s12+$0x19A00]  }
0x577: {  	v5 =	vmul.f32 v45, v5;
	v29 =	vadd.f32 v33, v29;
	v23 =	vadd.f32 v25, v23;
	v49 =	vld.idx.msk [tilespmem:v10+s12+$0xFFFFF9D0 ss:$0x1], $0xffff  }
0x578: {  	v6 =	vmul.f32 v6, v11;
	v34 =	vadd.f32 v15, v34;
	v25 =	vadd.f32 v8, v40;
	v27 =	vld.idx.msk [tilespmem:v10+s12+$0xFFFFF390 ss:$0x1], $0xffff  }
0x579: {  	v15 =	vadd.f32 v5, v18;
	v8 =	vmul.f32 v54, v57;
	v20 =	vld.idx.msk [tilespmem:v10+s12+$0xFFFFF9C0 ss:$0x1], $0xffff;
	v22 =	vmul.f32 v48, v57  }
0x57a: {  	v43 =	vadd.f32 v41, v43;
	v46 =	vadd.f32 v9, v46;
	v40 =	vmul.f32 v55, v57;
	v5 =	vld.idx.msk [tilespmem:v10+s12+$0x640 ss:$0x1], $0xffff  }
0x57b: {  	v9 =	vmul.f32 v13, v11;
	v42 =	vadd.f32 v24, v14;
	v11 =	vadd.f32 v28, v17;
	v45 =	vld.idx.msk [tilespmem:v10+s12+$0x10 ss:$0x1], $0xffff  }
0x57c: {  	v36 =	vadd.f32 v6, v21;
	v6 =	vmovc v52;
	v18 =	vadd.f32 v2, v15;
	v41 =	vmul.f32 v52, v57;
	v14 =	vld [tilespmem:s12+$0x1ACC0]  }
0x57d: {  	v29 =	vadd.f32 v3, v29;
	v38 =	vmul.f32 v54, v49;
	v51 =	vmul.f32 v55, v49;
	v28 =	vld.idx.msk [tilespmem:v10+s12+$0x0 ss:$0x1], $0xffff  }
0x57e: {  	v44 =	vadd.f32 v9, v44;
	v13 =	vmovc v50;
	v52 =	vmul.f32 v48, v49;
	v21 =	vmul.f32 v6, v27;
	v30 =	vld [tilespmem:s12+$0x1A680]  }
0x57f: {  	v39 =	vadd.f32 v39, v19;
	v24 =	vmul.f32 v54, v27;
	v3 =	vmul.f32 v55, v27;
	v33 =	vld.idx.msk [tilespmem:v10+s12+$0xFFFFF380 ss:$0x1], $0xffff  }
0x580: {  	v17 =	vadd.f32 v0, v11;
	v11 =	vmovc v49;
	v15 =	vmul.f32 v48, v27;
	v50 =	vmul.f32 v12, v5  }
0x581: {  	v19 =	vadd.f32 v4, v39;
	v2 =	vmovc v40;
	v49 =	vmul.f32 v31, v5;
	v9 =	vmul.f32 v48, v45  }
0x582: {  	v0 =	vmovc v51;
	v4 =	vmov v52;
	v39 =	vmul.f32 v13, v45;
	v56 =	vmul.f32 v6, v45  }
0x583: {  	v40 =	vadd.f32 v49, v25;
	v25 =	vmul.f32 v30, v28;
	v48 =	vmul.f32 v30, v5  }
.Ltmp13:
0x584: {  	v16 =	vadd.f32 v50, v16;
	v52 =	vmul.f32 v14, v5;
	v49 =	vmul.f32 v31, v28;
	(pc) =	sbr.rel @p0 .LBB2_29-.Ltmp13, $4  }
0x585: {  	v51 =	vmul.f32 v12, v33;
	v7 =	vadd.f32 v25, v7;
	v53 =	vadd.f32 v48, v53  }
0x586: {  	v47 =	vadd.f32 v49, v47;
	v48 =	vmul.f32 v54, v45;
	v54 =	vmul.f32 v13, v57  }
0x587: {  	v49 =	vmul.f32 v31, v33;
	v25 =	vmul.f32 v55, v45;
	v7 =	vadd.f32 v56, v7  }
0x588: {  	v50 =	vmul.f32 v12, v28;
	v16 =	vadd.f32 v54, v16;
	v54 =	vmul.f32 v14, v28;
	v45 =	vld [tilespmem:s12+$0x1B300]  }
0x589: {  	v10 =	vmul.f32 v31, v20  }
0x58a: {  	v31 =	vadd.f32 v41, v53;
	v56 =	vadd.f32 v49, v42  }
0x58b: {  	v26 =	vadd.f32 v52, v26;
	v57 =	vmul.f32 v30, v33;
	v10 =	vadd.f32 v10, v35  }
0x58c: {  	v59 =	vadd.f32 v51, v43;
	v12 =	vmul.f32 v12, v20;
	v24 =	vadd.f32 v24, v56  }
0x58d: {  	v27 =	vmul.f32 v13, v27;
	v60 =	vadd.f32 v48, v47;
	v10 =	vadd.f32 v38, v10  }
0x58e: {  	v8 =	vadd.f32 v8, v40;
	v13 =	vmul.f32 v13, v11;
	v58 =	vadd.f32 v54, v46;
	(xrf2) =	vadd.scan.msk.f32 $0xffff, v24  }
0x58f: {  	s11 =	sshll.u32 s2, $0x6;
	v6 =	vmul.f32 v6, v11;
	v12 =	vadd.f32 v12, v44;
	v27 =	vadd.f32 v27, v59;
	(xrf2) =	vadd.scan.msk.f32 $0xffff, v10  }
0x590: {  	s12 =	sor.u32 $0x400, s11;
	v22 =	vadd.f32 v22, v26;
	v26 =	vmul.f32 v30, v20;
	v24 =	vadd.f32 v50, v32;
	(xrf2) =	vadd.scan.msk.f32 $0xffff, v60  }
0x591: {  	v35 =	vadd.f32 v57, v37;
	v11 =	vmov s12;
	v12 =	vadd.f32 v13, v12;
	(xrf2) =	vadd.scan.msk.f32 $0xffff, v8  }
0x592: {  	v26 =	vadd.f32 v26, v36;
	v10 =	vmul.f32 v14, v33;
	v13 =	vadd.f32 v39, v24;
	(xrf2) =	vadd.scan.msk.f32 $0xffff, v27  }
0x593: {  	v9 =	vadd.f32 v9, v58;
	v21 =	vadd.f32 v21, v35;
	v14 =	vmul.f32 v14, v20;
	(xrf2) =	vadd.scan.msk.f32 $0xffff, v12  }
0x594: {  	s12 =	sor.u32 $0x410, s11;
	v5 =	vmul.f32 v45, v5;
	v6 =	vadd.f32 v6, v26;
	v10 =	vadd.f32 v10, v34;
	(xrf2) =	vadd.scan.msk.f32 $0xffff, v13  }
0x595: {  	v8 =	vmul.f32 v45, v28;
	v19 =	vadd.f32 v14, v19;
	v12 =	vmov s12;
	s12 =	sor.u32 $0x420, s11;
	(xrf2) =	vadd.scan.msk.f32 $0xffff, v16  }
0x596: {  	v24 =	vmul.f32 v45, v33;
	v5 =	vadd.f32 v5, v18;
	s11 =	sor.u32 $0x430, s11;
	v13 =	vmov s12;
	(xrf2) =	vadd.scan.msk.f32 $0xffff, v21  }
0x597: {  	v8 =	vadd.f32 v8, v23;
	v4 =	vadd.f32 v4, v19;
	v14 =	vmov s11;
	(xrf2) =	vadd.scan.msk.f32 $0xffff, v6  }
0x598: {  	v16 =	vmul.f32 v45, v20;
	v6 =	vadd.f32 v15, v10;
	v10, _, _ =	vpop (xrf2);
	v15 =	vor.u32 $0x1, v11;
	(xrf2) =	vadd.scan.msk.f32 $0xffff, v7  }
0x599: {  	v20 =	vadd.f32 v24, v29;
	[tilespmem:v11+s31+$0x0] =	vst.idx.msk vm0, v10;
	v10 =	vor.u32 $0x1, v12;
	v7, _, _ =	vpop (xrf2);
	(xrf2) =	vadd.scan.msk.f32 $0xffff, v31  }
0x59a: {  	v18 =	vor.u32 $0x1, v13;
	[tilespmem:v12+s31+$0x0] =	vst.idx.msk vm0, v7;
	v7, _, _ =	vpop (xrf2);
	(xrf2) =	vadd.scan.msk.f32 $0xffff, v6;
	v6 =	vadd.f32 v16, v17  }
0x59b: {  	v3 =	vadd.f32 v3, v20;
	v16 =	vor.u32 $0x1, v14;
	[tilespmem:v13+s31+$0x0] =	vst.idx.msk vm0, v7;
	v7, _, _ =	vpop (xrf2);
	(xrf2) =	vadd.scan.msk.f32 $0xffff, v4  }
0x59c: {  	[tilespmem:v14+s31+$0x0] =	vst.idx.msk vm0, v7;
	v4, _, _ =	vpop (xrf2);
	v7 =	vor.u32 $0x2, v11;
	(xrf2) =	vadd.scan.msk.f32 $0xffff, v9;
	v0 =	vadd.f32 v0, v6  }
0x59d: {  	v2 =	vadd.f32 v2, v5;
	v6 =	vor.u32 $0x2, v12;
	[tilespmem:v15+s31+$0x0] =	vst.idx.msk vm0, v4;
	v4, _, _ =	vpop (xrf2);
	(xrf2) =	vadd.scan.msk.f32 $0xffff, v22  }
0x59e: {  	v8 =	vadd.f32 v25, v8;
	v9 =	vor.u32 $0x2, v13;
	[tilespmem:v10+s31+$0x0] =	vst.idx.msk vm0, v4;
	v4, _, _ =	vpop (xrf2);
	(xrf2) =	vadd.scan.msk.f32 $0xffff, v3  }
0x59f: {  	[tilespmem:v18+s31+$0x0] =	vst.idx.msk vm0, v4;
	v3, _, _ =	vpop (xrf2);
	v4 =	vor.u32 $0x2, v14;
	(xrf2) =	vadd.scan.msk.f32 $0xffff, v0  }
0x5a0: {  	[tilespmem:v16+s31+$0x0] =	vst.idx.msk vm0, v3;
	v0, _, _ =	vpop (xrf2);
	v3 =	vor.u32 $0x3, v11;
	(xrf2) =	vadd.scan.msk.f32 $0xffff, v8  }
0x5a1: {  	v5 =	vor.u32 $0x3, v12;
	[tilespmem:v7+s31+$0x0] =	vst.idx.msk vm0, v0;
	v0, _, _ =	vpop (xrf2);
	(xrf2) =	vadd.scan.msk.f32 $0xffff, v2  }
0x5a2: {  	v2, _, _ =	vpop (xrf2);
	[tilespmem:v6+s31+$0x0] =	vst.idx.msk vm0, v0;
	v0 =	vor.u32 $0x3, v13  }
0x5a3: {  	v6, _, _ =	vpop (xrf2);
	[tilespmem:v9+s31+$0x0] =	vst.idx.msk vm0, v2;
	v2 =	vor.u32 $0x3, v14  }
0x5a4: {  	v7, _, _ =	vpop (xrf2);
	[tilespmem:v4+s31+$0x0] =	vst.idx.msk vm0, v6;
	v4 =	vor.u32 $0x4, v11  }
0x5a5: {  	v6, _, _ =	vpop (xrf2);
	[tilespmem:v3+s31+$0x0] =	vst.idx.msk vm0, v7;
	v3 =	vor.u32 $0x4, v12  }
0x5a6: {  	v7, _, _ =	vpop (xrf2);
	[tilespmem:v5+s31+$0x0] =	vst.idx.msk vm0, v6;
	v5 =	vor.u32 $0x4, v13  }
0x5a7: {  	v6, _, _ =	vpop (xrf2);
	[tilespmem:v0+s31+$0x0] =	vst.idx.msk vm0, v7;
	v0 =	vor.u32 $0x4, v14  }
0x5a8: {  	v7, _, _ =	vpop (xrf2);
	[tilespmem:v2+s31+$0x0] =	vst.idx.msk vm0, v6  }
0x5a9: {  	v2, _, _ =	vpop (xrf2);
	[tilespmem:v4+s31+$0x0] =	vst.idx.msk vm0, v7  }
0x5aa: {  	v4, _, _ =	vpop (xrf2);
	[tilespmem:v3+s31+$0x0] =	vst.idx.msk vm0, v2  }
0x5ab: {  	[tilespmem:v5+s31+$0x0] =	vst.idx.msk vm0, v4;
	v2, _, _ =	vpop (xrf2)  }
0x5ac: {  	s12 =	simm.s32 $0x0;
	[tilespmem:v0+s31+$0x0] =	vst.idx.msk vm0, v2  }
0x5ad: {  	v7 =	vmov s10;
	v20 =	vld [tilespmem:s12+$0x1DED0]  }
0x5ae: {  	v6 =	vld [tilespmem:s12+$0x1D250]  }
0x5af: {  	v9 =	vld [tilespmem:s12+$0x1C5D0]  }
0x5b0: {  	v15 =	vld [tilespmem:s12+$0x1CC00]  }
0x5b1: {  	v16 =	vld [tilespmem:s12+$0x1D890]  }
0x5b2: {  	v21 =	vld.idx.msk [tilespmem:v7+s12+$0x650 ss:$0x1], $0xffff  }
0x5b3: {  	v17 =	vld [tilespmem:s12+$0x1CC10]  }
0x5b4: {  	v10 =	vld.idx.msk [tilespmem:v7+s12+$0xFFFFF9D0 ss:$0x1], $0xffff  }
0x5b5: {  	v30 =	vld.idx.msk [tilespmem:v7+s12+$0xFFFFF390 ss:$0x1], $0xffff  }
0x5b6: {  	v34 =	vld [tilespmem:s12+$0x1C5C0]  }
0x5b7: {  	v5 =	vld.idx.msk [tilespmem:v7+s12+$0x640 ss:$0x1], $0xffff;
	v8 =	vmul.f32 v9, v21  }
0x5b8: {  	v49 =	vimm.f32 $0.0e+00;
	v32 =	vld [tilespmem:s12+$0x1D240];
	v23 =	vmul.f32 v16, v21;
	v2 =	vmul.f32 v20, v21  }
0x5b9: {  	v47 =	vimm.f32 $0.0e+00;
	v22 =	vld.idx.msk [tilespmem:v7+s12+$0x10 ss:$0x1], $0xffff;
	v45 =	vmul.f32 v6, v21;
	v42 =	vmul.f32 v9, v10  }
0x5ba: {  	v41 =	vimm.f32 $0.0e+00;
	v18 =	vld [tilespmem:s12+$0x1D880];
	v0 =	vmul.f32 v20, v10;
	v26 =	vmul.f32 v6, v30  }
0x5bb: {  	v48 =	vimm.f32 $0.0e+00;
	v31 =	vld.idx.msk [tilespmem:v7+s12+$0x0 ss:$0x1], $0xffff;
	v4 =	vmul.f32 v16, v10;
	v28 =	vmul.f32 v9, v30  }
0x5bc: {  	v40 =	vimm.f32 $0.0e+00;
	v37 =	vld.idx.msk [tilespmem:v7+s12+$0xFFFFF380 ss:$0x1], $0xffff;
	v3 =	vmul.f32 v20, v30;
	v24 =	vmul.f32 v15, v5  }
0x5bd: {  	v46 =	vimm.f32 $0.0e+00;
	v19 =	vmul.f32 v16, v30;
	v25 =	vmul.f32 v34, v5  }
0x5be: {  	v36 =	vimm.f32 $0.0e+00;
	v16 =	vmul.f32 v16, v22;
	v43 =	vmul.f32 v17, v22  }
0x5bf: {  	v38 =	vimm.f32 $0.0e+00;
	v27 =	vmul.f32 v6, v22;
	v61 =	vmul.f32 v32, v5  }
0x5c0: {  	v35 =	vimm.f32 $0.0e+00;
	v63 =	vmul.f32 v34, v31;
	v56 =	vmul.f32 v18, v5  }
0x5c1: {  	v39 =	vimm.f32 $0.0e+00;
	v55 =	vmul.f32 v15, v37;
	v21 =	vmul.f32 v17, v21  }
0x5c2: {  	v29 =	vimm.f32 $0.0e+00;
	v52 =	vmul.f32 v9, v22;
	v53 =	vmul.f32 v34, v37  }
0x5c3: {  	v33 =	vmul.f32 v20, v22;
	v22 =	vld.idx.msk [tilespmem:v7+s12+$0xFFFFF9C0 ss:$0x1], $0xffff;
	v44 =	vadd.f32 v25, v29;
	v25 =	vmul.f32 v32, v31  }
0x5c4: {  	v54 =	vmul.f32 v15, v31;
	v24 =	vadd.f32 v24, v29;
	v57 =	vadd.f32 v61, v29  }
0x5c5: {  	v58 =	vmul.f32 v18, v31;
	v51 =	vadd.f32 v63, v29;
	v25 =	vadd.f32 v25, v29  }
0x5c6: {  	v20 =	vadd.f32 v21, v24;
	v24 =	vimm.f32 $0.0e+00;
	v21 =	vimm.f32 $0.0e+00  }
0x5c7: {  	s11 =	simm.s32 $0x80;
	v50 =	vld [tilespmem:s12+$0x1DEC0];
	v9 =	vadd.f32 v27, v25;
	v27 =	vimm.f32 $0.0e+00;
	v25 =	vimm.f32 $0.0e+00  }
.LBB2_31:
0x5c8: {  	s12 =	sshra.s32 s11, $0x2;
	p0 =	sne.s32 s11, $0x1880;
	s11 =	sadd.s32 $0x80, s11;
	v34 =	vmul.f32 v34, v22;
	v57 =	vadd.f32 v45, v57;
	v29 =	vadd.f32 v56, v29  }
0x5c9: {  	v45 =	vmul.f32 v17, v30;
	v30 =	vmul.f32 v32, v37;
	v59 =	vld [tilespmem:s12+$0x1DED0];
	v49 =	vadd.f32 v58, v49  }
0x5ca: {  	v47 =	vadd.f32 v55, v47;
	v55 =	vmul.f32 v18, v37;
	v56 =	vld [tilespmem:s12+$0x1D250];
	v34 =	vadd.f32 v34, v39  }
0x5cb: {  	v60 =	vmul.f32 v15, v22;
	v30 =	vadd.f32 v30, v41;
	v29 =	vadd.f32 v23, v29;
	v58 =	vld [tilespmem:s12+$0x1C5D0]  }
0x5cc: {  	v23 =	vadd.f32 v54, v36;
	v61 =	vld.idx.msk [tilespmem:v7+s12+$0x650 ss:$0x1], $0xffff;
	v39 =	vadd.f32 v42, v34;
	v31 =	vmul.f32 v50, v31  }
0x5cd: {  	v51 =	vadd.f32 v52, v51;
	v38 =	vadd.f32 v55, v38;
	v37 =	vmul.f32 v50, v37;
	v15 =	vld [tilespmem:s12+$0x1CC00]  }
0x5ce: {  	v32 =	vmul.f32 v32, v22;
	v48 =	vadd.f32 v60, v48;
	v52 =	vld [tilespmem:s12+$0x1D890];
	v27 =	vadd.f32 v31, v27  }
0x5cf: {  	v36 =	vadd.f32 v43, v23;
	v41 =	vadd.f32 v26, v30;
	v43 =	vmul.f32 v18, v22;
	v54 =	vld [tilespmem:s12+$0x1CC10]  }
0x5d0: {  	v18 =	vadd.f32 v53, v46;
	v26 =	vadd.f32 v32, v40;
	v31 =	vmul.f32 v50, v22;
	v34 =	vld [tilespmem:s12+$0x1C5C0]  }
0x5d1: {  	v5 =	vmul.f32 v50, v5;
	v32 =	vadd.f32 v37, v35;
	v27 =	vadd.f32 v33, v27;
	v53 =	vld.idx.msk [tilespmem:v7+s12+$0xFFFFF9D0 ss:$0x1], $0xffff  }
0x5d2: {  	v6 =	vmul.f32 v6, v10;
	v38 =	vadd.f32 v19, v38;
	v33 =	vadd.f32 v8, v44;
	v30 =	vld.idx.msk [tilespmem:v7+s12+$0xFFFFF390 ss:$0x1], $0xffff  }
0x5d3: {  	v19 =	vadd.f32 v5, v24;
	v8 =	vmul.f32 v58, v61;
	v22 =	vld.idx.msk [tilespmem:v7+s12+$0xFFFFF9C0 ss:$0x1], $0xffff;
	v23 =	vmul.f32 v52, v61  }
0x5d4: {  	v47 =	vadd.f32 v45, v47;
	v49 =	vadd.f32 v16, v49;
	v44 =	vmul.f32 v59, v61;
	v5 =	vld.idx.msk [tilespmem:v7+s12+$0x640 ss:$0x1], $0xffff  }
0x5d5: {  	v10 =	vmul.f32 v17, v10;
	v46 =	vadd.f32 v28, v18;
	v16 =	vadd.f32 v31, v21;
	v50 =	vld.idx.msk [tilespmem:v7+s12+$0x10 ss:$0x1], $0xffff  }
0x5d6: {  	v40 =	vadd.f32 v6, v26;
	v6 =	vmovc v56;
	v24 =	vadd.f32 v2, v19;
	v45 =	vmul.f32 v56, v61;
	v18 =	vld [tilespmem:s12+$0x1D880]  }
0x5d7: {  	v35 =	vadd.f32 v3, v32;
	v42 =	vmul.f32 v58, v53;
	v55 =	vmul.f32 v59, v53;
	v31 =	vld.idx.msk [tilespmem:v7+s12+$0x0 ss:$0x1], $0xffff  }
0x5d8: {  	v48 =	vadd.f32 v10, v48;
	v17 =	vmovc v54;
	v56 =	vmul.f32 v52, v53;
	v26 =	vmul.f32 v6, v30;
	v32 =	vld [tilespmem:s12+$0x1D240]  }
0x5d9: {  	v43 =	vadd.f32 v43, v25;
	v28 =	vmul.f32 v58, v30;
	v3 =	vmul.f32 v59, v30;
	v37 =	vld.idx.msk [tilespmem:v7+s12+$0xFFFFF380 ss:$0x1], $0xffff  }
0x5da: {  	v21 =	vadd.f32 v0, v16;
	v10 =	vmovc v53;
	v19 =	vmul.f32 v52, v30;
	v54 =	vmul.f32 v15, v5  }
0x5db: {  	v25 =	vadd.f32 v4, v43;
	v2 =	vmovc v44;
	v53 =	vmul.f32 v34, v5;
	v16 =	vmul.f32 v52, v50  }
0x5dc: {  	v0 =	vmovc v55;
	v4 =	vmov v56;
	v43 =	vmul.f32 v17, v50;
	v60 =	vmul.f32 v6, v50  }
0x5dd: {  	v44 =	vadd.f32 v53, v33;
	v33 =	vmul.f32 v32, v31;
	v52 =	vmul.f32 v32, v5  }
.Ltmp14:
0x5de: {  	v20 =	vadd.f32 v54, v20;
	v56 =	vmul.f32 v18, v5;
	v53 =	vmul.f32 v34, v31;
	(pc) =	sbr.rel @p0 .LBB2_31-.Ltmp14, $4  }
0x5df: {  	v55 =	vmul.f32 v15, v37;
	v9 =	vadd.f32 v33, v9;
	v57 =	vadd.f32 v52, v57  }
0x5e0: {  	v51 =	vadd.f32 v53, v51;
	v52 =	vmul.f32 v58, v50;
	v58 =	vmul.f32 v17, v61  }
0x5e1: {  	v53 =	vmul.f32 v34, v37;
	v33 =	vmul.f32 v59, v50;
	v9 =	vadd.f32 v60, v9  }
0x5e2: {  	v54 =	vmul.f32 v15, v31;
	v20 =	vadd.f32 v58, v20;
	v58 =	vmul.f32 v18, v31;
	v50 =	vld [tilespmem:s12+$0x1DEC0]  }
0x5e3: {  	v7 =	vmul.f32 v34, v22  }
0x5e4: {  	v34 =	vadd.f32 v45, v57;
	v61 =	vadd.f32 v53, v46  }
0x5e5: {  	v29 =	vadd.f32 v56, v29;
	v63 =	vmul.f32 v32, v37;
	v7 =	vadd.f32 v7, v39  }
0x5e6: {  	v15 =	vmul.f32 v15, v22;
	v51 =	vadd.f32 v52, v51;
	v28 =	vadd.f32 v28, v61  }
0x5e7: {  	v30 =	vmul.f32 v17, v30;
	v8 =	vadd.f32 v8, v44;
	v7 =	vadd.f32 v42, v7  }
0x5e8: {  	v52 =	vmul.f32 v17, v10;
	v46 =	vadd.f32 v58, v49;
	v49 =	vadd.f32 v55, v47;
	(xrf2) =	vadd.scan.msk.f32 $0xffff, v28  }
0x5e9: {  	v53 =	vmul.f32 v18, v37;
	v6 =	vmul.f32 v6, v10;
	v15 =	vadd.f32 v15, v48;
	(xrf2) =	vadd.scan.msk.f32 $0xffff, v7  }
0x5ea: {  	v60 =	vor.u32 $0x5, v11;
	v54 =	vadd.f32 v54, v36;
	v30 =	vadd.f32 v30, v49;
	(xrf2) =	vadd.scan.msk.f32 $0xffff, v51  }
0x5eb: {  	v45 =	vor.u32 $0x6, v14;
	v55 =	vmul.f32 v32, v22;
	v15 =	vadd.f32 v52, v15;
	(xrf2) =	vadd.scan.msk.f32 $0xffff, v8  }
0x5ec: {  	v32 =	vor.u32 $0x5, v14;
	v39 =	vadd.f32 v63, v41;
	v57 =	vadd.f32 v43, v54;
	(xrf2) =	vadd.scan.msk.f32 $0xffff, v30  }
0x5ed: {  	v47 =	vor.u32 $0x7, v11;
	v23 =	vadd.f32 v23, v29;
	v29 =	vadd.f32 v55, v40;
	(xrf2) =	vadd.scan.msk.f32 $0xffff, v15  }
0x5ee: {  	v61 =	vmul.f32 v18, v22;
	v63 =	vor.u32 $0x5, v12;
	v59 =	vadd.f32 v26, v39;
	(xrf2) =	vadd.scan.msk.f32 $0xffff, v57  }
0x5ef: {  	v40 =	vadd.f32 v16, v46;
	v56 =	vmul.f32 v50, v31;
	v6 =	vadd.f32 v6, v29;
	(xrf2) =	vadd.scan.msk.f32 $0xffff, v20  }
0x5f0: {  	v58 =	vmul.f32 v50, v37;
	v7 =	vadd.f32 v53, v38;
	v30 =	vor.u32 $0x5, v13;
	(xrf2) =	vadd.scan.msk.f32 $0xffff, v59  }
0x5f1: {  	v5 =	vmul.f32 v50, v5;
	v17 =	vadd.f32 v61, v25;
	v37 =	vor.u32 $0x6, v11;
	(xrf2) =	vadd.scan.msk.f32 $0xffff, v6  }
0x5f2: {  	v29 =	vmul.f32 v50, v22;
	v31 =	vadd.f32 v58, v35;
	v35 =	vadd.f32 v19, v7;
	v36, _, _ =	vpop (xrf2);
	(xrf2) =	vadd.scan.msk.f32 $0xffff, v9  }
0x5f3: {  	v39 =	vor.u32 $0x6, v12;
	v4 =	vadd.f32 v4, v17;
	[tilespmem:v60+s31+$0x0] =	vst.idx.msk vm0, v36;
	v38, _, _ =	vpop (xrf2);
	(xrf2) =	vadd.scan.msk.f32 $0xffff, v34  }
0x5f4: {  	v42 =	vor.u32 $0x6, v13;
	v43 =	vadd.f32 v29, v21;
	[tilespmem:v63+s31+$0x0] =	vst.idx.msk vm0, v38;
	v41, _, _ =	vpop (xrf2);
	(xrf2) =	vadd.scan.msk.f32 $0xffff, v35  }
0x5f5: {  	v5 =	vadd.f32 v5, v24;
	v3 =	vadd.f32 v3, v31;
	[tilespmem:v30+s31+$0x0] =	vst.idx.msk vm0, v41;
	v44, _, _ =	vpop (xrf2);
	(xrf2) =	vadd.scan.msk.f32 $0xffff, v4  }
0x5f6: {  	v8 =	vadd.f32 v56, v27;
	v0 =	vadd.f32 v0, v43;
	[tilespmem:v32+s31+$0x0] =	vst.idx.msk vm0, v44;
	v46, _, _ =	vpop (xrf2);
	(xrf2) =	vadd.scan.msk.f32 $0xffff, v40  }
0x5f7: {  	v49 =	vor.u32 $0x7, v12;
	v51 =	vor.u32 $0x7, v13;
	[tilespmem:v37+s31+$0x0] =	vst.idx.msk vm0, v46;
	v48, _, _ =	vpop (xrf2);
	(xrf2) =	vadd.scan.msk.f32 $0xffff, v23  }
0x5f8: {  	v2 =	vadd.f32 v2, v5;
	v8 =	vadd.f32 v33, v8;
	[tilespmem:v39+s31+$0x0] =	vst.idx.msk vm0, v48;
	v50, _, _ =	vpop (xrf2);
	(xrf2) =	vadd.scan.msk.f32 $0xffff, v3  }
0x5f9: {  	v52 =	vor.u32 $0x7, v14;
	[tilespmem:v42+s31+$0x0] =	vst.idx.msk vm0, v50;
	v3, _, _ =	vpop (xrf2);
	(xrf2) =	vadd.scan.msk.f32 $0xffff, v0  }
0x5fa: {  	[tilespmem:v45+s31+$0x0] =	vst.idx.msk vm0, v3;
	v0, _, _ =	vpop (xrf2);
	v3 =	vor.u32 $0x8, v11;
	(xrf2) =	vadd.scan.msk.f32 $0xffff, v8  }
0x5fb: {  	v53 =	vor.u32 $0x8, v12;
	[tilespmem:v47+s31+$0x0] =	vst.idx.msk vm0, v0;
	v0, _, _ =	vpop (xrf2);
	(xrf2) =	vadd.scan.msk.f32 $0xffff, v2  }
0x5fc: {  	v2, _, _ =	vpop (xrf2);
	[tilespmem:v49+s31+$0x0] =	vst.idx.msk vm0, v0;
	v0 =	vor.u32 $0x8, v13  }
0x5fd: {  	v54, _, _ =	vpop (xrf2);
	[tilespmem:v51+s31+$0x0] =	vst.idx.msk vm0, v2;
	v2 =	vor.u32 $0x8, v14  }
0x5fe: {  	v56 =	vor.u32 $0x9, v11;
	v55, _, _ =	vpop (xrf2);
	[tilespmem:v52+s31+$0x0] =	vst.idx.msk vm0, v54  }
0x5ff: {  	v57, _, _ =	vpop (xrf2);
	[tilespmem:v3+s31+$0x0] =	vst.idx.msk vm0, v55;
	v3 =	vor.u32 $0x9, v12  }
0x600: {  	s2 =	sadd.s32 $0x1, s2;
	v59 =	vor.u32 $0x9, v13;
	v58, _, _ =	vpop (xrf2);
	[tilespmem:v53+s31+$0x0] =	vst.idx.msk vm0, v57  }
0x601: {  	p0 =	sne.s32 s2, $0x10;
	v60, _, _ =	vpop (xrf2);
	[tilespmem:v0+s31+$0x0] =	vst.idx.msk vm0, v58;
	v0 =	vor.u32 $0x9, v14  }
.Ltmp15:
0x602: {  	v61, _, _ =	vpop (xrf2);
	[tilespmem:v2+s31+$0x0] =	vst.idx.msk vm0, v60;
	(pc) =	sbr.rel @p0 .LBB2_28-.Ltmp15, $4  }
0x603: {  	v2, _, _ =	vpop (xrf2);
	[tilespmem:v56+s31+$0x0] =	vst.idx.msk vm0, v61  }
0x604: {  	v63, _, _ =	vpop (xrf2);
	[tilespmem:v3+s31+$0x0] =	vst.idx.msk vm0, v2  }
0x605: {  	[tilespmem:v59+s31+$0x0] =	vst.idx.msk vm0, v63;
	v2, _, _ =	vpop (xrf2)  }
0x606: {  	s9 =	sadd.s32 $0x1900, s9;
	s10 =	sadd.s32 $0x1900, s10;
	[tilespmem:v0+s31+$0x0] =	vst.idx.msk vm0, v2  }
0x607: {  	v0 =	vimm.s32 $0x1;
	_ =	sdelay $0x4  }
0x608: {  	v11 =	vld.idx.msk [tilespmem:v0+s21+$0x0], $0xffff  }
0x609: {  	v26 =	vld.idx.msk [tilespmem:v0+s24+$0x0], $0xffff  }
0x60a: {  	v24 =	vld.idx.msk [tilespmem:v0+s23+$0x0], $0xffff;
	v0 =	vimm.s32 $0xA;
	_ =	sdelay $0x2  }
0x60b: {  	v3 =	vimm.s32 $0x3;
	_ =	sdelay $0x1  }
0x60c: {  	v49 =	vld.idx.msk [tilespmem:v0+s23+$0x0], $0xffff;
	v0 =	vimm.s32 $0xB;
	_ =	sdelay $0x2  }
0x60d: {  	v13 =	vld.idx.msk [tilespmem:v3+s21+$0x0], $0xffff  }
0x60e: {  	v4 =	vimm.s32 $0x4;
	v28 =	vld.idx.msk [tilespmem:v3+s24+$0x0], $0xffff  }
0x60f: {  	v50 =	vld.idx.msk [tilespmem:v0+s23+$0x0], $0xffff;
	v0 =	vimm.s32 $0xC  }
0x610: {  	v30 =	vld.idx.msk [tilespmem:v3+s23+$0x0], $0xffff;
	v3 =	vimm.s32 $0xE;
	_ =	sdelay $0x1  }
0x611: {  	s2 =	simm.s32 $0x0  }
0x612: {  	v22 =	vor.u32 s2, v62;
	v14 =	vld.idx.msk [tilespmem:v4+s21+$0x0], $0xffff  }
0x613: {  	v32 =	vld.idx.msk [tilespmem:v0+s23+$0x0], $0xffff;
	v0 =	vshll.u32 v22, $0x4  }
0x614: {  	v51 =	vld.idx.msk [tilespmem:v3+s23+$0x0], $0xffff;
	v3 =	vor.u32 $0x1, v0  }
0x615: {  	v29 =	vld.idx.msk [tilespmem:v4+s24+$0x0], $0xffff  }
0x616: {  	v23 =	vld.idx.msk [tilespmem:v4+s23+$0x0], $0xffff;
	v4 =	vimm.s32 $0xF;
	_ =	sdelay $0x2  }
0x617: {  	v3 =	vld.idx.msk [tilespmem:v3+s31+$0x0], $0xffff;
	_ =	sdelay $0x1  }
0x618: {  	v52 =	vld.idx.msk [tilespmem:v4+s23+$0x0], $0xffff;
	v4 =	vimm.s32 $0x10;
	_ =	sdelay $0x1  }
0x619: {  	v10 =	vld.msk [tilespmem:s21+$0x0], $0xffff;
	v2 =	vimm.s32 $0x2  }
0x61a: {  	v20 =	vld.msk [tilespmem:s24+$0x0], $0xffff;
	[tilespmem:$0x1FEB0] =	vst v11;
	v3 =	vadd.f32 v3, v11;
	v11 =	vimm.s32 $0x16  }
0x61b: {  	v6 =	vimm.s32 $0x6;
	v21 =	vld.msk [tilespmem:s23+$0x0], $0xffff  }
0x61c: {  	v54 =	vld.idx.msk [tilespmem:v4+s23+$0x0], $0xffff  }
0x61d: {  	v5 =	vimm.s32 $0x5;
	v4 =	vld.idx.msk [tilespmem:v0+s31+$0x0], $0xffff  }
0x61e: {  	v12 =	vld.idx.msk [tilespmem:v2+s21+$0x0], $0xffff  }
0x61f: {  	v59 =	vld.idx.msk [tilespmem:v11+s23+$0x0], $0xffff;
	v11 =	vimm.s32 $0x17  }
0x620: {  	v16 =	vld.idx.msk [tilespmem:v6+s21+$0x0], $0xffff  }
0x621: {  	v33 =	vld.idx.msk [tilespmem:v6+s23+$0x0], $0xffff;
	v6 =	vimm.s32 $0x11  }
0x622: {  	v15 =	vld.idx.msk [tilespmem:v5+s21+$0x0], $0xffff;
	[tilespmem:$0x1FE90] =	vst v10;
	v4 =	vadd.f32 v4, v10;
	v10 =	vimm.s32 $0x15  }
0x623: {  	v31 =	vld.idx.msk [tilespmem:v5+s23+$0x0], $0xffff;
	v5 =	vor.u32 $0x2, v0  }
0x624: {  	v60 =	vld.idx.msk [tilespmem:v11+s23+$0x0], $0xffff;
	v11 =	vimm.s32 $0x18  }
0x625: {  	v27 =	vld.idx.msk [tilespmem:v2+s24+$0x0], $0xffff  }
0x626: {  	v55 =	vld.idx.msk [tilespmem:v6+s23+$0x0], $0xffff;
	v6 =	vimm.s32 $0x12;
	v4 =	vmax.f32 v4, $0.0e+00  }
0x627: {  	v58 =	vld.idx.msk [tilespmem:v10+s23+$0x0], $0xffff;
	v10 =	vmul.f32 v4, v21  }
0x628: {  	v7 =	vimm.s32 $0x7;
	v5 =	vld.idx.msk [tilespmem:v5+s31+$0x0], $0xffff  }
0x629: {  	[tilespmem:$0x1FF00] =	vst v20;
	v10 =	vadd.f32 v10, v20;
	v20 =	vld.idx.msk [tilespmem:v11+s23+$0x0], $0xffff;
	v11 =	vimm.s32 $0x19  }
0x62a: {  	v25 =	vld.idx.msk [tilespmem:v2+s23+$0x0], $0xffff;
	v2 =	vimm.s32 $0xD  }
0x62b: {  	v56 =	vld.idx.msk [tilespmem:v6+s23+$0x0], $0xffff;
	v6 =	vimm.s32 $0x13  }
0x62c: {  	v9 =	vimm.s32 $0x9  }
0x62d: {  	v8 =	vimm.s32 $0x8;
	v34 =	vld.idx.msk [tilespmem:v7+s23+$0x0], $0xffff  }
0x62e: {  	[tilespmem:$0x1FF30] =	vst v12;
	v5 =	vadd.f32 v5, v12;
	v12 =	vld.idx.msk [tilespmem:v11+s23+$0x0], $0xffff;
	v11 =	vimm.s32 $0x1A  }
0x62f: {  	v53 =	vld.idx.msk [tilespmem:v2+s23+$0x0], $0xffff;
	v2 =	vor.u32 $0x3, v0  }
0x630: {  	v57 =	vld.idx.msk [tilespmem:v6+s23+$0x0], $0xffff;
	v6 =	vor.u32 $0x4, v0  }
0x631: {  	v35 =	vld.idx.msk [tilespmem:v9+s23+$0x0], $0xffff;
	v39 =	vmul.f32 v4, v23  }
0x632: {  	v48 =	vld.idx.msk [tilespmem:v8+s23+$0x0], $0xffff  }
0x633: {  	[tilespmem:$0x1FF70] =	vst v29;
	v61 =	vadd.f32 v39, v29;
	v29 =	vld.idx.msk [tilespmem:v11+s23+$0x0], $0xffff;
	v11 =	vimm.s32 $0x1B  }
0x634: {  	v2 =	vld.idx.msk [tilespmem:v2+s31+$0x0], $0xffff;
	v3 =	vmax.f32 v3, $0.0e+00;
	v40 =	vmul.f32 v4, v24  }
0x635: {  	v6 =	vld.idx.msk [tilespmem:v6+s31+$0x0], $0xffff;
	v41 =	vmul.f32 v4, v25;
	v42 =	vmul.f32 v3, v31  }
0x636: {  	v17 =	vld.idx.msk [tilespmem:v7+s21+$0x0], $0xffff;
	v7 =	vor.u32 $0x5, v0;
	v43 =	vmul.f32 v3, v35;
	v4 =	vmul.f32 v4, v30  }
0x637: {  	v44 =	vmul.f32 v3, v33;
	v47 =	vmul.f32 v3, v34  }
0x638: {  	[tilespmem:$0x1FFA0] =	vst v28;
	v3 =	vmul.f32 v3, v48;
	v4 =	vadd.f32 v4, v28;
	v28 =	vld.idx.msk [tilespmem:v11+s23+$0x0], $0xffff;
	v11 =	vimm.s32 $0x1C  }
0x639: {  	v19 =	vld.idx.msk [tilespmem:v9+s21+$0x0], $0xffff;
	v9 =	vimm.s32 $0x14;
	v2 =	vadd.f32 v2, v13  }
0x63a: {  	v18 =	vld.idx.msk [tilespmem:v8+s21+$0x0], $0xffff;
	v3 =	vadd.f32 v3, v4;
	v4 =	vadd.f32 v6, v14;
	v6 =	vimm.s32 $0x1D  }
0x63b: {  	v8 =	vor.u32 $0x6, v0;
	v7 =	vld.idx.msk [tilespmem:v7+s31+$0x0], $0xffff;
	v2 =	vmax.f32 v2, $0.0e+00;
	v5 =	vmax.f32 v5, $0.0e+00  }
0x63c: {  	[tilespmem:$0x1FF40] =	vst v33;
	v63 =	vmul.f32 v5, v49;
	v45 =	vadd.f32 v41, v27;
	v46 =	vadd.f32 v40, v26  }
0x63d: {  	[tilespmem:$0x1FF90] =	vst v34;
	v34 =	vadd.f32 v43, v61;
	v10 =	vadd.f32 v42, v10;
	v61 =	vld.idx.msk [tilespmem:v11+s23+$0x0], $0xffff;
	v11 =	vimm.s32 $0x1E  }
0x63e: {  	[tilespmem:$0x1FF80] =	vst v26;
	v33 =	vmul.f32 v5, v32;
	v46 =	vadd.f32 v44, v46;
	v44 =	vadd.f32 v47, v45  }
0x63f: {  	v38 =	vor.u32 $0x8, v0;
	v26 =	vmovc v14;
	v10 =	vadd.f32 v63, v10;
	v14 =	vld.idx.msk [tilespmem:v6+s23+$0x0], $0xffff;
	v6 =	vmul.f32 v2, v52  }
0x640: {  	[tilespmem:$0x1FEA0] =	vst v13;
	v13 =	vld.idx.msk [tilespmem:v9+s23+$0x0], $0xffff;
	v9 =	vor.u32 $0x7, v0;
	v7 =	vadd.f32 v7, v15;
	v41 =	vadd.f32 v33, v44  }
0x641: {  	[tilespmem:$0x1FFC0] =	vst v49;
	v49 =	vmul.f32 v5, v51;
	v6 =	vadd.f32 v6, v10;
	v10 =	vmul.f32 v2, v55  }
0x642: {  	[tilespmem:$0x1FF20] =	vst v35;
	v35 =	vmul.f32 v5, v50;
	v4 =	vmax.f32 v4, $0.0e+00;
	v44 =	vld.idx.msk [tilespmem:v11+s23+$0x0], $0xffff;
	v11 =	vimm.s32 $0x1F  }
0x643: {  	v5 =	vmul.f32 v5, v53;
	v43 =	vmul.f32 v4, v58;
	v10 =	vadd.f32 v10, v41  }
0x644: {  	v41 =	vmovc v58;
	v58 =	vor.u32 $0x9, v0;
	v0 =	vmax.f32 v7, $0.0e+00;
	v7 =	vimm.s32 $0x22  }
0x645: {  	v8 =	vld.idx.msk [tilespmem:v8+s31+$0x0], $0xffff;
	v49 =	vadd.f32 v49, v34;
	v34 =	vmul.f32 v2, v54;
	v63 =	vadd.f32 v35, v46  }
0x646: {  	v3 =	vadd.f32 v5, v3;
	v5 =	vld.idx.msk [tilespmem:v9+s31+$0x0], $0xffff;
	v37 =	vmul.f32 v4, v13  }
0x647: {  	[tilespmem:$0x1FFB0] =	vst v48;
	v48 =	vadd.f32 v34, v63;
	v45 =	vld.idx.msk [tilespmem:v11+s23+$0x0], $0xffff;
	v11 =	vimm.s32 $0x20  }
0x648: {  	v6 =	vadd.f32 v37, v6;
	v9 =	vmul.f32 v0, v12  }
0x649: {  	v63 =	vadd.f32 v43, v48;
	v48 =	vld.idx.msk [tilespmem:v7+s23+$0x0], $0xffff;
	v7 =	vmul.f32 v2, v57  }
0x64a: {  	[tilespmem:$0x1FEC0] =	vst v21;
	v9 =	vadd.f32 v9, v6;
	v6 =	vadd.f32 v8, v16;
	v8 =	vimm.s32 $0x23  }
0x64b: {  	[tilespmem:$0x1FED0] =	vst v23;
	v5 =	vadd.f32 v5, v17;
	v2 =	vmul.f32 v2, v56  }
0x64c: {  	v23 =	vmovc v53;
	v36 =	vmovc v13;
	v42 =	vmul.f32 v4, v20;
	v7 =	vadd.f32 v7, v49;
	v46 =	vld.idx.msk [tilespmem:v11+s23+$0x0], $0xffff;
	v11 =	vimm.s32 $0x21  }
0x64d: {  	v34 =	vmovc v59;
	v59 =	vmul.f32 v4, v59;
	v21 =	vmovc v12;
	v12 =	vld.idx.msk [tilespmem:v58+s31+$0x0], $0xffff;
	v58 =	vadd.f32 v2, v3;
	v2 =	vimm.s32 $0x28  }
0x64e: {  	v33 =	vmovc v57;
	v13 =	vld.idx.msk [tilespmem:v38+s31+$0x0], $0xffff;
	v53 =	vmax.f32 v5, $0.0e+00;
	v57 =	vmul.f32 v0, v14;
	v7 =	vadd.f32 v42, v7  }
0x64f: {  	v39 =	vmovc v52;
	v52 =	vmax.f32 v6, $0.0e+00;
	v6 =	vimm.s32 $0x27;
	v49 =	vld.idx.msk [tilespmem:v8+s23+$0x0], $0xffff;
	v8 =	vmul.f32 v0, v29  }
0x650: {  	[tilespmem:$0x1FF60] =	vst v30;
	v5 =	vimm.s32 $0x25;
	v10 =	vadd.f32 v59, v10;
	v43 =	vmul.f32 v0, v28  }
0x651: {  	v3 =	vadd.f32 v57, v7;
	v47 =	vld.idx.msk [tilespmem:v11+s23+$0x0], $0xffff;
	v11 =	vadd.f32 v8, v63;
	v8 =	vmul.f32 v52, v44  }
0x652: {  	v7 =	vld.idx.msk [tilespmem:v2+s23+$0x0], $0xffff;
	v10 =	vadd.f32 v43, v10;
	v43 =	vmul.f32 v4, v60;
	v2 =	vmul.f32 v52, v46  }
0x653: {  	[tilespmem:$0x1FFF0] =	vst v50;
	v30 =	vmovc v18;
	v40 =	vmovc v56;
	v4 =	vimm.s32 $0x26;
	v56 =	vmul.f32 v52, v45;
	v59 =	vadd.f32 v8, v9  }
0x654: {  	v50 =	vld.idx.msk [tilespmem:v6+s23+$0x0], $0xffff;
	v63 =	vadd.f32 v2, v10;
	v2 =	vadd.f32 v13, v18;
	v18 =	vmul.f32 v53, v49  }
0x655: {  	v6 =	vimm.s32 $0x24;
	v8 =	vld.idx.msk [tilespmem:v5+s23+$0x0], $0xffff;
	v5 =	vmul.f32 v52, v48  }
0x656: {  	[tilespmem:$0x1FEE0] =	vst v24;
	v24 =	vmovc v28;
	v28 =	vmovc v16;
	v16 =	vadd.f32 v18, v59;
	v18 =	vadd.f32 v56, v11;
	v11 =	vimm.s32 $0x2F  }
0x657: {  	v57 =	vmul.f32 v0, v61;
	v9 =	vimm.s32 $0x2D  }
0x658: {  	v0 =	vimm.s32 $0x2E;
	v10 =	vld.idx.msk [tilespmem:v4+s23+$0x0], $0xffff;
	v4 =	vadd.f32 v12, v19;
	v3 =	vadd.f32 v5, v3  }
0x659: {  	v35 =	vmovc v54;
	v5 =	vmul.f32 v53, v50;
	v54 =	vmax.f32 v2, $0.0e+00;
	v2 =	vimm.s32 $0x29  }
0x65a: {  	v6 =	vld.idx.msk [tilespmem:v6+s23+$0x0], $0xffff;
	v12 =	vmax.f32 v4, $0.0e+00;
	v4 =	vimm.s32 $0x2B  }
0x65b: {  	[tilespmem:$0x1FFD0] =	vst v51;
	v13 =	vadd.f32 v5, v3;
	v5 =	vmul.f32 v54, v7;
	v51 =	vld.idx.msk [tilespmem:v11+s23+$0x0], $0xffff;
	v11 =	vimm.s32 $0x31  }
0x65c: {  	v3 =	vimm.s32 $0x2A;
	v9 =	vld.idx.msk [tilespmem:v9+s23+$0x0], $0xffff  }
0x65d: {  	v16 =	vadd.f32 v5, v16;
	v5 =	vld.idx.msk [tilespmem:v0+s23+$0x0], $0xffff;
	v0 =	vimm.s32 $0x2C  }
0x65e: {  	v2 =	vld.idx.msk [tilespmem:v2+s23+$0x0], $0xffff  }
0x65f: {  	[tilespmem:$0x1FF50] =	vst v27;
	v4 =	vld.idx.msk [tilespmem:v4+s23+$0x0], $0xffff  }
0x660: {  	v27 =	vmovc v15;
	v37 =	vmovc v20;
	v15 =	vadd.f32 v43, v58;
	v20 =	vmul.f32 v52, v47;
	v52 =	vld.idx.msk [tilespmem:v11+s23+$0x0], $0xffff;
	v11 =	vimm.s32 $0x30  }
0x661: {  	[tilespmem:$0x1FEF0] =	vst v25;
	v25 =	vmov v55;
	v59 =	vmul.f32 v53, v6;
	v3 =	vld.idx.msk [tilespmem:v3+s23+$0x0], $0xffff;
	v58 =	vmul.f32 v12, v9  }
0x662: {  	v42 =	vmovc v29;
	v29 =	vmov v17;
	v17 =	vadd.f32 v57, v15;
	v55 =	vmul.f32 v53, v8;
	v0 =	vld.idx.msk [tilespmem:v0+s23+$0x0], $0xffff  }
0x663: {  	[tilespmem:$0x1FFE0] =	vst v32;
	v38 =	vmov v60;
	v60 =	vadd.f32 v59, v18;
	v16 =	vadd.f32 v58, v16  }
0x664: {  	v32 =	vmovc v14;
	v17 =	vadd.f32 v20, v17;
	v14 =	vadd.f32 v55, v63;
	v63 =	vmul.f32 v54, v2  }
0x665: {  	v20 =	vmul.f32 v53, v10;
	v56 =	vmul.f32 v12, v5;
	v16 =	vsub.f32 $0.0e+00, v16;
	v53 =	vld.idx.msk [tilespmem:v11+s23+$0x0], $0xffff  }
0x666: {  	v43 =	vmovc v61;
	v61 =	vmul.f32 v54, v3;
	v15 =	vadd.f32 v63, v60;
	v60 =	vmul.f32 v54, v4  }
0x667: {  	v57 =	vadd.f32 v20, v17;
	v58 =	vmul.f32 $1.442695020e+00, v16;
	v59 =	vmul.f32 v54, v0  }
0x668: {  	v15 =	vadd.f32 v56, v15;
	v11 =	vadd.f32 v61, v14;
	v61 =	vmul.f32 v12, v51  }
0x669: {  	v63 =	vmul.f32 v12, v52;
	v13 =	vadd.f32 v59, v13;
	(erf) = vpow2.f32 v58  }
0x66a: {  	v14 =	vadd.f32 v60, v57;
	v11 =	vadd.f32 v61, v11;
	v57 =	vmul.f32 v12, v53  }
0x66b: {  	v15 =	vsub.f32 $0.0e+00, v15;
	v58 =	vadd.f32 v63, v13  }
0x66c: {  	v60 =	vsub.f32 $0.0e+00, v11;
	v59 =	vadd.f32 v57, v14  }
0x66d: {  	v11 =	vmul.f32 $1.442695020e+00, v15;
	v12 =	vsub.f32 $0.0e+00, v58  }
0x66e: {  	v61 =	vmul.f32 $1.442695020e+00, v60;
	v13 =	vsub.f32 $0.0e+00, v59  }
0x66f: {  	(erf) = vpow2.f32 v11;
	v11 =	vmul.f32 $1.442695020e+00, v12  }
0x670: {  	(erf) = vpow2.f32 v61;
	v63 =	vmul.f32 $1.442695020e+00, v13  }
0x671: {  	(erf) = vpow2.f32 v11  }
0x672: {  	s2 =	simm.s32 $0x10;
	[tilespmem:$0x1FF10] =	vst v31;
	v31 =	vmov v19;
	v54 =	vpop (erf);
	(erf) = vpow2.f32 v63  }
.LBB2_34:
0x673: {  	_ =	sdelay $0x4  }
0x674: {  	v55 =	vpop (erf)  }
0x675: {  	v11 =	vadd.f32 $1.000000000e+00, v54;
	v56 =	vpop (erf)  }
0x676: {  	v55 =	vadd.f32 $1.000000000e+00, v55;
	v57 =	vpop (erf)  }
0x677: {  	v56 =	vadd.f32 $1.000000000e+00, v56;
	(erf) = vrcp.f32 v11;
	v60 =	vpop (erf)  }
0x678: {  	(erf) = vrcp.f32 v55;
	v54 =	vadd.f32 $1.000000000e+00, v60  }
0x679: {  	v57 =	vadd.f32 $1.000000000e+00, v57;
	(erf) = vrcp.f32 v56  }
0x67a: {  	(erf) = vrcp.f32 v54  }
0x67b: {  	(erf) = vrcp.f32 v57  }
0x67c: {  	v61 =	vshll.u32 v22, $0x3  }
0x67d: {  	v63 =	vor.u32 $0x1, v61  }
0x67e: {  	v12 =	vor.u32 $0x2, v61  }
0x67f: {  	s9 =	smov.u32 s2;
	v13 =	vor.u32 $0x3, v61  }
0x680: {  	v58 =	vor.u32 $0x4, v61;
	v22 =	vor.u32 s9, v62;
	v59 =	vpop (erf)  }
0x681: {  	[tilespmem:v61+s0+$0x0] =	vst.idx.msk $0xffff, v59;
	v14 =	vpop (erf);
	v59 =	vshll.u32 v22, $0x4  }
0x682: {  	[tilespmem:v63+s0+$0x0] =	vst.idx.msk $0xffff, v14;
	v15 =	vpop (erf)  }
0x683: {  	v18 =	vor.u32 $0x4, v59;
	[tilespmem:v12+s0+$0x0] =	vst.idx.msk $0xffff, v15;
	v17 =	vpop (erf)  }
0x684: {  	[tilespmem:v13+s0+$0x0] =	vst.idx.msk $0xffff, v17;
	v19 =	vpop (erf)  }
0x685: {  	v13 =	vld [tilespmem:$0x1FE90];
	[tilespmem:v58+s0+$0x0] =	vst.idx.msk $0xffff, v19  }
0x686: {  	v54 =	vld.idx.msk [tilespmem:v59+s31+$0x0], $0xffff;
	_ =	sdelay $0x1  }
0x687: {  	v16 =	vor.u32 $0x1, v59;
	v56 =	vld.idx.msk [tilespmem:v18+s31+$0x0], $0xffff  }
0x688: {  	v18 =	vld [tilespmem:$0x1FEC0]  }
0x689: {  	v60 =	vor.u32 $0x2, v59  }
0x68a: {  	v15 =	vld [tilespmem:$0x1FF00];
	v54 =	vadd.f32 v54, v13  }
0x68b: {  	v17 =	vld [tilespmem:$0x1FEB0]  }
0x68c: {  	v61 =	vor.u32 $0x3, v59;
	v55 =	vld.idx.msk [tilespmem:v16+s31+$0x0], $0xffff;
	v54 =	vmax.f32 v54, $0.0e+00  }
0x68d: {  	v62 =	vor.u32 $0x5, v59;
	v63 =	vor.u32 $0x6, v59;
	v19 =	vmul.f32 v54, v18  }
0x68e: {  	v57 =	vor.u32 $0x7, v59;
	v11 =	vor.u32 $0x8, v59;
	v12 =	vor.u32 $0x9, v59;
	v59 =	vld.idx.msk [tilespmem:v60+s31+$0x0], $0xffff  }
0x68f: {  	v60 =	vadd.f32 v19, v15;
	v19 =	vld [tilespmem:$0x1FF10];
	_ =	sdelay $0x1  }
0x690: {  	v55 =	vadd.f32 v55, v17;
	_ =	sdelay $0x1  }
0x691: {  	v14 =	vld [tilespmem:$0x1FEF0];
	v55 =	vmax.f32 v55, $0.0e+00  }
0x692: {  	v17 =	vld [tilespmem:$0x1FED0];
	v15 =	vmul.f32 v55, v19  }
0x693: {  	v18 =	vld [tilespmem:$0x1FEE0]  }
0x694: {  	v15 =	vadd.f32 v15, v60;
	v60 =	vld [tilespmem:$0x1FF60]  }
0x695: {  	v20 =	vld [tilespmem:$0x1FFF0]  }
0x696: {  	v58 =	vld.idx.msk [tilespmem:v61+s31+$0x0], $0xffff  }
0x697: {  	v61 =	vmul.f32 v54, v17;
	v17 =	vld [tilespmem:$0x1FF30]  }
0x698: {  	v13 =	vmul.f32 v54, v18;
	v18 =	vld [tilespmem:$0x1FF50]  }
0x699: {  	v14 =	vmul.f32 v54, v14;
	v54 =	vmul.f32 v54, v60;
	v60 =	vld [tilespmem:$0x1FF70]  }
0x69a: {  	v16 =	vld [tilespmem:$0x1FEA0]  }
0x69b: {  	v11 =	vld.idx.msk [tilespmem:v11+s31+$0x0], $0xffff  }
0x69c: {  	v59 =	vadd.f32 v59, v17;
	v17 =	vld [tilespmem:$0x1FF40]  }
0x69d: {  	v14 =	vadd.f32 v14, v18;
	v18 =	vld [tilespmem:$0x1FFA0]  }
0x69e: {  	v60 =	vadd.f32 v61, v60;
	v61 =	vld [tilespmem:$0x1FF80]  }
0x69f: {  	v58 =	vadd.f32 v58, v16;
	v16 =	vld [tilespmem:$0x1FF20]  }
0x6a0: {  	v19 =	vld [tilespmem:$0x1FFC0]  }
0x6a1: {  	v12 =	vld.idx.msk [tilespmem:v12+s31+$0x0], $0xffff  }
0x6a2: {  	v54 =	vadd.f32 v54, v18;
	v18 =	vld [tilespmem:$0x1FFB0]  }
0x6a3: {  	v17 =	vmul.f32 v55, v17;
	v13 =	vadd.f32 v13, v61;
	v61 =	vld [tilespmem:$0x1FF90]  }
0x6a4: {  	v59 =	vmax.f32 v59, $0.0e+00  }
0x6a5: {  	v16 =	vmul.f32 v55, v16;
	v19 =	vmul.f32 v59, v19;
	v13 =	vadd.f32 v17, v13;
	v17 =	vld [tilespmem:$0x1FFE0]  }
0x6a6: {  	v11 =	vadd.f32 v11, v30;
	v58 =	vmax.f32 v58, $0.0e+00;
	v20 =	vmul.f32 v59, v20  }
0x6a7: {  	v15 =	vadd.f32 v19, v15;
	v16 =	vadd.f32 v16, v60;
	v60 =	vmul.f32 v58, v39  }
0x6a8: {  	v12 =	vadd.f32 v12, v31;
	v61 =	vmul.f32 v55, v61;
	v55 =	vmul.f32 v55, v18;
	v18 =	vld [tilespmem:$0x1FFD0]  }
0x6a9: {  	v62 =	vld.idx.msk [tilespmem:v62+s31+$0x0], $0xffff;
	v11 =	vmax.f32 v11, $0.0e+00;
	v19 =	vmul.f32 v59, v23;
	v15 =	vadd.f32 v60, v15  }
0x6aa: {  	v13 =	vadd.f32 v20, v13;
	v17 =	vmul.f32 v59, v17;
	v14 =	vadd.f32 v61, v14  }
0x6ab: {  	v20 =	vmul.f32 v58, v35;
	v54 =	vadd.f32 v55, v54;
	v61 =	vadd.f32 v56, v26  }
0x6ac: {  	v55 =	vld.idx.msk [tilespmem:v63+s31+$0x0], $0xffff;
	v56 =	vmul.f32 v58, v33;
	v14 =	vadd.f32 v17, v14;
	v17 =	vmul.f32 v58, v40  }
0x6ad: {  	v13 =	vadd.f32 v20, v13;
	v58 =	vmul.f32 v58, v25;
	v18 =	vmul.f32 v59, v18  }
0x6ae: {  	v57 =	vld.idx.msk [tilespmem:v57+s31+$0x0], $0xffff;
	v12 =	vmax.f32 v12, $0.0e+00;
	v19 =	vadd.f32 v19, v54;
	v59 =	vadd.f32 v62, v27  }
0x6af: {  	v14 =	vadd.f32 v58, v14;
	v16 =	vadd.f32 v18, v16;
	v18 =	vmax.f32 v61, $0.0e+00  }
0x6b0: {  	v17 =	vadd.f32 v17, v19;
	v19 =	vmul.f32 v11, v2;
	v60 =	vmul.f32 v18, v36  }
0x6b1: {  	v55 =	vadd.f32 v55, v28;
	v20 =	vmul.f32 v18, v41;
	v58 =	vmul.f32 v18, v34  }
0x6b2: {  	v59 =	vmax.f32 v59, $0.0e+00;
	v61 =	vmul.f32 v18, v38;
	v18 =	vmul.f32 v18, v37  }
0x6b3: {  	v62 =	vmul.f32 v59, v24;
	v54 =	vmax.f32 v55, $0.0e+00;
	v55 =	vadd.f32 v57, v29  }
0x6b4: {  	v57 =	vmul.f32 v12, v53;
	v15 =	vadd.f32 v60, v15;
	v13 =	vadd.f32 v20, v13  }
0x6b5: {  	v14 =	vadd.f32 v58, v14;
	v20 =	vmul.f32 v59, v32;
	v58 =	vmul.f32 v59, v21  }
0x6b6: {  	v16 =	vadd.f32 v56, v16;
	v60 =	vmul.f32 v59, v42;
	v56 =	vmul.f32 v54, v48  }
0x6b7: {  	v63 =	vmul.f32 v54, v46;
	v15 =	vadd.f32 v58, v15;
	v58 =	vmul.f32 v54, v44  }
0x6b8: {  	v16 =	vadd.f32 v18, v16;
	v18 =	vmax.f32 v55, $0.0e+00;
	v14 =	vadd.f32 v62, v14  }
0x6b9: {  	v13 =	vadd.f32 v60, v13;
	v60 =	vmul.f32 v18, v49;
	v15 =	vadd.f32 v58, v15  }
0x6ba: {  	v17 =	vadd.f32 v61, v17;
	v61 =	vmul.f32 v59, v43;
	v55 =	vmul.f32 v18, v8  }
0x6bb: {  	v14 =	vadd.f32 v63, v14;
	v63 =	vmul.f32 v11, v7;
	v15 =	vadd.f32 v60, v15  }
0x6bc: {  	v17 =	vadd.f32 v61, v17;
	v16 =	vadd.f32 v20, v16;
	v60 =	vmul.f32 v54, v45  }
0x6bd: {  	v61 =	vmul.f32 v12, v51;
	v15 =	vadd.f32 v63, v15;
	v63 =	vmul.f32 v12, v9  }
0x6be: {  	v20 =	vmul.f32 v18, v6;
	v16 =	vadd.f32 v56, v16;
	v13 =	vadd.f32 v60, v13  }
0x6bf: {  	v56 =	vmul.f32 v18, v50;
	v14 =	vadd.f32 v55, v14;
	v15 =	vadd.f32 v63, v15  }
0x6c0: {  	v55 =	vmul.f32 v11, v3;
	v13 =	vadd.f32 v20, v13;
	v20 =	vmul.f32 v54, v47  }
0x6c1: {  	v18 =	vmul.f32 v18, v10;
	v16 =	vadd.f32 v56, v16;
	v15 =	vsub.f32 $0.0e+00, v15  }
0x6c2: {  	v60 =	vmul.f32 v12, v5;
	v14 =	vadd.f32 v55, v14;
	v17 =	vadd.f32 v20, v17  }
0x6c3: {  	v63 =	vmul.f32 v11, v0;
	v13 =	vadd.f32 v19, v13;
	v15 =	vmul.f32 $1.442695020e+00, v15  }
0x6c4: {  	v12 =	vmul.f32 v12, v52;
	v11 =	vmul.f32 v11, v4;
	v17 =	vadd.f32 v18, v17  }
0x6c5: {  	v16 =	vadd.f32 v63, v16;
	v13 =	vadd.f32 v60, v13;
	(erf) = vpow2.f32 v15  }
0x6c6: {  	v14 =	vadd.f32 v61, v14;
	v11 =	vadd.f32 v11, v17  }
0x6c7: {  	v12 =	vadd.f32 v12, v16;
	v13 =	vsub.f32 $0.0e+00, v13  }
0x6c8: {  	v14 =	vsub.f32 $0.0e+00, v14;
	v11 =	vadd.f32 v57, v11  }
0x6c9: {  	p0 =	sne.s32 s2, $0x70;
	v12 =	vsub.f32 $0.0e+00, v12;
	v13 =	vmul.f32 $1.442695020e+00, v13  }
.Ltmp16:
0x6ca: {  	v14 =	vmul.f32 $1.442695020e+00, v14;
	v11 =	vsub.f32 $0.0e+00, v11;
	(pc) =	sbr.rel @p0 .LBB2_34-.Ltmp16, $4  }
0x6cb: {  	v12 =	vmul.f32 $1.442695020e+00, v12;
	(erf) = vpow2.f32 v13  }
0x6cc: {  	(erf) = vpow2.f32 v14;
	v11 =	vmul.f32 $1.442695020e+00, v11  }
0x6cd: {  	(erf) = vpow2.f32 v12  }
0x6ce: {  	s2 =	sadd.s32 $0x10, s2;
	v62 =	vlaneseq.u32;
	(erf) = vpow2.f32 v11;
	v54 =	vpop (erf)  }
0x6cf: {  	_ =	sdelay $0x3  }
0x6d0: {  	v2 =	vadd.f32 $1.000000000e+00, v54  }
0x6d1: {  	v0 =	vpop (erf)  }
0x6d2: {  	v3 =	vpop (erf)  }
0x6d3: {  	v0 =	vadd.f32 $1.000000000e+00, v0;
	v4 =	vpop (erf)  }
0x6d4: {  	v3 =	vadd.f32 $1.000000000e+00, v3;
	(erf) = vrcp.f32 v2;
	v2 =	vpop (erf)  }
0x6d5: {  	(erf) = vrcp.f32 v0;
	v2 =	vadd.f32 $1.000000000e+00, v2  }
0x6d6: {  	v0 =	vadd.f32 $1.000000000e+00, v4;
	(erf) = vrcp.f32 v3  }
0x6d7: {  	(erf) = vrcp.f32 v2  }
0x6d8: {  	(erf) = vrcp.f32 v0  }
0x6d9: {  	v0 =	vshll.u32 v22, $0x3  }
0x6da: {  	v2 =	vor.u32 $0x1, v0  }
0x6db: {  	v3 =	vor.u32 $0x2, v0  }
0x6dc: {  	v63 =	vor.u32 $0x3, v0  }
0x6dd: {  	v5 =	vor.u32 $0x4, v0;
	v6 =	vpop (erf)  }
0x6de: {  	[tilespmem:v0+s0+$0x0] =	vst.idx.msk $0xffff, v6;
	v0 =	vpop (erf)  }
0x6df: {  	[tilespmem:v2+s0+$0x0] =	vst.idx.msk $0xffff, v0;
	v0 =	vpop (erf)  }
0x6e0: {  	[tilespmem:v3+s0+$0x0] =	vst.idx.msk $0xffff, v0;
	v0 =	vpop (erf)  }
0x6e1: {  	[tilespmem:v63+s0+$0x0] =	vst.idx.msk $0xffff, v0;
	v0 =	vpop (erf)  }
0x6e2: {  	s2 =	rddreg [dreg:$0x12];
	[tilespmem:v5+s0+$0x0] =	vst.idx.msk $0xffff, v0  }
0x6e3: {  	[hbm4b:s2+s1] =	stream.linear.scatter [tilespmem:s0], [sflag:$0x2], $0x400, $0x38;
	[tilespmem:$0x1F160] =	vst v63  }
0x6e4: {  	_ =	swait.ge [sflag:s22], $0x400  }
0x6e5: {  	s8 =	sadd.s32 $0x1, s8;
	s12 =	rddreg [dreg:$0x13]  }
0x6e6: {  	p0 =	sne.s32 s8, s12  }
.Ltmp17:
0x6e7: {  	_ = 	snop;
	(pc) =	sbr.rel @p0 .LBB2_1-.Ltmp17, $3  }
0x6e8: {  	_ =	sdelay $0x1  }
0x6e9: {  	[sflag:s22] =	ssyncset.done $0x0  }
0x6ea: {  	[sflag:s22] =	ssyncadd.s32 $0xFFFFFC00  }
0x6eb: {  	_ =	sfence.sel $0x180000  }
0x6ec: {  	[bflag:$0x0] =	sbarrier.arrive $0xFFFF  }
0x6ed: {  	_ =	strace $0x90000047  }
0x6ee: {  	s0 =	stileid.u32;
	[bflag:$0x2] =	sbarrier.arrive $0xFFFF  }
0x6ef: {  	p0 =	sne.s32 s0, $0x0;
	s0 =	rddreg [dreg:$0x2]  }
0x6f0: {  	s0 =	sadd.s32 @!p0 $0x100000, s0  }
0x6f1: {  	[sflag:s0] =	ssyncadd.tile.s32 @!p0 $0x1;
	_ =	shalt  }
.Lfunc_end2:
_tile_overlayer_lowered:
.L_overlay_start_2:
0x6f2: {  	(tag) =	ssettag $0x2  }
0x6f3: {  	s0 =	rddreg [dreg:$0x0];
	s2 =	stileid.u32  }
0x6f4: {  	s1 =	rddreg [dreg:$0x1];
	p0 =	sne.s32 s2, $0x0  }
0x6f5: {  	s3 =	rddreg [dreg:$0x2];
	[bflag:$0x3] =	sbarrier.arrive $0xFFFF;
	s2 =	simm.s32 @!p0 $0x1C02  }
0x6f6: {  	[timem:s3], [sflag:s2] =	dma.local @!p0 [hbm:s0], s1  }
0x6f7: {  	s0 =	simm.s32 @!p0 $0x2  }
0x6f8: {  	_ =	swait.ge @!p0 [sflag:s0], s1  }
0x6f9: {  	s1 =	ssub.s32 @!p0 $0x0, s1;
	[sflag:s0] =	ssyncset.done @!p0 $0x0  }
0x6fa: {  	[sflag:s0] =	ssyncadd.s32 @!p0 s1  }
0x6fb: {  	[bflag:$0x3] =	sbarrier.arrive $0xFFFF  }
0x6fc: {  	_ =	shalt  }

</sc_bundles>
